<compile_context>
chip_gen: v7x
topology: tpu7x:2x2x1
jax: 0.10.2.dev20260603
libtpu: 0.0.44.dev20260713+nightly
codegen_flags: <defaults>
</compile_context>

<pallas_src>
import jax
import jax.numpy as jnp
from jax import lax
from jax.experimental import pallas as pl
from jax.experimental.pallas import tpu as pltpu
from jax.experimental.pallas import tpu_sc as plsc

_NC, _NS = 2, 16
_NW = _NC * _NS
_BW = 16384 // _NW
_NB = 200 // 8


def _g16(vec, idx):
    return vec.at[idx].get(mode="promise_in_bounds")


def _sc_body(x_ref, emb_ref, out_ref, embbuf, xbuf, outbuf, isem, wsem):
    wid = lax.axis_index("s") * _NC + lax.axis_index("c")
    b0 = wid * _BW
    pltpu.sync_copy(emb_ref, embbuf)
    e = embbuf[...]
    lanes = lax.iota(jnp.int32, 16)
    ecol = [_g16(e, (lanes & 3) * 4 + cc) for cc in range(4)]

    def in_slice(lb):
        return x_ref.at[pl.ds(8 * lb, 8), pl.ds(b0, _BW)]

    pltpu.async_copy(in_slice(0), xbuf.at[0], isem)

    def band(lb, carry):
        bbuf = lb & 1
        pltpu.make_async_copy(in_slice(lb), xbuf.at[bbuf], isem).wait()

        @pl.when(lb + 1 < _NB)
        def _():
            pltpu.async_copy(in_slice(lb + 1), xbuf.at[1 - bbuf], isem)

        for l8 in range(8):
            ob = l8 & 3
            li = 8 * lb + l8

            @pl.when(li >= 4)
            def _():
                for j in range(4):
                    pltpu.make_async_copy(
                        outbuf.at[ob],
                        out_ref.at[li - 4, pl.ds(8 * j, 8), pl.ds(b0, _BW)],
                        wsem).wait()

            def grp(h, c2):
                xv = xbuf[bbuf, l8, pl.ds(16 * h, 16)]
                for cc in range(4):
                    vals = _g16(ecol[cc], xv)
                    outbuf[ob, cc, pl.ds(16 * h, 16)] = vals
                    outbuf[ob, cc + 4, pl.ds(16 * h, 16)] = vals
                return c2

            lax.fori_loop(0, _BW // 16, grp, 0)
            for j in range(4):
                pltpu.async_copy(
                    outbuf.at[ob],
                    out_ref.at[li, pl.ds(8 * j, 8), pl.ds(b0, _BW)],
                    wsem)
        return carry

    lax.fori_loop(0, _NB, band, 0)
    for li in range(8 * _NB - 4, 8 * _NB):
        for j in range(4):
            pltpu.make_async_copy(
                outbuf.at[li & 3],
                out_ref.at[li, pl.ds(8 * j, 8), pl.ds(b0, _BW)],
                wsem).wait()


def kernel(x, emb_weight):
    B, L = x.shape
    xT = x.T
    emb_flat = emb_weight.reshape(16)
    out = pl.kernel(
        _sc_body,
        out_type=jax.ShapeDtypeStruct((L, 32, B), jnp.float32),
        mesh=plsc.VectorSubcoreMesh(core_axis_name="c", subcore_axis_name="s"),
        compiler_params=pltpu.CompilerParams(use_tc_tiling_on_sc=True),
        scratch_types=[
            pltpu.VMEM((16,), jnp.float32),
            pltpu.VMEM((2, 8, _BW), jnp.int32),
            pltpu.VMEM((4, 8, _BW), jnp.float32),
            pltpu.SemaphoreType.DMA,
            pltpu.SemaphoreType.DMA,
        ],
    )(xT, emb_flat)
    return jnp.transpose(out, (2, 0, 1))

# --- scband reference (transcript-rebuilt; emitter-appended) ---
"""Pipeline reference for scband-model-11879879541185 (READ-ONLY COPY).

The authoritative reference and input builder live on the scoring server;
editing this copy changes nothing except your own understanding.
"""

import jax, jax.numpy as jnp
import numpy as np

WORLD_SIZE = 8

def setup_inputs(seed: int = 0) -> dict:
    key = jax.random.key(seed)
    k1, k2 = jax.random.split(key)
    x = jax.random.randint(k1, (16384, 200), 0, 4, dtype=jnp.int32)
    emb_weight = jax.random.normal(k2, (4, 4), dtype=jnp.float32)
    return {"x": x, "emb_weight": emb_weight}

def reference(x, emb_weight):
    # y = self.emb(x)
    y = jnp.take(emb_weight, x, axis=0)  # [B, L, 4]
    # all_gather_tensor(y, 0, ranks): each rank holds identical y in this
    # single-process simulation, so gather concatenates WORLD_SIZE copies along dim 0
    res = jnp.concatenate([y] * WORLD_SIZE, axis=0)  # [W*B, L, 4]
    # torch.cat(torch.chunk(res, world_size, dim=0), dim=last_dim)
    chunks = jnp.split(res, WORLD_SIZE, axis=0)
    out = jnp.concatenate(chunks, axis=y.ndim - 1)  # [B, L, 4*W]
    return out

if __name__ == "__main__":
    import jax
    _d = setup_inputs()
    print(jax.jit(kernel)(*tuple(_d.values())))

</pallas_src>

<mosaic_0001>
#map = affine_map<(d0, d1) -> (0, 0)>
#map1 = affine_map<(d0, d1) -> (0)>
#map2 = affine_map<(d0, d1) -> (0, 0, 0)>
module attributes {stable_mosaic.version = 14 : i64} {
  func.func @_sc_body(%arg0: i32, %arg1: i32, %arg2: memref<200x16384xi32, #tpu.memory_space<hbm>>, %arg3: memref<16xf32, #tpu.memory_space<hbm>>, %arg4: memref<200x32x16384xf32, #tpu.memory_space<hbm>>, %arg5: memref<16xf32, #tpu.memory_space<vmem>>, %arg6: memref<2x8x512xi32, #tpu.memory_space<vmem>>, %arg7: memref<4x8x512xf32, #tpu.memory_space<vmem>>, %arg8: memref<!tpu.dma_semaphore, #tpu.memory_space<semaphore_mem>>, %arg9: memref<!tpu.dma_semaphore, #tpu.memory_space<semaphore_mem>>) attributes {dimension_semantics = [#tpu.dimension_semantics<core_parallel>, #tpu.dimension_semantics<subcore_parallel>], iteration_bounds = array<i64: 2, 16>, scalar_prefetch = 0 : i64, scratch_operands = 5 : i64, tpu.core_type = #tpu.core_type<sc_vector_subcore>, window_params = [{transform_indices = #map}, {transform_indices = #map1}, {transform_indices = #map2}]} {
    %mul3A = arith.constant 2 : i32
    %mul3A_0 = arith.muli %arg1, %mul3A : i32
    %add3A = arith.addi %mul3A_0, %arg0 : i32
    %mul3A_1 = arith.constant 512 : i32
    %mul3A_2 = arith.muli %add3A, %mul3A_1 : i32
    "tpu.region"() ({
      %run_scoped3A = tpu.sem_alloc : memref<!tpu.dma_semaphore, #tpu.memory_space<semaphore_mem>>
      tpu.enqueue_dma source(%arg3 : memref<16xf32, #tpu.memory_space<hbm>>) target(%arg5 : memref<16xf32, #tpu.memory_space<vmem>>) target_semaphore(%run_scoped3A : memref<!tpu.dma_semaphore, #tpu.memory_space<semaphore_mem>>)
      tpu.wait_dma2 semaphore(%run_scoped3A : memref<!tpu.dma_semaphore, #tpu.memory_space<semaphore_mem>>) src(%arg3 : memref<16xf32, #tpu.memory_space<hbm>>) dst(%arg5 : memref<16xf32, #tpu.memory_space<vmem>>)
      tpu.yield
    }) : () -> ()
    %get3A = arith.constant 0 : index
    %get3A_3 = tpu.vector_load %arg5[%get3A] {strides = array<i32>} : memref<16xf32, #tpu.memory_space<vmem>>, vector<16xf32>,
    %get3A_4 = vector.shape_cast %get3A_3 : vector<16xf32> to vector<16xf32>
    %iota3A = tpu.iota {dimensions = array<i32: 0>} : vector<16xi32>
    %and3A = arith.constant 3 : i32
    %and3A_5 = vector.broadcast %and3A : i32 to vector<16xi32>
    %and3A_6 = arith.andi %iota3A, %and3A_5 : vector<16xi32>
    %mul3A_7 = arith.constant 4 : i32
    %mul3A_8 = vector.broadcast %mul3A_7 : i32 to vector<16xi32>
    %mul3A_9 = arith.muli %and3A_6, %mul3A_8 : vector<16xi32>
    %add3A_10 = arith.constant 0 : i32
    %add3A_11 = vector.broadcast %add3A_10 : i32 to vector<16xi32>
    %add3A_12 = arith.addi %mul3A_9, %add3A_11 : vector<16xi32>
    %lt3A = arith.constant 0 : i32
    %lt3A_13 = vector.broadcast %lt3A : i32 to vector<16xi32>
    %lt3A_14 = arith.cmpi slt, %add3A_12, %lt3A_13 : vector<16xi32>
    %add3A_15 = arith.constant 16 : i32
    %add3A_16 = vector.broadcast %add3A_15 : i32 to vector<16xi32>
    %add3A_17 = arith.addi %add3A_12, %add3A_16 : vector<16xi32>
    %select_n3A = arith.select %lt3A_14, %add3A_17, %add3A_12 : vector<16xi1>, vector<16xi32>
    %broadcast_in_dim3A = vector.shape_cast %select_n3A : vector<16xi32> to vector<16x1xi32>
    %gather3A = vector.shape_cast %broadcast_in_dim3A : vector<16x1xi32> to vector<16xi32>
    %gather3A_18 = tpu.dynamic_gather %get3A_4[%gather3A] in [0] : vector<16xf32>, vector<16xi32> -> vector<16xf32>
    %and3A_19 = arith.constant 3 : i32
    %and3A_20 = vector.broadcast %and3A_19 : i32 to vector<16xi32>
    %and3A_21 = arith.andi %iota3A, %and3A_20 : vector<16xi32>
    %mul3A_22 = arith.constant 4 : i32
    %mul3A_23 = vector.broadcast %mul3A_22 : i32 to vector<16xi32>
    %mul3A_24 = arith.muli %and3A_21, %mul3A_23 : vector<16xi32>
    %add3A_25 = arith.constant 1 : i32
    %add3A_26 = vector.broadcast %add3A_25 : i32 to vector<16xi32>
    %add3A_27 = arith.addi %mul3A_24, %add3A_26 : vector<16xi32>
    %lt3A_28 = arith.constant 0 : i32
    %lt3A_29 = vector.broadcast %lt3A_28 : i32 to vector<16xi32>
    %lt3A_30 = arith.cmpi slt, %add3A_27, %lt3A_29 : vector<16xi32>
    %add3A_31 = arith.constant 16 : i32
    %add3A_32 = vector.broadcast %add3A_31 : i32 to vector<16xi32>
    %add3A_33 = arith.addi %add3A_27, %add3A_32 : vector<16xi32>
    %select_n3A_34 = arith.select %lt3A_30, %add3A_33, %add3A_27 : vector<16xi1>, vector<16xi32>
    %broadcast_in_dim3A_35 = vector.shape_cast %select_n3A_34 : vector<16xi32> to vector<16x1xi32>
    %gather3A_36 = vector.shape_cast %broadcast_in_dim3A_35 : vector<16x1xi32> to vector<16xi32>
    %gather3A_37 = tpu.dynamic_gather %get3A_4[%gather3A_36] in [0] : vector<16xf32>, vector<16xi32> -> vector<16xf32>
    %and3A_38 = arith.constant 3 : i32
    %and3A_39 = vector.broadcast %and3A_38 : i32 to vector<16xi32>
    %and3A_40 = arith.andi %iota3A, %and3A_39 : vector<16xi32>
    %mul3A_41 = arith.constant 4 : i32
    %mul3A_42 = vector.broadcast %mul3A_41 : i32 to vector<16xi32>
    %mul3A_43 = arith.muli %and3A_40, %mul3A_42 : vector<16xi32>
    %add3A_44 = arith.constant 2 : i32
    %add3A_45 = vector.broadcast %add3A_44 : i32 to vector<16xi32>
    %add3A_46 = arith.addi %mul3A_43, %add3A_45 : vector<16xi32>
    %lt3A_47 = arith.constant 0 : i32
    %lt3A_48 = vector.broadcast %lt3A_47 : i32 to vector<16xi32>
    %lt3A_49 = arith.cmpi slt, %add3A_46, %lt3A_48 : vector<16xi32>
    %add3A_50 = arith.constant 16 : i32
    %add3A_51 = vector.broadcast %add3A_50 : i32 to vector<16xi32>
    %add3A_52 = arith.addi %add3A_46, %add3A_51 : vector<16xi32>
    %select_n3A_53 = arith.select %lt3A_49, %add3A_52, %add3A_46 : vector<16xi1>, vector<16xi32>
    %broadcast_in_dim3A_54 = vector.shape_cast %select_n3A_53 : vector<16xi32> to vector<16x1xi32>
    %gather3A_55 = vector.shape_cast %broadcast_in_dim3A_54 : vector<16x1xi32> to vector<16xi32>
    %gather3A_56 = tpu.dynamic_gather %get3A_4[%gather3A_55] in [0] : vector<16xf32>, vector<16xi32> -> vector<16xf32>
    %and3A_57 = arith.constant 3 : i32
    %and3A_58 = vector.broadcast %and3A_57 : i32 to vector<16xi32>
    %and3A_59 = arith.andi %iota3A, %and3A_58 : vector<16xi32>
    %mul3A_60 = arith.constant 4 : i32
    %mul3A_61 = vector.broadcast %mul3A_60 : i32 to vector<16xi32>
    %mul3A_62 = arith.muli %and3A_59, %mul3A_61 : vector<16xi32>
    %add3A_63 = arith.constant 3 : i32
    %add3A_64 = vector.broadcast %add3A_63 : i32 to vector<16xi32>
    %add3A_65 = arith.addi %mul3A_62, %add3A_64 : vector<16xi32>
    %lt3A_66 = arith.constant 0 : i32
    %lt3A_67 = vector.broadcast %lt3A_66 : i32 to vector<16xi32>
    %lt3A_68 = arith.cmpi slt, %add3A_65, %lt3A_67 : vector<16xi32>
    %add3A_69 = arith.constant 16 : i32
    %add3A_70 = vector.broadcast %add3A_69 : i32 to vector<16xi32>
    %add3A_71 = arith.addi %add3A_65, %add3A_70 : vector<16xi32>
    %select_n3A_72 = arith.select %lt3A_68, %add3A_71, %add3A_65 : vector<16xi1>, vector<16xi32>
    %broadcast_in_dim3A_73 = vector.shape_cast %select_n3A_72 : vector<16xi32> to vector<16x1xi32>
    %gather3A_74 = vector.shape_cast %broadcast_in_dim3A_73 : vector<16x1xi32> to vector<16xi32>
    %gather3A_75 = tpu.dynamic_gather %get3A_4[%gather3A_74] in [0] : vector<16xf32>, vector<16xi32> -> vector<16xf32>
    %dma_start3A = arith.constant 0 : i32
    %dma_start3A_76 = arith.constant 0 : i32
    %dma_start3A_77 = arith.constant 0 : i32
    %dma_start3A_78 = tpu.memref_slice %arg6[%dma_start3A, %dma_start3A_76, %dma_start3A_77] : memref<2x8x512xi32, #tpu.memory_space<vmem>> -> memref<1x8x512xi32, #tpu.memory_space<vmem>>
    %dma_start3A_79 = tpu.memref_squeeze %dma_start3A_78 : memref<1x8x512xi32, #tpu.memory_space<vmem>> -> memref<8x512xi32, #tpu.memory_space<vmem>>
    %dma_start3A_80 = arith.constant 0 : i32
    %dma_start3A_81 = tpu.memref_slice %arg2[%dma_start3A_80, %mul3A_2] : memref<200x16384xi32, #tpu.memory_space<hbm>> -> memref<8x512xi32, #tpu.memory_space<hbm>>
    %dma_start3A_82 = arith.constant 0 : i32
    %dma_start3A_83 = arith.constant 0 : i32
    %dma_start3A_84 = tpu.memref_slice %arg6[%dma_start3A, %dma_start3A_82, %dma_start3A_83] : memref<2x8x512xi32, #tpu.memory_space<vmem>> -> memref<1x8x512xi32, #tpu.memory_space<vmem>>
    %dma_start3A_85 = tpu.memref_squeeze %dma_start3A_84 : memref<1x8x512xi32, #tpu.memory_space<vmem>> -> memref<8x512xi32, #tpu.memory_space<vmem>>
    %dma_start3A_86 = arith.constant 0 : i32
    %dma_start3A_87 = tpu.memref_slice %arg2[%dma_start3A_86, %mul3A_2] : memref<200x16384xi32, #tpu.memory_space<hbm>> -> memref<8x512xi32, #tpu.memory_space<hbm>>
    tpu.enqueue_dma source(%dma_start3A_87 : memref<8x512xi32, #tpu.memory_space<hbm>>) target(%dma_start3A_85 : memref<8x512xi32, #tpu.memory_space<vmem>>) target_semaphore(%arg8 : memref<!tpu.dma_semaphore, #tpu.memory_space<semaphore_mem>>)
    %scan3A = arith.constant 0 : i32
    %scan3A_88 = arith.constant 0 : i32
    %scan3A_89 = arith.constant 25 : i32
    %scan3A_90 = arith.addi %scan3A_88, %scan3A_89 : i32
    %scan3A_91 = arith.constant 1 : i32
    scf.for %scan3A_348 = %scan3A_88 to %scan3A_90 step %scan3A_91  : i32 {
      %and3A_349 = arith.constant 1 : i32
      %and3A_350 = arith.andi %scan3A_348, %and3A_349 : i32
      %mul3A_351 = arith.constant 8 : i32
      %mul3A_352 = arith.muli %mul3A_351, %scan3A_348 : i32
      %dma_wait3A_353 = arith.constant 0 : i32
      %dma_wait3A_354 = arith.constant 0 : i32
      %dma_wait3A_355 = tpu.memref_slice %arg6[%and3A_350, %dma_wait3A_353, %dma_wait3A_354] : memref<2x8x512xi32, #tpu.memory_space<vmem>> -> memref<1x8x512xi32, #tpu.memory_space<vmem>>
      %dma_wait3A_356 = tpu.memref_squeeze %dma_wait3A_355 : memref<1x8x512xi32, #tpu.memory_space<vmem>> -> memref<8x512xi32, #tpu.memory_space<vmem>>
      %dma_wait3A_357 = tpu.memref_slice %arg2[%mul3A_352, %mul3A_2] : memref<200x16384xi32, #tpu.memory_space<hbm>> -> memref<8x512xi32, #tpu.memory_space<hbm>>
      %dma_wait3A_358 = arith.constant 0 : i32
      %dma_wait3A_359 = arith.constant 0 : i32
      %dma_wait3A_360 = tpu.memref_slice %arg6[%and3A_350, %dma_wait3A_358, %dma_wait3A_359] : memref<2x8x512xi32, #tpu.memory_space<vmem>> -> memref<1x8x512xi32, #tpu.memory_space<vmem>>
      %dma_wait3A_361 = tpu.memref_squeeze %dma_wait3A_360 : memref<1x8x512xi32, #tpu.memory_space<vmem>> -> memref<8x512xi32, #tpu.memory_space<vmem>>
      %dma_wait3A_362 = tpu.memref_slice %arg2[%mul3A_352, %mul3A_2] : memref<200x16384xi32, #tpu.memory_space<hbm>> -> memref<8x512xi32, #tpu.memory_space<hbm>>
      tpu.wait_dma2 semaphore(%arg8 : memref<!tpu.dma_semaphore, #tpu.memory_space<semaphore_mem>>) src(%dma_wait3A_362 : memref<8x512xi32, #tpu.memory_space<hbm>>) dst(%dma_wait3A_361 : memref<8x512xi32, #tpu.memory_space<vmem>>)
      %add3A_363 = arith.constant 1 : i32
      %add3A_364 = arith.addi %scan3A_348, %add3A_363 : i32
      %lt3A_365 = arith.constant 25 : i32
      %lt3A_366 = arith.cmpi slt, %add3A_364, %lt3A_365 : i32
      %convert_element_type3A = arith.extui %lt3A_366 : i1 to i32
      %cond3A = arith.constant 0 : i32
      %cond3A_367 = arith.cmpi ne, %convert_element_type3A, %cond3A : i32
      scf.if %cond3A_367 {
        %add3A_967 = arith.constant 1 : i32
        %add3A_968 = arith.addi %scan3A_348, %add3A_967 : i32
        %mul3A_969 = arith.constant 8 : i32
        %mul3A_970 = arith.muli %mul3A_969, %add3A_968 : i32
        %sub3A = arith.constant 1 : i32
        %sub3A_971 = arith.subi %sub3A, %and3A_350 : i32
        %dma_start3A_972 = arith.constant 0 : i32
        %dma_start3A_973 = arith.constant 0 : i32
        %dma_start3A_974 = tpu.memref_slice %arg6[%sub3A_971, %dma_start3A_972, %dma_start3A_973] : memref<2x8x512xi32, #tpu.memory_space<vmem>> -> memref<1x8x512xi32, #tpu.memory_space<vmem>>
        %dma_start3A_975 = tpu.memref_squeeze %dma_start3A_974 : memref<1x8x512xi32, #tpu.memory_space<vmem>> -> memref<8x512xi32, #tpu.memory_space<vmem>>
        %dma_start3A_976 = tpu.memref_slice %arg2[%mul3A_970, %mul3A_2] : memref<200x16384xi32, #tpu.memory_space<hbm>> -> memref<8x512xi32, #tpu.memory_space<hbm>>
        %dma_start3A_977 = arith.constant 0 : i32
        %dma_start3A_978 = arith.constant 0 : i32
        %dma_start3A_979 = tpu.memref_slice %arg6[%sub3A_971, %dma_start3A_977, %dma_start3A_978] : memref<2x8x512xi32, #tpu.memory_space<vmem>> -> memref<1x8x512xi32, #tpu.memory_space<vmem>>
        %dma_start3A_980 = tpu.memref_squeeze %dma_start3A_979 : memref<1x8x512xi32, #tpu.memory_space<vmem>> -> memref<8x512xi32, #tpu.memory_space<vmem>>
        %dma_start3A_981 = tpu.memref_slice %arg2[%mul3A_970, %mul3A_2] : memref<200x16384xi32, #tpu.memory_space<hbm>> -> memref<8x512xi32, #tpu.memory_space<hbm>>
        tpu.enqueue_dma source(%dma_start3A_981 : memref<8x512xi32, #tpu.memory_space<hbm>>) target(%dma_start3A_980 : memref<8x512xi32, #tpu.memory_space<vmem>>) target_semaphore(%arg8 : memref<!tpu.dma_semaphore, #tpu.memory_space<semaphore_mem>>)
      } else {
      }
      %mul3A_368 = arith.constant 8 : i32
      %mul3A_369 = arith.muli %mul3A_368, %scan3A_348 : i32
      %add3A_370 = arith.constant 0 : i32
      %add3A_371 = arith.addi %mul3A_369, %add3A_370 : i32
      %ge3A = arith.constant 4 : i32
      %ge3A_372 = arith.cmpi sge, %add3A_371, %ge3A : i32
      %convert_element_type3A_373 = arith.extui %ge3A_372 : i1 to i32
      %cond3A_374 = arith.constant 0 : i32
      %cond3A_375 = arith.cmpi ne, %convert_element_type3A_373, %cond3A_374 : i32
      scf.if %cond3A_375 {
        %sub3A = arith.constant 4 : i32
        %sub3A_967 = arith.subi %add3A_371, %sub3A : i32
        %dma_wait3A_968 = arith.constant 0 : i32
        %dma_wait3A_969 = arith.constant 0 : i32
        %dma_wait3A_970 = arith.constant 0 : i32
        %dma_wait3A_971 = tpu.memref_slice %arg7[%dma_wait3A_968, %dma_wait3A_969, %dma_wait3A_970] : memref<4x8x512xf32, #tpu.memory_space<vmem>> -> memref<1x8x512xf32, #tpu.memory_space<vmem>>
        %dma_wait3A_972 = tpu.memref_squeeze %dma_wait3A_971 : memref<1x8x512xf32, #tpu.memory_space<vmem>> -> memref<8x512xf32, #tpu.memory_space<vmem>>
        %dma_wait3A_973 = arith.constant 0 : i32
        %dma_wait3A_974 = tpu.memref_slice %arg4[%sub3A_967, %dma_wait3A_973, %mul3A_2] : memref<200x32x16384xf32, #tpu.memory_space<hbm>> -> memref<1x8x512xf32, #tpu.memory_space<hbm>>
        %dma_wait3A_975 = tpu.memref_squeeze %dma_wait3A_974 : memref<1x8x512xf32, #tpu.memory_space<hbm>> -> memref<8x512xf32, #tpu.memory_space<hbm>>
        %dma_wait3A_976 = arith.constant 0 : i32
        %dma_wait3A_977 = tpu.memref_slice %arg4[%sub3A_967, %dma_wait3A_976, %mul3A_2] : memref<200x32x16384xf32, #tpu.memory_space<hbm>> -> memref<1x8x512xf32, #tpu.memory_space<hbm>>
        %dma_wait3A_978 = tpu.memref_squeeze %dma_wait3A_977 : memref<1x8x512xf32, #tpu.memory_space<hbm>> -> memref<8x512xf32, #tpu.memory_space<hbm>>
        %dma_wait3A_979 = arith.constant 0 : i32
        %dma_wait3A_980 = arith.constant 0 : i32
        %dma_wait3A_981 = tpu.memref_slice %arg7[%dma_wait3A_968, %dma_wait3A_979, %dma_wait3A_980] : memref<4x8x512xf32, #tpu.memory_space<vmem>> -> memref<1x8x512xf32, #tpu.memory_space<vmem>>
        %dma_wait3A_982 = tpu.memref_squeeze %dma_wait3A_981 : memref<1x8x512xf32, #tpu.memory_space<vmem>> -> memref<8x512xf32, #tpu.memory_space<vmem>>
        tpu.wait_dma2 semaphore(%arg9 : memref<!tpu.dma_semaphore, #tpu.memory_space<semaphore_mem>>) src(%dma_wait3A_982 : memref<8x512xf32, #tpu.memory_space<vmem>>) dst(%dma_wait3A_978 : memref<8x512xf32, #tpu.memory_space<hbm>>)
        %sub3A_983 = arith.constant 4 : i32
        %sub3A_984 = arith.subi %add3A_371, %sub3A_983 : i32
        %dma_wait3A_985 = arith.constant 0 : i32
        %dma_wait3A_986 = arith.constant 0 : i32
        %dma_wait3A_987 = arith.constant 0 : i32
        %dma_wait3A_988 = tpu.memref_slice %arg7[%dma_wait3A_985, %dma_wait3A_986, %dma_wait3A_987] : memref<4x8x512xf32, #tpu.memory_space<vmem>> -> memref<1x8x512xf32, #tpu.memory_space<vmem>>
        %dma_wait3A_989 = tpu.memref_squeeze %dma_wait3A_988 : memref<1x8x512xf32, #tpu.memory_space<vmem>> -> memref<8x512xf32, #tpu.memory_space<vmem>>
        %dma_wait3A_990 = arith.constant 8 : i32
        %dma_wait3A_991 = tpu.memref_slice %arg4[%sub3A_984, %dma_wait3A_990, %mul3A_2] : memref<200x32x16384xf32, #tpu.memory_space<hbm>> -> memref<1x8x512xf32, #tpu.memory_space<hbm>>
        %dma_wait3A_992 = tpu.memref_squeeze %dma_wait3A_991 : memref<1x8x512xf32, #tpu.memory_space<hbm>> -> memref<8x512xf32, #tpu.memory_space<hbm>>
        %dma_wait3A_993 = arith.constant 8 : i32
        %dma_wait3A_994 = tpu.memref_slice %arg4[%sub3A_984, %dma_wait3A_993, %mul3A_2] : memref<200x32x16384xf32, #tpu.memory_space<hbm>> -> memref<1x8x512xf32, #tpu.memory_space<hbm>>
        %dma_wait3A_995 = tpu.memref_squeeze %dma_wait3A_994 : memref<1x8x512xf32, #tpu.memory_space<hbm>> -> memref<8x512xf32, #tpu.memory_space<hbm>>
        %dma_wait3A_996 = arith.constant 0 : i32
        %dma_wait3A_997 = arith.constant 0 : i32
        %dma_wait3A_998 = tpu.memref_slice %arg7[%dma_wait3A_985, %dma_wait3A_996, %dma_wait3A_997] : memref<4x8x512xf32, #tpu.memory_space<vmem>> -> memref<1x8x512xf32, #tpu.memory_space<vmem>>
        %dma_wait3A_999 = tpu.memref_squeeze %dma_wait3A_998 : memref<1x8x512xf32, #tpu.memory_space<vmem>> -> memref<8x512xf32, #tpu.memory_space<vmem>>
        tpu.wait_dma2 semaphore(%arg9 : memref<!tpu.dma_semaphore, #tpu.memory_space<semaphore_mem>>) src(%dma_wait3A_999 : memref<8x512xf32, #tpu.memory_space<vmem>>) dst(%dma_wait3A_995 : memref<8x512xf32, #tpu.memory_space<hbm>>)
        %sub3A_1000 = arith.constant 4 : i32
        %sub3A_1001 = arith.subi %add3A_371, %sub3A_1000 : i32
        %dma_wait3A_1002 = arith.constant 0 : i32
        %dma_wait3A_1003 = arith.constant 0 : i32
        %dma_wait3A_1004 = arith.constant 0 : i32
        %dma_wait3A_1005 = tpu.memref_slice %arg7[%dma_wait3A_1002, %dma_wait3A_1003, %dma_wait3A_1004] : memref<4x8x512xf32, #tpu.memory_space<vmem>> -> memref<1x8x512xf32, #tpu.memory_space<vmem>>
        %dma_wait3A_1006 = tpu.memref_squeeze %dma_wait3A_1005 : memref<1x8x512xf32, #tpu.memory_space<vmem>> -> memref<8x512xf32, #tpu.memory_space<vmem>>
        %dma_wait3A_1007 = arith.constant 16 : i32
        %dma_wait3A_1008 = tpu.memref_slice %arg4[%sub3A_1001, %dma_wait3A_1007, %mul3A_2] : memref<200x32x16384xf32, #tpu.memory_space<hbm>> -> memref<1x8x512xf32, #tpu.memory_space<hbm>>
        %dma_wait3A_1009 = tpu.memref_squeeze %dma_wait3A_1008 : memref<1x8x512xf32, #tpu.memory_space<hbm>> -> memref<8x512xf32, #tpu.memory_space<hbm>>
        %dma_wait3A_1010 = arith.constant 16 : i32
        %dma_wait3A_1011 = tpu.memref_slice %arg4[%sub3A_1001, %dma_wait3A_1010, %mul3A_2] : memref<200x32x16384xf32, #tpu.memory_space<hbm>> -> memref<1x8x512xf32, #tpu.memory_space<hbm>>
        %dma_wait3A_1012 = tpu.memref_squeeze %dma_wait3A_1011 : memref<1x8x512xf32, #tpu.memory_space<hbm>> -> memref<8x512xf32, #tpu.memory_space<hbm>>
        %dma_wait3A_1013 = arith.constant 0 : i32
        %dma_wait3A_1014 = arith.constant 0 : i32
        %dma_wait3A_1015 = tpu.memref_slice %arg7[%dma_wait3A_1002, %dma_wait3A_1013, %dma_wait3A_1014] : memref<4x8x512xf32, #tpu.memory_space<vmem>> -> memref<1x8x512xf32, #tpu.memory_space<vmem>>
        %dma_wait3A_1016 = tpu.memref_squeeze %dma_wait3A_1015 : memref<1x8x512xf32, #tpu.memory_space<vmem>> -> memref<8x512xf32, #tpu.memory_space<vmem>>
        tpu.wait_dma2 semaphore(%arg9 : memref<!tpu.dma_semaphore, #tpu.memory_space<semaphore_mem>>) src(%dma_wait3A_1016 : memref<8x512xf32, #tpu.memory_space<vmem>>) dst(%dma_wait3A_1012 : memref<8x512xf32, #tpu.memory_space<hbm>>)
        %sub3A_1017 = arith.constant 4 : i32
        %sub3A_1018 = arith.subi %add3A_371, %sub3A_1017 : i32
        %dma_wait3A_1019 = arith.constant 0 : i32
        %dma_wait3A_1020 = arith.constant 0 : i32
        %dma_wait3A_1021 = arith.constant 0 : i32
        %dma_wait3A_1022 = tpu.memref_slice %arg7[%dma_wait3A_1019, %dma_wait3A_1020, %dma_wait3A_1021] : memref<4x8x512xf32, #tpu.memory_space<vmem>> -> memref<1x8x512xf32, #tpu.memory_space<vmem>>
        %dma_wait3A_1023 = tpu.memref_squeeze %dma_wait3A_1022 : memref<1x8x512xf32, #tpu.memory_space<vmem>> -> memref<8x512xf32, #tpu.memory_space<vmem>>
        %dma_wait3A_1024 = arith.constant 24 : i32
        %dma_wait3A_1025 = tpu.memref_slice %arg4[%sub3A_1018, %dma_wait3A_1024, %mul3A_2] : memref<200x32x16384xf32, #tpu.memory_space<hbm>> -> memref<1x8x512xf32, #tpu.memory_space<hbm>>
        %dma_wait3A_1026 = tpu.memref_squeeze %dma_wait3A_1025 : memref<1x8x512xf32, #tpu.memory_space<hbm>> -> memref<8x512xf32, #tpu.memory_space<hbm>>
        %dma_wait3A_1027 = arith.constant 24 : i32
        %dma_wait3A_1028 = tpu.memref_slice %arg4[%sub3A_1018, %dma_wait3A_1027, %mul3A_2] : memref<200x32x16384xf32, #tpu.memory_space<hbm>> -> memref<1x8x512xf32, #tpu.memory_space<hbm>>
        %dma_wait3A_1029 = tpu.memref_squeeze %dma_wait3A_1028 : memref<1x8x512xf32, #tpu.memory_space<hbm>> -> memref<8x512xf32, #tpu.memory_space<hbm>>
        %dma_wait3A_1030 = arith.constant 0 : i32
        %dma_wait3A_1031 = arith.constant 0 : i32
        %dma_wait3A_1032 = tpu.memref_slice %arg7[%dma_wait3A_1019, %dma_wait3A_1030, %dma_wait3A_1031] : memref<4x8x512xf32, #tpu.memory_space<vmem>> -> memref<1x8x512xf32, #tpu.memory_space<vmem>>
        %dma_wait3A_1033 = tpu.memref_squeeze %dma_wait3A_1032 : memref<1x8x512xf32, #tpu.memory_space<vmem>> -> memref<8x512xf32, #tpu.memory_space<vmem>>
        tpu.wait_dma2 semaphore(%arg9 : memref<!tpu.dma_semaphore, #tpu.memory_space<semaphore_mem>>) src(%dma_wait3A_1033 : memref<8x512xf32, #tpu.memory_space<vmem>>) dst(%dma_wait3A_1029 : memref<8x512xf32, #tpu.memory_space<hbm>>)
      } else {
      }
      %scan3A_376 = arith.constant 0 : i32
      %scan3A_377 = arith.constant 0 : i32
      %scan3A_378 = arith.constant 32 : i32
      %scan3A_379 = arith.addi %scan3A_377, %scan3A_378 : i32
      %scan3A_380 = arith.constant 1 : i32
      scf.for %scan3A_967 = %scan3A_377 to %scan3A_379 step %scan3A_380  : i32 {
        %mul3A_968 = arith.constant 16 : i32
        %mul3A_969 = arith.muli %mul3A_968, %scan3A_967 : i32
        %get3A_970 = arith.constant 0 : i32
        %get3A_971 = arith.index_cast %and3A_350 : i32 to index
        %get3A_972 = arith.index_cast %get3A_970 : i32 to index
        %get3A_973 = arith.index_cast %mul3A_969 : i32 to index
        %get3A_974 = tpu.vector_load %arg6[%get3A_971, %get3A_972, %get3A_973] {strides = array<i32>} : memref<2x8x512xi32, #tpu.memory_space<vmem>>, vector<1x1x16xi32>,
        %get3A_975 = vector.shape_cast %get3A_974 : vector<1x1x16xi32> to vector<16xi32>
        %lt3A_976 = arith.constant 0 : i32
        %lt3A_977 = vector.broadcast %lt3A_976 : i32 to vector<16xi32>
        %lt3A_978 = arith.cmpi slt, %get3A_975, %lt3A_977 : vector<16xi32>
        %add3A_979 = arith.constant 16 : i32
        %add3A_980 = vector.broadcast %add3A_979 : i32 to vector<16xi32>
        %add3A_981 = arith.addi %get3A_975, %add3A_980 : vector<16xi32>
        %select_n3A_982 = arith.select %lt3A_978, %add3A_981, %get3A_975 : vector<16xi1>, vector<16xi32>
        %broadcast_in_dim3A_983 = vector.shape_cast %select_n3A_982 : vector<16xi32> to vector<16x1xi32>
        %gather3A_984 = vector.shape_cast %broadcast_in_dim3A_983 : vector<16x1xi32> to vector<16xi32>
        %gather3A_985 = tpu.dynamic_gather %gather3A_18[%gather3A_984] in [0] : vector<16xf32>, vector<16xi32> -> vector<16xf32>
        %mul3A_986 = arith.constant 16 : i32
        %mul3A_987 = arith.muli %mul3A_986, %scan3A_967 : i32
        %swap3A = arith.constant 0 : i32
        %swap3A_988 = arith.constant 0 : i32
        %swap3A_989 = arith.index_cast %swap3A : i32 to index
        %swap3A_990 = arith.index_cast %swap3A_988 : i32 to index
        %swap3A_991 = arith.index_cast %mul3A_987 : i32 to index
        %swap3A_992 = tpu.vector_load %arg7[%swap3A_989, %swap3A_990, %swap3A_991] {strides = array<i32>} : memref<4x8x512xf32, #tpu.memory_space<vmem>>, vector<1x1x16xf32>,
        %swap3A_993 = vector.shape_cast %swap3A_992 : vector<1x1x16xf32> to vector<16xf32>
        %swap3A_994 = vector.shape_cast %gather3A_985 : vector<16xf32> to vector<1x1x16xf32>
        tpu.vector_store %arg7[%swap3A_989, %swap3A_990, %swap3A_991], %swap3A_994 {strides = array<i32>} : memref<4x8x512xf32, #tpu.memory_space<vmem>>, vector<1x1x16xf32>,
        %mul3A_995 = arith.constant 16 : i32
        %mul3A_996 = arith.muli %mul3A_995, %scan3A_967 : i32
        %swap3A_997 = arith.constant 0 : i32
        %swap3A_998 = arith.constant 4 : i32
        %swap3A_999 = arith.index_cast %swap3A_997 : i32 to index
        %swap3A_1000 = arith.index_cast %swap3A_998 : i32 to index
        %swap3A_1001 = arith.index_cast %mul3A_996 : i32 to index
        %swap3A_1002 = tpu.vector_load %arg7[%swap3A_999, %swap3A_1000, %swap3A_1001] {strides = array<i32>} : memref<4x8x512xf32, #tpu.memory_space<vmem>>, vector<1x1x16xf32>,
        %swap3A_1003 = vector.shape_cast %swap3A_1002 : vector<1x1x16xf32> to vector<16xf32>
        %swap3A_1004 = vector.shape_cast %gather3A_985 : vector<16xf32> to vector<1x1x16xf32>
        tpu.vector_store %arg7[%swap3A_999, %swap3A_1000, %swap3A_1001], %swap3A_1004 {strides = array<i32>} : memref<4x8x512xf32, #tpu.memory_space<vmem>>, vector<1x1x16xf32>,
        %lt3A_1005 = arith.constant 0 : i32
        %lt3A_1006 = vector.broadcast %lt3A_1005 : i32 to vector<16xi32>
        %lt3A_1007 = arith.cmpi slt, %get3A_975, %lt3A_1006 : vector<16xi32>
        %add3A_1008 = arith.constant 16 : i32
        %add3A_1009 = vector.broadcast %add3A_1008 : i32 to vector<16xi32>
        %add3A_1010 = arith.addi %get3A_975, %add3A_1009 : vector<16xi32>
        %select_n3A_1011 = arith.select %lt3A_1007, %add3A_1010, %get3A_975 : vector<16xi1>, vector<16xi32>
        %broadcast_in_dim3A_1012 = vector.shape_cast %select_n3A_1011 : vector<16xi32> to vector<16x1xi32>
        %gather3A_1013 = vector.shape_cast %broadcast_in_dim3A_1012 : vector<16x1xi32> to vector<16xi32>
        %gather3A_1014 = tpu.dynamic_gather %gather3A_37[%gather3A_1013] in [0] : vector<16xf32>, vector<16xi32> -> vector<16xf32>
        %mul3A_1015 = arith.constant 16 : i32
        %mul3A_1016 = arith.muli %mul3A_1015, %scan3A_967 : i32
        %swap3A_1017 = arith.constant 0 : i32
        %swap3A_1018 = arith.constant 1 : i32
        %swap3A_1019 = arith.index_cast %swap3A_1017 : i32 to index
        %swap3A_1020 = arith.index_cast %swap3A_1018 : i32 to index
        %swap3A_1021 = arith.index_cast %mul3A_1016 : i32 to index
        %swap3A_1022 = tpu.vector_load %arg7[%swap3A_1019, %swap3A_1020, %swap3A_1021] {strides = array<i32>} : memref<4x8x512xf32, #tpu.memory_space<vmem>>, vector<1x1x16xf32>,
        %swap3A_1023 = vector.shape_cast %swap3A_1022 : vector<1x1x16xf32> to vector<16xf32>
        %swap3A_1024 = vector.shape_cast %gather3A_1014 : vector<16xf32> to vector<1x1x16xf32>
        tpu.vector_store %arg7[%swap3A_1019, %swap3A_1020, %swap3A_1021], %swap3A_1024 {strides = array<i32>} : memref<4x8x512xf32, #tpu.memory_space<vmem>>, vector<1x1x16xf32>,
        %mul3A_1025 = arith.constant 16 : i32
        %mul3A_1026 = arith.muli %mul3A_1025, %scan3A_967 : i32
        %swap3A_1027 = arith.constant 0 : i32
        %swap3A_1028 = arith.constant 5 : i32
        %swap3A_1029 = arith.index_cast %swap3A_1027 : i32 to index
        %swap3A_1030 = arith.index_cast %swap3A_1028 : i32 to index
        %swap3A_1031 = arith.index_cast %mul3A_1026 : i32 to index
        %swap3A_1032 = tpu.vector_load %arg7[%swap3A_1029, %swap3A_1030, %swap3A_1031] {strides = array<i32>} : memref<4x8x512xf32, #tpu.memory_space<vmem>>, vector<1x1x16xf32>,
        %swap3A_1033 = vector.shape_cast %swap3A_1032 : vector<1x1x16xf32> to vector<16xf32>
        %swap3A_1034 = vector.shape_cast %gather3A_1014 : vector<16xf32> to vector<1x1x16xf32>
        tpu.vector_store %arg7[%swap3A_1029, %swap3A_1030, %swap3A_1031], %swap3A_1034 {strides = array<i32>} : memref<4x8x512xf32, #tpu.memory_space<vmem>>, vector<1x1x16xf32>,
        %lt3A_1035 = arith.constant 0 : i32
        %lt3A_1036 = vector.broadcast %lt3A_1035 : i32 to vector<16xi32>
        %lt3A_1037 = arith.cmpi slt, %get3A_975, %lt3A_1036 : vector<16xi32>
        %add3A_1038 = arith.constant 16 : i32
        %add3A_1039 = vector.broadcast %add3A_1038 : i32 to vector<16xi32>
        %add3A_1040 = arith.addi %get3A_975, %add3A_1039 : vector<16xi32>
        %select_n3A_1041 = arith.select %lt3A_1037, %add3A_1040, %get3A_975 : vector<16xi1>, vector<16xi32>
        %broadcast_in_dim3A_1042 = vector.shape_cast %select_n3A_1041 : vector<16xi32> to vector<16x1xi32>
        %gather3A_1043 = vector.shape_cast %broadcast_in_dim3A_1042 : vector<16x1xi32> to vector<16xi32>
        %gather3A_1044 = tpu.dynamic_gather %gather3A_56[%gather3A_1043] in [0] : vector<16xf32>, vector<16xi32> -> vector<16xf32>
        %mul3A_1045 = arith.constant 16 : i32
        %mul3A_1046 = arith.muli %mul3A_1045, %scan3A_967 : i32
        %swap3A_1047 = arith.constant 0 : i32
        %swap3A_1048 = arith.constant 2 : i32
        %swap3A_1049 = arith.index_cast %swap3A_1047 : i32 to index
        %swap3A_1050 = arith.index_cast %swap3A_1048 : i32 to index
        %swap3A_1051 = arith.index_cast %mul3A_1046 : i32 to index
        %swap3A_1052 = tpu.vector_load %arg7[%swap3A_1049, %swap3A_1050, %swap3A_1051] {strides = array<i32>} : memref<4x8x512xf32, #tpu.memory_space<vmem>>, vector<1x1x16xf32>,
        %swap3A_1053 = vector.shape_cast %swap3A_1052 : vector<1x1x16xf32> to vector<16xf32>
        %swap3A_1054 = vector.shape_cast %gather3A_1044 : vector<16xf32> to vector<1x1x16xf32>
        tpu.vector_store %arg7[%swap3A_1049, %swap3A_1050, %swap3A_1051], %swap3A_1054 {strides = array<i32>} : memref<4x8x512xf32, #tpu.memory_space<vmem>>, vector<1x1x16xf32>,
        %mul3A_1055 = arith.constant 16 : i32
        %mul3A_1056 = arith.muli %mul3A_1055, %scan3A_967 : i32
        %swap3A_1057 = arith.constant 0 : i32
        %swap3A_1058 = arith.constant 6 : i32
        %swap3A_1059 = arith.index_cast %swap3A_1057 : i32 to index
        %swap3A_1060 = arith.index_cast %swap3A_1058 : i32 to index
        %swap3A_1061 = arith.index_cast %mul3A_1056 : i32 to index
        %swap3A_1062 = tpu.vector_load %arg7[%swap3A_1059, %swap3A_1060, %swap3A_1061] {strides = array<i32>} : memref<4x8x512xf32, #tpu.memory_space<vmem>>, vector<1x1x16xf32>,
        %swap3A_1063 = vector.shape_cast %swap3A_1062 : vector<1x1x16xf32> to vector<16xf32>
        %swap3A_1064 = vector.shape_cast %gather3A_1044 : vector<16xf32> to vector<1x1x16xf32>
        tpu.vector_store %arg7[%swap3A_1059, %swap3A_1060, %swap3A_1061], %swap3A_1064 {strides = array<i32>} : memref<4x8x512xf32, #tpu.memory_space<vmem>>, vector<1x1x16xf32>,
        %lt3A_1065 = arith.constant 0 : i32
        %lt3A_1066 = vector.broadcast %lt3A_1065 : i32 to vector<16xi32>
        %lt3A_1067 = arith.cmpi slt, %get3A_975, %lt3A_1066 : vector<16xi32>
        %add3A_1068 = arith.constant 16 : i32
        %add3A_1069 = vector.broadcast %add3A_1068 : i32 to vector<16xi32>
        %add3A_1070 = arith.addi %get3A_975, %add3A_1069 : vector<16xi32>
        %select_n3A_1071 = arith.select %lt3A_1067, %add3A_1070, %get3A_975 : vector<16xi1>, vector<16xi32>
        %broadcast_in_dim3A_1072 = vector.shape_cast %select_n3A_1071 : vector<16xi32> to vector<16x1xi32>
        %gather3A_1073 = vector.shape_cast %broadcast_in_dim3A_1072 : vector<16x1xi32> to vector<16xi32>
        %gather3A_1074 = tpu.dynamic_gather %gather3A_75[%gather3A_1073] in [0] : vector<16xf32>, vector<16xi32> -> vector<16xf32>
        %mul3A_1075 = arith.constant 16 : i32
        %mul3A_1076 = arith.muli %mul3A_1075, %scan3A_967 : i32
        %swap3A_1077 = arith.constant 0 : i32
        %swap3A_1078 = arith.constant 3 : i32
        %swap3A_1079 = arith.index_cast %swap3A_1077 : i32 to index
        %swap3A_1080 = arith.index_cast %swap3A_1078 : i32 to index
        %swap3A_1081 = arith.index_cast %mul3A_1076 : i32 to index
        %swap3A_1082 = tpu.vector_load %arg7[%swap3A_1079, %swap3A_1080, %swap3A_1081] {strides = array<i32>} : memref<4x8x512xf32, #tpu.memory_space<vmem>>, vector<1x1x16xf32>,
        %swap3A_1083 = vector.shape_cast %swap3A_1082 : vector<1x1x16xf32> to vector<16xf32>
        %swap3A_1084 = vector.shape_cast %gather3A_1074 : vector<16xf32> to vector<1x1x16xf32>
        tpu.vector_store %arg7[%swap3A_1079, %swap3A_1080, %swap3A_1081], %swap3A_1084 {strides = array<i32>} : memref<4x8x512xf32, #tpu.memory_space<vmem>>, vector<1x1x16xf32>,
        %mul3A_1085 = arith.constant 16 : i32
        %mul3A_1086 = arith.muli %mul3A_1085, %scan3A_967 : i32
        %swap3A_1087 = arith.constant 0 : i32
        %swap3A_1088 = arith.constant 7 : i32
        %swap3A_1089 = arith.index_cast %swap3A_1087 : i32 to index
        %swap3A_1090 = arith.index_cast %swap3A_1088 : i32 to index
        %swap3A_1091 = arith.index_cast %mul3A_1086 : i32 to index
        %swap3A_1092 = tpu.vector_load %arg7[%swap3A_1089, %swap3A_1090, %swap3A_1091] {strides = array<i32>} : memref<4x8x512xf32, #tpu.memory_space<vmem>>, vector<1x1x16xf32>,
        %swap3A_1093 = vector.shape_cast %swap3A_1092 : vector<1x1x16xf32> to vector<16xf32>
        %swap3A_1094 = vector.shape_cast %gather3A_1074 : vector<16xf32> to vector<1x1x16xf32>
        tpu.vector_store %arg7[%swap3A_1089, %swap3A_1090, %swap3A_1091], %swap3A_1094 {strides = array<i32>} : memref<4x8x512xf32, #tpu.memory_space<vmem>>, vector<1x1x16xf32>,
      }
      %scan3A_381 = arith.constant 32 : i32
      %dma_start3A_382 = arith.constant 0 : i32
      %dma_start3A_383 = arith.constant 0 : i32
      %dma_start3A_384 = arith.constant 0 : i32
      %dma_start3A_385 = tpu.memref_slice %arg7[%dma_start3A_382, %dma_start3A_383, %dma_start3A_384] : memref<4x8x512xf32, #tpu.memory_space<vmem>> -> memref<1x8x512xf32, #tpu.memory_space<vmem>>
      %dma_start3A_386 = tpu.memref_squeeze %dma_start3A_385 : memref<1x8x512xf32, #tpu.memory_space<vmem>> -> memref<8x512xf32, #tpu.memory_space<vmem>>
      %dma_start3A_387 = arith.constant 0 : i32
      %dma_start3A_388 = tpu.memref_slice %arg4[%add3A_371, %dma_start3A_387, %mul3A_2] : memref<200x32x16384xf32, #tpu.memory_space<hbm>> -> memref<1x8x512xf32, #tpu.memory_space<hbm>>
      %dma_start3A_389 = tpu.memref_squeeze %dma_start3A_388 : memref<1x8x512xf32, #tpu.memory_space<hbm>> -> memref<8x512xf32, #tpu.memory_space<hbm>>
      %dma_start3A_390 = arith.constant 0 : i32
      %dma_start3A_391 = tpu.memref_slice %arg4[%add3A_371, %dma_start3A_390, %mul3A_2] : memref<200x32x16384xf32, #tpu.memory_space<hbm>> -> memref<1x8x512xf32, #tpu.memory_space<hbm>>
      %dma_start3A_392 = tpu.memref_squeeze %dma_start3A_391 : memref<1x8x512xf32, #tpu.memory_space<hbm>> -> memref<8x512xf32, #tpu.memory_space<hbm>>
      %dma_start3A_393 = arith.constant 0 : i32
      %dma_start3A_394 = arith.constant 0 : i32
      %dma_start3A_395 = tpu.memref_slice %arg7[%dma_start3A_382, %dma_start3A_393, %dma_start3A_394] : memref<4x8x512xf32, #tpu.memory_space<vmem>> -> memref<1x8x512xf32, #tpu.memory_space<vmem>>
      %dma_start3A_396 = tpu.memref_squeeze %dma_start3A_395 : memref<1x8x512xf32, #tpu.memory_space<vmem>> -> memref<8x512xf32, #tpu.memory_space<vmem>>
      tpu.enqueue_dma source(%dma_start3A_396 : memref<8x512xf32, #tpu.memory_space<vmem>>) target(%dma_start3A_392 : memref<8x512xf32, #tpu.memory_space<hbm>>) target_semaphore(%arg9 : memref<!tpu.dma_semaphore, #tpu.memory_space<semaphore_mem>>)
      %dma_start3A_397 = arith.constant 0 : i32
      %dma_start3A_398 = arith.constant 0 : i32
      %dma_start3A_399 = arith.constant 0 : i32
      %dma_start3A_400 = tpu.memref_slice %arg7[%dma_start3A_397, %dma_start3A_398, %dma_start3A_399] : memref<4x8x512xf32, #tpu.memory_space<vmem>> -> memref<1x8x512xf32, #tpu.memory_space<vmem>>
      %dma_start3A_401 = tpu.memref_squeeze %dma_start3A_400 : memref<1x8x512xf32, #tpu.memory_space<vmem>> -> memref<8x512xf32, #tpu.memory_space<vmem>>
      %dma_start3A_402 = arith.constant 8 : i32
      %dma_start3A_403 = tpu.memref_slice %arg4[%add3A_371, %dma_start3A_402, %mul3A_2] : memref<200x32x16384xf32, #tpu.memory_space<hbm>> -> memref<1x8x512xf32, #tpu.memory_space<hbm>>
      %dma_start3A_404 = tpu.memref_squeeze %dma_start3A_403 : memref<1x8x512xf32, #tpu.memory_space<hbm>> -> memref<8x512xf32, #tpu.memory_space<hbm>>
      %dma_start3A_405 = arith.constant 8 : i32
      %dma_start3A_406 = tpu.memref_slice %arg4[%add3A_371, %dma_start3A_405, %mul3A_2] : memref<200x32x16384xf32, #tpu.memory_space<hbm>> -> memref<1x8x512xf32, #tpu.memory_space<hbm>>
      %dma_start3A_407 = tpu.memref_squeeze %dma_start3A_406 : memref<1x8x512xf32, #tpu.memory_space<hbm>> -> memref<8x512xf32, #tpu.memory_space<hbm>>
      %dma_start3A_408 = arith.constant 0 : i32
      %dma_start3A_409 = arith.constant 0 : i32
      %dma_start3A_410 = tpu.memref_slice %arg7[%dma_start3A_397, %dma_start3A_408, %dma_start3A_409] : memref<4x8x512xf32, #tpu.memory_space<vmem>> -> memref<1x8x512xf32, #tpu.memory_space<vmem>>
      %dma_start3A_411 = tpu.memref_squeeze %dma_start3A_410 : memref<1x8x512xf32, #tpu.memory_space<vmem>> -> memref<8x512xf32, #tpu.memory_space<vmem>>
      tpu.enqueue_dma source(%dma_start3A_411 : memref<8x512xf32, #tpu.memory_space<vmem>>) target(%dma_start3A_407 : memref<8x512xf32, #tpu.memory_space<hbm>>) target_semaphore(%arg9 : memref<!tpu.dma_semaphore, #tpu.memory_space<semaphore_mem>>)
      %dma_start3A_412 = arith.constant 0 : i32
      %dma_start3A_413 = arith.constant 0 : i32
      %dma_start3A_414 = arith.constant 0 : i32
      %dma_start3A_415 = tpu.memref_slice %arg7[%dma_start3A_412, %dma_start3A_413, %dma_start3A_414] : memref<4x8x512xf32, #tpu.memory_space<vmem>> -> memref<1x8x512xf32, #tpu.memory_space<vmem>>
      %dma_start3A_416 = tpu.memref_squeeze %dma_start3A_415 : memref<1x8x512xf32, #tpu.memory_space<vmem>> -> memref<8x512xf32, #tpu.memory_space<vmem>>
      %dma_start3A_417 = arith.constant 16 : i32
      %dma_start3A_418 = tpu.memref_slice %arg4[%add3A_371, %dma_start3A_417, %mul3A_2] : memref<200x32x16384xf32, #tpu.memory_space<hbm>> -> memref<1x8x512xf32, #tpu.memory_space<hbm>>
      %dma_start3A_419 = tpu.memref_squeeze %dma_start3A_418 : memref<1x8x512xf32, #tpu.memory_space<hbm>> -> memref<8x512xf32, #tpu.memory_space<hbm>>
      %dma_start3A_420 = arith.constant 16 : i32
      %dma_start3A_421 = tpu.memref_slice %arg4[%add3A_371, %dma_start3A_420, %mul3A_2] : memref<200x32x16384xf32, #tpu.memory_space<hbm>> -> memref<1x8x512xf32, #tpu.memory_space<hbm>>
      %dma_start3A_422 = tpu.memref_squeeze %dma_start3A_421 : memref<1x8x512xf32, #tpu.memory_space<hbm>> -> memref<8x512xf32, #tpu.memory_space<hbm>>
      %dma_start3A_423 = arith.constant 0 : i32
      %dma_start3A_424 = arith.constant 0 : i32
      %dma_start3A_425 = tpu.memref_slice %arg7[%dma_start3A_412, %dma_start3A_423, %dma_start3A_424] : memref<4x8x512xf32, #tpu.memory_space<vmem>> -> memref<1x8x512xf32, #tpu.memory_space<vmem>>
      %dma_start3A_426 = tpu.memref_squeeze %dma_start3A_425 : memref<1x8x512xf32, #tpu.memory_space<vmem>> -> memref<8x512xf32, #tpu.memory_space<vmem>>
      tpu.enqueue_dma source(%dma_start3A_426 : memref<8x512xf32, #tpu.memory_space<vmem>>) target(%dma_start3A_422 : memref<8x512xf32, #tpu.memory_space<hbm>>) target_semaphore(%arg9 : memref<!tpu.dma_semaphore, #tpu.memory_space<semaphore_mem>>)
      %dma_start3A_427 = arith.constant 0 : i32
      %dma_start3A_428 = arith.constant 0 : i32
      %dma_start3A_429 = arith.constant 0 : i32
      %dma_start3A_430 = tpu.memref_slice %arg7[%dma_start3A_427, %dma_start3A_428, %dma_start3A_429] : memref<4x8x512xf32, #tpu.memory_space<vmem>> -> memref<1x8x512xf32, #tpu.memory_space<vmem>>
      %dma_start3A_431 = tpu.memref_squeeze %dma_start3A_430 : memref<1x8x512xf32, #tpu.memory_space<vmem>> -> memref<8x512xf32, #tpu.memory_space<vmem>>
      %dma_start3A_432 = arith.constant 24 : i32
      %dma_start3A_433 = tpu.memref_slice %arg4[%add3A_371, %dma_start3A_432, %mul3A_2] : memref<200x32x16384xf32, #tpu.memory_space<hbm>> -> memref<1x8x512xf32, #tpu.memory_space<hbm>>
      %dma_start3A_434 = tpu.memref_squeeze %dma_start3A_433 : memref<1x8x512xf32, #tpu.memory_space<hbm>> -> memref<8x512xf32, #tpu.memory_space<hbm>>
      %dma_start3A_435 = arith.constant 24 : i32
      %dma_start3A_436 = tpu.memref_slice %arg4[%add3A_371, %dma_start3A_435, %mul3A_2] : memref<200x32x16384xf32, #tpu.memory_space<hbm>> -> memref<1x8x512xf32, #tpu.memory_space<hbm>>
      %dma_start3A_437 = tpu.memref_squeeze %dma_start3A_436 : memref<1x8x512xf32, #tpu.memory_space<hbm>> -> memref<8x512xf32, #tpu.memory_space<hbm>>
      %dma_start3A_438 = arith.constant 0 : i32
      %dma_start3A_439 = arith.constant 0 : i32
      %dma_start3A_440 = tpu.memref_slice %arg7[%dma_start3A_427, %dma_start3A_438, %dma_start3A_439] : memref<4x8x512xf32, #tpu.memory_space<vmem>> -> memref<1x8x512xf32, #tpu.memory_space<vmem>>
      %dma_start3A_441 = tpu.memref_squeeze %dma_start3A_440 : memref<1x8x512xf32, #tpu.memory_space<vmem>> -> memref<8x512xf32, #tpu.memory_space<vmem>>
      tpu.enqueue_dma source(%dma_start3A_441 : memref<8x512xf32, #tpu.memory_space<vmem>>) target(%dma_start3A_437 : memref<8x512xf32, #tpu.memory_space<hbm>>) target_semaphore(%arg9 : memref<!tpu.dma_semaphore, #tpu.memory_space<semaphore_mem>>)
      %mul3A_442 = arith.constant 8 : i32
      %mul3A_443 = arith.muli %mul3A_442, %scan3A_348 : i32
      %add3A_444 = arith.constant 1 : i32
      %add3A_445 = arith.addi %mul3A_443, %add3A_444 : i32
      %ge3A_446 = arith.constant 4 : i32
      %ge3A_447 = arith.cmpi sge, %add3A_445, %ge3A_446 : i32
      %convert_element_type3A_448 = arith.extui %ge3A_447 : i1 to i32
      %cond3A_449 = arith.constant 0 : i32
      %cond3A_450 = arith.cmpi ne, %convert_element_type3A_448, %cond3A_449 : i32
      scf.if %cond3A_450 {
        %sub3A = arith.constant 4 : i32
        %sub3A_967 = arith.subi %add3A_445, %sub3A : i32
        %dma_wait3A_968 = arith.constant 1 : i32
        %dma_wait3A_969 = arith.constant 0 : i32
        %dma_wait3A_970 = arith.constant 0 : i32
        %dma_wait3A_971 = tpu.memref_slice %arg7[%dma_wait3A_968, %dma_wait3A_969, %dma_wait3A_970] : memref<4x8x512xf32, #tpu.memory_space<vmem>> -> memref<1x8x512xf32, #tpu.memory_space<vmem>>
        %dma_wait3A_972 = tpu.memref_squeeze %dma_wait3A_971 : memref<1x8x512xf32, #tpu.memory_space<vmem>> -> memref<8x512xf32, #tpu.memory_space<vmem>>
        %dma_wait3A_973 = arith.constant 0 : i32
        %dma_wait3A_974 = tpu.memref_slice %arg4[%sub3A_967, %dma_wait3A_973, %mul3A_2] : memref<200x32x16384xf32, #tpu.memory_space<hbm>> -> memref<1x8x512xf32, #tpu.memory_space<hbm>>
        %dma_wait3A_975 = tpu.memref_squeeze %dma_wait3A_974 : memref<1x8x512xf32, #tpu.memory_space<hbm>> -> memref<8x512xf32, #tpu.memory_space<hbm>>
        %dma_wait3A_976 = arith.constant 0 : i32
        %dma_wait3A_977 = tpu.memref_slice %arg4[%sub3A_967, %dma_wait3A_976, %mul3A_2] : memref<200x32x16384xf32, #tpu.memory_space<hbm>> -> memref<1x8x512xf32, #tpu.memory_space<hbm>>
        %dma_wait3A_978 = tpu.memref_squeeze %dma_wait3A_977 : memref<1x8x512xf32, #tpu.memory_space<hbm>> -> memref<8x512xf32, #tpu.memory_space<hbm>>
        %dma_wait3A_979 = arith.constant 0 : i32
        %dma_wait3A_980 = arith.constant 0 : i32
        %dma_wait3A_981 = tpu.memref_slice %arg7[%dma_wait3A_968, %dma_wait3A_979, %dma_wait3A_980] : memref<4x8x512xf32, #tpu.memory_space<vmem>> -> memref<1x8x512xf32, #tpu.memory_space<vmem>>
        %dma_wait3A_982 = tpu.memref_squeeze %dma_wait3A_981 : memref<1x8x512xf32, #tpu.memory_space<vmem>> -> memref<8x512xf32, #tpu.memory_space<vmem>>
        tpu.wait_dma2 semaphore(%arg9 : memref<!tpu.dma_semaphore, #tpu.memory_space<semaphore_mem>>) src(%dma_wait3A_982 : memref<8x512xf32, #tpu.memory_space<vmem>>) dst(%dma_wait3A_978 : memref<8x512xf32, #tpu.memory_space<hbm>>)
        %sub3A_983 = arith.constant 4 : i32
        %sub3A_984 = arith.subi %add3A_445, %sub3A_983 : i32
        %dma_wait3A_985 = arith.constant 1 : i32
        %dma_wait3A_986 = arith.constant 0 : i32
        %dma_wait3A_987 = arith.constant 0 : i32
        %dma_wait3A_988 = tpu.memref_slice %arg7[%dma_wait3A_985, %dma_wait3A_986, %dma_wait3A_987] : memref<4x8x512xf32, #tpu.memory_space<vmem>> -> memref<1x8x512xf32, #tpu.memory_space<vmem>>
        %dma_wait3A_989 = tpu.memref_squeeze %dma_wait3A_988 : memref<1x8x512xf32, #tpu.memory_space<vmem>> -> memref<8x512xf32, #tpu.memory_space<vmem>>
        %dma_wait3A_990 = arith.constant 8 : i32
        %dma_wait3A_991 = tpu.memref_slice %arg4[%sub3A_984, %dma_wait3A_990, %mul3A_2] : memref<200x32x16384xf32, #tpu.memory_space<hbm>> -> memref<1x8x512xf32, #tpu.memory_space<hbm>>
        %dma_wait3A_992 = tpu.memref_squeeze %dma_wait3A_991 : memref<1x8x512xf32, #tpu.memory_space<hbm>> -> memref<8x512xf32, #tpu.memory_space<hbm>>
        %dma_wait3A_993 = arith.constant 8 : i32
        %dma_wait3A_994 = tpu.memref_slice %arg4[%sub3A_984, %dma_wait3A_993, %mul3A_2] : memref<200x32x16384xf32, #tpu.memory_space<hbm>> -> memref<1x8x512xf32, #tpu.memory_space<hbm>>
        %dma_wait3A_995 = tpu.memref_squeeze %dma_wait3A_994 : memref<1x8x512xf32, #tpu.memory_space<hbm>> -> memref<8x512xf32, #tpu.memory_space<hbm>>
        %dma_wait3A_996 = arith.constant 0 : i32
        %dma_wait3A_997 = arith.constant 0 : i32
        %dma_wait3A_998 = tpu.memref_slice %arg7[%dma_wait3A_985, %dma_wait3A_996, %dma_wait3A_997] : memref<4x8x512xf32, #tpu.memory_space<vmem>> -> memref<1x8x512xf32, #tpu.memory_space<vmem>>
        %dma_wait3A_999 = tpu.memref_squeeze %dma_wait3A_998 : memref<1x8x512xf32, #tpu.memory_space<vmem>> -> memref<8x512xf32, #tpu.memory_space<vmem>>
        tpu.wait_dma2 semaphore(%arg9 : memref<!tpu.dma_semaphore, #tpu.memory_space<semaphore_mem>>) src(%dma_wait3A_999 : memref<8x512xf32, #tpu.memory_space<vmem>>) dst(%dma_wait3A_995 : memref<8x512xf32, #tpu.memory_space<hbm>>)
        %sub3A_1000 = arith.constant 4 : i32
        %sub3A_1001 = arith.subi %add3A_445, %sub3A_1000 : i32
        %dma_wait3A_1002 = arith.constant 1 : i32
        %dma_wait3A_1003 = arith.constant 0 : i32
        %dma_wait3A_1004 = arith.constant 0 : i32
        %dma_wait3A_1005 = tpu.memref_slice %arg7[%dma_wait3A_1002, %dma_wait3A_1003, %dma_wait3A_1004] : memref<4x8x512xf32, #tpu.memory_space<vmem>> -> memref<1x8x512xf32, #tpu.memory_space<vmem>>
        %dma_wait3A_1006 = tpu.memref_squeeze %dma_wait3A_1005 : memref<1x8x512xf32, #tpu.memory_space<vmem>> -> memref<8x512xf32, #tpu.memory_space<vmem>>
        %dma_wait3A_1007 = arith.constant 16 : i32
        %dma_wait3A_1008 = tpu.memref_slice %arg4[%sub3A_1001, %dma_wait3A_1007, %mul3A_2] : memref<200x32x16384xf32, #tpu.memory_space<hbm>> -> memref<1x8x512xf32, #tpu.memory_space<hbm>>
        %dma_wait3A_1009 = tpu.memref_squeeze %dma_wait3A_1008 : memref<1x8x512xf32, #tpu.memory_space<hbm>> -> memref<8x512xf32, #tpu.memory_space<hbm>>
        %dma_wait3A_1010 = arith.constant 16 : i32
        %dma_wait3A_1011 = tpu.memref_slice %arg4[%sub3A_1001, %dma_wait3A_1010, %mul3A_2] : memref<200x32x16384xf32, #tpu.memory_space<hbm>> -> memref<1x8x512xf32, #tpu.memory_space<hbm>>
        %dma_wait3A_1012 = tpu.memref_squeeze %dma_wait3A_1011 : memref<1x8x512xf32, #tpu.memory_space<hbm>> -> memref<8x512xf32, #tpu.memory_space<hbm>>
        %dma_wait3A_1013 = arith.constant 0 : i32
        %dma_wait3A_1014 = arith.constant 0 : i32
        %dma_wait3A_1015 = tpu.memref_slice %arg7[%dma_wait3A_1002, %dma_wait3A_1013, %dma_wait3A_1014] : memref<4x8x512xf32, #tpu.memory_space<vmem>> -> memref<1x8x512xf32, #tpu.memory_space<vmem>>
        %dma_wait3A_1016 = tpu.memref_squeeze %dma_wait3A_1015 : memref<1x8x512xf32, #tpu.memory_space<vmem>> -> memref<8x512xf32, #tpu.memory_space<vmem>>
        tpu.wait_dma2 semaphore(%arg9 : memref<!tpu.dma_semaphore, #tpu.memory_space<semaphore_mem>>) src(%dma_wait3A_1016 : memref<8x512xf32, #tpu.memory_space<vmem>>) dst(%dma_wait3A_1012 : memref<8x512xf32, #tpu.memory_space<hbm>>)
        %sub3A_1017 = arith.constant 4 : i32
        %sub3A_1018 = arith.subi %add3A_445, %sub3A_1017 : i32
        %dma_wait3A_1019 = arith.constant 1 : i32
        %dma_wait3A_1020 = arith.constant 0 : i32
        %dma_wait3A_1021 = arith.constant 0 : i32
        %dma_wait3A_1022 = tpu.memref_slice %arg7[%dma_wait3A_1019, %dma_wait3A_1020, %dma_wait3A_1021] : memref<4x8x512xf32, #tpu.memory_space<vmem>> -> memref<1x8x512xf32, #tpu.memory_space<vmem>>
        %dma_wait3A_1023 = tpu.memref_squeeze %dma_wait3A_1022 : memref<1x8x512xf32, #tpu.memory_space<vmem>> -> memref<8x512xf32, #tpu.memory_space<vmem>>
        %dma_wait3A_1024 = arith.constant 24 : i32
        %dma_wait3A_1025 = tpu.memref_slice %arg4[%sub3A_1018, %dma_wait3A_1024, %mul3A_2] : memref<200x32x16384xf32, #tpu.memory_space<hbm>> -> memref<1x8x512xf32, #tpu.memory_space<hbm>>
        %dma_wait3A_1026 = tpu.memref_squeeze %dma_wait3A_1025 : memref<1x8x512xf32, #tpu.memory_space<hbm>> -> memref<8x512xf32, #tpu.memory_space<hbm>>
        %dma_wait3A_1027 = arith.constant 24 : i32
        %dma_wait3A_1028 = tpu.memref_slice %arg4[%sub3A_1018, %dma_wait3A_1027, %mul3A_2] : memref<200x32x16384xf32, #tpu.memory_space<hbm>> -> memref<1x8x512xf32, #tpu.memory_space<hbm>>
        %dma_wait3A_1029 = tpu.memref_squeeze %dma_wait3A_1028 : memref<1x8x512xf32, #tpu.memory_space<hbm>> -> memref<8x512xf32, #tpu.memory_space<hbm>>
        %dma_wait3A_1030 = arith.constant 0 : i32
        %dma_wait3A_1031 = arith.constant 0 : i32
        %dma_wait3A_1032 = tpu.memref_slice %arg7[%dma_wait3A_1019, %dma_wait3A_1030, %dma_wait3A_1031] : memref<4x8x512xf32, #tpu.memory_space<vmem>> -> memref<1x8x512xf32, #tpu.memory_space<vmem>>
        %dma_wait3A_1033 = tpu.memref_squeeze %dma_wait3A_1032 : memref<1x8x512xf32, #tpu.memory_space<vmem>> -> memref<8x512xf32, #tpu.memory_space<vmem>>
        tpu.wait_dma2 semaphore(%arg9 : memref<!tpu.dma_semaphore, #tpu.memory_space<semaphore_mem>>) src(%dma_wait3A_1033 : memref<8x512xf32, #tpu.memory_space<vmem>>) dst(%dma_wait3A_1029 : memref<8x512xf32, #tpu.memory_space<hbm>>)
      } else {
      }
      %scan3A_451 = arith.constant 0 : i32
      %scan3A_452 = arith.constant 0 : i32
      %scan3A_453 = arith.constant 32 : i32
      %scan3A_454 = arith.addi %scan3A_452, %scan3A_453 : i32
      %scan3A_455 = arith.constant 1 : i32
      scf.for %scan3A_967 = %scan3A_452 to %scan3A_454 step %scan3A_455  : i32 {
        %mul3A_968 = arith.constant 16 : i32
        %mul3A_969 = arith.muli %mul3A_968, %scan3A_967 : i32
        %get3A_970 = arith.constant 1 : i32
        %get3A_971 = arith.index_cast %and3A_350 : i32 to index
        %get3A_972 = arith.index_cast %get3A_970 : i32 to index
        %get3A_973 = arith.index_cast %mul3A_969 : i32 to index
        %get3A_974 = tpu.vector_load %arg6[%get3A_971, %get3A_972, %get3A_973] {strides = array<i32>} : memref<2x8x512xi32, #tpu.memory_space<vmem>>, vector<1x1x16xi32>,
        %get3A_975 = vector.shape_cast %get3A_974 : vector<1x1x16xi32> to vector<16xi32>
        %lt3A_976 = arith.constant 0 : i32
        %lt3A_977 = vector.broadcast %lt3A_976 : i32 to vector<16xi32>
        %lt3A_978 = arith.cmpi slt, %get3A_975, %lt3A_977 : vector<16xi32>
        %add3A_979 = arith.constant 16 : i32
        %add3A_980 = vector.broadcast %add3A_979 : i32 to vector<16xi32>
        %add3A_981 = arith.addi %get3A_975, %add3A_980 : vector<16xi32>
        %select_n3A_982 = arith.select %lt3A_978, %add3A_981, %get3A_975 : vector<16xi1>, vector<16xi32>
        %broadcast_in_dim3A_983 = vector.shape_cast %select_n3A_982 : vector<16xi32> to vector<16x1xi32>
        %gather3A_984 = vector.shape_cast %broadcast_in_dim3A_983 : vector<16x1xi32> to vector<16xi32>
        %gather3A_985 = tpu.dynamic_gather %gather3A_18[%gather3A_984] in [0] : vector<16xf32>, vector<16xi32> -> vector<16xf32>
        %mul3A_986 = arith.constant 16 : i32
        %mul3A_987 = arith.muli %mul3A_986, %scan3A_967 : i32
        %swap3A = arith.constant 1 : i32
        %swap3A_988 = arith.constant 0 : i32
        %swap3A_989 = arith.index_cast %swap3A : i32 to index
        %swap3A_990 = arith.index_cast %swap3A_988 : i32 to index
        %swap3A_991 = arith.index_cast %mul3A_987 : i32 to index
        %swap3A_992 = tpu.vector_load %arg7[%swap3A_989, %swap3A_990, %swap3A_991] {strides = array<i32>} : memref<4x8x512xf32, #tpu.memory_space<vmem>>, vector<1x1x16xf32>,
        %swap3A_993 = vector.shape_cast %swap3A_992 : vector<1x1x16xf32> to vector<16xf32>
        %swap3A_994 = vector.shape_cast %gather3A_985 : vector<16xf32> to vector<1x1x16xf32>
        tpu.vector_store %arg7[%swap3A_989, %swap3A_990, %swap3A_991], %swap3A_994 {strides = array<i32>} : memref<4x8x512xf32, #tpu.memory_space<vmem>>, vector<1x1x16xf32>,
        %mul3A_995 = arith.constant 16 : i32
        %mul3A_996 = arith.muli %mul3A_995, %scan3A_967 : i32
        %swap3A_997 = arith.constant 1 : i32
        %swap3A_998 = arith.constant 4 : i32
        %swap3A_999 = arith.index_cast %swap3A_997 : i32 to index
        %swap3A_1000 = arith.index_cast %swap3A_998 : i32 to index
        %swap3A_1001 = arith.index_cast %mul3A_996 : i32 to index
        %swap3A_1002 = tpu.vector_load %arg7[%swap3A_999, %swap3A_1000, %swap3A_1001] {strides = array<i32>} : memref<4x8x512xf32, #tpu.memory_space<vmem>>, vector<1x1x16xf32>,
        %swap3A_1003 = vector.shape_cast %swap3A_1002 : vector<1x1x16xf32> to vector<16xf32>
        %swap3A_1004 = vector.shape_cast %gather3A_985 : vector<16xf32> to vector<1x1x16xf32>
        tpu.vector_store %arg7[%swap3A_999, %swap3A_1000, %swap3A_1001], %swap3A_1004 {strides = array<i32>} : memref<4x8x512xf32, #tpu.memory_space<vmem>>, vector<1x1x16xf32>,
        %lt3A_1005 = arith.constant 0 : i32
        %lt3A_1006 = vector.broadcast %lt3A_1005 : i32 to vector<16xi32>
        %lt3A_1007 = arith.cmpi slt, %get3A_975, %lt3A_1006 : vector<16xi32>
        %add3A_1008 = arith.constant 16 : i32
        %add3A_1009 = vector.broadcast %add3A_1008 : i32 to vector<16xi32>
        %add3A_1010 = arith.addi %get3A_975, %add3A_1009 : vector<16xi32>
        %select_n3A_1011 = arith.select %lt3A_1007, %add3A_1010, %get3A_975 : vector<16xi1>, vector<16xi32>
        %broadcast_in_dim3A_1012 = vector.shape_cast %select_n3A_1011 : vector<16xi32> to vector<16x1xi32>
        %gather3A_1013 = vector.shape_cast %broadcast_in_dim3A_1012 : vector<16x1xi32> to vector<16xi32>
        %gather3A_1014 = tpu.dynamic_gather %gather3A_37[%gather3A_1013] in [0] : vector<16xf32>, vector<16xi32> -> vector<16xf32>
        %mul3A_1015 = arith.constant 16 : i32
        %mul3A_1016 = arith.muli %mul3A_1015, %scan3A_967 : i32
        %swap3A_1017 = arith.constant 1 : i32
        %swap3A_1018 = arith.constant 1 : i32
        %swap3A_1019 = arith.index_cast %swap3A_1017 : i32 to index
        %swap3A_1020 = arith.index_cast %swap3A_1018 : i32 to index
        %swap3A_1021 = arith.index_cast %mul3A_1016 : i32 to index
        %swap3A_1022 = tpu.vector_load %arg7[%swap3A_1019, %swap3A_1020, %swap3A_1021] {strides = array<i32>} : memref<4x8x512xf32, #tpu.memory_space<vmem>>, vector<1x1x16xf32>,
        %swap3A_1023 = vector.shape_cast %swap3A_1022 : vector<1x1x16xf32> to vector<16xf32>
        %swap3A_1024 = vector.shape_cast %gather3A_1014 : vector<16xf32> to vector<1x1x16xf32>
        tpu.vector_store %arg7[%swap3A_1019, %swap3A_1020, %swap3A_1021], %swap3A_1024 {strides = array<i32>} : memref<4x8x512xf32, #tpu.memory_space<vmem>>, vector<1x1x16xf32>,
        %mul3A_1025 = arith.constant 16 : i32
        %mul3A_1026 = arith.muli %mul3A_1025, %scan3A_967 : i32
        %swap3A_1027 = arith.constant 1 : i32
        %swap3A_1028 = arith.constant 5 : i32
        %swap3A_1029 = arith.index_cast %swap3A_1027 : i32 to index
        %swap3A_1030 = arith.index_cast %swap3A_1028 : i32 to index
        %swap3A_1031 = arith.index_cast %mul3A_1026 : i32 to index
        %swap3A_1032 = tpu.vector_load %arg7[%swap3A_1029, %swap3A_1030, %swap3A_1031] {strides = array<i32>} : memref<4x8x512xf32, #tpu.memory_space<vmem>>, vector<1x1x16xf32>,
        %swap3A_1033 = vector.shape_cast %swap3A_1032 : vector<1x1x16xf32> to vector<16xf32>
        %swap3A_1034 = vector.shape_cast %gather3A_1014 : vector<16xf32> to vector<1x1x16xf32>
        tpu.vector_store %arg7[%swap3A_1029, %swap3A_1030, %swap3A_1031], %swap3A_1034 {strides = array<i32>} : memref<4x8x512xf32, #tpu.memory_space<vmem>>, vector<1x1x16xf32>,
        %lt3A_1035 = arith.constant 0 : i32
        %lt3A_1036 = vector.broadcast %lt3A_1035 : i32 to vector<16xi32>
        %lt3A_1037 = arith.cmpi slt, %get3A_975, %lt3A_1036 : vector<16xi32>
        %add3A_1038 = arith.constant 16 : i32
        %add3A_1039 = vector.broadcast %add3A_1038 : i32 to vector<16xi32>
        %add3A_1040 = arith.addi %get3A_975, %add3A_1039 : vector<16xi32>
        %select_n3A_1041 = arith.select %lt3A_1037, %add3A_1040, %get3A_975 : vector<16xi1>, vector<16xi32>
        %broadcast_in_dim3A_1042 = vector.shape_cast %select_n3A_1041 : vector<16xi32> to vector<16x1xi32>
        %gather3A_1043 = vector.shape_cast %broadcast_in_dim3A_1042 : vector<16x1xi32> to vector<16xi32>
        %gather3A_1044 = tpu.dynamic_gather %gather3A_56[%gather3A_1043] in [0] : vector<16xf32>, vector<16xi32> -> vector<16xf32>
        %mul3A_1045 = arith.constant 16 : i32
        %mul3A_1046 = arith.muli %mul3A_1045, %scan3A_967 : i32
        %swap3A_1047 = arith.constant 1 : i32
        %swap3A_1048 = arith.constant 2 : i32
        %swap3A_1049 = arith.index_cast %swap3A_1047 : i32 to index
        %swap3A_1050 = arith.index_cast %swap3A_1048 : i32 to index
        %swap3A_1051 = arith.index_cast %mul3A_1046 : i32 to index
        %swap3A_1052 = tpu.vector_load %arg7[%swap3A_1049, %swap3A_1050, %swap3A_1051] {strides = array<i32>} : memref<4x8x512xf32, #tpu.memory_space<vmem>>, vector<1x1x16xf32>,
        %swap3A_1053 = vector.shape_cast %swap3A_1052 : vector<1x1x16xf32> to vector<16xf32>
        %swap3A_1054 = vector.shape_cast %gather3A_1044 : vector<16xf32> to vector<1x1x16xf32>
        tpu.vector_store %arg7[%swap3A_1049, %swap3A_1050, %swap3A_1051], %swap3A_1054 {strides = array<i32>} : memref<4x8x512xf32, #tpu.memory_space<vmem>>, vector<1x1x16xf32>,
        %mul3A_1055 = arith.constant 16 : i32
        %mul3A_1056 = arith.muli %mul3A_1055, %scan3A_967 : i32
        %swap3A_1057 = arith.constant 1 : i32
        %swap3A_1058 = arith.constant 6 : i32
        %swap3A_1059 = arith.index_cast %swap3A_1057 : i32 to index
        %swap3A_1060 = arith.index_cast %swap3A_1058 : i32 to index
        %swap3A_1061 = arith.index_cast %mul3A_1056 : i32 to index
        %swap3A_1062 = tpu.vector_load %arg7[%swap3A_1059, %swap3A_1060, %swap3A_1061] {strides = array<i32>} : memref<4x8x512xf32, #tpu.memory_space<vmem>>, vector<1x1x16xf32>,
        %swap3A_1063 = vector.shape_cast %swap3A_1062 : vector<1x1x16xf32> to vector<16xf32>
        %swap3A_1064 = vector.shape_cast %gather3A_1044 : vector<16xf32> to vector<1x1x16xf32>
        tpu.vector_store %arg7[%swap3A_1059, %swap3A_1060, %swap3A_1061], %swap3A_1064 {strides = array<i32>} : memref<4x8x512xf32, #tpu.memory_space<vmem>>, vector<1x1x16xf32>,
        %lt3A_1065 = arith.constant 0 : i32
        %lt3A_1066 = vector.broadcast %lt3A_1065 : i32 to vector<16xi32>
        %lt3A_1067 = arith.cmpi slt, %get3A_975, %lt3A_1066 : vector<16xi32>
        %add3A_1068 = arith.constant 16 : i32
        %add3A_1069 = vector.broadcast %add3A_1068 : i32 to vector<16xi32>
        %add3A_1070 = arith.addi %get3A_975, %add3A_1069 : vector<16xi32>
        %select_n3A_1071 = arith.select %lt3A_1067, %add3A_1070, %get3A_975 : vector<16xi1>, vector<16xi32>
        %broadcast_in_dim3A_1072 = vector.shape_cast %select_n3A_1071 : vector<16xi32> to vector<16x1xi32>
        %gather3A_1073 = vector.shape_cast %broadcast_in_dim3A_1072 : vector<16x1xi32> to vector<16xi32>
        %gather3A_1074 = tpu.dynamic_gather %gather3A_75[%gather3A_1073] in [0] : vector<16xf32>, vector<16xi32> -> vector<16xf32>
        %mul3A_1075 = arith.constant 16 : i32
        %mul3A_1076 = arith.muli %mul3A_1075, %scan3A_967 : i32
        %swap3A_1077 = arith.constant 1 : i32
        %swap3A_1078 = arith.constant 3 : i32
        %swap3A_1079 = arith.index_cast %swap3A_1077 : i32 to index
        %swap3A_1080 = arith.index_cast %swap3A_1078 : i32 to index
        %swap3A_1081 = arith.index_cast %mul3A_1076 : i32 to index
        %swap3A_1082 = tpu.vector_load %arg7[%swap3A_1079, %swap3A_1080, %swap3A_1081] {strides = array<i32>} : memref<4x8x512xf32, #tpu.memory_space<vmem>>, vector<1x1x16xf32>,
        %swap3A_1083 = vector.shape_cast %swap3A_1082 : vector<1x1x16xf32> to vector<16xf32>
        %swap3A_1084 = vector.shape_cast %gather3A_1074 : vector<16xf32> to vector<1x1x16xf32>
        tpu.vector_store %arg7[%swap3A_1079, %swap3A_1080, %swap3A_1081], %swap3A_1084 {strides = array<i32>} : memref<4x8x512xf32, #tpu.memory_space<vmem>>, vector<1x1x16xf32>,
        %mul3A_1085 = arith.constant 16 : i32
        %mul3A_1086 = arith.muli %mul3A_1085, %scan3A_967 : i32
        %swap3A_1087 = arith.constant 1 : i32
        %swap3A_1088 = arith.constant 7 : i32
        %swap3A_1089 = arith.index_cast %swap3A_1087 : i32 to index
        %swap3A_1090 = arith.index_cast %swap3A_1088 : i32 to index
        %swap3A_1091 = arith.index_cast %mul3A_1086 : i32 to index
        %swap3A_1092 = tpu.vector_load %arg7[%swap3A_1089, %swap3A_1090, %swap3A_1091] {strides = array<i32>} : memref<4x8x512xf32, #tpu.memory_space<vmem>>, vector<1x1x16xf32>,
        %swap3A_1093 = vector.shape_cast %swap3A_1092 : vector<1x1x16xf32> to vector<16xf32>
        %swap3A_1094 = vector.shape_cast %gather3A_1074 : vector<16xf32> to vector<1x1x16xf32>
        tpu.vector_store %arg7[%swap3A_1089, %swap3A_1090, %swap3A_1091], %swap3A_1094 {strides = array<i32>} : memref<4x8x512xf32, #tpu.memory_space<vmem>>, vector<1x1x16xf32>,
      }
      %scan3A_456 = arith.constant 32 : i32
      %dma_start3A_457 = arith.constant 1 : i32
      %dma_start3A_458 = arith.constant 0 : i32
      %dma_start3A_459 = arith.constant 0 : i32
      %dma_start3A_460 = tpu.memref_slice %arg7[%dma_start3A_457, %dma_start3A_458, %dma_start3A_459] : memref<4x8x512xf32, #tpu.memory_space<vmem>> -> memref<1x8x512xf32, #tpu.memory_space<vmem>>
      %dma_start3A_461 = tpu.memref_squeeze %dma_start3A_460 : memref<1x8x512xf32, #tpu.memory_space<vmem>> -> memref<8x512xf32, #tpu.memory_space<vmem>>
      %dma_start3A_462 = arith.constant 0 : i32
      %dma_start3A_463 = tpu.memref_slice %arg4[%add3A_445, %dma_start3A_462, %mul3A_2] : memref<200x32x16384xf32, #tpu.memory_space<hbm>> -> memref<1x8x512xf32, #tpu.memory_space<hbm>>
      %dma_start3A_464 = tpu.memref_squeeze %dma_start3A_463 : memref<1x8x512xf32, #tpu.memory_space<hbm>> -> memref<8x512xf32, #tpu.memory_space<hbm>>
      %dma_start3A_465 = arith.constant 0 : i32
      %dma_start3A_466 = tpu.memref_slice %arg4[%add3A_445, %dma_start3A_465, %mul3A_2] : memref<200x32x16384xf32, #tpu.memory_space<hbm>> -> memref<1x8x512xf32, #tpu.memory_space<hbm>>
      %dma_start3A_467 = tpu.memref_squeeze %dma_start3A_466 : memref<1x8x512xf32, #tpu.memory_space<hbm>> -> memref<8x512xf32, #tpu.memory_space<hbm>>
      %dma_start3A_468 = arith.constant 0 : i32
      %dma_start3A_469 = arith.constant 0 : i32
      %dma_start3A_470 = tpu.memref_slice %arg7[%dma_start3A_457, %dma_start3A_468, %dma_start3A_469] : memref<4x8x512xf32, #tpu.memory_space<vmem>> -> memref<1x8x512xf32, #tpu.memory_space<vmem>>
      %dma_start3A_471 = tpu.memref_squeeze %dma_start3A_470 : memref<1x8x512xf32, #tpu.memory_space<vmem>> -> memref<8x512xf32, #tpu.memory_space<vmem>>
      tpu.enqueue_dma source(%dma_start3A_471 : memref<8x512xf32, #tpu.memory_space<vmem>>) target(%dma_start3A_467 : memref<8x512xf32, #tpu.memory_space<hbm>>) target_semaphore(%arg9 : memref<!tpu.dma_semaphore, #tpu.memory_space<semaphore_mem>>)
      %dma_start3A_472 = arith.constant 1 : i32
      %dma_start3A_473 = arith.constant 0 : i32
      %dma_start3A_474 = arith.constant 0 : i32
      %dma_start3A_475 = tpu.memref_slice %arg7[%dma_start3A_472, %dma_start3A_473, %dma_start3A_474] : memref<4x8x512xf32, #tpu.memory_space<vmem>> -> memref<1x8x512xf32, #tpu.memory_space<vmem>>
      %dma_start3A_476 = tpu.memref_squeeze %dma_start3A_475 : memref<1x8x512xf32, #tpu.memory_space<vmem>> -> memref<8x512xf32, #tpu.memory_space<vmem>>
      %dma_start3A_477 = arith.constant 8 : i32
      %dma_start3A_478 = tpu.memref_slice %arg4[%add3A_445, %dma_start3A_477, %mul3A_2] : memref<200x32x16384xf32, #tpu.memory_space<hbm>> -> memref<1x8x512xf32, #tpu.memory_space<hbm>>
      %dma_start3A_479 = tpu.memref_squeeze %dma_start3A_478 : memref<1x8x512xf32, #tpu.memory_space<hbm>> -> memref<8x512xf32, #tpu.memory_space<hbm>>
      %dma_start3A_480 = arith.constant 8 : i32
      %dma_start3A_481 = tpu.memref_slice %arg4[%add3A_445, %dma_start3A_480, %mul3A_2] : memref<200x32x16384xf32, #tpu.memory_space<hbm>> -> memref<1x8x512xf32, #tpu.memory_space<hbm>>
      %dma_start3A_482 = tpu.memref_squeeze %dma_start3A_481 : memref<1x8x512xf32, #tpu.memory_space<hbm>> -> memref<8x512xf32, #tpu.memory_space<hbm>>
      %dma_start3A_483 = arith.constant 0 : i32
      %dma_start3A_484 = arith.constant 0 : i32
      %dma_start3A_485 = tpu.memref_slice %arg7[%dma_start3A_472, %dma_start3A_483, %dma_start3A_484] : memref<4x8x512xf32, #tpu.memory_space<vmem>> -> memref<1x8x512xf32, #tpu.memory_space<vmem>>
      %dma_start3A_486 = tpu.memref_squeeze %dma_start3A_485 : memref<1x8x512xf32, #tpu.memory_space<vmem>> -> memref<8x512xf32, #tpu.memory_space<vmem>>
      tpu.enqueue_dma source(%dma_start3A_486 : memref<8x512xf32, #tpu.memory_space<vmem>>) target(%dma_start3A_482 : memref<8x512xf32, #tpu.memory_space<hbm>>) target_semaphore(%arg9 : memref<!tpu.dma_semaphore, #tpu.memory_space<semaphore_mem>>)
      %dma_start3A_487 = arith.constant 1 : i32
      %dma_start3A_488 = arith.constant 0 : i32
      %dma_start3A_489 = arith.constant 0 : i32
      %dma_start3A_490 = tpu.memref_slice %arg7[%dma_start3A_487, %dma_start3A_488, %dma_start3A_489] : memref<4x8x512xf32, #tpu.memory_space<vmem>> -> memref<1x8x512xf32, #tpu.memory_space<vmem>>
      %dma_start3A_491 = tpu.memref_squeeze %dma_start3A_490 : memref<1x8x512xf32, #tpu.memory_space<vmem>> -> memref<8x512xf32, #tpu.memory_space<vmem>>
      %dma_start3A_492 = arith.constant 16 : i32
      %dma_start3A_493 = tpu.memref_slice %arg4[%add3A_445, %dma_start3A_492, %mul3A_2] : memref<200x32x16384xf32, #tpu.memory_space<hbm>> -> memref<1x8x512xf32, #tpu.memory_space<hbm>>
      %dma_start3A_494 = tpu.memref_squeeze %dma_start3A_493 : memref<1x8x512xf32, #tpu.memory_space<hbm>> -> memref<8x512xf32, #tpu.memory_space<hbm>>
      %dma_start3A_495 = arith.constant 16 : i32
      %dma_start3A_496 = tpu.memref_slice %arg4[%add3A_445, %dma_start3A_495, %mul3A_2] : memref<200x32x16384xf32, #tpu.memory_space<hbm>> -> memref<1x8x512xf32, #tpu.memory_space<hbm>>
      %dma_start3A_497 = tpu.memref_squeeze %dma_start3A_496 : memref<1x8x512xf32, #tpu.memory_space<hbm>> -> memref<8x512xf32, #tpu.memory_space<hbm>>
      %dma_start3A_498 = arith.constant 0 : i32
      %dma_start3A_499 = arith.constant 0 : i32
      %dma_start3A_500 = tpu.memref_slice %arg7[%dma_start3A_487, %dma_start3A_498, %dma_start3A_499] : memref<4x8x512xf32, #tpu.memory_space<vmem>> -> memref<1x8x512xf32, #tpu.memory_space<vmem>>
      %dma_start3A_501 = tpu.memref_squeeze %dma_start3A_500 : memref<1x8x512xf32, #tpu.memory_space<vmem>> -> memref<8x512xf32, #tpu.memory_space<vmem>>
      tpu.enqueue_dma source(%dma_start3A_501 : memref<8x512xf32, #tpu.memory_space<vmem>>) target(%dma_start3A_497 : memref<8x512xf32, #tpu.memory_space<hbm>>) target_semaphore(%arg9 : memref<!tpu.dma_semaphore, #tpu.memory_space<semaphore_mem>>)
      %dma_start3A_502 = arith.constant 1 : i32
      %dma_start3A_503 = arith.constant 0 : i32
      %dma_start3A_504 = arith.constant 0 : i32
      %dma_start3A_505 = tpu.memref_slice %arg7[%dma_start3A_502, %dma_start3A_503, %dma_start3A_504] : memref<4x8x512xf32, #tpu.memory_space<vmem>> -> memref<1x8x512xf32, #tpu.memory_space<vmem>>
      %dma_start3A_506 = tpu.memref_squeeze %dma_start3A_505 : memref<1x8x512xf32, #tpu.memory_space<vmem>> -> memref<8x512xf32, #tpu.memory_space<vmem>>
      %dma_start3A_507 = arith.constant 24 : i32
      %dma_start3A_508 = tpu.memref_slice %arg4[%add3A_445, %dma_start3A_507, %mul3A_2] : memref<200x32x16384xf32, #tpu.memory_space<hbm>> -> memref<1x8x512xf32, #tpu.memory_space<hbm>>
      %dma_start3A_509 = tpu.memref_squeeze %dma_start3A_508 : memref<1x8x512xf32, #tpu.memory_space<hbm>> -> memref<8x512xf32, #tpu.memory_space<hbm>>
      %dma_start3A_510 = arith.constant 24 : i32
      %dma_start3A_511 = tpu.memref_slice %arg4[%add3A_445, %dma_start3A_510, %mul3A_2] : memref<200x32x16384xf32, #tpu.memory_space<hbm>> -> memref<1x8x512xf32, #tpu.memory_space<hbm>>
      %dma_start3A_512 = tpu.memref_squeeze %dma_start3A_511 : memref<1x8x512xf32, #tpu.memory_space<hbm>> -> memref<8x512xf32, #tpu.memory_space<hbm>>
      %dma_start3A_513 = arith.constant 0 : i32
      %dma_start3A_514 = arith.constant 0 : i32
      %dma_start3A_515 = tpu.memref_slice %arg7[%dma_start3A_502, %dma_start3A_513, %dma_start3A_514] : memref<4x8x512xf32, #tpu.memory_space<vmem>> -> memref<1x8x512xf32, #tpu.memory_space<vmem>>
      %dma_start3A_516 = tpu.memref_squeeze %dma_start3A_515 : memref<1x8x512xf32, #tpu.memory_space<vmem>> -> memref<8x512xf32, #tpu.memory_space<vmem>>
      tpu.enqueue_dma source(%dma_start3A_516 : memref<8x512xf32, #tpu.memory_space<vmem>>) target(%dma_start3A_512 : memref<8x512xf32, #tpu.memory_space<hbm>>) target_semaphore(%arg9 : memref<!tpu.dma_semaphore, #tpu.memory_space<semaphore_mem>>)
      %mul3A_517 = arith.constant 8 : i32
      %mul3A_518 = arith.muli %mul3A_517, %scan3A_348 : i32
      %add3A_519 = arith.constant 2 : i32
      %add3A_520 = arith.addi %mul3A_518, %add3A_519 : i32
      %ge3A_521 = arith.constant 4 : i32
      %ge3A_522 = arith.cmpi sge, %add3A_520, %ge3A_521 : i32
      %convert_element_type3A_523 = arith.extui %ge3A_522 : i1 to i32
      %cond3A_524 = arith.constant 0 : i32
      %cond3A_525 = arith.cmpi ne, %convert_element_type3A_523, %cond3A_524 : i32
      scf.if %cond3A_525 {
        %sub3A = arith.constant 4 : i32
        %sub3A_967 = arith.subi %add3A_520, %sub3A : i32
        %dma_wait3A_968 = arith.constant 2 : i32
        %dma_wait3A_969 = arith.constant 0 : i32
        %dma_wait3A_970 = arith.constant 0 : i32
        %dma_wait3A_971 = tpu.memref_slice %arg7[%dma_wait3A_968, %dma_wait3A_969, %dma_wait3A_970] : memref<4x8x512xf32, #tpu.memory_space<vmem>> -> memref<1x8x512xf32, #tpu.memory_space<vmem>>
        %dma_wait3A_972 = tpu.memref_squeeze %dma_wait3A_971 : memref<1x8x512xf32, #tpu.memory_space<vmem>> -> memref<8x512xf32, #tpu.memory_space<vmem>>
        %dma_wait3A_973 = arith.constant 0 : i32
        %dma_wait3A_974 = tpu.memref_slice %arg4[%sub3A_967, %dma_wait3A_973, %mul3A_2] : memref<200x32x16384xf32, #tpu.memory_space<hbm>> -> memref<1x8x512xf32, #tpu.memory_space<hbm>>
        %dma_wait3A_975 = tpu.memref_squeeze %dma_wait3A_974 : memref<1x8x512xf32, #tpu.memory_space<hbm>> -> memref<8x512xf32, #tpu.memory_space<hbm>>
        %dma_wait3A_976 = arith.constant 0 : i32
        %dma_wait3A_977 = tpu.memref_slice %arg4[%sub3A_967, %dma_wait3A_976, %mul3A_2] : memref<200x32x16384xf32, #tpu.memory_space<hbm>> -> memref<1x8x512xf32, #tpu.memory_space<hbm>>
        %dma_wait3A_978 = tpu.memref_squeeze %dma_wait3A_977 : memref<1x8x512xf32, #tpu.memory_space<hbm>> -> memref<8x512xf32, #tpu.memory_space<hbm>>
        %dma_wait3A_979 = arith.constant 0 : i32
        %dma_wait3A_980 = arith.constant 0 : i32
        %dma_wait3A_981 = tpu.memref_slice %arg7[%dma_wait3A_968, %dma_wait3A_979, %dma_wait3A_980] : memref<4x8x512xf32, #tpu.memory_space<vmem>> -> memref<1x8x512xf32, #tpu.memory_space<vmem>>
        %dma_wait3A_982 = tpu.memref_squeeze %dma_wait3A_981 : memref<1x8x512xf32, #tpu.memory_space<vmem>> -> memref<8x512xf32, #tpu.memory_space<vmem>>
        tpu.wait_dma2 semaphore(%arg9 : memref<!tpu.dma_semaphore, #tpu.memory_space<semaphore_mem>>) src(%dma_wait3A_982 : memref<8x512xf32, #tpu.memory_space<vmem>>) dst(%dma_wait3A_978 : memref<8x512xf32, #tpu.memory_space<hbm>>)
        %sub3A_983 = arith.constant 4 : i32
        %sub3A_984 = arith.subi %add3A_520, %sub3A_983 : i32
        %dma_wait3A_985 = arith.constant 2 : i32
        %dma_wait3A_986 = arith.constant 0 : i32
        %dma_wait3A_987 = arith.constant 0 : i32
        %dma_wait3A_988 = tpu.memref_slice %arg7[%dma_wait3A_985, %dma_wait3A_986, %dma_wait3A_987] : memref<4x8x512xf32, #tpu.memory_space<vmem>> -> memref<1x8x512xf32, #tpu.memory_space<vmem>>
        %dma_wait3A_989 = tpu.memref_squeeze %dma_wait3A_988 : memref<1x8x512xf32, #tpu.memory_space<vmem>> -> memref<8x512xf32, #tpu.memory_space<vmem>>
        %dma_wait3A_990 = arith.constant 8 : i32
        %dma_wait3A_991 = tpu.memref_slice %arg4[%sub3A_984, %dma_wait3A_990, %mul3A_2] : memref<200x32x16384xf32, #tpu.memory_space<hbm>> -> memref<1x8x512xf32, #tpu.memory_space<hbm>>
        %dma_wait3A_992 = tpu.memref_squeeze %dma_wait3A_991 : memref<1x8x512xf32, #tpu.memory_space<hbm>> -> memref<8x512xf32, #tpu.memory_space<hbm>>
        %dma_wait3A_993 = arith.constant 8 : i32
        %dma_wait3A_994 = tpu.memref_slice %arg4[%sub3A_984, %dma_wait3A_993, %mul3A_2] : memref<200x32x16384xf32, #tpu.memory_space<hbm>> -> memref<1x8x512xf32, #tpu.memory_space<hbm>>
        %dma_wait3A_995 = tpu.memref_squeeze %dma_wait3A_994 : memref<1x8x512xf32, #tpu.memory_space<hbm>> -> memref<8x512xf32, #tpu.memory_space<hbm>>
        %dma_wait3A_996 = arith.constant 0 : i32
        %dma_wait3A_997 = arith.constant 0 : i32
        %dma_wait3A_998 = tpu.memref_slice %arg7[%dma_wait3A_985, %dma_wait3A_996, %dma_wait3A_997] : memref<4x8x512xf32, #tpu.memory_space<vmem>> -> memref<1x8x512xf32, #tpu.memory_space<vmem>>
        %dma_wait3A_999 = tpu.memref_squeeze %dma_wait3A_998 : memref<1x8x512xf32, #tpu.memory_space<vmem>> -> memref<8x512xf32, #tpu.memory_space<vmem>>
        tpu.wait_dma2 semaphore(%arg9 : memref<!tpu.dma_semaphore, #tpu.memory_space<semaphore_mem>>) src(%dma_wait3A_999 : memref<8x512xf32, #tpu.memory_space<vmem>>) dst(%dma_wait3A_995 : memref<8x512xf32, #tpu.memory_space<hbm>>)
        %sub3A_1000 = arith.constant 4 : i32
        %sub3A_1001 = arith.subi %add3A_520, %sub3A_1000 : i32
        %dma_wait3A_1002 = arith.constant 2 : i32
        %dma_wait3A_1003 = arith.constant 0 : i32
        %dma_wait3A_1004 = arith.constant 0 : i32
        %dma_wait3A_1005 = tpu.memref_slice %arg7[%dma_wait3A_1002, %dma_wait3A_1003, %dma_wait3A_1004] : memref<4x8x512xf32, #tpu.memory_space<vmem>> -> memref<1x8x512xf32, #tpu.memory_space<vmem>>
        %dma_wait3A_1006 = tpu.memref_squeeze %dma_wait3A_1005 : memref<1x8x512xf32, #tpu.memory_space<vmem>> -> memref<8x512xf32, #tpu.memory_space<vmem>>
        %dma_wait3A_1007 = arith.constant 16 : i32
        %dma_wait3A_1008 = tpu.memref_slice %arg4[%sub3A_1001, %dma_wait3A_1007, %mul3A_2] : memref<200x32x16384xf32, #tpu.memory_space<hbm>> -> memref<1x8x512xf32, #tpu.memory_space<hbm>>
        %dma_wait3A_1009 = tpu.memref_squeeze %dma_wait3A_1008 : memref<1x8x512xf32, #tpu.memory_space<hbm>> -> memref<8x512xf32, #tpu.memory_space<hbm>>
        %dma_wait3A_1010 = arith.constant 16 : i32
        %dma_wait3A_1011 = tpu.memref_slice %arg4[%sub3A_1001, %dma_wait3A_1010, %mul3A_2] : memref<200x32x16384xf32, #tpu.memory_space<hbm>> -> memref<1x8x512xf32, #tpu.memory_space<hbm>>
        %dma_wait3A_1012 = tpu.memref_squeeze %dma_wait3A_1011 : memref<1x8x512xf32, #tpu.memory_space<hbm>> -> memref<8x512xf32, #tpu.memory_space<hbm>>
        %dma_wait3A_1013 = arith.constant 0 : i32
        %dma_wait3A_1014 = arith.constant 0 : i32
        %dma_wait3A_1015 = tpu.memref_slice %arg7[%dma_wait3A_1002, %dma_wait3A_1013, %dma_wait3A_1014] : memref<4x8x512xf32, #tpu.memory_space<vmem>> -> memref<1x8x512xf32, #tpu.memory_space<vmem>>
        %dma_wait3A_1016 = tpu.memref_squeeze %dma_wait3A_1015 : memref<1x8x512xf32, #tpu.memory_space<vmem>> -> memref<8x512xf32, #tpu.memory_space<vmem>>
        tpu.wait_dma2 semaphore(%arg9 : memref<!tpu.dma_semaphore, #tpu.memory_space<semaphore_mem>>) src(%dma_wait3A_1016 : memref<8x512xf32, #tpu.memory_space<vmem>>) dst(%dma_wait3A_1012 : memref<8x512xf32, #tpu.memory_space<hbm>>)
        %sub3A_1017 = arith.constant 4 : i32
        %sub3A_1018 = arith.subi %add3A_520, %sub3A_1017 : i32
        %dma_wait3A_1019 = arith.constant 2 : i32
        %dma_wait3A_1020 = arith.constant 0 : i32
        %dma_wait3A_1021 = arith.constant 0 : i32
        %dma_wait3A_1022 = tpu.memref_slice %arg7[%dma_wait3A_1019, %dma_wait3A_1020, %dma_wait3A_1021] : memref<4x8x512xf32, #tpu.memory_space<vmem>> -> memref<1x8x512xf32, #tpu.memory_space<vmem>>
        %dma_wait3A_1023 = tpu.memref_squeeze %dma_wait3A_1022 : memref<1x8x512xf32, #tpu.memory_space<vmem>> -> memref<8x512xf32, #tpu.memory_space<vmem>>
        %dma_wait3A_1024 = arith.constant 24 : i32
        %dma_wait3A_1025 = tpu.memref_slice %arg4[%sub3A_1018, %dma_wait3A_1024, %mul3A_2] : memref<200x32x16384xf32, #tpu.memory_space<hbm>> -> memref<1x8x512xf32, #tpu.memory_space<hbm>>
        %dma_wait3A_1026 = tpu.memref_squeeze %dma_wait3A_1025 : memref<1x8x512xf32, #tpu.memory_space<hbm>> -> memref<8x512xf32, #tpu.memory_space<hbm>>
        %dma_wait3A_1027 = arith.constant 24 : i32
        %dma_wait3A_1028 = tpu.memref_slice %arg4[%sub3A_1018, %dma_wait3A_1027, %mul3A_2] : memref<200x32x16384xf32, #tpu.memory_space<hbm>> -> memref<1x8x512xf32, #tpu.memory_space<hbm>>
        %dma_wait3A_1029 = tpu.memref_squeeze %dma_wait3A_1028 : memref<1x8x512xf32, #tpu.memory_space<hbm>> -> memref<8x512xf32, #tpu.memory_space<hbm>>
        %dma_wait3A_1030 = arith.constant 0 : i32
        %dma_wait3A_1031 = arith.constant 0 : i32
        %dma_wait3A_1032 = tpu.memref_slice %arg7[%dma_wait3A_1019, %dma_wait3A_1030, %dma_wait3A_1031] : memref<4x8x512xf32, #tpu.memory_space<vmem>> -> memref<1x8x512xf32, #tpu.memory_space<vmem>>
        %dma_wait3A_1033 = tpu.memref_squeeze %dma_wait3A_1032 : memref<1x8x512xf32, #tpu.memory_space<vmem>> -> memref<8x512xf32, #tpu.memory_space<vmem>>
        tpu.wait_dma2 semaphore(%arg9 : memref<!tpu.dma_semaphore, #tpu.memory_space<semaphore_mem>>) src(%dma_wait3A_1033 : memref<8x512xf32, #tpu.memory_space<vmem>>) dst(%dma_wait3A_1029 : memref<8x512xf32, #tpu.memory_space<hbm>>)
      } else {
      }
      %scan3A_526 = arith.constant 0 : i32
      %scan3A_527 = arith.constant 0 : i32
      %scan3A_528 = arith.constant 32 : i32
      %scan3A_529 = arith.addi %scan3A_527, %scan3A_528 : i32
      %scan3A_530 = arith.constant 1 : i32
      scf.for %scan3A_967 = %scan3A_527 to %scan3A_529 step %scan3A_530  : i32 {
        %mul3A_968 = arith.constant 16 : i32
        %mul3A_969 = arith.muli %mul3A_968, %scan3A_967 : i32
        %get3A_970 = arith.constant 2 : i32
        %get3A_971 = arith.index_cast %and3A_350 : i32 to index
        %get3A_972 = arith.index_cast %get3A_970 : i32 to index
        %get3A_973 = arith.index_cast %mul3A_969 : i32 to index
        %get3A_974 = tpu.vector_load %arg6[%get3A_971, %get3A_972, %get3A_973] {strides = array<i32>} : memref<2x8x512xi32, #tpu.memory_space<vmem>>, vector<1x1x16xi32>,
        %get3A_975 = vector.shape_cast %get3A_974 : vector<1x1x16xi32> to vector<16xi32>
        %lt3A_976 = arith.constant 0 : i32
        %lt3A_977 = vector.broadcast %lt3A_976 : i32 to vector<16xi32>
        %lt3A_978 = arith.cmpi slt, %get3A_975, %lt3A_977 : vector<16xi32>
        %add3A_979 = arith.constant 16 : i32
        %add3A_980 = vector.broadcast %add3A_979 : i32 to vector<16xi32>
        %add3A_981 = arith.addi %get3A_975, %add3A_980 : vector<16xi32>
        %select_n3A_982 = arith.select %lt3A_978, %add3A_981, %get3A_975 : vector<16xi1>, vector<16xi32>
        %broadcast_in_dim3A_983 = vector.shape_cast %select_n3A_982 : vector<16xi32> to vector<16x1xi32>
        %gather3A_984 = vector.shape_cast %broadcast_in_dim3A_983 : vector<16x1xi32> to vector<16xi32>
        %gather3A_985 = tpu.dynamic_gather %gather3A_18[%gather3A_984] in [0] : vector<16xf32>, vector<16xi32> -> vector<16xf32>
        %mul3A_986 = arith.constant 16 : i32
        %mul3A_987 = arith.muli %mul3A_986, %scan3A_967 : i32
        %swap3A = arith.constant 2 : i32
        %swap3A_988 = arith.constant 0 : i32
        %swap3A_989 = arith.index_cast %swap3A : i32 to index
        %swap3A_990 = arith.index_cast %swap3A_988 : i32 to index
        %swap3A_991 = arith.index_cast %mul3A_987 : i32 to index
        %swap3A_992 = tpu.vector_load %arg7[%swap3A_989, %swap3A_990, %swap3A_991] {strides = array<i32>} : memref<4x8x512xf32, #tpu.memory_space<vmem>>, vector<1x1x16xf32>,
        %swap3A_993 = vector.shape_cast %swap3A_992 : vector<1x1x16xf32> to vector<16xf32>
        %swap3A_994 = vector.shape_cast %gather3A_985 : vector<16xf32> to vector<1x1x16xf32>
        tpu.vector_store %arg7[%swap3A_989, %swap3A_990, %swap3A_991], %swap3A_994 {strides = array<i32>} : memref<4x8x512xf32, #tpu.memory_space<vmem>>, vector<1x1x16xf32>,
        %mul3A_995 = arith.constant 16 : i32
        %mul3A_996 = arith.muli %mul3A_995, %scan3A_967 : i32
        %swap3A_997 = arith.constant 2 : i32
        %swap3A_998 = arith.constant 4 : i32
        %swap3A_999 = arith.index_cast %swap3A_997 : i32 to index
        %swap3A_1000 = arith.index_cast %swap3A_998 : i32 to index
        %swap3A_1001 = arith.index_cast %mul3A_996 : i32 to index
        %swap3A_1002 = tpu.vector_load %arg7[%swap3A_999, %swap3A_1000, %swap3A_1001] {strides = array<i32>} : memref<4x8x512xf32, #tpu.memory_space<vmem>>, vector<1x1x16xf32>,
        %swap3A_1003 = vector.shape_cast %swap3A_1002 : vector<1x1x16xf32> to vector<16xf32>
        %swap3A_1004 = vector.shape_cast %gather3A_985 : vector<16xf32> to vector<1x1x16xf32>
        tpu.vector_store %arg7[%swap3A_999, %swap3A_1000, %swap3A_1001], %swap3A_1004 {strides = array<i32>} : memref<4x8x512xf32, #tpu.memory_space<vmem>>, vector<1x1x16xf32>,
        %lt3A_1005 = arith.constant 0 : i32
        %lt3A_1006 = vector.broadcast %lt3A_1005 : i32 to vector<16xi32>
        %lt3A_1007 = arith.cmpi slt, %get3A_975, %lt3A_1006 : vector<16xi32>
        %add3A_1008 = arith.constant 16 : i32
        %add3A_1009 = vector.broadcast %add3A_1008 : i32 to vector<16xi32>
        %add3A_1010 = arith.addi %get3A_975, %add3A_1009 : vector<16xi32>
        %select_n3A_1011 = arith.select %lt3A_1007, %add3A_1010, %get3A_975 : vector<16xi1>, vector<16xi32>
        %broadcast_in_dim3A_1012 = vector.shape_cast %select_n3A_1011 : vector<16xi32> to vector<16x1xi32>
        %gather3A_1013 = vector.shape_cast %broadcast_in_dim3A_1012 : vector<16x1xi32> to vector<16xi32>
        %gather3A_1014 = tpu.dynamic_gather %gather3A_37[%gather3A_1013] in [0] : vector<16xf32>, vector<16xi32> -> vector<16xf32>
        %mul3A_1015 = arith.constant 16 : i32
        %mul3A_1016 = arith.muli %mul3A_1015, %scan3A_967 : i32
        %swap3A_1017 = arith.constant 2 : i32
        %swap3A_1018 = arith.constant 1 : i32
        %swap3A_1019 = arith.index_cast %swap3A_1017 : i32 to index
        %swap3A_1020 = arith.index_cast %swap3A_1018 : i32 to index
        %swap3A_1021 = arith.index_cast %mul3A_1016 : i32 to index
        %swap3A_1022 = tpu.vector_load %arg7[%swap3A_1019, %swap3A_1020, %swap3A_1021] {strides = array<i32>} : memref<4x8x512xf32, #tpu.memory_space<vmem>>, vector<1x1x16xf32>,
        %swap3A_1023 = vector.shape_cast %swap3A_1022 : vector<1x1x16xf32> to vector<16xf32>
        %swap3A_1024 = vector.shape_cast %gather3A_1014 : vector<16xf32> to vector<1x1x16xf32>
        tpu.vector_store %arg7[%swap3A_1019, %swap3A_1020, %swap3A_1021], %swap3A_1024 {strides = array<i32>} : memref<4x8x512xf32, #tpu.memory_space<vmem>>, vector<1x1x16xf32>,
        %mul3A_1025 = arith.constant 16 : i32
        %mul3A_1026 = arith.muli %mul3A_1025, %scan3A_967 : i32
        %swap3A_1027 = arith.constant 2 : i32
        %swap3A_1028 = arith.constant 5 : i32
        %swap3A_1029 = arith.index_cast %swap3A_1027 : i32 to index
        %swap3A_1030 = arith.index_cast %swap3A_1028 : i32 to index
        %swap3A_1031 = arith.index_cast %mul3A_1026 : i32 to index
        %swap3A_1032 = tpu.vector_load %arg7[%swap3A_1029, %swap3A_1030, %swap3A_1031] {strides = array<i32>} : memref<4x8x512xf32, #tpu.memory_space<vmem>>, vector<1x1x16xf32>,
        %swap3A_1033 = vector.shape_cast %swap3A_1032 : vector<1x1x16xf32> to vector<16xf32>
        %swap3A_1034 = vector.shape_cast %gather3A_1014 : vector<16xf32> to vector<1x1x16xf32>
        tpu.vector_store %arg7[%swap3A_1029, %swap3A_1030, %swap3A_1031], %swap3A_1034 {strides = array<i32>} : memref<4x8x512xf32, #tpu.memory_space<vmem>>, vector<1x1x16xf32>,
        %lt3A_1035 = arith.constant 0 : i32
        %lt3A_1036 = vector.broadcast %lt3A_1035 : i32 to vector<16xi32>
        %lt3A_1037 = arith.cmpi slt, %get3A_975, %lt3A_1036 : vector<16xi32>
        %add3A_1038 = arith.constant 16 : i32
        %add3A_1039 = vector.broadcast %add3A_1038 : i32 to vector<16xi32>
        %add3A_1040 = arith.addi %get3A_975, %add3A_1039 : vector<16xi32>
        %select_n3A_1041 = arith.select %lt3A_1037, %add3A_1040, %get3A_975 : vector<16xi1>, vector<16xi32>
        %broadcast_in_dim3A_1042 = vector.shape_cast %select_n3A_1041 : vector<16xi32> to vector<16x1xi32>
        %gather3A_1043 = vector.shape_cast %broadcast_in_dim3A_1042 : vector<16x1xi32> to vector<16xi32>
        %gather3A_1044 = tpu.dynamic_gather %gather3A_56[%gather3A_1043] in [0] : vector<16xf32>, vector<16xi32> -> vector<16xf32>
        %mul3A_1045 = arith.constant 16 : i32
        %mul3A_1046 = arith.muli %mul3A_1045, %scan3A_967 : i32
        %swap3A_1047 = arith.constant 2 : i32
        %swap3A_1048 = arith.constant 2 : i32
        %swap3A_1049 = arith.index_cast %swap3A_1047 : i32 to index
        %swap3A_1050 = arith.index_cast %swap3A_1048 : i32 to index
        %swap3A_1051 = arith.index_cast %mul3A_1046 : i32 to index
        %swap3A_1052 = tpu.vector_load %arg7[%swap3A_1049, %swap3A_1050, %swap3A_1051] {strides = array<i32>} : memref<4x8x512xf32, #tpu.memory_space<vmem>>, vector<1x1x16xf32>,
        %swap3A_1053 = vector.shape_cast %swap3A_1052 : vector<1x1x16xf32> to vector<16xf32>
        %swap3A_1054 = vector.shape_cast %gather3A_1044 : vector<16xf32> to vector<1x1x16xf32>
        tpu.vector_store %arg7[%swap3A_1049, %swap3A_1050, %swap3A_1051], %swap3A_1054 {strides = array<i32>} : memref<4x8x512xf32, #tpu.memory_space<vmem>>, vector<1x1x16xf32>,
        %mul3A_1055 = arith.constant 16 : i32
        %mul3A_1056 = arith.muli %mul3A_1055, %scan3A_967 : i32
        %swap3A_1057 = arith.constant 2 : i32
        %swap3A_1058 = arith.constant 6 : i32
        %swap3A_1059 = arith.index_cast %swap3A_1057 : i32 to index
        %swap3A_1060 = arith.index_cast %swap3A_1058 : i32 to index
        %swap3A_1061 = arith.index_cast %mul3A_1056 : i32 to index
        %swap3A_1062 = tpu.vector_load %arg7[%swap3A_1059, %swap3A_1060, %swap3A_1061] {strides = array<i32>} : memref<4x8x512xf32, #tpu.memory_space<vmem>>, vector<1x1x16xf32>,
        %swap3A_1063 = vector.shape_cast %swap3A_1062 : vector<1x1x16xf32> to vector<16xf32>
        %swap3A_1064 = vector.shape_cast %gather3A_1044 : vector<16xf32> to vector<1x1x16xf32>
        tpu.vector_store %arg7[%swap3A_1059, %swap3A_1060, %swap3A_1061], %swap3A_1064 {strides = array<i32>} : memref<4x8x512xf32, #tpu.memory_space<vmem>>, vector<1x1x16xf32>,
        %lt3A_1065 = arith.constant 0 : i32
        %lt3A_1066 = vector.broadcast %lt3A_1065 : i32 to vector<16xi32>
        %lt3A_1067 = arith.cmpi slt, %get3A_975, %lt3A_1066 : vector<16xi32>
        %add3A_1068 = arith.constant 16 : i32
        %add3A_1069 = vector.broadcast %add3A_1068 : i32 to vector<16xi32>
        %add3A_1070 = arith.addi %get3A_975, %add3A_1069 : vector<16xi32>
        %select_n3A_1071 = arith.select %lt3A_1067, %add3A_1070, %get3A_975 : vector<16xi1>, vector<16xi32>
        %broadcast_in_dim3A_1072 = vector.shape_cast %select_n3A_1071 : vector<16xi32> to vector<16x1xi32>
        %gather3A_1073 = vector.shape_cast %broadcast_in_dim3A_1072 : vector<16x1xi32> to vector<16xi32>
        %gather3A_1074 = tpu.dynamic_gather %gather3A_75[%gather3A_1073] in [0] : vector<16xf32>, vector<16xi32> -> vector<16xf32>
        %mul3A_1075 = arith.constant 16 : i32
        %mul3A_1076 = arith.muli %mul3A_1075, %scan3A_967 : i32
        %swap3A_1077 = arith.constant 2 : i32
        %swap3A_1078 = arith.constant 3 : i32
        %swap3A_1079 = arith.index_cast %swap3A_1077 : i32 to index
        %swap3A_1080 = arith.index_cast %swap3A_1078 : i32 to index
        %swap3A_1081 = arith.index_cast %mul3A_1076 : i32 to index
        %swap3A_1082 = tpu.vector_load %arg7[%swap3A_1079, %swap3A_1080, %swap3A_1081] {strides = array<i32>} : memref<4x8x512xf32, #tpu.memory_space<vmem>>, vector<1x1x16xf32>,
        %swap3A_1083 = vector.shape_cast %swap3A_1082 : vector<1x1x16xf32> to vector<16xf32>
        %swap3A_1084 = vector.shape_cast %gather3A_1074 : vector<16xf32> to vector<1x1x16xf32>
        tpu.vector_store %arg7[%swap3A_1079, %swap3A_1080, %swap3A_1081], %swap3A_1084 {strides = array<i32>} : memref<4x8x512xf32, #tpu.memory_space<vmem>>, vector<1x1x16xf32>,
        %mul3A_1085 = arith.constant 16 : i32
        %mul3A_1086 = arith.muli %mul3A_1085, %scan3A_967 : i32
        %swap3A_1087 = arith.constant 2 : i32
        %swap3A_1088 = arith.constant 7 : i32
        %swap3A_1089 = arith.index_cast %swap3A_1087 : i32 to index
        %swap3A_1090 = arith.index_cast %swap3A_1088 : i32 to index
        %swap3A_1091 = arith.index_cast %mul3A_1086 : i32 to index
        %swap3A_1092 = tpu.vector_load %arg7[%swap3A_1089, %swap3A_1090, %swap3A_1091] {strides = array<i32>} : memref<4x8x512xf32, #tpu.memory_space<vmem>>, vector<1x1x16xf32>,
        %swap3A_1093 = vector.shape_cast %swap3A_1092 : vector<1x1x16xf32> to vector<16xf32>
        %swap3A_1094 = vector.shape_cast %gather3A_1074 : vector<16xf32> to vector<1x1x16xf32>
        tpu.vector_store %arg7[%swap3A_1089, %swap3A_1090, %swap3A_1091], %swap3A_1094 {strides = array<i32>} : memref<4x8x512xf32, #tpu.memory_space<vmem>>, vector<1x1x16xf32>,
      }
      %scan3A_531 = arith.constant 32 : i32
      %dma_start3A_532 = arith.constant 2 : i32
      %dma_start3A_533 = arith.constant 0 : i32
      %dma_start3A_534 = arith.constant 0 : i32
      %dma_start3A_535 = tpu.memref_slice %arg7[%dma_start3A_532, %dma_start3A_533, %dma_start3A_534] : memref<4x8x512xf32, #tpu.memory_space<vmem>> -> memref<1x8x512xf32, #tpu.memory_space<vmem>>
      %dma_start3A_536 = tpu.memref_squeeze %dma_start3A_535 : memref<1x8x512xf32, #tpu.memory_space<vmem>> -> memref<8x512xf32, #tpu.memory_space<vmem>>
      %dma_start3A_537 = arith.constant 0 : i32
      %dma_start3A_538 = tpu.memref_slice %arg4[%add3A_520, %dma_start3A_537, %mul3A_2] : memref<200x32x16384xf32, #tpu.memory_space<hbm>> -> memref<1x8x512xf32, #tpu.memory_space<hbm>>
      %dma_start3A_539 = tpu.memref_squeeze %dma_start3A_538 : memref<1x8x512xf32, #tpu.memory_space<hbm>> -> memref<8x512xf32, #tpu.memory_space<hbm>>
      %dma_start3A_540 = arith.constant 0 : i32
      %dma_start3A_541 = tpu.memref_slice %arg4[%add3A_520, %dma_start3A_540, %mul3A_2] : memref<200x32x16384xf32, #tpu.memory_space<hbm>> -> memref<1x8x512xf32, #tpu.memory_space<hbm>>
      %dma_start3A_542 = tpu.memref_squeeze %dma_start3A_541 : memref<1x8x512xf32, #tpu.memory_space<hbm>> -> memref<8x512xf32, #tpu.memory_space<hbm>>
      %dma_start3A_543 = arith.constant 0 : i32
      %dma_start3A_544 = arith.constant 0 : i32
      %dma_start3A_545 = tpu.memref_slice %arg7[%dma_start3A_532, %dma_start3A_543, %dma_start3A_544] : memref<4x8x512xf32, #tpu.memory_space<vmem>> -> memref<1x8x512xf32, #tpu.memory_space<vmem>>
      %dma_start3A_546 = tpu.memref_squeeze %dma_start3A_545 : memref<1x8x512xf32, #tpu.memory_space<vmem>> -> memref<8x512xf32, #tpu.memory_space<vmem>>
      tpu.enqueue_dma source(%dma_start3A_546 : memref<8x512xf32, #tpu.memory_space<vmem>>) target(%dma_start3A_542 : memref<8x512xf32, #tpu.memory_space<hbm>>) target_semaphore(%arg9 : memref<!tpu.dma_semaphore, #tpu.memory_space<semaphore_mem>>)
      %dma_start3A_547 = arith.constant 2 : i32
      %dma_start3A_548 = arith.constant 0 : i32
      %dma_start3A_549 = arith.constant 0 : i32
      %dma_start3A_550 = tpu.memref_slice %arg7[%dma_start3A_547, %dma_start3A_548, %dma_start3A_549] : memref<4x8x512xf32, #tpu.memory_space<vmem>> -> memref<1x8x512xf32, #tpu.memory_space<vmem>>
      %dma_start3A_551 = tpu.memref_squeeze %dma_start3A_550 : memref<1x8x512xf32, #tpu.memory_space<vmem>> -> memref<8x512xf32, #tpu.memory_space<vmem>>
      %dma_start3A_552 = arith.constant 8 : i32
      %dma_start3A_553 = tpu.memref_slice %arg4[%add3A_520, %dma_start3A_552, %mul3A_2] : memref<200x32x16384xf32, #tpu.memory_space<hbm>> -> memref<1x8x512xf32, #tpu.memory_space<hbm>>
      %dma_start3A_554 = tpu.memref_squeeze %dma_start3A_553 : memref<1x8x512xf32, #tpu.memory_space<hbm>> -> memref<8x512xf32, #tpu.memory_space<hbm>>
      %dma_start3A_555 = arith.constant 8 : i32
      %dma_start3A_556 = tpu.memref_slice %arg4[%add3A_520, %dma_start3A_555, %mul3A_2] : memref<200x32x16384xf32, #tpu.memory_space<hbm>> -> memref<1x8x512xf32, #tpu.memory_space<hbm>>
      %dma_start3A_557 = tpu.memref_squeeze %dma_start3A_556 : memref<1x8x512xf32, #tpu.memory_space<hbm>> -> memref<8x512xf32, #tpu.memory_space<hbm>>
      %dma_start3A_558 = arith.constant 0 : i32
      %dma_start3A_559 = arith.constant 0 : i32
      %dma_start3A_560 = tpu.memref_slice %arg7[%dma_start3A_547, %dma_start3A_558, %dma_start3A_559] : memref<4x8x512xf32, #tpu.memory_space<vmem>> -> memref<1x8x512xf32, #tpu.memory_space<vmem>>
      %dma_start3A_561 = tpu.memref_squeeze %dma_start3A_560 : memref<1x8x512xf32, #tpu.memory_space<vmem>> -> memref<8x512xf32, #tpu.memory_space<vmem>>
      tpu.enqueue_dma source(%dma_start3A_561 : memref<8x512xf32, #tpu.memory_space<vmem>>) target(%dma_start3A_557 : memref<8x512xf32, #tpu.memory_space<hbm>>) target_semaphore(%arg9 : memref<!tpu.dma_semaphore, #tpu.memory_space<semaphore_mem>>)
      %dma_start3A_562 = arith.constant 2 : i32
      %dma_start3A_563 = arith.constant 0 : i32
      %dma_start3A_564 = arith.constant 0 : i32
      %dma_start3A_565 = tpu.memref_slice %arg7[%dma_start3A_562, %dma_start3A_563, %dma_start3A_564] : memref<4x8x512xf32, #tpu.memory_space<vmem>> -> memref<1x8x512xf32, #tpu.memory_space<vmem>>
      %dma_start3A_566 = tpu.memref_squeeze %dma_start3A_565 : memref<1x8x512xf32, #tpu.memory_space<vmem>> -> memref<8x512xf32, #tpu.memory_space<vmem>>
      %dma_start3A_567 = arith.constant 16 : i32
      %dma_start3A_568 = tpu.memref_slice %arg4[%add3A_520, %dma_start3A_567, %mul3A_2] : memref<200x32x16384xf32, #tpu.memory_space<hbm>> -> memref<1x8x512xf32, #tpu.memory_space<hbm>>
      %dma_start3A_569 = tpu.memref_squeeze %dma_start3A_568 : memref<1x8x512xf32, #tpu.memory_space<hbm>> -> memref<8x512xf32, #tpu.memory_space<hbm>>
      %dma_start3A_570 = arith.constant 16 : i32
      %dma_start3A_571 = tpu.memref_slice %arg4[%add3A_520, %dma_start3A_570, %mul3A_2] : memref<200x32x16384xf32, #tpu.memory_space<hbm>> -> memref<1x8x512xf32, #tpu.memory_space<hbm>>
      %dma_start3A_572 = tpu.memref_squeeze %dma_start3A_571 : memref<1x8x512xf32, #tpu.memory_space<hbm>> -> memref<8x512xf32, #tpu.memory_space<hbm>>
      %dma_start3A_573 = arith.constant 0 : i32
      %dma_start3A_574 = arith.constant 0 : i32
      %dma_start3A_575 = tpu.memref_slice %arg7[%dma_start3A_562, %dma_start3A_573, %dma_start3A_574] : memref<4x8x512xf32, #tpu.memory_space<vmem>> -> memref<1x8x512xf32, #tpu.memory_space<vmem>>
      %dma_start3A_576 = tpu.memref_squeeze %dma_start3A_575 : memref<1x8x512xf32, #tpu.memory_space<vmem>> -> memref<8x512xf32, #tpu.memory_space<vmem>>
      tpu.enqueue_dma source(%dma_start3A_576 : memref<8x512xf32, #tpu.memory_space<vmem>>) target(%dma_start3A_572 : memref<8x512xf32, #tpu.memory_space<hbm>>) target_semaphore(%arg9 : memref<!tpu.dma_semaphore, #tpu.memory_space<semaphore_mem>>)
      %dma_start3A_577 = arith.constant 2 : i32
      %dma_start3A_578 = arith.constant 0 : i32
      %dma_start3A_579 = arith.constant 0 : i32
      %dma_start3A_580 = tpu.memref_slice %arg7[%dma_start3A_577, %dma_start3A_578, %dma_start3A_579] : memref<4x8x512xf32, #tpu.memory_space<vmem>> -> memref<1x8x512xf32, #tpu.memory_space<vmem>>
      %dma_start3A_581 = tpu.memref_squeeze %dma_start3A_580 : memref<1x8x512xf32, #tpu.memory_space<vmem>> -> memref<8x512xf32, #tpu.memory_space<vmem>>
      %dma_start3A_582 = arith.constant 24 : i32
      %dma_start3A_583 = tpu.memref_slice %arg4[%add3A_520, %dma_start3A_582, %mul3A_2] : memref<200x32x16384xf32, #tpu.memory_space<hbm>> -> memref<1x8x512xf32, #tpu.memory_space<hbm>>
      %dma_start3A_584 = tpu.memref_squeeze %dma_start3A_583 : memref<1x8x512xf32, #tpu.memory_space<hbm>> -> memref<8x512xf32, #tpu.memory_space<hbm>>
      %dma_start3A_585 = arith.constant 24 : i32
      %dma_start3A_586 = tpu.memref_slice %arg4[%add3A_520, %dma_start3A_585, %mul3A_2] : memref<200x32x16384xf32, #tpu.memory_space<hbm>> -> memref<1x8x512xf32, #tpu.memory_space<hbm>>
      %dma_start3A_587 = tpu.memref_squeeze %dma_start3A_586 : memref<1x8x512xf32, #tpu.memory_space<hbm>> -> memref<8x512xf32, #tpu.memory_space<hbm>>
      %dma_start3A_588 = arith.constant 0 : i32
      %dma_start3A_589 = arith.constant 0 : i32
      %dma_start3A_590 = tpu.memref_slice %arg7[%dma_start3A_577, %dma_start3A_588, %dma_start3A_589] : memref<4x8x512xf32, #tpu.memory_space<vmem>> -> memref<1x8x512xf32, #tpu.memory_space<vmem>>
      %dma_start3A_591 = tpu.memref_squeeze %dma_start3A_590 : memref<1x8x512xf32, #tpu.memory_space<vmem>> -> memref<8x512xf32, #tpu.memory_space<vmem>>
      tpu.enqueue_dma source(%dma_start3A_591 : memref<8x512xf32, #tpu.memory_space<vmem>>) target(%dma_start3A_587 : memref<8x512xf32, #tpu.memory_space<hbm>>) target_semaphore(%arg9 : memref<!tpu.dma_semaphore, #tpu.memory_space<semaphore_mem>>)
      %mul3A_592 = arith.constant 8 : i32
      %mul3A_593 = arith.muli %mul3A_592, %scan3A_348 : i32
      %add3A_594 = arith.constant 3 : i32
      %add3A_595 = arith.addi %mul3A_593, %add3A_594 : i32
      %ge3A_596 = arith.constant 4 : i32
      %ge3A_597 = arith.cmpi sge, %add3A_595, %ge3A_596 : i32
      %convert_element_type3A_598 = arith.extui %ge3A_597 : i1 to i32
      %cond3A_599 = arith.constant 0 : i32
      %cond3A_600 = arith.cmpi ne, %convert_element_type3A_598, %cond3A_599 : i32
      scf.if %cond3A_600 {
        %sub3A = arith.constant 4 : i32
        %sub3A_967 = arith.subi %add3A_595, %sub3A : i32
        %dma_wait3A_968 = arith.constant 3 : i32
        %dma_wait3A_969 = arith.constant 0 : i32
        %dma_wait3A_970 = arith.constant 0 : i32
        %dma_wait3A_971 = tpu.memref_slice %arg7[%dma_wait3A_968, %dma_wait3A_969, %dma_wait3A_970] : memref<4x8x512xf32, #tpu.memory_space<vmem>> -> memref<1x8x512xf32, #tpu.memory_space<vmem>>
        %dma_wait3A_972 = tpu.memref_squeeze %dma_wait3A_971 : memref<1x8x512xf32, #tpu.memory_space<vmem>> -> memref<8x512xf32, #tpu.memory_space<vmem>>
        %dma_wait3A_973 = arith.constant 0 : i32
        %dma_wait3A_974 = tpu.memref_slice %arg4[%sub3A_967, %dma_wait3A_973, %mul3A_2] : memref<200x32x16384xf32, #tpu.memory_space<hbm>> -> memref<1x8x512xf32, #tpu.memory_space<hbm>>
        %dma_wait3A_975 = tpu.memref_squeeze %dma_wait3A_974 : memref<1x8x512xf32, #tpu.memory_space<hbm>> -> memref<8x512xf32, #tpu.memory_space<hbm>>
        %dma_wait3A_976 = arith.constant 0 : i32
        %dma_wait3A_977 = tpu.memref_slice %arg4[%sub3A_967, %dma_wait3A_976, %mul3A_2] : memref<200x32x16384xf32, #tpu.memory_space<hbm>> -> memref<1x8x512xf32, #tpu.memory_space<hbm>>
        %dma_wait3A_978 = tpu.memref_squeeze %dma_wait3A_977 : memref<1x8x512xf32, #tpu.memory_space<hbm>> -> memref<8x512xf32, #tpu.memory_space<hbm>>
        %dma_wait3A_979 = arith.constant 0 : i32
        %dma_wait3A_980 = arith.constant 0 : i32
        %dma_wait3A_981 = tpu.memref_slice %arg7[%dma_wait3A_968, %dma_wait3A_979, %dma_wait3A_980] : memref<4x8x512xf32, #tpu.memory_space<vmem>> -> memref<1x8x512xf32, #tpu.memory_space<vmem>>
        %dma_wait3A_982 = tpu.memref_squeeze %dma_wait3A_981 : memref<1x8x512xf32, #tpu.memory_space<vmem>> -> memref<8x512xf32, #tpu.memory_space<vmem>>
        tpu.wait_dma2 semaphore(%arg9 : memref<!tpu.dma_semaphore, #tpu.memory_space<semaphore_mem>>) src(%dma_wait3A_982 : memref<8x512xf32, #tpu.memory_space<vmem>>) dst(%dma_wait3A_978 : memref<8x512xf32, #tpu.memory_space<hbm>>)
        %sub3A_983 = arith.constant 4 : i32
        %sub3A_984 = arith.subi %add3A_595, %sub3A_983 : i32
        %dma_wait3A_985 = arith.constant 3 : i32
        %dma_wait3A_986 = arith.constant 0 : i32
        %dma_wait3A_987 = arith.constant 0 : i32
        %dma_wait3A_988 = tpu.memref_slice %arg7[%dma_wait3A_985, %dma_wait3A_986, %dma_wait3A_987] : memref<4x8x512xf32, #tpu.memory_space<vmem>> -> memref<1x8x512xf32, #tpu.memory_space<vmem>>
        %dma_wait3A_989 = tpu.memref_squeeze %dma_wait3A_988 : memref<1x8x512xf32, #tpu.memory_space<vmem>> -> memref<8x512xf32, #tpu.memory_space<vmem>>
        %dma_wait3A_990 = arith.constant 8 : i32
        %dma_wait3A_991 = tpu.memref_slice %arg4[%sub3A_984, %dma_wait3A_990, %mul3A_2] : memref<200x32x16384xf32, #tpu.memory_space<hbm>> -> memref<1x8x512xf32, #tpu.memory_space<hbm>>
        %dma_wait3A_992 = tpu.memref_squeeze %dma_wait3A_991 : memref<1x8x512xf32, #tpu.memory_space<hbm>> -> memref<8x512xf32, #tpu.memory_space<hbm>>
        %dma_wait3A_993 = arith.constant 8 : i32
        %dma_wait3A_994 = tpu.memref_slice %arg4[%sub3A_984, %dma_wait3A_993, %mul3A_2] : memref<200x32x16384xf32, #tpu.memory_space<hbm>> -> memref<1x8x512xf32, #tpu.memory_space<hbm>>
        %dma_wait3A_995 = tpu.memref_squeeze %dma_wait3A_994 : memref<1x8x512xf32, #tpu.memory_space<hbm>> -> memref<8x512xf32, #tpu.memory_space<hbm>>
        %dma_wait3A_996 = arith.constant 0 : i32
        %dma_wait3A_997 = arith.constant 0 : i32
        %dma_wait3A_998 = tpu.memref_slice %arg7[%dma_wait3A_985, %dma_wait3A_996, %dma_wait3A_997] : memref<4x8x512xf32, #tpu.memory_space<vmem>> -> memref<1x8x512xf32, #tpu.memory_space<vmem>>
        %dma_wait3A_999 = tpu.memref_squeeze %dma_wait3A_998 : memref<1x8x512xf32, #tpu.memory_space<vmem>> -> memref<8x512xf32, #tpu.memory_space<vmem>>
        tpu.wait_dma2 semaphore(%arg9 : memref<!tpu.dma_semaphore, #tpu.memory_space<semaphore_mem>>) src(%dma_wait3A_999 : memref<8x512xf32, #tpu.memory_space<vmem>>) dst(%dma_wait3A_995 : memref<8x512xf32, #tpu.memory_space<hbm>>)
        %sub3A_1000 = arith.constant 4 : i32
        %sub3A_1001 = arith.subi %add3A_595, %sub3A_1000 : i32
        %dma_wait3A_1002 = arith.constant 3 : i32
        %dma_wait3A_1003 = arith.constant 0 : i32
        %dma_wait3A_1004 = arith.constant 0 : i32
        %dma_wait3A_1005 = tpu.memref_slice %arg7[%dma_wait3A_1002, %dma_wait3A_1003, %dma_wait3A_1004] : memref<4x8x512xf32, #tpu.memory_space<vmem>> -> memref<1x8x512xf32, #tpu.memory_space<vmem>>
        %dma_wait3A_1006 = tpu.memref_squeeze %dma_wait3A_1005 : memref<1x8x512xf32, #tpu.memory_space<vmem>> -> memref<8x512xf32, #tpu.memory_space<vmem>>
        %dma_wait3A_1007 = arith.constant 16 : i32
        %dma_wait3A_1008 = tpu.memref_slice %arg4[%sub3A_1001, %dma_wait3A_1007, %mul3A_2] : memref<200x32x16384xf32, #tpu.memory_space<hbm>> -> memref<1x8x512xf32, #tpu.memory_space<hbm>>
        %dma_wait3A_1009 = tpu.memref_squeeze %dma_wait3A_1008 : memref<1x8x512xf32, #tpu.memory_space<hbm>> -> memref<8x512xf32, #tpu.memory_space<hbm>>
        %dma_wait3A_1010 = arith.constant 16 : i32
        %dma_wait3A_1011 = tpu.memref_slice %arg4[%sub3A_1001, %dma_wait3A_1010, %mul3A_2] : memref<200x32x16384xf32, #tpu.memory_space<hbm>> -> memref<1x8x512xf32, #tpu.memory_space<hbm>>
        %dma_wait3A_1012 = tpu.memref_squeeze %dma_wait3A_1011 : memref<1x8x512xf32, #tpu.memory_space<hbm>> -> memref<8x512xf32, #tpu.memory_space<hbm>>
        %dma_wait3A_1013 = arith.constant 0 : i32
        %dma_wait3A_1014 = arith.constant 0 : i32
        %dma_wait3A_1015 = tpu.memref_slice %arg7[%dma_wait3A_1002, %dma_wait3A_1013, %dma_wait3A_1014] : memref<4x8x512xf32, #tpu.memory_space<vmem>> -> memref<1x8x512xf32, #tpu.memory_space<vmem>>
        %dma_wait3A_1016 = tpu.memref_squeeze %dma_wait3A_1015 : memref<1x8x512xf32, #tpu.memory_space<vmem>> -> memref<8x512xf32, #tpu.memory_space<vmem>>
        tpu.wait_dma2 semaphore(%arg9 : memref<!tpu.dma_semaphore, #tpu.memory_space<semaphore_mem>>) src(%dma_wait3A_1016 : memref<8x512xf32, #tpu.memory_space<vmem>>) dst(%dma_wait3A_1012 : memref<8x512xf32, #tpu.memory_space<hbm>>)
        %sub3A_1017 = arith.constant 4 : i32
        %sub3A_1018 = arith.subi %add3A_595, %sub3A_1017 : i32
        %dma_wait3A_1019 = arith.constant 3 : i32
        %dma_wait3A_1020 = arith.constant 0 : i32
        %dma_wait3A_1021 = arith.constant 0 : i32
        %dma_wait3A_1022 = tpu.memref_slice %arg7[%dma_wait3A_1019, %dma_wait3A_1020, %dma_wait3A_1021] : memref<4x8x512xf32, #tpu.memory_space<vmem>> -> memref<1x8x512xf32, #tpu.memory_space<vmem>>
        %dma_wait3A_1023 = tpu.memref_squeeze %dma_wait3A_1022 : memref<1x8x512xf32, #tpu.memory_space<vmem>> -> memref<8x512xf32, #tpu.memory_space<vmem>>
        %dma_wait3A_1024 = arith.constant 24 : i32
        %dma_wait3A_1025 = tpu.memref_slice %arg4[%sub3A_1018, %dma_wait3A_1024, %mul3A_2] : memref<200x32x16384xf32, #tpu.memory_space<hbm>> -> memref<1x8x512xf32, #tpu.memory_space<hbm>>
        %dma_wait3A_1026 = tpu.memref_squeeze %dma_wait3A_1025 : memref<1x8x512xf32, #tpu.memory_space<hbm>> -> memref<8x512xf32, #tpu.memory_space<hbm>>
        %dma_wait3A_1027 = arith.constant 24 : i32
        %dma_wait3A_1028 = tpu.memref_slice %arg4[%sub3A_1018, %dma_wait3A_1027, %mul3A_2] : memref<200x32x16384xf32, #tpu.memory_space<hbm>> -> memref<1x8x512xf32, #tpu.memory_space<hbm>>
        %dma_wait3A_1029 = tpu.memref_squeeze %dma_wait3A_1028 : memref<1x8x512xf32, #tpu.memory_space<hbm>> -> memref<8x512xf32, #tpu.memory_space<hbm>>
        %dma_wait3A_1030 = arith.constant 0 : i32
        %dma_wait3A_1031 = arith.constant 0 : i32
        %dma_wait3A_1032 = tpu.memref_slice %arg7[%dma_wait3A_1019, %dma_wait3A_1030, %dma_wait3A_1031] : memref<4x8x512xf32, #tpu.memory_space<vmem>> -> memref<1x8x512xf32, #tpu.memory_space<vmem>>
        %dma_wait3A_1033 = tpu.memref_squeeze %dma_wait3A_1032 : memref<1x8x512xf32, #tpu.memory_space<vmem>> -> memref<8x512xf32, #tpu.memory_space<vmem>>
        tpu.wait_dma2 semaphore(%arg9 : memref<!tpu.dma_semaphore, #tpu.memory_space<semaphore_mem>>) src(%dma_wait3A_1033 : memref<8x512xf32, #tpu.memory_space<vmem>>) dst(%dma_wait3A_1029 : memref<8x512xf32, #tpu.memory_space<hbm>>)
      } else {
      }
      %scan3A_601 = arith.constant 0 : i32
      %scan3A_602 = arith.constant 0 : i32
      %scan3A_603 = arith.constant 32 : i32
      %scan3A_604 = arith.addi %scan3A_602, %scan3A_603 : i32
      %scan3A_605 = arith.constant 1 : i32
      scf.for %scan3A_967 = %scan3A_602 to %scan3A_604 step %scan3A_605  : i32 {
        %mul3A_968 = arith.constant 16 : i32
        %mul3A_969 = arith.muli %mul3A_968, %scan3A_967 : i32
        %get3A_970 = arith.constant 3 : i32
        %get3A_971 = arith.index_cast %and3A_350 : i32 to index
        %get3A_972 = arith.index_cast %get3A_970 : i32 to index
        %get3A_973 = arith.index_cast %mul3A_969 : i32 to index
        %get3A_974 = tpu.vector_load %arg6[%get3A_971, %get3A_972, %get3A_973] {strides = array<i32>} : memref<2x8x512xi32, #tpu.memory_space<vmem>>, vector<1x1x16xi32>,
        %get3A_975 = vector.shape_cast %get3A_974 : vector<1x1x16xi32> to vector<16xi32>
        %lt3A_976 = arith.constant 0 : i32
        %lt3A_977 = vector.broadcast %lt3A_976 : i32 to vector<16xi32>
        %lt3A_978 = arith.cmpi slt, %get3A_975, %lt3A_977 : vector<16xi32>
        %add3A_979 = arith.constant 16 : i32
        %add3A_980 = vector.broadcast %add3A_979 : i32 to vector<16xi32>
        %add3A_981 = arith.addi %get3A_975, %add3A_980 : vector<16xi32>
        %select_n3A_982 = arith.select %lt3A_978, %add3A_981, %get3A_975 : vector<16xi1>, vector<16xi32>
        %broadcast_in_dim3A_983 = vector.shape_cast %select_n3A_982 : vector<16xi32> to vector<16x1xi32>
        %gather3A_984 = vector.shape_cast %broadcast_in_dim3A_983 : vector<16x1xi32> to vector<16xi32>
        %gather3A_985 = tpu.dynamic_gather %gather3A_18[%gather3A_984] in [0] : vector<16xf32>, vector<16xi32> -> vector<16xf32>
        %mul3A_986 = arith.constant 16 : i32
        %mul3A_987 = arith.muli %mul3A_986, %scan3A_967 : i32
        %swap3A = arith.constant 3 : i32
        %swap3A_988 = arith.constant 0 : i32
        %swap3A_989 = arith.index_cast %swap3A : i32 to index
        %swap3A_990 = arith.index_cast %swap3A_988 : i32 to index
        %swap3A_991 = arith.index_cast %mul3A_987 : i32 to index
        %swap3A_992 = tpu.vector_load %arg7[%swap3A_989, %swap3A_990, %swap3A_991] {strides = array<i32>} : memref<4x8x512xf32, #tpu.memory_space<vmem>>, vector<1x1x16xf32>,
        %swap3A_993 = vector.shape_cast %swap3A_992 : vector<1x1x16xf32> to vector<16xf32>
        %swap3A_994 = vector.shape_cast %gather3A_985 : vector<16xf32> to vector<1x1x16xf32>
        tpu.vector_store %arg7[%swap3A_989, %swap3A_990, %swap3A_991], %swap3A_994 {strides = array<i32>} : memref<4x8x512xf32, #tpu.memory_space<vmem>>, vector<1x1x16xf32>,
        %mul3A_995 = arith.constant 16 : i32
        %mul3A_996 = arith.muli %mul3A_995, %scan3A_967 : i32
        %swap3A_997 = arith.constant 3 : i32
        %swap3A_998 = arith.constant 4 : i32
        %swap3A_999 = arith.index_cast %swap3A_997 : i32 to index
        %swap3A_1000 = arith.index_cast %swap3A_998 : i32 to index
        %swap3A_1001 = arith.index_cast %mul3A_996 : i32 to index
        %swap3A_1002 = tpu.vector_load %arg7[%swap3A_999, %swap3A_1000, %swap3A_1001] {strides = array<i32>} : memref<4x8x512xf32, #tpu.memory_space<vmem>>, vector<1x1x16xf32>,
        %swap3A_1003 = vector.shape_cast %swap3A_1002 : vector<1x1x16xf32> to vector<16xf32>
        %swap3A_1004 = vector.shape_cast %gather3A_985 : vector<16xf32> to vector<1x1x16xf32>
        tpu.vector_store %arg7[%swap3A_999, %swap3A_1000, %swap3A_1001], %swap3A_1004 {strides = array<i32>} : memref<4x8x512xf32, #tpu.memory_space<vmem>>, vector<1x1x16xf32>,
        %lt3A_1005 = arith.constant 0 : i32
        %lt3A_1006 = vector.broadcast %lt3A_1005 : i32 to vector<16xi32>
        %lt3A_1007 = arith.cmpi slt, %get3A_975, %lt3A_1006 : vector<16xi32>
        %add3A_1008 = arith.constant 16 : i32
        %add3A_1009 = vector.broadcast %add3A_1008 : i32 to vector<16xi32>
        %add3A_1010 = arith.addi %get3A_975, %add3A_1009 : vector<16xi32>
        %select_n3A_1011 = arith.select %lt3A_1007, %add3A_1010, %get3A_975 : vector<16xi1>, vector<16xi32>
        %broadcast_in_dim3A_1012 = vector.shape_cast %select_n3A_1011 : vector<16xi32> to vector<16x1xi32>
        %gather3A_1013 = vector.shape_cast %broadcast_in_dim3A_1012 : vector<16x1xi32> to vector<16xi32>
        %gather3A_1014 = tpu.dynamic_gather %gather3A_37[%gather3A_1013] in [0] : vector<16xf32>, vector<16xi32> -> vector<16xf32>
        %mul3A_1015 = arith.constant 16 : i32
        %mul3A_1016 = arith.muli %mul3A_1015, %scan3A_967 : i32
        %swap3A_1017 = arith.constant 3 : i32
        %swap3A_1018 = arith.constant 1 : i32
        %swap3A_1019 = arith.index_cast %swap3A_1017 : i32 to index
        %swap3A_1020 = arith.index_cast %swap3A_1018 : i32 to index
        %swap3A_1021 = arith.index_cast %mul3A_1016 : i32 to index
        %swap3A_1022 = tpu.vector_load %arg7[%swap3A_1019, %swap3A_1020, %swap3A_1021] {strides = array<i32>} : memref<4x8x512xf32, #tpu.memory_space<vmem>>, vector<1x1x16xf32>,
        %swap3A_1023 = vector.shape_cast %swap3A_1022 : vector<1x1x16xf32> to vector<16xf32>
        %swap3A_1024 = vector.shape_cast %gather3A_1014 : vector<16xf32> to vector<1x1x16xf32>
        tpu.vector_store %arg7[%swap3A_1019, %swap3A_1020, %swap3A_1021], %swap3A_1024 {strides = array<i32>} : memref<4x8x512xf32, #tpu.memory_space<vmem>>, vector<1x1x16xf32>,
        %mul3A_1025 = arith.constant 16 : i32
        %mul3A_1026 = arith.muli %mul3A_1025, %scan3A_967 : i32
        %swap3A_1027 = arith.constant 3 : i32
        %swap3A_1028 = arith.constant 5 : i32
        %swap3A_1029 = arith.index_cast %swap3A_1027 : i32 to index
        %swap3A_1030 = arith.index_cast %swap3A_1028 : i32 to index
        %swap3A_1031 = arith.index_cast %mul3A_1026 : i32 to index
        %swap3A_1032 = tpu.vector_load %arg7[%swap3A_1029, %swap3A_1030, %swap3A_1031] {strides = array<i32>} : memref<4x8x512xf32, #tpu.memory_space<vmem>>, vector<1x1x16xf32>,
        %swap3A_1033 = vector.shape_cast %swap3A_1032 : vector<1x1x16xf32> to vector<16xf32>
        %swap3A_1034 = vector.shape_cast %gather3A_1014 : vector<16xf32> to vector<1x1x16xf32>
        tpu.vector_store %arg7[%swap3A_1029, %swap3A_1030, %swap3A_1031], %swap3A_1034 {strides = array<i32>} : memref<4x8x512xf32, #tpu.memory_space<vmem>>, vector<1x1x16xf32>,
        %lt3A_1035 = arith.constant 0 : i32
        %lt3A_1036 = vector.broadcast %lt3A_1035 : i32 to vector<16xi32>
        %lt3A_1037 = arith.cmpi slt, %get3A_975, %lt3A_1036 : vector<16xi32>
        %add3A_1038 = arith.constant 16 : i32
        %add3A_1039 = vector.broadcast %add3A_1038 : i32 to vector<16xi32>
        %add3A_1040 = arith.addi %get3A_975, %add3A_1039 : vector<16xi32>
        %select_n3A_1041 = arith.select %lt3A_1037, %add3A_1040, %get3A_975 : vector<16xi1>, vector<16xi32>
        %broadcast_in_dim3A_1042 = vector.shape_cast %select_n3A_1041 : vector<16xi32> to vector<16x1xi32>
        %gather3A_1043 = vector.shape_cast %broadcast_in_dim3A_1042 : vector<16x1xi32> to vector<16xi32>
        %gather3A_1044 = tpu.dynamic_gather %gather3A_56[%gather3A_1043] in [0] : vector<16xf32>, vector<16xi32> -> vector<16xf32>
        %mul3A_1045 = arith.constant 16 : i32
        %mul3A_1046 = arith.muli %mul3A_1045, %scan3A_967 : i32
        %swap3A_1047 = arith.constant 3 : i32
        %swap3A_1048 = arith.constant 2 : i32
        %swap3A_1049 = arith.index_cast %swap3A_1047 : i32 to index
        %swap3A_1050 = arith.index_cast %swap3A_1048 : i32 to index
        %swap3A_1051 = arith.index_cast %mul3A_1046 : i32 to index
        %swap3A_1052 = tpu.vector_load %arg7[%swap3A_1049, %swap3A_1050, %swap3A_1051] {strides = array<i32>} : memref<4x8x512xf32, #tpu.memory_space<vmem>>, vector<1x1x16xf32>,
        %swap3A_1053 = vector.shape_cast %swap3A_1052 : vector<1x1x16xf32> to vector<16xf32>
        %swap3A_1054 = vector.shape_cast %gather3A_1044 : vector<16xf32> to vector<1x1x16xf32>
        tpu.vector_store %arg7[%swap3A_1049, %swap3A_1050, %swap3A_1051], %swap3A_1054 {strides = array<i32>} : memref<4x8x512xf32, #tpu.memory_space<vmem>>, vector<1x1x16xf32>,
        %mul3A_1055 = arith.constant 16 : i32
        %mul3A_1056 = arith.muli %mul3A_1055, %scan3A_967 : i32
        %swap3A_1057 = arith.constant 3 : i32
        %swap3A_1058 = arith.constant 6 : i32
        %swap3A_1059 = arith.index_cast %swap3A_1057 : i32 to index
        %swap3A_1060 = arith.index_cast %swap3A_1058 : i32 to index
        %swap3A_1061 = arith.index_cast %mul3A_1056 : i32 to index
        %swap3A_1062 = tpu.vector_load %arg7[%swap3A_1059, %swap3A_1060, %swap3A_1061] {strides = array<i32>} : memref<4x8x512xf32, #tpu.memory_space<vmem>>, vector<1x1x16xf32>,
        %swap3A_1063 = vector.shape_cast %swap3A_1062 : vector<1x1x16xf32> to vector<16xf32>
        %swap3A_1064 = vector.shape_cast %gather3A_1044 : vector<16xf32> to vector<1x1x16xf32>
        tpu.vector_store %arg7[%swap3A_1059, %swap3A_1060, %swap3A_1061], %swap3A_1064 {strides = array<i32>} : memref<4x8x512xf32, #tpu.memory_space<vmem>>, vector<1x1x16xf32>,
        %lt3A_1065 = arith.constant 0 : i32
        %lt3A_1066 = vector.broadcast %lt3A_1065 : i32 to vector<16xi32>
        %lt3A_1067 = arith.cmpi slt, %get3A_975, %lt3A_1066 : vector<16xi32>
        %add3A_1068 = arith.constant 16 : i32
        %add3A_1069 = vector.broadcast %add3A_1068 : i32 to vector<16xi32>
        %add3A_1070 = arith.addi %get3A_975, %add3A_1069 : vector<16xi32>
        %select_n3A_1071 = arith.select %lt3A_1067, %add3A_1070, %get3A_975 : vector<16xi1>, vector<16xi32>
        %broadcast_in_dim3A_1072 = vector.shape_cast %select_n3A_1071 : vector<16xi32> to vector<16x1xi32>
        %gather3A_1073 = vector.shape_cast %broadcast_in_dim3A_1072 : vector<16x1xi32> to vector<16xi32>
        %gather3A_1074 = tpu.dynamic_gather %gather3A_75[%gather3A_1073] in [0] : vector<16xf32>, vector<16xi32> -> vector<16xf32>
        %mul3A_1075 = arith.constant 16 : i32
        %mul3A_1076 = arith.muli %mul3A_1075, %scan3A_967 : i32
        %swap3A_1077 = arith.constant 3 : i32
        %swap3A_1078 = arith.constant 3 : i32
        %swap3A_1079 = arith.index_cast %swap3A_1077 : i32 to index
        %swap3A_1080 = arith.index_cast %swap3A_1078 : i32 to index
        %swap3A_1081 = arith.index_cast %mul3A_1076 : i32 to index
        %swap3A_1082 = tpu.vector_load %arg7[%swap3A_1079, %swap3A_1080, %swap3A_1081] {strides = array<i32>} : memref<4x8x512xf32, #tpu.memory_space<vmem>>, vector<1x1x16xf32>,
        %swap3A_1083 = vector.shape_cast %swap3A_1082 : vector<1x1x16xf32> to vector<16xf32>
        %swap3A_1084 = vector.shape_cast %gather3A_1074 : vector<16xf32> to vector<1x1x16xf32>
        tpu.vector_store %arg7[%swap3A_1079, %swap3A_1080, %swap3A_1081], %swap3A_1084 {strides = array<i32>} : memref<4x8x512xf32, #tpu.memory_space<vmem>>, vector<1x1x16xf32>,
        %mul3A_1085 = arith.constant 16 : i32
        %mul3A_1086 = arith.muli %mul3A_1085, %scan3A_967 : i32
        %swap3A_1087 = arith.constant 3 : i32
        %swap3A_1088 = arith.constant 7 : i32
        %swap3A_1089 = arith.index_cast %swap3A_1087 : i32 to index
        %swap3A_1090 = arith.index_cast %swap3A_1088 : i32 to index
        %swap3A_1091 = arith.index_cast %mul3A_1086 : i32 to index
        %swap3A_1092 = tpu.vector_load %arg7[%swap3A_1089, %swap3A_1090, %swap3A_1091] {strides = array<i32>} : memref<4x8x512xf32, #tpu.memory_space<vmem>>, vector<1x1x16xf32>,
        %swap3A_1093 = vector.shape_cast %swap3A_1092 : vector<1x1x16xf32> to vector<16xf32>
        %swap3A_1094 = vector.shape_cast %gather3A_1074 : vector<16xf32> to vector<1x1x16xf32>
        tpu.vector_store %arg7[%swap3A_1089, %swap3A_1090, %swap3A_1091], %swap3A_1094 {strides = array<i32>} : memref<4x8x512xf32, #tpu.memory_space<vmem>>, vector<1x1x16xf32>,
      }
      %scan3A_606 = arith.constant 32 : i32
      %dma_start3A_607 = arith.constant 3 : i32
      %dma_start3A_608 = arith.constant 0 : i32
      %dma_start3A_609 = arith.constant 0 : i32
      %dma_start3A_610 = tpu.memref_slice %arg7[%dma_start3A_607, %dma_start3A_608, %dma_start3A_609] : memref<4x8x512xf32, #tpu.memory_space<vmem>> -> memref<1x8x512xf32, #tpu.memory_space<vmem>>
      %dma_start3A_611 = tpu.memref_squeeze %dma_start3A_610 : memref<1x8x512xf32, #tpu.memory_space<vmem>> -> memref<8x512xf32, #tpu.memory_space<vmem>>
      %dma_start3A_612 = arith.constant 0 : i32
      %dma_start3A_613 = tpu.memref_slice %arg4[%add3A_595, %dma_start3A_612, %mul3A_2] : memref<200x32x16384xf32, #tpu.memory_space<hbm>> -> memref<1x8x512xf32, #tpu.memory_space<hbm>>
      %dma_start3A_614 = tpu.memref_squeeze %dma_start3A_613 : memref<1x8x512xf32, #tpu.memory_space<hbm>> -> memref<8x512xf32, #tpu.memory_space<hbm>>
      %dma_start3A_615 = arith.constant 0 : i32
      %dma_start3A_616 = tpu.memref_slice %arg4[%add3A_595, %dma_start3A_615, %mul3A_2] : memref<200x32x16384xf32, #tpu.memory_space<hbm>> -> memref<1x8x512xf32, #tpu.memory_space<hbm>>
      %dma_start3A_617 = tpu.memref_squeeze %dma_start3A_616 : memref<1x8x512xf32, #tpu.memory_space<hbm>> -> memref<8x512xf32, #tpu.memory_space<hbm>>
      %dma_start3A_618 = arith.constant 0 : i32
      %dma_start3A_619 = arith.constant 0 : i32
      %dma_start3A_620 = tpu.memref_slice %arg7[%dma_start3A_607, %dma_start3A_618, %dma_start3A_619] : memref<4x8x512xf32, #tpu.memory_space<vmem>> -> memref<1x8x512xf32, #tpu.memory_space<vmem>>
      %dma_start3A_621 = tpu.memref_squeeze %dma_start3A_620 : memref<1x8x512xf32, #tpu.memory_space<vmem>> -> memref<8x512xf32, #tpu.memory_space<vmem>>
      tpu.enqueue_dma source(%dma_start3A_621 : memref<8x512xf32, #tpu.memory_space<vmem>>) target(%dma_start3A_617 : memref<8x512xf32, #tpu.memory_space<hbm>>) target_semaphore(%arg9 : memref<!tpu.dma_semaphore, #tpu.memory_space<semaphore_mem>>)
      %dma_start3A_622 = arith.constant 3 : i32
      %dma_start3A_623 = arith.constant 0 : i32
      %dma_start3A_624 = arith.constant 0 : i32
      %dma_start3A_625 = tpu.memref_slice %arg7[%dma_start3A_622, %dma_start3A_623, %dma_start3A_624] : memref<4x8x512xf32, #tpu.memory_space<vmem>> -> memref<1x8x512xf32, #tpu.memory_space<vmem>>
      %dma_start3A_626 = tpu.memref_squeeze %dma_start3A_625 : memref<1x8x512xf32, #tpu.memory_space<vmem>> -> memref<8x512xf32, #tpu.memory_space<vmem>>
      %dma_start3A_627 = arith.constant 8 : i32
      %dma_start3A_628 = tpu.memref_slice %arg4[%add3A_595, %dma_start3A_627, %mul3A_2] : memref<200x32x16384xf32, #tpu.memory_space<hbm>> -> memref<1x8x512xf32, #tpu.memory_space<hbm>>
      %dma_start3A_629 = tpu.memref_squeeze %dma_start3A_628 : memref<1x8x512xf32, #tpu.memory_space<hbm>> -> memref<8x512xf32, #tpu.memory_space<hbm>>
      %dma_start3A_630 = arith.constant 8 : i32
      %dma_start3A_631 = tpu.memref_slice %arg4[%add3A_595, %dma_start3A_630, %mul3A_2] : memref<200x32x16384xf32, #tpu.memory_space<hbm>> -> memref<1x8x512xf32, #tpu.memory_space<hbm>>
      %dma_start3A_632 = tpu.memref_squeeze %dma_start3A_631 : memref<1x8x512xf32, #tpu.memory_space<hbm>> -> memref<8x512xf32, #tpu.memory_space<hbm>>
      %dma_start3A_633 = arith.constant 0 : i32
      %dma_start3A_634 = arith.constant 0 : i32
      %dma_start3A_635 = tpu.memref_slice %arg7[%dma_start3A_622, %dma_start3A_633, %dma_start3A_634] : memref<4x8x512xf32, #tpu.memory_space<vmem>> -> memref<1x8x512xf32, #tpu.memory_space<vmem>>
      %dma_start3A_636 = tpu.memref_squeeze %dma_start3A_635 : memref<1x8x512xf32, #tpu.memory_space<vmem>> -> memref<8x512xf32, #tpu.memory_space<vmem>>
      tpu.enqueue_dma source(%dma_start3A_636 : memref<8x512xf32, #tpu.memory_space<vmem>>) target(%dma_start3A_632 : memref<8x512xf32, #tpu.memory_space<hbm>>) target_semaphore(%arg9 : memref<!tpu.dma_semaphore, #tpu.memory_space<semaphore_mem>>)
      %dma_start3A_637 = arith.constant 3 : i32
      %dma_start3A_638 = arith.constant 0 : i32
      %dma_start3A_639 = arith.constant 0 : i32
      %dma_start3A_640 = tpu.memref_slice %arg7[%dma_start3A_637, %dma_start3A_638, %dma_start3A_639] : memref<4x8x512xf32, #tpu.memory_space<vmem>> -> memref<1x8x512xf32, #tpu.memory_space<vmem>>
      %dma_start3A_641 = tpu.memref_squeeze %dma_start3A_640 : memref<1x8x512xf32, #tpu.memory_space<vmem>> -> memref<8x512xf32, #tpu.memory_space<vmem>>
      %dma_start3A_642 = arith.constant 16 : i32
      %dma_start3A_643 = tpu.memref_slice %arg4[%add3A_595, %dma_start3A_642, %mul3A_2] : memref<200x32x16384xf32, #tpu.memory_space<hbm>> -> memref<1x8x512xf32, #tpu.memory_space<hbm>>
      %dma_start3A_644 = tpu.memref_squeeze %dma_start3A_643 : memref<1x8x512xf32, #tpu.memory_space<hbm>> -> memref<8x512xf32, #tpu.memory_space<hbm>>
      %dma_start3A_645 = arith.constant 16 : i32
      %dma_start3A_646 = tpu.memref_slice %arg4[%add3A_595, %dma_start3A_645, %mul3A_2] : memref<200x32x16384xf32, #tpu.memory_space<hbm>> -> memref<1x8x512xf32, #tpu.memory_space<hbm>>
      %dma_start3A_647 = tpu.memref_squeeze %dma_start3A_646 : memref<1x8x512xf32, #tpu.memory_space<hbm>> -> memref<8x512xf32, #tpu.memory_space<hbm>>
      %dma_start3A_648 = arith.constant 0 : i32
      %dma_start3A_649 = arith.constant 0 : i32
      %dma_start3A_650 = tpu.memref_slice %arg7[%dma_start3A_637, %dma_start3A_648, %dma_start3A_649] : memref<4x8x512xf32, #tpu.memory_space<vmem>> -> memref<1x8x512xf32, #tpu.memory_space<vmem>>
      %dma_start3A_651 = tpu.memref_squeeze %dma_start3A_650 : memref<1x8x512xf32, #tpu.memory_space<vmem>> -> memref<8x512xf32, #tpu.memory_space<vmem>>
      tpu.enqueue_dma source(%dma_start3A_651 : memref<8x512xf32, #tpu.memory_space<vmem>>) target(%dma_start3A_647 : memref<8x512xf32, #tpu.memory_space<hbm>>) target_semaphore(%arg9 : memref<!tpu.dma_semaphore, #tpu.memory_space<semaphore_mem>>)
      %dma_start3A_652 = arith.constant 3 : i32
      %dma_start3A_653 = arith.constant 0 : i32
      %dma_start3A_654 = arith.constant 0 : i32
      %dma_start3A_655 = tpu.memref_slice %arg7[%dma_start3A_652, %dma_start3A_653, %dma_start3A_654] : memref<4x8x512xf32, #tpu.memory_space<vmem>> -> memref<1x8x512xf32, #tpu.memory_space<vmem>>
      %dma_start3A_656 = tpu.memref_squeeze %dma_start3A_655 : memref<1x8x512xf32, #tpu.memory_space<vmem>> -> memref<8x512xf32, #tpu.memory_space<vmem>>
      %dma_start3A_657 = arith.constant 24 : i32
      %dma_start3A_658 = tpu.memref_slice %arg4[%add3A_595, %dma_start3A_657, %mul3A_2] : memref<200x32x16384xf32, #tpu.memory_space<hbm>> -> memref<1x8x512xf32, #tpu.memory_space<hbm>>
      %dma_start3A_659 = tpu.memref_squeeze %dma_start3A_658 : memref<1x8x512xf32, #tpu.memory_space<hbm>> -> memref<8x512xf32, #tpu.memory_space<hbm>>
      %dma_start3A_660 = arith.constant 24 : i32
      %dma_start3A_661 = tpu.memref_slice %arg4[%add3A_595, %dma_start3A_660, %mul3A_2] : memref<200x32x16384xf32, #tpu.memory_space<hbm>> -> memref<1x8x512xf32, #tpu.memory_space<hbm>>
      %dma_start3A_662 = tpu.memref_squeeze %dma_start3A_661 : memref<1x8x512xf32, #tpu.memory_space<hbm>> -> memref<8x512xf32, #tpu.memory_space<hbm>>
      %dma_start3A_663 = arith.constant 0 : i32
      %dma_start3A_664 = arith.constant 0 : i32
      %dma_start3A_665 = tpu.memref_slice %arg7[%dma_start3A_652, %dma_start3A_663, %dma_start3A_664] : memref<4x8x512xf32, #tpu.memory_space<vmem>> -> memref<1x8x512xf32, #tpu.memory_space<vmem>>
      %dma_start3A_666 = tpu.memref_squeeze %dma_start3A_665 : memref<1x8x512xf32, #tpu.memory_space<vmem>> -> memref<8x512xf32, #tpu.memory_space<vmem>>
      tpu.enqueue_dma source(%dma_start3A_666 : memref<8x512xf32, #tpu.memory_space<vmem>>) target(%dma_start3A_662 : memref<8x512xf32, #tpu.memory_space<hbm>>) target_semaphore(%arg9 : memref<!tpu.dma_semaphore, #tpu.memory_space<semaphore_mem>>)
      %mul3A_667 = arith.constant 8 : i32
      %mul3A_668 = arith.muli %mul3A_667, %scan3A_348 : i32
      %add3A_669 = arith.constant 4 : i32
      %add3A_670 = arith.addi %mul3A_668, %add3A_669 : i32
      %ge3A_671 = arith.constant 4 : i32
      %ge3A_672 = arith.cmpi sge, %add3A_670, %ge3A_671 : i32
      %convert_element_type3A_673 = arith.extui %ge3A_672 : i1 to i32
      %cond3A_674 = arith.constant 0 : i32
      %cond3A_675 = arith.cmpi ne, %convert_element_type3A_673, %cond3A_674 : i32
      scf.if %cond3A_675 {
        %sub3A = arith.constant 4 : i32
        %sub3A_967 = arith.subi %add3A_670, %sub3A : i32
        %dma_wait3A_968 = arith.constant 0 : i32
        %dma_wait3A_969 = arith.constant 0 : i32
        %dma_wait3A_970 = arith.constant 0 : i32
        %dma_wait3A_971 = tpu.memref_slice %arg7[%dma_wait3A_968, %dma_wait3A_969, %dma_wait3A_970] : memref<4x8x512xf32, #tpu.memory_space<vmem>> -> memref<1x8x512xf32, #tpu.memory_space<vmem>>
        %dma_wait3A_972 = tpu.memref_squeeze %dma_wait3A_971 : memref<1x8x512xf32, #tpu.memory_space<vmem>> -> memref<8x512xf32, #tpu.memory_space<vmem>>
        %dma_wait3A_973 = arith.constant 0 : i32
        %dma_wait3A_974 = tpu.memref_slice %arg4[%sub3A_967, %dma_wait3A_973, %mul3A_2] : memref<200x32x16384xf32, #tpu.memory_space<hbm>> -> memref<1x8x512xf32, #tpu.memory_space<hbm>>
        %dma_wait3A_975 = tpu.memref_squeeze %dma_wait3A_974 : memref<1x8x512xf32, #tpu.memory_space<hbm>> -> memref<8x512xf32, #tpu.memory_space<hbm>>
        %dma_wait3A_976 = arith.constant 0 : i32
        %dma_wait3A_977 = tpu.memref_slice %arg4[%sub3A_967, %dma_wait3A_976, %mul3A_2] : memref<200x32x16384xf32, #tpu.memory_space<hbm>> -> memref<1x8x512xf32, #tpu.memory_space<hbm>>
        %dma_wait3A_978 = tpu.memref_squeeze %dma_wait3A_977 : memref<1x8x512xf32, #tpu.memory_space<hbm>> -> memref<8x512xf32, #tpu.memory_space<hbm>>
        %dma_wait3A_979 = arith.constant 0 : i32
        %dma_wait3A_980 = arith.constant 0 : i32
        %dma_wait3A_981 = tpu.memref_slice %arg7[%dma_wait3A_968, %dma_wait3A_979, %dma_wait3A_980] : memref<4x8x512xf32, #tpu.memory_space<vmem>> -> memref<1x8x512xf32, #tpu.memory_space<vmem>>
        %dma_wait3A_982 = tpu.memref_squeeze %dma_wait3A_981 : memref<1x8x512xf32, #tpu.memory_space<vmem>> -> memref<8x512xf32, #tpu.memory_space<vmem>>
        tpu.wait_dma2 semaphore(%arg9 : memref<!tpu.dma_semaphore, #tpu.memory_space<semaphore_mem>>) src(%dma_wait3A_982 : memref<8x512xf32, #tpu.memory_space<vmem>>) dst(%dma_wait3A_978 : memref<8x512xf32, #tpu.memory_space<hbm>>)
        %sub3A_983 = arith.constant 4 : i32
        %sub3A_984 = arith.subi %add3A_670, %sub3A_983 : i32
        %dma_wait3A_985 = arith.constant 0 : i32
        %dma_wait3A_986 = arith.constant 0 : i32
        %dma_wait3A_987 = arith.constant 0 : i32
        %dma_wait3A_988 = tpu.memref_slice %arg7[%dma_wait3A_985, %dma_wait3A_986, %dma_wait3A_987] : memref<4x8x512xf32, #tpu.memory_space<vmem>> -> memref<1x8x512xf32, #tpu.memory_space<vmem>>
        %dma_wait3A_989 = tpu.memref_squeeze %dma_wait3A_988 : memref<1x8x512xf32, #tpu.memory_space<vmem>> -> memref<8x512xf32, #tpu.memory_space<vmem>>
        %dma_wait3A_990 = arith.constant 8 : i32
        %dma_wait3A_991 = tpu.memref_slice %arg4[%sub3A_984, %dma_wait3A_990, %mul3A_2] : memref<200x32x16384xf32, #tpu.memory_space<hbm>> -> memref<1x8x512xf32, #tpu.memory_space<hbm>>
        %dma_wait3A_992 = tpu.memref_squeeze %dma_wait3A_991 : memref<1x8x512xf32, #tpu.memory_space<hbm>> -> memref<8x512xf32, #tpu.memory_space<hbm>>
        %dma_wait3A_993 = arith.constant 8 : i32
        %dma_wait3A_994 = tpu.memref_slice %arg4[%sub3A_984, %dma_wait3A_993, %mul3A_2] : memref<200x32x16384xf32, #tpu.memory_space<hbm>> -> memref<1x8x512xf32, #tpu.memory_space<hbm>>
        %dma_wait3A_995 = tpu.memref_squeeze %dma_wait3A_994 : memref<1x8x512xf32, #tpu.memory_space<hbm>> -> memref<8x512xf32, #tpu.memory_space<hbm>>
        %dma_wait3A_996 = arith.constant 0 : i32
        %dma_wait3A_997 = arith.constant 0 : i32
        %dma_wait3A_998 = tpu.memref_slice %arg7[%dma_wait3A_985, %dma_wait3A_996, %dma_wait3A_997] : memref<4x8x512xf32, #tpu.memory_space<vmem>> -> memref<1x8x512xf32, #tpu.memory_space<vmem>>
        %dma_wait3A_999 = tpu.memref_squeeze %dma_wait3A_998 : memref<1x8x512xf32, #tpu.memory_space<vmem>> -> memref<8x512xf32, #tpu.memory_space<vmem>>
        tpu.wait_dma2 semaphore(%arg9 : memref<!tpu.dma_semaphore, #tpu.memory_space<semaphore_mem>>) src(%dma_wait3A_999 : memref<8x512xf32, #tpu.memory_space<vmem>>) dst(%dma_wait3A_995 : memref<8x512xf32, #tpu.memory_space<hbm>>)
        %sub3A_1000 = arith.constant 4 : i32
        %sub3A_1001 = arith.subi %add3A_670, %sub3A_1000 : i32
        %dma_wait3A_1002 = arith.constant 0 : i32
        %dma_wait3A_1003 = arith.constant 0 : i32
        %dma_wait3A_1004 = arith.constant 0 : i32
        %dma_wait3A_1005 = tpu.memref_slice %arg7[%dma_wait3A_1002, %dma_wait3A_1003, %dma_wait3A_1004] : memref<4x8x512xf32, #tpu.memory_space<vmem>> -> memref<1x8x512xf32, #tpu.memory_space<vmem>>
        %dma_wait3A_1006 = tpu.memref_squeeze %dma_wait3A_1005 : memref<1x8x512xf32, #tpu.memory_space<vmem>> -> memref<8x512xf32, #tpu.memory_space<vmem>>
        %dma_wait3A_1007 = arith.constant 16 : i32
        %dma_wait3A_1008 = tpu.memref_slice %arg4[%sub3A_1001, %dma_wait3A_1007, %mul3A_2] : memref<200x32x16384xf32, #tpu.memory_space<hbm>> -> memref<1x8x512xf32, #tpu.memory_space<hbm>>
        %dma_wait3A_1009 = tpu.memref_squeeze %dma_wait3A_1008 : memref<1x8x512xf32, #tpu.memory_space<hbm>> -> memref<8x512xf32, #tpu.memory_space<hbm>>
        %dma_wait3A_1010 = arith.constant 16 : i32
        %dma_wait3A_1011 = tpu.memref_slice %arg4[%sub3A_1001, %dma_wait3A_1010, %mul3A_2] : memref<200x32x16384xf32, #tpu.memory_space<hbm>> -> memref<1x8x512xf32, #tpu.memory_space<hbm>>
        %dma_wait3A_1012 = tpu.memref_squeeze %dma_wait3A_1011 : memref<1x8x512xf32, #tpu.memory_space<hbm>> -> memref<8x512xf32, #tpu.memory_space<hbm>>
        %dma_wait3A_1013 = arith.constant 0 : i32
        %dma_wait3A_1014 = arith.constant 0 : i32
        %dma_wait3A_1015 = tpu.memref_slice %arg7[%dma_wait3A_1002, %dma_wait3A_1013, %dma_wait3A_1014] : memref<4x8x512xf32, #tpu.memory_space<vmem>> -> memref<1x8x512xf32, #tpu.memory_space<vmem>>
        %dma_wait3A_1016 = tpu.memref_squeeze %dma_wait3A_1015 : memref<1x8x512xf32, #tpu.memory_space<vmem>> -> memref<8x512xf32, #tpu.memory_space<vmem>>
        tpu.wait_dma2 semaphore(%arg9 : memref<!tpu.dma_semaphore, #tpu.memory_space<semaphore_mem>>) src(%dma_wait3A_1016 : memref<8x512xf32, #tpu.memory_space<vmem>>) dst(%dma_wait3A_1012 : memref<8x512xf32, #tpu.memory_space<hbm>>)
        %sub3A_1017 = arith.constant 4 : i32
        %sub3A_1018 = arith.subi %add3A_670, %sub3A_1017 : i32
        %dma_wait3A_1019 = arith.constant 0 : i32
        %dma_wait3A_1020 = arith.constant 0 : i32
        %dma_wait3A_1021 = arith.constant 0 : i32
        %dma_wait3A_1022 = tpu.memref_slice %arg7[%dma_wait3A_1019, %dma_wait3A_1020, %dma_wait3A_1021] : memref<4x8x512xf32, #tpu.memory_space<vmem>> -> memref<1x8x512xf32, #tpu.memory_space<vmem>>
        %dma_wait3A_1023 = tpu.memref_squeeze %dma_wait3A_1022 : memref<1x8x512xf32, #tpu.memory_space<vmem>> -> memref<8x512xf32, #tpu.memory_space<vmem>>
        %dma_wait3A_1024 = arith.constant 24 : i32
        %dma_wait3A_1025 = tpu.memref_slice %arg4[%sub3A_1018, %dma_wait3A_1024, %mul3A_2] : memref<200x32x16384xf32, #tpu.memory_space<hbm>> -> memref<1x8x512xf32, #tpu.memory_space<hbm>>
        %dma_wait3A_1026 = tpu.memref_squeeze %dma_wait3A_1025 : memref<1x8x512xf32, #tpu.memory_space<hbm>> -> memref<8x512xf32, #tpu.memory_space<hbm>>
        %dma_wait3A_1027 = arith.constant 24 : i32
        %dma_wait3A_1028 = tpu.memref_slice %arg4[%sub3A_1018, %dma_wait3A_1027, %mul3A_2] : memref<200x32x16384xf32, #tpu.memory_space<hbm>> -> memref<1x8x512xf32, #tpu.memory_space<hbm>>
        %dma_wait3A_1029 = tpu.memref_squeeze %dma_wait3A_1028 : memref<1x8x512xf32, #tpu.memory_space<hbm>> -> memref<8x512xf32, #tpu.memory_space<hbm>>
        %dma_wait3A_1030 = arith.constant 0 : i32
        %dma_wait3A_1031 = arith.constant 0 : i32
        %dma_wait3A_1032 = tpu.memref_slice %arg7[%dma_wait3A_1019, %dma_wait3A_1030, %dma_wait3A_1031] : memref<4x8x512xf32, #tpu.memory_space<vmem>> -> memref<1x8x512xf32, #tpu.memory_space<vmem>>
        %dma_wait3A_1033 = tpu.memref_squeeze %dma_wait3A_1032 : memref<1x8x512xf32, #tpu.memory_space<vmem>> -> memref<8x512xf32, #tpu.memory_space<vmem>>
        tpu.wait_dma2 semaphore(%arg9 : memref<!tpu.dma_semaphore, #tpu.memory_space<semaphore_mem>>) src(%dma_wait3A_1033 : memref<8x512xf32, #tpu.memory_space<vmem>>) dst(%dma_wait3A_1029 : memref<8x512xf32, #tpu.memory_space<hbm>>)
      } else {
      }
      %scan3A_676 = arith.constant 0 : i32
      %scan3A_677 = arith.constant 0 : i32
      %scan3A_678 = arith.constant 32 : i32
      %scan3A_679 = arith.addi %scan3A_677, %scan3A_678 : i32
      %scan3A_680 = arith.constant 1 : i32
      scf.for %scan3A_967 = %scan3A_677 to %scan3A_679 step %scan3A_680  : i32 {
        %mul3A_968 = arith.constant 16 : i32
        %mul3A_969 = arith.muli %mul3A_968, %scan3A_967 : i32
        %get3A_970 = arith.constant 4 : i32
        %get3A_971 = arith.index_cast %and3A_350 : i32 to index
        %get3A_972 = arith.index_cast %get3A_970 : i32 to index
        %get3A_973 = arith.index_cast %mul3A_969 : i32 to index
        %get3A_974 = tpu.vector_load %arg6[%get3A_971, %get3A_972, %get3A_973] {strides = array<i32>} : memref<2x8x512xi32, #tpu.memory_space<vmem>>, vector<1x1x16xi32>,
        %get3A_975 = vector.shape_cast %get3A_974 : vector<1x1x16xi32> to vector<16xi32>
        %lt3A_976 = arith.constant 0 : i32
        %lt3A_977 = vector.broadcast %lt3A_976 : i32 to vector<16xi32>
        %lt3A_978 = arith.cmpi slt, %get3A_975, %lt3A_977 : vector<16xi32>
        %add3A_979 = arith.constant 16 : i32
        %add3A_980 = vector.broadcast %add3A_979 : i32 to vector<16xi32>
        %add3A_981 = arith.addi %get3A_975, %add3A_980 : vector<16xi32>
        %select_n3A_982 = arith.select %lt3A_978, %add3A_981, %get3A_975 : vector<16xi1>, vector<16xi32>
        %broadcast_in_dim3A_983 = vector.shape_cast %select_n3A_982 : vector<16xi32> to vector<16x1xi32>
        %gather3A_984 = vector.shape_cast %broadcast_in_dim3A_983 : vector<16x1xi32> to vector<16xi32>
        %gather3A_985 = tpu.dynamic_gather %gather3A_18[%gather3A_984] in [0] : vector<16xf32>, vector<16xi32> -> vector<16xf32>
        %mul3A_986 = arith.constant 16 : i32
        %mul3A_987 = arith.muli %mul3A_986, %scan3A_967 : i32
        %swap3A = arith.constant 0 : i32
        %swap3A_988 = arith.constant 0 : i32
        %swap3A_989 = arith.index_cast %swap3A : i32 to index
        %swap3A_990 = arith.index_cast %swap3A_988 : i32 to index
        %swap3A_991 = arith.index_cast %mul3A_987 : i32 to index
        %swap3A_992 = tpu.vector_load %arg7[%swap3A_989, %swap3A_990, %swap3A_991] {strides = array<i32>} : memref<4x8x512xf32, #tpu.memory_space<vmem>>, vector<1x1x16xf32>,
        %swap3A_993 = vector.shape_cast %swap3A_992 : vector<1x1x16xf32> to vector<16xf32>
        %swap3A_994 = vector.shape_cast %gather3A_985 : vector<16xf32> to vector<1x1x16xf32>
        tpu.vector_store %arg7[%swap3A_989, %swap3A_990, %swap3A_991], %swap3A_994 {strides = array<i32>} : memref<4x8x512xf32, #tpu.memory_space<vmem>>, vector<1x1x16xf32>,
        %mul3A_995 = arith.constant 16 : i32
        %mul3A_996 = arith.muli %mul3A_995, %scan3A_967 : i32
        %swap3A_997 = arith.constant 0 : i32
        %swap3A_998 = arith.constant 4 : i32
        %swap3A_999 = arith.index_cast %swap3A_997 : i32 to index
        %swap3A_1000 = arith.index_cast %swap3A_998 : i32 to index
        %swap3A_1001 = arith.index_cast %mul3A_996 : i32 to index
        %swap3A_1002 = tpu.vector_load %arg7[%swap3A_999, %swap3A_1000, %swap3A_1001] {strides = array<i32>} : memref<4x8x512xf32, #tpu.memory_space<vmem>>, vector<1x1x16xf32>,
        %swap3A_1003 = vector.shape_cast %swap3A_1002 : vector<1x1x16xf32> to vector<16xf32>
        %swap3A_1004 = vector.shape_cast %gather3A_985 : vector<16xf32> to vector<1x1x16xf32>
        tpu.vector_store %arg7[%swap3A_999, %swap3A_1000, %swap3A_1001], %swap3A_1004 {strides = array<i32>} : memref<4x8x512xf32, #tpu.memory_space<vmem>>, vector<1x1x16xf32>,
        %lt3A_1005 = arith.constant 0 : i32
        %lt3A_1006 = vector.broadcast %lt3A_1005 : i32 to vector<16xi32>
        %lt3A_1007 = arith.cmpi slt, %get3A_975, %lt3A_1006 : vector<16xi32>
        %add3A_1008 = arith.constant 16 : i32
        %add3A_1009 = vector.broadcast %add3A_1008 : i32 to vector<16xi32>
        %add3A_1010 = arith.addi %get3A_975, %add3A_1009 : vector<16xi32>
        %select_n3A_1011 = arith.select %lt3A_1007, %add3A_1010, %get3A_975 : vector<16xi1>, vector<16xi32>
        %broadcast_in_dim3A_1012 = vector.shape_cast %select_n3A_1011 : vector<16xi32> to vector<16x1xi32>
        %gather3A_1013 = vector.shape_cast %broadcast_in_dim3A_1012 : vector<16x1xi32> to vector<16xi32>
        %gather3A_1014 = tpu.dynamic_gather %gather3A_37[%gather3A_1013] in [0] : vector<16xf32>, vector<16xi32> -> vector<16xf32>
        %mul3A_1015 = arith.constant 16 : i32
        %mul3A_1016 = arith.muli %mul3A_1015, %scan3A_967 : i32
        %swap3A_1017 = arith.constant 0 : i32
        %swap3A_1018 = arith.constant 1 : i32
        %swap3A_1019 = arith.index_cast %swap3A_1017 : i32 to index
        %swap3A_1020 = arith.index_cast %swap3A_1018 : i32 to index
        %swap3A_1021 = arith.index_cast %mul3A_1016 : i32 to index
        %swap3A_1022 = tpu.vector_load %arg7[%swap3A_1019, %swap3A_1020, %swap3A_1021] {strides = array<i32>} : memref<4x8x512xf32, #tpu.memory_space<vmem>>, vector<1x1x16xf32>,
        %swap3A_1023 = vector.shape_cast %swap3A_1022 : vector<1x1x16xf32> to vector<16xf32>
        %swap3A_1024 = vector.shape_cast %gather3A_1014 : vector<16xf32> to vector<1x1x16xf32>
        tpu.vector_store %arg7[%swap3A_1019, %swap3A_1020, %swap3A_1021], %swap3A_1024 {strides = array<i32>} : memref<4x8x512xf32, #tpu.memory_space<vmem>>, vector<1x1x16xf32>,
        %mul3A_1025 = arith.constant 16 : i32
        %mul3A_1026 = arith.muli %mul3A_1025, %scan3A_967 : i32
        %swap3A_1027 = arith.constant 0 : i32
        %swap3A_1028 = arith.constant 5 : i32
        %swap3A_1029 = arith.index_cast %swap3A_1027 : i32 to index
        %swap3A_1030 = arith.index_cast %swap3A_1028 : i32 to index
        %swap3A_1031 = arith.index_cast %mul3A_1026 : i32 to index
        %swap3A_1032 = tpu.vector_load %arg7[%swap3A_1029, %swap3A_1030, %swap3A_1031] {strides = array<i32>} : memref<4x8x512xf32, #tpu.memory_space<vmem>>, vector<1x1x16xf32>,
        %swap3A_1033 = vector.shape_cast %swap3A_1032 : vector<1x1x16xf32> to vector<16xf32>
        %swap3A_1034 = vector.shape_cast %gather3A_1014 : vector<16xf32> to vector<1x1x16xf32>
        tpu.vector_store %arg7[%swap3A_1029, %swap3A_1030, %swap3A_1031], %swap3A_1034 {strides = array<i32>} : memref<4x8x512xf32, #tpu.memory_space<vmem>>, vector<1x1x16xf32>,
        %lt3A_1035 = arith.constant 0 : i32
        %lt3A_1036 = vector.broadcast %lt3A_1035 : i32 to vector<16xi32>
        %lt3A_1037 = arith.cmpi slt, %get3A_975, %lt3A_1036 : vector<16xi32>
        %add3A_1038 = arith.constant 16 : i32
        %add3A_1039 = vector.broadcast %add3A_1038 : i32 to vector<16xi32>
        %add3A_1040 = arith.addi %get3A_975, %add3A_1039 : vector<16xi32>
        %select_n3A_1041 = arith.select %lt3A_1037, %add3A_1040, %get3A_975 : vector<16xi1>, vector<16xi32>
        %broadcast_in_dim3A_1042 = vector.shape_cast %select_n3A_1041 : vector<16xi32> to vector<16x1xi32>
        %gather3A_1043 = vector.shape_cast %broadcast_in_dim3A_1042 : vector<16x1xi32> to vector<16xi32>
        %gather3A_1044 = tpu.dynamic_gather %gather3A_56[%gather3A_1043] in [0] : vector<16xf32>, vector<16xi32> -> vector<16xf32>
        %mul3A_1045 = arith.constant 16 : i32
        %mul3A_1046 = arith.muli %mul3A_1045, %scan3A_967 : i32
        %swap3A_1047 = arith.constant 0 : i32
        %swap3A_1048 = arith.constant 2 : i32
        %swap3A_1049 = arith.index_cast %swap3A_1047 : i32 to index
        %swap3A_1050 = arith.index_cast %swap3A_1048 : i32 to index
        %swap3A_1051 = arith.index_cast %mul3A_1046 : i32 to index
        %swap3A_1052 = tpu.vector_load %arg7[%swap3A_1049, %swap3A_1050, %swap3A_1051] {strides = array<i32>} : memref<4x8x512xf32, #tpu.memory_space<vmem>>, vector<1x1x16xf32>,
        %swap3A_1053 = vector.shape_cast %swap3A_1052 : vector<1x1x16xf32> to vector<16xf32>
        %swap3A_1054 = vector.shape_cast %gather3A_1044 : vector<16xf32> to vector<1x1x16xf32>
        tpu.vector_store %arg7[%swap3A_1049, %swap3A_1050, %swap3A_1051], %swap3A_1054 {strides = array<i32>} : memref<4x8x512xf32, #tpu.memory_space<vmem>>, vector<1x1x16xf32>,
        %mul3A_1055 = arith.constant 16 : i32
        %mul3A_1056 = arith.muli %mul3A_1055, %scan3A_967 : i32
        %swap3A_1057 = arith.constant 0 : i32
        %swap3A_1058 = arith.constant 6 : i32
        %swap3A_1059 = arith.index_cast %swap3A_1057 : i32 to index
        %swap3A_1060 = arith.index_cast %swap3A_1058 : i32 to index
        %swap3A_1061 = arith.index_cast %mul3A_1056 : i32 to index
        %swap3A_1062 = tpu.vector_load %arg7[%swap3A_1059, %swap3A_1060, %swap3A_1061] {strides = array<i32>} : memref<4x8x512xf32, #tpu.memory_space<vmem>>, vector<1x1x16xf32>,
        %swap3A_1063 = vector.shape_cast %swap3A_1062 : vector<1x1x16xf32> to vector<16xf32>
        %swap3A_1064 = vector.shape_cast %gather3A_1044 : vector<16xf32> to vector<1x1x16xf32>
        tpu.vector_store %arg7[%swap3A_1059, %swap3A_1060, %swap3A_1061], %swap3A_1064 {strides = array<i32>} : memref<4x8x512xf32, #tpu.memory_space<vmem>>, vector<1x1x16xf32>,
        %lt3A_1065 = arith.constant 0 : i32
        %lt3A_1066 = vector.broadcast %lt3A_1065 : i32 to vector<16xi32>
        %lt3A_1067 = arith.cmpi slt, %get3A_975, %lt3A_1066 : vector<16xi32>
        %add3A_1068 = arith.constant 16 : i32
        %add3A_1069 = vector.broadcast %add3A_1068 : i32 to vector<16xi32>
        %add3A_1070 = arith.addi %get3A_975, %add3A_1069 : vector<16xi32>
        %select_n3A_1071 = arith.select %lt3A_1067, %add3A_1070, %get3A_975 : vector<16xi1>, vector<16xi32>
        %broadcast_in_dim3A_1072 = vector.shape_cast %select_n3A_1071 : vector<16xi32> to vector<16x1xi32>
        %gather3A_1073 = vector.shape_cast %broadcast_in_dim3A_1072 : vector<16x1xi32> to vector<16xi32>
        %gather3A_1074 = tpu.dynamic_gather %gather3A_75[%gather3A_1073] in [0] : vector<16xf32>, vector<16xi32> -> vector<16xf32>
        %mul3A_1075 = arith.constant 16 : i32
        %mul3A_1076 = arith.muli %mul3A_1075, %scan3A_967 : i32
        %swap3A_1077 = arith.constant 0 : i32
        %swap3A_1078 = arith.constant 3 : i32
        %swap3A_1079 = arith.index_cast %swap3A_1077 : i32 to index
        %swap3A_1080 = arith.index_cast %swap3A_1078 : i32 to index
        %swap3A_1081 = arith.index_cast %mul3A_1076 : i32 to index
        %swap3A_1082 = tpu.vector_load %arg7[%swap3A_1079, %swap3A_1080, %swap3A_1081] {strides = array<i32>} : memref<4x8x512xf32, #tpu.memory_space<vmem>>, vector<1x1x16xf32>,
        %swap3A_1083 = vector.shape_cast %swap3A_1082 : vector<1x1x16xf32> to vector<16xf32>
        %swap3A_1084 = vector.shape_cast %gather3A_1074 : vector<16xf32> to vector<1x1x16xf32>
        tpu.vector_store %arg7[%swap3A_1079, %swap3A_1080, %swap3A_1081], %swap3A_1084 {strides = array<i32>} : memref<4x8x512xf32, #tpu.memory_space<vmem>>, vector<1x1x16xf32>,
        %mul3A_1085 = arith.constant 16 : i32
        %mul3A_1086 = arith.muli %mul3A_1085, %scan3A_967 : i32
        %swap3A_1087 = arith.constant 0 : i32
        %swap3A_1088 = arith.constant 7 : i32
        %swap3A_1089 = arith.index_cast %swap3A_1087 : i32 to index
        %swap3A_1090 = arith.index_cast %swap3A_1088 : i32 to index
        %swap3A_1091 = arith.index_cast %mul3A_1086 : i32 to index
        %swap3A_1092 = tpu.vector_load %arg7[%swap3A_1089, %swap3A_1090, %swap3A_1091] {strides = array<i32>} : memref<4x8x512xf32, #tpu.memory_space<vmem>>, vector<1x1x16xf32>,
        %swap3A_1093 = vector.shape_cast %swap3A_1092 : vector<1x1x16xf32> to vector<16xf32>
        %swap3A_1094 = vector.shape_cast %gather3A_1074 : vector<16xf32> to vector<1x1x16xf32>
        tpu.vector_store %arg7[%swap3A_1089, %swap3A_1090, %swap3A_1091], %swap3A_1094 {strides = array<i32>} : memref<4x8x512xf32, #tpu.memory_space<vmem>>, vector<1x1x16xf32>,
      }
      %scan3A_681 = arith.constant 32 : i32
      %dma_start3A_682 = arith.constant 0 : i32
      %dma_start3A_683 = arith.constant 0 : i32
      %dma_start3A_684 = arith.constant 0 : i32
      %dma_start3A_685 = tpu.memref_slice %arg7[%dma_start3A_682, %dma_start3A_683, %dma_start3A_684] : memref<4x8x512xf32, #tpu.memory_space<vmem>> -> memref<1x8x512xf32, #tpu.memory_space<vmem>>
      %dma_start3A_686 = tpu.memref_squeeze %dma_start3A_685 : memref<1x8x512xf32, #tpu.memory_space<vmem>> -> memref<8x512xf32, #tpu.memory_space<vmem>>
      %dma_start3A_687 = arith.constant 0 : i32
      %dma_start3A_688 = tpu.memref_slice %arg4[%add3A_670, %dma_start3A_687, %mul3A_2] : memref<200x32x16384xf32, #tpu.memory_space<hbm>> -> memref<1x8x512xf32, #tpu.memory_space<hbm>>
      %dma_start3A_689 = tpu.memref_squeeze %dma_start3A_688 : memref<1x8x512xf32, #tpu.memory_space<hbm>> -> memref<8x512xf32, #tpu.memory_space<hbm>>
      %dma_start3A_690 = arith.constant 0 : i32
      %dma_start3A_691 = tpu.memref_slice %arg4[%add3A_670, %dma_start3A_690, %mul3A_2] : memref<200x32x16384xf32, #tpu.memory_space<hbm>> -> memref<1x8x512xf32, #tpu.memory_space<hbm>>
      %dma_start3A_692 = tpu.memref_squeeze %dma_start3A_691 : memref<1x8x512xf32, #tpu.memory_space<hbm>> -> memref<8x512xf32, #tpu.memory_space<hbm>>
      %dma_start3A_693 = arith.constant 0 : i32
      %dma_start3A_694 = arith.constant 0 : i32
      %dma_start3A_695 = tpu.memref_slice %arg7[%dma_start3A_682, %dma_start3A_693, %dma_start3A_694] : memref<4x8x512xf32, #tpu.memory_space<vmem>> -> memref<1x8x512xf32, #tpu.memory_space<vmem>>
      %dma_start3A_696 = tpu.memref_squeeze %dma_start3A_695 : memref<1x8x512xf32, #tpu.memory_space<vmem>> -> memref<8x512xf32, #tpu.memory_space<vmem>>
      tpu.enqueue_dma source(%dma_start3A_696 : memref<8x512xf32, #tpu.memory_space<vmem>>) target(%dma_start3A_692 : memref<8x512xf32, #tpu.memory_space<hbm>>) target_semaphore(%arg9 : memref<!tpu.dma_semaphore, #tpu.memory_space<semaphore_mem>>)
      %dma_start3A_697 = arith.constant 0 : i32
      %dma_start3A_698 = arith.constant 0 : i32
      %dma_start3A_699 = arith.constant 0 : i32
      %dma_start3A_700 = tpu.memref_slice %arg7[%dma_start3A_697, %dma_start3A_698, %dma_start3A_699] : memref<4x8x512xf32, #tpu.memory_space<vmem>> -> memref<1x8x512xf32, #tpu.memory_space<vmem>>
      %dma_start3A_701 = tpu.memref_squeeze %dma_start3A_700 : memref<1x8x512xf32, #tpu.memory_space<vmem>> -> memref<8x512xf32, #tpu.memory_space<vmem>>
      %dma_start3A_702 = arith.constant 8 : i32
      %dma_start3A_703 = tpu.memref_slice %arg4[%add3A_670, %dma_start3A_702, %mul3A_2] : memref<200x32x16384xf32, #tpu.memory_space<hbm>> -> memref<1x8x512xf32, #tpu.memory_space<hbm>>
      %dma_start3A_704 = tpu.memref_squeeze %dma_start3A_703 : memref<1x8x512xf32, #tpu.memory_space<hbm>> -> memref<8x512xf32, #tpu.memory_space<hbm>>
      %dma_start3A_705 = arith.constant 8 : i32
      %dma_start3A_706 = tpu.memref_slice %arg4[%add3A_670, %dma_start3A_705, %mul3A_2] : memref<200x32x16384xf32, #tpu.memory_space<hbm>> -> memref<1x8x512xf32, #tpu.memory_space<hbm>>
      %dma_start3A_707 = tpu.memref_squeeze %dma_start3A_706 : memref<1x8x512xf32, #tpu.memory_space<hbm>> -> memref<8x512xf32, #tpu.memory_space<hbm>>
      %dma_start3A_708 = arith.constant 0 : i32
      %dma_start3A_709 = arith.constant 0 : i32
      %dma_start3A_710 = tpu.memref_slice %arg7[%dma_start3A_697, %dma_start3A_708, %dma_start3A_709] : memref<4x8x512xf32, #tpu.memory_space<vmem>> -> memref<1x8x512xf32, #tpu.memory_space<vmem>>
      %dma_start3A_711 = tpu.memref_squeeze %dma_start3A_710 : memref<1x8x512xf32, #tpu.memory_space<vmem>> -> memref<8x512xf32, #tpu.memory_space<vmem>>
      tpu.enqueue_dma source(%dma_start3A_711 : memref<8x512xf32, #tpu.memory_space<vmem>>) target(%dma_start3A_707 : memref<8x512xf32, #tpu.memory_space<hbm>>) target_semaphore(%arg9 : memref<!tpu.dma_semaphore, #tpu.memory_space<semaphore_mem>>)
      %dma_start3A_712 = arith.constant 0 : i32
      %dma_start3A_713 = arith.constant 0 : i32
      %dma_start3A_714 = arith.constant 0 : i32
      %dma_start3A_715 = tpu.memref_slice %arg7[%dma_start3A_712, %dma_start3A_713, %dma_start3A_714] : memref<4x8x512xf32, #tpu.memory_space<vmem>> -> memref<1x8x512xf32, #tpu.memory_space<vmem>>
      %dma_start3A_716 = tpu.memref_squeeze %dma_start3A_715 : memref<1x8x512xf32, #tpu.memory_space<vmem>> -> memref<8x512xf32, #tpu.memory_space<vmem>>
      %dma_start3A_717 = arith.constant 16 : i32
      %dma_start3A_718 = tpu.memref_slice %arg4[%add3A_670, %dma_start3A_717, %mul3A_2] : memref<200x32x16384xf32, #tpu.memory_space<hbm>> -> memref<1x8x512xf32, #tpu.memory_space<hbm>>
      %dma_start3A_719 = tpu.memref_squeeze %dma_start3A_718 : memref<1x8x512xf32, #tpu.memory_space<hbm>> -> memref<8x512xf32, #tpu.memory_space<hbm>>
      %dma_start3A_720 = arith.constant 16 : i32
      %dma_start3A_721 = tpu.memref_slice %arg4[%add3A_670, %dma_start3A_720, %mul3A_2] : memref<200x32x16384xf32, #tpu.memory_space<hbm>> -> memref<1x8x512xf32, #tpu.memory_space<hbm>>
      %dma_start3A_722 = tpu.memref_squeeze %dma_start3A_721 : memref<1x8x512xf32, #tpu.memory_space<hbm>> -> memref<8x512xf32, #tpu.memory_space<hbm>>
      %dma_start3A_723 = arith.constant 0 : i32
      %dma_start3A_724 = arith.constant 0 : i32
      %dma_start3A_725 = tpu.memref_slice %arg7[%dma_start3A_712, %dma_start3A_723, %dma_start3A_724] : memref<4x8x512xf32, #tpu.memory_space<vmem>> -> memref<1x8x512xf32, #tpu.memory_space<vmem>>
      %dma_start3A_726 = tpu.memref_squeeze %dma_start3A_725 : memref<1x8x512xf32, #tpu.memory_space<vmem>> -> memref<8x512xf32, #tpu.memory_space<vmem>>
      tpu.enqueue_dma source(%dma_start3A_726 : memref<8x512xf32, #tpu.memory_space<vmem>>) target(%dma_start3A_722 : memref<8x512xf32, #tpu.memory_space<hbm>>) target_semaphore(%arg9 : memref<!tpu.dma_semaphore, #tpu.memory_space<semaphore_mem>>)
      %dma_start3A_727 = arith.constant 0 : i32
      %dma_start3A_728 = arith.constant 0 : i32
      %dma_start3A_729 = arith.constant 0 : i32
      %dma_start3A_730 = tpu.memref_slice %arg7[%dma_start3A_727, %dma_start3A_728, %dma_start3A_729] : memref<4x8x512xf32, #tpu.memory_space<vmem>> -> memref<1x8x512xf32, #tpu.memory_space<vmem>>
      %dma_start3A_731 = tpu.memref_squeeze %dma_start3A_730 : memref<1x8x512xf32, #tpu.memory_space<vmem>> -> memref<8x512xf32, #tpu.memory_space<vmem>>
      %dma_start3A_732 = arith.constant 24 : i32
      %dma_start3A_733 = tpu.memref_slice %arg4[%add3A_670, %dma_start3A_732, %mul3A_2] : memref<200x32x16384xf32, #tpu.memory_space<hbm>> -> memref<1x8x512xf32, #tpu.memory_space<hbm>>
      %dma_start3A_734 = tpu.memref_squeeze %dma_start3A_733 : memref<1x8x512xf32, #tpu.memory_space<hbm>> -> memref<8x512xf32, #tpu.memory_space<hbm>>
      %dma_start3A_735 = arith.constant 24 : i32
      %dma_start3A_736 = tpu.memref_slice %arg4[%add3A_670, %dma_start3A_735, %mul3A_2] : memref<200x32x16384xf32, #tpu.memory_space<hbm>> -> memref<1x8x512xf32, #tpu.memory_space<hbm>>
      %dma_start3A_737 = tpu.memref_squeeze %dma_start3A_736 : memref<1x8x512xf32, #tpu.memory_space<hbm>> -> memref<8x512xf32, #tpu.memory_space<hbm>>
      %dma_start3A_738 = arith.constant 0 : i32
      %dma_start3A_739 = arith.constant 0 : i32
      %dma_start3A_740 = tpu.memref_slice %arg7[%dma_start3A_727, %dma_start3A_738, %dma_start3A_739] : memref<4x8x512xf32, #tpu.memory_space<vmem>> -> memref<1x8x512xf32, #tpu.memory_space<vmem>>
      %dma_start3A_741 = tpu.memref_squeeze %dma_start3A_740 : memref<1x8x512xf32, #tpu.memory_space<vmem>> -> memref<8x512xf32, #tpu.memory_space<vmem>>
      tpu.enqueue_dma source(%dma_start3A_741 : memref<8x512xf32, #tpu.memory_space<vmem>>) target(%dma_start3A_737 : memref<8x512xf32, #tpu.memory_space<hbm>>) target_semaphore(%arg9 : memref<!tpu.dma_semaphore, #tpu.memory_space<semaphore_mem>>)
      %mul3A_742 = arith.constant 8 : i32
      %mul3A_743 = arith.muli %mul3A_742, %scan3A_348 : i32
      %add3A_744 = arith.constant 5 : i32
      %add3A_745 = arith.addi %mul3A_743, %add3A_744 : i32
      %ge3A_746 = arith.constant 4 : i32
      %ge3A_747 = arith.cmpi sge, %add3A_745, %ge3A_746 : i32
      %convert_element_type3A_748 = arith.extui %ge3A_747 : i1 to i32
      %cond3A_749 = arith.constant 0 : i32
      %cond3A_750 = arith.cmpi ne, %convert_element_type3A_748, %cond3A_749 : i32
      scf.if %cond3A_750 {
        %sub3A = arith.constant 4 : i32
        %sub3A_967 = arith.subi %add3A_745, %sub3A : i32
        %dma_wait3A_968 = arith.constant 1 : i32
        %dma_wait3A_969 = arith.constant 0 : i32
        %dma_wait3A_970 = arith.constant 0 : i32
        %dma_wait3A_971 = tpu.memref_slice %arg7[%dma_wait3A_968, %dma_wait3A_969, %dma_wait3A_970] : memref<4x8x512xf32, #tpu.memory_space<vmem>> -> memref<1x8x512xf32, #tpu.memory_space<vmem>>
        %dma_wait3A_972 = tpu.memref_squeeze %dma_wait3A_971 : memref<1x8x512xf32, #tpu.memory_space<vmem>> -> memref<8x512xf32, #tpu.memory_space<vmem>>
        %dma_wait3A_973 = arith.constant 0 : i32
        %dma_wait3A_974 = tpu.memref_slice %arg4[%sub3A_967, %dma_wait3A_973, %mul3A_2] : memref<200x32x16384xf32, #tpu.memory_space<hbm>> -> memref<1x8x512xf32, #tpu.memory_space<hbm>>
        %dma_wait3A_975 = tpu.memref_squeeze %dma_wait3A_974 : memref<1x8x512xf32, #tpu.memory_space<hbm>> -> memref<8x512xf32, #tpu.memory_space<hbm>>
        %dma_wait3A_976 = arith.constant 0 : i32
        %dma_wait3A_977 = tpu.memref_slice %arg4[%sub3A_967, %dma_wait3A_976, %mul3A_2] : memref<200x32x16384xf32, #tpu.memory_space<hbm>> -> memref<1x8x512xf32, #tpu.memory_space<hbm>>
        %dma_wait3A_978 = tpu.memref_squeeze %dma_wait3A_977 : memref<1x8x512xf32, #tpu.memory_space<hbm>> -> memref<8x512xf32, #tpu.memory_space<hbm>>
        %dma_wait3A_979 = arith.constant 0 : i32
        %dma_wait3A_980 = arith.constant 0 : i32
        %dma_wait3A_981 = tpu.memref_slice %arg7[%dma_wait3A_968, %dma_wait3A_979, %dma_wait3A_980] : memref<4x8x512xf32, #tpu.memory_space<vmem>> -> memref<1x8x512xf32, #tpu.memory_space<vmem>>
        %dma_wait3A_982 = tpu.memref_squeeze %dma_wait3A_981 : memref<1x8x512xf32, #tpu.memory_space<vmem>> -> memref<8x512xf32, #tpu.memory_space<vmem>>
        tpu.wait_dma2 semaphore(%arg9 : memref<!tpu.dma_semaphore, #tpu.memory_space<semaphore_mem>>) src(%dma_wait3A_982 : memref<8x512xf32, #tpu.memory_space<vmem>>) dst(%dma_wait3A_978 : memref<8x512xf32, #tpu.memory_space<hbm>>)
        %sub3A_983 = arith.constant 4 : i32
        %sub3A_984 = arith.subi %add3A_745, %sub3A_983 : i32
        %dma_wait3A_985 = arith.constant 1 : i32
        %dma_wait3A_986 = arith.constant 0 : i32
        %dma_wait3A_987 = arith.constant 0 : i32
        %dma_wait3A_988 = tpu.memref_slice %arg7[%dma_wait3A_985, %dma_wait3A_986, %dma_wait3A_987] : memref<4x8x512xf32, #tpu.memory_space<vmem>> -> memref<1x8x512xf32, #tpu.memory_space<vmem>>
        %dma_wait3A_989 = tpu.memref_squeeze %dma_wait3A_988 : memref<1x8x512xf32, #tpu.memory_space<vmem>> -> memref<8x512xf32, #tpu.memory_space<vmem>>
        %dma_wait3A_990 = arith.constant 8 : i32
        %dma_wait3A_991 = tpu.memref_slice %arg4[%sub3A_984, %dma_wait3A_990, %mul3A_2] : memref<200x32x16384xf32, #tpu.memory_space<hbm>> -> memref<1x8x512xf32, #tpu.memory_space<hbm>>
        %dma_wait3A_992 = tpu.memref_squeeze %dma_wait3A_991 : memref<1x8x512xf32, #tpu.memory_space<hbm>> -> memref<8x512xf32, #tpu.memory_space<hbm>>
        %dma_wait3A_993 = arith.constant 8 : i32
        %dma_wait3A_994 = tpu.memref_slice %arg4[%sub3A_984, %dma_wait3A_993, %mul3A_2] : memref<200x32x16384xf32, #tpu.memory_space<hbm>> -> memref<1x8x512xf32, #tpu.memory_space<hbm>>
        %dma_wait3A_995 = tpu.memref_squeeze %dma_wait3A_994 : memref<1x8x512xf32, #tpu.memory_space<hbm>> -> memref<8x512xf32, #tpu.memory_space<hbm>>
        %dma_wait3A_996 = arith.constant 0 : i32
        %dma_wait3A_997 = arith.constant 0 : i32
        %dma_wait3A_998 = tpu.memref_slice %arg7[%dma_wait3A_985, %dma_wait3A_996, %dma_wait3A_997] : memref<4x8x512xf32, #tpu.memory_space<vmem>> -> memref<1x8x512xf32, #tpu.memory_space<vmem>>
        %dma_wait3A_999 = tpu.memref_squeeze %dma_wait3A_998 : memref<1x8x512xf32, #tpu.memory_space<vmem>> -> memref<8x512xf32, #tpu.memory_space<vmem>>
        tpu.wait_dma2 semaphore(%arg9 : memref<!tpu.dma_semaphore, #tpu.memory_space<semaphore_mem>>) src(%dma_wait3A_999 : memref<8x512xf32, #tpu.memory_space<vmem>>) dst(%dma_wait3A_995 : memref<8x512xf32, #tpu.memory_space<hbm>>)
        %sub3A_1000 = arith.constant 4 : i32
        %sub3A_1001 = arith.subi %add3A_745, %sub3A_1000 : i32
        %dma_wait3A_1002 = arith.constant 1 : i32
        %dma_wait3A_1003 = arith.constant 0 : i32
        %dma_wait3A_1004 = arith.constant 0 : i32
        %dma_wait3A_1005 = tpu.memref_slice %arg7[%dma_wait3A_1002, %dma_wait3A_1003, %dma_wait3A_1004] : memref<4x8x512xf32, #tpu.memory_space<vmem>> -> memref<1x8x512xf32, #tpu.memory_space<vmem>>
        %dma_wait3A_1006 = tpu.memref_squeeze %dma_wait3A_1005 : memref<1x8x512xf32, #tpu.memory_space<vmem>> -> memref<8x512xf32, #tpu.memory_space<vmem>>
        %dma_wait3A_1007 = arith.constant 16 : i32
        %dma_wait3A_1008 = tpu.memref_slice %arg4[%sub3A_1001, %dma_wait3A_1007, %mul3A_2] : memref<200x32x16384xf32, #tpu.memory_space<hbm>> -> memref<1x8x512xf32, #tpu.memory_space<hbm>>
        %dma_wait3A_1009 = tpu.memref_squeeze %dma_wait3A_1008 : memref<1x8x512xf32, #tpu.memory_space<hbm>> -> memref<8x512xf32, #tpu.memory_space<hbm>>
        %dma_wait3A_1010 = arith.constant 16 : i32
        %dma_wait3A_1011 = tpu.memref_slice %arg4[%sub3A_1001, %dma_wait3A_1010, %mul3A_2] : memref<200x32x16384xf32, #tpu.memory_space<hbm>> -> memref<1x8x512xf32, #tpu.memory_space<hbm>>
        %dma_wait3A_1012 = tpu.memref_squeeze %dma_wait3A_1011 : memref<1x8x512xf32, #tpu.memory_space<hbm>> -> memref<8x512xf32, #tpu.memory_space<hbm>>
        %dma_wait3A_1013 = arith.constant 0 : i32
        %dma_wait3A_1014 = arith.constant 0 : i32
        %dma_wait3A_1015 = tpu.memref_slice %arg7[%dma_wait3A_1002, %dma_wait3A_1013, %dma_wait3A_1014] : memref<4x8x512xf32, #tpu.memory_space<vmem>> -> memref<1x8x512xf32, #tpu.memory_space<vmem>>
        %dma_wait3A_1016 = tpu.memref_squeeze %dma_wait3A_1015 : memref<1x8x512xf32, #tpu.memory_space<vmem>> -> memref<8x512xf32, #tpu.memory_space<vmem>>
        tpu.wait_dma2 semaphore(%arg9 : memref<!tpu.dma_semaphore, #tpu.memory_space<semaphore_mem>>) src(%dma_wait3A_1016 : memref<8x512xf32, #tpu.memory_space<vmem>>) dst(%dma_wait3A_1012 : memref<8x512xf32, #tpu.memory_space<hbm>>)
        %sub3A_1017 = arith.constant 4 : i32
        %sub3A_1018 = arith.subi %add3A_745, %sub3A_1017 : i32
        %dma_wait3A_1019 = arith.constant 1 : i32
        %dma_wait3A_1020 = arith.constant 0 : i32
        %dma_wait3A_1021 = arith.constant 0 : i32
        %dma_wait3A_1022 = tpu.memref_slice %arg7[%dma_wait3A_1019, %dma_wait3A_1020, %dma_wait3A_1021] : memref<4x8x512xf32, #tpu.memory_space<vmem>> -> memref<1x8x512xf32, #tpu.memory_space<vmem>>
        %dma_wait3A_1023 = tpu.memref_squeeze %dma_wait3A_1022 : memref<1x8x512xf32, #tpu.memory_space<vmem>> -> memref<8x512xf32, #tpu.memory_space<vmem>>
        %dma_wait3A_1024 = arith.constant 24 : i32
        %dma_wait3A_1025 = tpu.memref_slice %arg4[%sub3A_1018, %dma_wait3A_1024, %mul3A_2] : memref<200x32x16384xf32, #tpu.memory_space<hbm>> -> memref<1x8x512xf32, #tpu.memory_space<hbm>>
        %dma_wait3A_1026 = tpu.memref_squeeze %dma_wait3A_1025 : memref<1x8x512xf32, #tpu.memory_space<hbm>> -> memref<8x512xf32, #tpu.memory_space<hbm>>
        %dma_wait3A_1027 = arith.constant 24 : i32
        %dma_wait3A_1028 = tpu.memref_slice %arg4[%sub3A_1018, %dma_wait3A_1027, %mul3A_2] : memref<200x32x16384xf32, #tpu.memory_space<hbm>> -> memref<1x8x512xf32, #tpu.memory_space<hbm>>
        %dma_wait3A_1029 = tpu.memref_squeeze %dma_wait3A_1028 : memref<1x8x512xf32, #tpu.memory_space<hbm>> -> memref<8x512xf32, #tpu.memory_space<hbm>>
        %dma_wait3A_1030 = arith.constant 0 : i32
        %dma_wait3A_1031 = arith.constant 0 : i32
        %dma_wait3A_1032 = tpu.memref_slice %arg7[%dma_wait3A_1019, %dma_wait3A_1030, %dma_wait3A_1031] : memref<4x8x512xf32, #tpu.memory_space<vmem>> -> memref<1x8x512xf32, #tpu.memory_space<vmem>>
        %dma_wait3A_1033 = tpu.memref_squeeze %dma_wait3A_1032 : memref<1x8x512xf32, #tpu.memory_space<vmem>> -> memref<8x512xf32, #tpu.memory_space<vmem>>
        tpu.wait_dma2 semaphore(%arg9 : memref<!tpu.dma_semaphore, #tpu.memory_space<semaphore_mem>>) src(%dma_wait3A_1033 : memref<8x512xf32, #tpu.memory_space<vmem>>) dst(%dma_wait3A_1029 : memref<8x512xf32, #tpu.memory_space<hbm>>)
      } else {
      }
      %scan3A_751 = arith.constant 0 : i32
      %scan3A_752 = arith.constant 0 : i32
      %scan3A_753 = arith.constant 32 : i32
      %scan3A_754 = arith.addi %scan3A_752, %scan3A_753 : i32
      %scan3A_755 = arith.constant 1 : i32
      scf.for %scan3A_967 = %scan3A_752 to %scan3A_754 step %scan3A_755  : i32 {
        %mul3A_968 = arith.constant 16 : i32
        %mul3A_969 = arith.muli %mul3A_968, %scan3A_967 : i32
        %get3A_970 = arith.constant 5 : i32
        %get3A_971 = arith.index_cast %and3A_350 : i32 to index
        %get3A_972 = arith.index_cast %get3A_970 : i32 to index
        %get3A_973 = arith.index_cast %mul3A_969 : i32 to index
        %get3A_974 = tpu.vector_load %arg6[%get3A_971, %get3A_972, %get3A_973] {strides = array<i32>} : memref<2x8x512xi32, #tpu.memory_space<vmem>>, vector<1x1x16xi32>,
        %get3A_975 = vector.shape_cast %get3A_974 : vector<1x1x16xi32> to vector<16xi32>
        %lt3A_976 = arith.constant 0 : i32
        %lt3A_977 = vector.broadcast %lt3A_976 : i32 to vector<16xi32>
        %lt3A_978 = arith.cmpi slt, %get3A_975, %lt3A_977 : vector<16xi32>
        %add3A_979 = arith.constant 16 : i32
        %add3A_980 = vector.broadcast %add3A_979 : i32 to vector<16xi32>
        %add3A_981 = arith.addi %get3A_975, %add3A_980 : vector<16xi32>
        %select_n3A_982 = arith.select %lt3A_978, %add3A_981, %get3A_975 : vector<16xi1>, vector<16xi32>
        %broadcast_in_dim3A_983 = vector.shape_cast %select_n3A_982 : vector<16xi32> to vector<16x1xi32>
        %gather3A_984 = vector.shape_cast %broadcast_in_dim3A_983 : vector<16x1xi32> to vector<16xi32>
        %gather3A_985 = tpu.dynamic_gather %gather3A_18[%gather3A_984] in [0] : vector<16xf32>, vector<16xi32> -> vector<16xf32>
        %mul3A_986 = arith.constant 16 : i32
        %mul3A_987 = arith.muli %mul3A_986, %scan3A_967 : i32
        %swap3A = arith.constant 1 : i32
        %swap3A_988 = arith.constant 0 : i32
        %swap3A_989 = arith.index_cast %swap3A : i32 to index
        %swap3A_990 = arith.index_cast %swap3A_988 : i32 to index
        %swap3A_991 = arith.index_cast %mul3A_987 : i32 to index
        %swap3A_992 = tpu.vector_load %arg7[%swap3A_989, %swap3A_990, %swap3A_991] {strides = array<i32>} : memref<4x8x512xf32, #tpu.memory_space<vmem>>, vector<1x1x16xf32>,
        %swap3A_993 = vector.shape_cast %swap3A_992 : vector<1x1x16xf32> to vector<16xf32>
        %swap3A_994 = vector.shape_cast %gather3A_985 : vector<16xf32> to vector<1x1x16xf32>
        tpu.vector_store %arg7[%swap3A_989, %swap3A_990, %swap3A_991], %swap3A_994 {strides = array<i32>} : memref<4x8x512xf32, #tpu.memory_space<vmem>>, vector<1x1x16xf32>,
        %mul3A_995 = arith.constant 16 : i32
        %mul3A_996 = arith.muli %mul3A_995, %scan3A_967 : i32
        %swap3A_997 = arith.constant 1 : i32
        %swap3A_998 = arith.constant 4 : i32
        %swap3A_999 = arith.index_cast %swap3A_997 : i32 to index
        %swap3A_1000 = arith.index_cast %swap3A_998 : i32 to index
        %swap3A_1001 = arith.index_cast %mul3A_996 : i32 to index
        %swap3A_1002 = tpu.vector_load %arg7[%swap3A_999, %swap3A_1000, %swap3A_1001] {strides = array<i32>} : memref<4x8x512xf32, #tpu.memory_space<vmem>>, vector<1x1x16xf32>,
        %swap3A_1003 = vector.shape_cast %swap3A_1002 : vector<1x1x16xf32> to vector<16xf32>
        %swap3A_1004 = vector.shape_cast %gather3A_985 : vector<16xf32> to vector<1x1x16xf32>
        tpu.vector_store %arg7[%swap3A_999, %swap3A_1000, %swap3A_1001], %swap3A_1004 {strides = array<i32>} : memref<4x8x512xf32, #tpu.memory_space<vmem>>, vector<1x1x16xf32>,
        %lt3A_1005 = arith.constant 0 : i32
        %lt3A_1006 = vector.broadcast %lt3A_1005 : i32 to vector<16xi32>
        %lt3A_1007 = arith.cmpi slt, %get3A_975, %lt3A_1006 : vector<16xi32>
        %add3A_1008 = arith.constant 16 : i32
        %add3A_1009 = vector.broadcast %add3A_1008 : i32 to vector<16xi32>
        %add3A_1010 = arith.addi %get3A_975, %add3A_1009 : vector<16xi32>
        %select_n3A_1011 = arith.select %lt3A_1007, %add3A_1010, %get3A_975 : vector<16xi1>, vector<16xi32>
        %broadcast_in_dim3A_1012 = vector.shape_cast %select_n3A_1011 : vector<16xi32> to vector<16x1xi32>
        %gather3A_1013 = vector.shape_cast %broadcast_in_dim3A_1012 : vector<16x1xi32> to vector<16xi32>
        %gather3A_1014 = tpu.dynamic_gather %gather3A_37[%gather3A_1013] in [0] : vector<16xf32>, vector<16xi32> -> vector<16xf32>
        %mul3A_1015 = arith.constant 16 : i32
        %mul3A_1016 = arith.muli %mul3A_1015, %scan3A_967 : i32
        %swap3A_1017 = arith.constant 1 : i32
        %swap3A_1018 = arith.constant 1 : i32
        %swap3A_1019 = arith.index_cast %swap3A_1017 : i32 to index
        %swap3A_1020 = arith.index_cast %swap3A_1018 : i32 to index
        %swap3A_1021 = arith.index_cast %mul3A_1016 : i32 to index
        %swap3A_1022 = tpu.vector_load %arg7[%swap3A_1019, %swap3A_1020, %swap3A_1021] {strides = array<i32>} : memref<4x8x512xf32, #tpu.memory_space<vmem>>, vector<1x1x16xf32>,
        %swap3A_1023 = vector.shape_cast %swap3A_1022 : vector<1x1x16xf32> to vector<16xf32>
        %swap3A_1024 = vector.shape_cast %gather3A_1014 : vector<16xf32> to vector<1x1x16xf32>
        tpu.vector_store %arg7[%swap3A_1019, %swap3A_1020, %swap3A_1021], %swap3A_1024 {strides = array<i32>} : memref<4x8x512xf32, #tpu.memory_space<vmem>>, vector<1x1x16xf32>,
        %mul3A_1025 = arith.constant 16 : i32
        %mul3A_1026 = arith.muli %mul3A_1025, %scan3A_967 : i32
        %swap3A_1027 = arith.constant 1 : i32
        %swap3A_1028 = arith.constant 5 : i32
        %swap3A_1029 = arith.index_cast %swap3A_1027 : i32 to index
        %swap3A_1030 = arith.index_cast %swap3A_1028 : i32 to index
        %swap3A_1031 = arith.index_cast %mul3A_1026 : i32 to index
        %swap3A_1032 = tpu.vector_load %arg7[%swap3A_1029, %swap3A_1030, %swap3A_1031] {strides = array<i32>} : memref<4x8x512xf32, #tpu.memory_space<vmem>>, vector<1x1x16xf32>,
        %swap3A_1033 = vector.shape_cast %swap3A_1032 : vector<1x1x16xf32> to vector<16xf32>
        %swap3A_1034 = vector.shape_cast %gather3A_1014 : vector<16xf32> to vector<1x1x16xf32>
        tpu.vector_store %arg7[%swap3A_1029, %swap3A_1030, %swap3A_1031], %swap3A_1034 {strides = array<i32>} : memref<4x8x512xf32, #tpu.memory_space<vmem>>, vector<1x1x16xf32>,
        %lt3A_1035 = arith.constant 0 : i32
        %lt3A_1036 = vector.broadcast %lt3A_1035 : i32 to vector<16xi32>
        %lt3A_1037 = arith.cmpi slt, %get3A_975, %lt3A_1036 : vector<16xi32>
        %add3A_1038 = arith.constant 16 : i32
        %add3A_1039 = vector.broadcast %add3A_1038 : i32 to vector<16xi32>
        %add3A_1040 = arith.addi %get3A_975, %add3A_1039 : vector<16xi32>
        %select_n3A_1041 = arith.select %lt3A_1037, %add3A_1040, %get3A_975 : vector<16xi1>, vector<16xi32>
        %broadcast_in_dim3A_1042 = vector.shape_cast %select_n3A_1041 : vector<16xi32> to vector<16x1xi32>
        %gather3A_1043 = vector.shape_cast %broadcast_in_dim3A_1042 : vector<16x1xi32> to vector<16xi32>
        %gather3A_1044 = tpu.dynamic_gather %gather3A_56[%gather3A_1043] in [0] : vector<16xf32>, vector<16xi32> -> vector<16xf32>
        %mul3A_1045 = arith.constant 16 : i32
        %mul3A_1046 = arith.muli %mul3A_1045, %scan3A_967 : i32
        %swap3A_1047 = arith.constant 1 : i32
        %swap3A_1048 = arith.constant 2 : i32
        %swap3A_1049 = arith.index_cast %swap3A_1047 : i32 to index
        %swap3A_1050 = arith.index_cast %swap3A_1048 : i32 to index
        %swap3A_1051 = arith.index_cast %mul3A_1046 : i32 to index
        %swap3A_1052 = tpu.vector_load %arg7[%swap3A_1049, %swap3A_1050, %swap3A_1051] {strides = array<i32>} : memref<4x8x512xf32, #tpu.memory_space<vmem>>, vector<1x1x16xf32>,
        %swap3A_1053 = vector.shape_cast %swap3A_1052 : vector<1x1x16xf32> to vector<16xf32>
        %swap3A_1054 = vector.shape_cast %gather3A_1044 : vector<16xf32> to vector<1x1x16xf32>
        tpu.vector_store %arg7[%swap3A_1049, %swap3A_1050, %swap3A_1051], %swap3A_1054 {strides = array<i32>} : memref<4x8x512xf32, #tpu.memory_space<vmem>>, vector<1x1x16xf32>,
        %mul3A_1055 = arith.constant 16 : i32
        %mul3A_1056 = arith.muli %mul3A_1055, %scan3A_967 : i32
        %swap3A_1057 = arith.constant 1 : i32
        %swap3A_1058 = arith.constant 6 : i32
        %swap3A_1059 = arith.index_cast %swap3A_1057 : i32 to index
        %swap3A_1060 = arith.index_cast %swap3A_1058 : i32 to index
        %swap3A_1061 = arith.index_cast %mul3A_1056 : i32 to index
        %swap3A_1062 = tpu.vector_load %arg7[%swap3A_1059, %swap3A_1060, %swap3A_1061] {strides = array<i32>} : memref<4x8x512xf32, #tpu.memory_space<vmem>>, vector<1x1x16xf32>,
        %swap3A_1063 = vector.shape_cast %swap3A_1062 : vector<1x1x16xf32> to vector<16xf32>
        %swap3A_1064 = vector.shape_cast %gather3A_1044 : vector<16xf32> to vector<1x1x16xf32>
        tpu.vector_store %arg7[%swap3A_1059, %swap3A_1060, %swap3A_1061], %swap3A_1064 {strides = array<i32>} : memref<4x8x512xf32, #tpu.memory_space<vmem>>, vector<1x1x16xf32>,
        %lt3A_1065 = arith.constant 0 : i32
        %lt3A_1066 = vector.broadcast %lt3A_1065 : i32 to vector<16xi32>
        %lt3A_1067 = arith.cmpi slt, %get3A_975, %lt3A_1066 : vector<16xi32>
        %add3A_1068 = arith.constant 16 : i32
        %add3A_1069 = vector.broadcast %add3A_1068 : i32 to vector<16xi32>
        %add3A_1070 = arith.addi %get3A_975, %add3A_1069 : vector<16xi32>
        %select_n3A_1071 = arith.select %lt3A_1067, %add3A_1070, %get3A_975 : vector<16xi1>, vector<16xi32>
        %broadcast_in_dim3A_1072 = vector.shape_cast %select_n3A_1071 : vector<16xi32> to vector<16x1xi32>
        %gather3A_1073 = vector.shape_cast %broadcast_in_dim3A_1072 : vector<16x1xi32> to vector<16xi32>
        %gather3A_1074 = tpu.dynamic_gather %gather3A_75[%gather3A_1073] in [0] : vector<16xf32>, vector<16xi32> -> vector<16xf32>
        %mul3A_1075 = arith.constant 16 : i32
        %mul3A_1076 = arith.muli %mul3A_1075, %scan3A_967 : i32
        %swap3A_1077 = arith.constant 1 : i32
        %swap3A_1078 = arith.constant 3 : i32
        %swap3A_1079 = arith.index_cast %swap3A_1077 : i32 to index
        %swap3A_1080 = arith.index_cast %swap3A_1078 : i32 to index
        %swap3A_1081 = arith.index_cast %mul3A_1076 : i32 to index
        %swap3A_1082 = tpu.vector_load %arg7[%swap3A_1079, %swap3A_1080, %swap3A_1081] {strides = array<i32>} : memref<4x8x512xf32, #tpu.memory_space<vmem>>, vector<1x1x16xf32>,
        %swap3A_1083 = vector.shape_cast %swap3A_1082 : vector<1x1x16xf32> to vector<16xf32>
        %swap3A_1084 = vector.shape_cast %gather3A_1074 : vector<16xf32> to vector<1x1x16xf32>
        tpu.vector_store %arg7[%swap3A_1079, %swap3A_1080, %swap3A_1081], %swap3A_1084 {strides = array<i32>} : memref<4x8x512xf32, #tpu.memory_space<vmem>>, vector<1x1x16xf32>,
        %mul3A_1085 = arith.constant 16 : i32
        %mul3A_1086 = arith.muli %mul3A_1085, %scan3A_967 : i32
        %swap3A_1087 = arith.constant 1 : i32
        %swap3A_1088 = arith.constant 7 : i32
        %swap3A_1089 = arith.index_cast %swap3A_1087 : i32 to index
        %swap3A_1090 = arith.index_cast %swap3A_1088 : i32 to index
        %swap3A_1091 = arith.index_cast %mul3A_1086 : i32 to index
        %swap3A_1092 = tpu.vector_load %arg7[%swap3A_1089, %swap3A_1090, %swap3A_1091] {strides = array<i32>} : memref<4x8x512xf32, #tpu.memory_space<vmem>>, vector<1x1x16xf32>,
        %swap3A_1093 = vector.shape_cast %swap3A_1092 : vector<1x1x16xf32> to vector<16xf32>
        %swap3A_1094 = vector.shape_cast %gather3A_1074 : vector<16xf32> to vector<1x1x16xf32>
        tpu.vector_store %arg7[%swap3A_1089, %swap3A_1090, %swap3A_1091], %swap3A_1094 {strides = array<i32>} : memref<4x8x512xf32, #tpu.memory_space<vmem>>, vector<1x1x16xf32>,
      }
      %scan3A_756 = arith.constant 32 : i32
      %dma_start3A_757 = arith.constant 1 : i32
      %dma_start3A_758 = arith.constant 0 : i32
      %dma_start3A_759 = arith.constant 0 : i32
      %dma_start3A_760 = tpu.memref_slice %arg7[%dma_start3A_757, %dma_start3A_758, %dma_start3A_759] : memref<4x8x512xf32, #tpu.memory_space<vmem>> -> memref<1x8x512xf32, #tpu.memory_space<vmem>>
      %dma_start3A_761 = tpu.memref_squeeze %dma_start3A_760 : memref<1x8x512xf32, #tpu.memory_space<vmem>> -> memref<8x512xf32, #tpu.memory_space<vmem>>
      %dma_start3A_762 = arith.constant 0 : i32
      %dma_start3A_763 = tpu.memref_slice %arg4[%add3A_745, %dma_start3A_762, %mul3A_2] : memref<200x32x16384xf32, #tpu.memory_space<hbm>> -> memref<1x8x512xf32, #tpu.memory_space<hbm>>
      %dma_start3A_764 = tpu.memref_squeeze %dma_start3A_763 : memref<1x8x512xf32, #tpu.memory_space<hbm>> -> memref<8x512xf32, #tpu.memory_space<hbm>>
      %dma_start3A_765 = arith.constant 0 : i32
      %dma_start3A_766 = tpu.memref_slice %arg4[%add3A_745, %dma_start3A_765, %mul3A_2] : memref<200x32x16384xf32, #tpu.memory_space<hbm>> -> memref<1x8x512xf32, #tpu.memory_space<hbm>>
      %dma_start3A_767 = tpu.memref_squeeze %dma_start3A_766 : memref<1x8x512xf32, #tpu.memory_space<hbm>> -> memref<8x512xf32, #tpu.memory_space<hbm>>
      %dma_start3A_768 = arith.constant 0 : i32
      %dma_start3A_769 = arith.constant 0 : i32
      %dma_start3A_770 = tpu.memref_slice %arg7[%dma_start3A_757, %dma_start3A_768, %dma_start3A_769] : memref<4x8x512xf32, #tpu.memory_space<vmem>> -> memref<1x8x512xf32, #tpu.memory_space<vmem>>
      %dma_start3A_771 = tpu.memref_squeeze %dma_start3A_770 : memref<1x8x512xf32, #tpu.memory_space<vmem>> -> memref<8x512xf32, #tpu.memory_space<vmem>>
      tpu.enqueue_dma source(%dma_start3A_771 : memref<8x512xf32, #tpu.memory_space<vmem>>) target(%dma_start3A_767 : memref<8x512xf32, #tpu.memory_space<hbm>>) target_semaphore(%arg9 : memref<!tpu.dma_semaphore, #tpu.memory_space<semaphore_mem>>)
      %dma_start3A_772 = arith.constant 1 : i32
      %dma_start3A_773 = arith.constant 0 : i32
      %dma_start3A_774 = arith.constant 0 : i32
      %dma_start3A_775 = tpu.memref_slice %arg7[%dma_start3A_772, %dma_start3A_773, %dma_start3A_774] : memref<4x8x512xf32, #tpu.memory_space<vmem>> -> memref<1x8x512xf32, #tpu.memory_space<vmem>>
      %dma_start3A_776 = tpu.memref_squeeze %dma_start3A_775 : memref<1x8x512xf32, #tpu.memory_space<vmem>> -> memref<8x512xf32, #tpu.memory_space<vmem>>
      %dma_start3A_777 = arith.constant 8 : i32
      %dma_start3A_778 = tpu.memref_slice %arg4[%add3A_745, %dma_start3A_777, %mul3A_2] : memref<200x32x16384xf32, #tpu.memory_space<hbm>> -> memref<1x8x512xf32, #tpu.memory_space<hbm>>
      %dma_start3A_779 = tpu.memref_squeeze %dma_start3A_778 : memref<1x8x512xf32, #tpu.memory_space<hbm>> -> memref<8x512xf32, #tpu.memory_space<hbm>>
      %dma_start3A_780 = arith.constant 8 : i32
      %dma_start3A_781 = tpu.memref_slice %arg4[%add3A_745, %dma_start3A_780, %mul3A_2] : memref<200x32x16384xf32, #tpu.memory_space<hbm>> -> memref<1x8x512xf32, #tpu.memory_space<hbm>>
      %dma_start3A_782 = tpu.memref_squeeze %dma_start3A_781 : memref<1x8x512xf32, #tpu.memory_space<hbm>> -> memref<8x512xf32, #tpu.memory_space<hbm>>
      %dma_start3A_783 = arith.constant 0 : i32
      %dma_start3A_784 = arith.constant 0 : i32
      %dma_start3A_785 = tpu.memref_slice %arg7[%dma_start3A_772, %dma_start3A_783, %dma_start3A_784] : memref<4x8x512xf32, #tpu.memory_space<vmem>> -> memref<1x8x512xf32, #tpu.memory_space<vmem>>
      %dma_start3A_786 = tpu.memref_squeeze %dma_start3A_785 : memref<1x8x512xf32, #tpu.memory_space<vmem>> -> memref<8x512xf32, #tpu.memory_space<vmem>>
      tpu.enqueue_dma source(%dma_start3A_786 : memref<8x512xf32, #tpu.memory_space<vmem>>) target(%dma_start3A_782 : memref<8x512xf32, #tpu.memory_space<hbm>>) target_semaphore(%arg9 : memref<!tpu.dma_semaphore, #tpu.memory_space<semaphore_mem>>)
      %dma_start3A_787 = arith.constant 1 : i32
      %dma_start3A_788 = arith.constant 0 : i32
      %dma_start3A_789 = arith.constant 0 : i32
      %dma_start3A_790 = tpu.memref_slice %arg7[%dma_start3A_787, %dma_start3A_788, %dma_start3A_789] : memref<4x8x512xf32, #tpu.memory_space<vmem>> -> memref<1x8x512xf32, #tpu.memory_space<vmem>>
      %dma_start3A_791 = tpu.memref_squeeze %dma_start3A_790 : memref<1x8x512xf32, #tpu.memory_space<vmem>> -> memref<8x512xf32, #tpu.memory_space<vmem>>
      %dma_start3A_792 = arith.constant 16 : i32
      %dma_start3A_793 = tpu.memref_slice %arg4[%add3A_745, %dma_start3A_792, %mul3A_2] : memref<200x32x16384xf32, #tpu.memory_space<hbm>> -> memref<1x8x512xf32, #tpu.memory_space<hbm>>
      %dma_start3A_794 = tpu.memref_squeeze %dma_start3A_793 : memref<1x8x512xf32, #tpu.memory_space<hbm>> -> memref<8x512xf32, #tpu.memory_space<hbm>>
      %dma_start3A_795 = arith.constant 16 : i32
      %dma_start3A_796 = tpu.memref_slice %arg4[%add3A_745, %dma_start3A_795, %mul3A_2] : memref<200x32x16384xf32, #tpu.memory_space<hbm>> -> memref<1x8x512xf32, #tpu.memory_space<hbm>>
      %dma_start3A_797 = tpu.memref_squeeze %dma_start3A_796 : memref<1x8x512xf32, #tpu.memory_space<hbm>> -> memref<8x512xf32, #tpu.memory_space<hbm>>
      %dma_start3A_798 = arith.constant 0 : i32
      %dma_start3A_799 = arith.constant 0 : i32
      %dma_start3A_800 = tpu.memref_slice %arg7[%dma_start3A_787, %dma_start3A_798, %dma_start3A_799] : memref<4x8x512xf32, #tpu.memory_space<vmem>> -> memref<1x8x512xf32, #tpu.memory_space<vmem>>
      %dma_start3A_801 = tpu.memref_squeeze %dma_start3A_800 : memref<1x8x512xf32, #tpu.memory_space<vmem>> -> memref<8x512xf32, #tpu.memory_space<vmem>>
      tpu.enqueue_dma source(%dma_start3A_801 : memref<8x512xf32, #tpu.memory_space<vmem>>) target(%dma_start3A_797 : memref<8x512xf32, #tpu.memory_space<hbm>>) target_semaphore(%arg9 : memref<!tpu.dma_semaphore, #tpu.memory_space<semaphore_mem>>)
      %dma_start3A_802 = arith.constant 1 : i32
      %dma_start3A_803 = arith.constant 0 : i32
      %dma_start3A_804 = arith.constant 0 : i32
      %dma_start3A_805 = tpu.memref_slice %arg7[%dma_start3A_802, %dma_start3A_803, %dma_start3A_804] : memref<4x8x512xf32, #tpu.memory_space<vmem>> -> memref<1x8x512xf32, #tpu.memory_space<vmem>>
      %dma_start3A_806 = tpu.memref_squeeze %dma_start3A_805 : memref<1x8x512xf32, #tpu.memory_space<vmem>> -> memref<8x512xf32, #tpu.memory_space<vmem>>
      %dma_start3A_807 = arith.constant 24 : i32
      %dma_start3A_808 = tpu.memref_slice %arg4[%add3A_745, %dma_start3A_807, %mul3A_2] : memref<200x32x16384xf32, #tpu.memory_space<hbm>> -> memref<1x8x512xf32, #tpu.memory_space<hbm>>
      %dma_start3A_809 = tpu.memref_squeeze %dma_start3A_808 : memref<1x8x512xf32, #tpu.memory_space<hbm>> -> memref<8x512xf32, #tpu.memory_space<hbm>>
      %dma_start3A_810 = arith.constant 24 : i32
      %dma_start3A_811 = tpu.memref_slice %arg4[%add3A_745, %dma_start3A_810, %mul3A_2] : memref<200x32x16384xf32, #tpu.memory_space<hbm>> -> memref<1x8x512xf32, #tpu.memory_space<hbm>>
      %dma_start3A_812 = tpu.memref_squeeze %dma_start3A_811 : memref<1x8x512xf32, #tpu.memory_space<hbm>> -> memref<8x512xf32, #tpu.memory_space<hbm>>
      %dma_start3A_813 = arith.constant 0 : i32
      %dma_start3A_814 = arith.constant 0 : i32
      %dma_start3A_815 = tpu.memref_slice %arg7[%dma_start3A_802, %dma_start3A_813, %dma_start3A_814] : memref<4x8x512xf32, #tpu.memory_space<vmem>> -> memref<1x8x512xf32, #tpu.memory_space<vmem>>
      %dma_start3A_816 = tpu.memref_squeeze %dma_start3A_815 : memref<1x8x512xf32, #tpu.memory_space<vmem>> -> memref<8x512xf32, #tpu.memory_space<vmem>>
      tpu.enqueue_dma source(%dma_start3A_816 : memref<8x512xf32, #tpu.memory_space<vmem>>) target(%dma_start3A_812 : memref<8x512xf32, #tpu.memory_space<hbm>>) target_semaphore(%arg9 : memref<!tpu.dma_semaphore, #tpu.memory_space<semaphore_mem>>)
      %mul3A_817 = arith.constant 8 : i32
      %mul3A_818 = arith.muli %mul3A_817, %scan3A_348 : i32
      %add3A_819 = arith.constant 6 : i32
      %add3A_820 = arith.addi %mul3A_818, %add3A_819 : i32
      %ge3A_821 = arith.constant 4 : i32
      %ge3A_822 = arith.cmpi sge, %add3A_820, %ge3A_821 : i32
      %convert_element_type3A_823 = arith.extui %ge3A_822 : i1 to i32
      %cond3A_824 = arith.constant 0 : i32
      %cond3A_825 = arith.cmpi ne, %convert_element_type3A_823, %cond3A_824 : i32
      scf.if %cond3A_825 {
        %sub3A = arith.constant 4 : i32
        %sub3A_967 = arith.subi %add3A_820, %sub3A : i32
        %dma_wait3A_968 = arith.constant 2 : i32
        %dma_wait3A_969 = arith.constant 0 : i32
        %dma_wait3A_970 = arith.constant 0 : i32
        %dma_wait3A_971 = tpu.memref_slice %arg7[%dma_wait3A_968, %dma_wait3A_969, %dma_wait3A_970] : memref<4x8x512xf32, #tpu.memory_space<vmem>> -> memref<1x8x512xf32, #tpu.memory_space<vmem>>
        %dma_wait3A_972 = tpu.memref_squeeze %dma_wait3A_971 : memref<1x8x512xf32, #tpu.memory_space<vmem>> -> memref<8x512xf32, #tpu.memory_space<vmem>>
        %dma_wait3A_973 = arith.constant 0 : i32
        %dma_wait3A_974 = tpu.memref_slice %arg4[%sub3A_967, %dma_wait3A_973, %mul3A_2] : memref<200x32x16384xf32, #tpu.memory_space<hbm>> -> memref<1x8x512xf32, #tpu.memory_space<hbm>>
        %dma_wait3A_975 = tpu.memref_squeeze %dma_wait3A_974 : memref<1x8x512xf32, #tpu.memory_space<hbm>> -> memref<8x512xf32, #tpu.memory_space<hbm>>
        %dma_wait3A_976 = arith.constant 0 : i32
        %dma_wait3A_977 = tpu.memref_slice %arg4[%sub3A_967, %dma_wait3A_976, %mul3A_2] : memref<200x32x16384xf32, #tpu.memory_space<hbm>> -> memref<1x8x512xf32, #tpu.memory_space<hbm>>
        %dma_wait3A_978 = tpu.memref_squeeze %dma_wait3A_977 : memref<1x8x512xf32, #tpu.memory_space<hbm>> -> memref<8x512xf32, #tpu.memory_space<hbm>>
        %dma_wait3A_979 = arith.constant 0 : i32
        %dma_wait3A_980 = arith.constant 0 : i32
        %dma_wait3A_981 = tpu.memref_slice %arg7[%dma_wait3A_968, %dma_wait3A_979, %dma_wait3A_980] : memref<4x8x512xf32, #tpu.memory_space<vmem>> -> memref<1x8x512xf32, #tpu.memory_space<vmem>>
        %dma_wait3A_982 = tpu.memref_squeeze %dma_wait3A_981 : memref<1x8x512xf32, #tpu.memory_space<vmem>> -> memref<8x512xf32, #tpu.memory_space<vmem>>
        tpu.wait_dma2 semaphore(%arg9 : memref<!tpu.dma_semaphore, #tpu.memory_space<semaphore_mem>>) src(%dma_wait3A_982 : memref<8x512xf32, #tpu.memory_space<vmem>>) dst(%dma_wait3A_978 : memref<8x512xf32, #tpu.memory_space<hbm>>)
        %sub3A_983 = arith.constant 4 : i32
        %sub3A_984 = arith.subi %add3A_820, %sub3A_983 : i32
        %dma_wait3A_985 = arith.constant 2 : i32
        %dma_wait3A_986 = arith.constant 0 : i32
        %dma_wait3A_987 = arith.constant 0 : i32
        %dma_wait3A_988 = tpu.memref_slice %arg7[%dma_wait3A_985, %dma_wait3A_986, %dma_wait3A_987] : memref<4x8x512xf32, #tpu.memory_space<vmem>> -> memref<1x8x512xf32, #tpu.memory_space<vmem>>
        %dma_wait3A_989 = tpu.memref_squeeze %dma_wait3A_988 : memref<1x8x512xf32, #tpu.memory_space<vmem>> -> memref<8x512xf32, #tpu.memory_space<vmem>>
        %dma_wait3A_990 = arith.constant 8 : i32
        %dma_wait3A_991 = tpu.memref_slice %arg4[%sub3A_984, %dma_wait3A_990, %mul3A_2] : memref<200x32x16384xf32, #tpu.memory_space<hbm>> -> memref<1x8x512xf32, #tpu.memory_space<hbm>>
        %dma_wait3A_992 = tpu.memref_squeeze %dma_wait3A_991 : memref<1x8x512xf32, #tpu.memory_space<hbm>> -> memref<8x512xf32, #tpu.memory_space<hbm>>
        %dma_wait3A_993 = arith.constant 8 : i32
        %dma_wait3A_994 = tpu.memref_slice %arg4[%sub3A_984, %dma_wait3A_993, %mul3A_2] : memref<200x32x16384xf32, #tpu.memory_space<hbm>> -> memref<1x8x512xf32, #tpu.memory_space<hbm>>
        %dma_wait3A_995 = tpu.memref_squeeze %dma_wait3A_994 : memref<1x8x512xf32, #tpu.memory_space<hbm>> -> memref<8x512xf32, #tpu.memory_space<hbm>>
        %dma_wait3A_996 = arith.constant 0 : i32
        %dma_wait3A_997 = arith.constant 0 : i32
        %dma_wait3A_998 = tpu.memref_slice %arg7[%dma_wait3A_985, %dma_wait3A_996, %dma_wait3A_997] : memref<4x8x512xf32, #tpu.memory_space<vmem>> -> memref<1x8x512xf32, #tpu.memory_space<vmem>>
        %dma_wait3A_999 = tpu.memref_squeeze %dma_wait3A_998 : memref<1x8x512xf32, #tpu.memory_space<vmem>> -> memref<8x512xf32, #tpu.memory_space<vmem>>
        tpu.wait_dma2 semaphore(%arg9 : memref<!tpu.dma_semaphore, #tpu.memory_space<semaphore_mem>>) src(%dma_wait3A_999 : memref<8x512xf32, #tpu.memory_space<vmem>>) dst(%dma_wait3A_995 : memref<8x512xf32, #tpu.memory_space<hbm>>)
        %sub3A_1000 = arith.constant 4 : i32
        %sub3A_1001 = arith.subi %add3A_820, %sub3A_1000 : i32
        %dma_wait3A_1002 = arith.constant 2 : i32
        %dma_wait3A_1003 = arith.constant 0 : i32
        %dma_wait3A_1004 = arith.constant 0 : i32
        %dma_wait3A_1005 = tpu.memref_slice %arg7[%dma_wait3A_1002, %dma_wait3A_1003, %dma_wait3A_1004] : memref<4x8x512xf32, #tpu.memory_space<vmem>> -> memref<1x8x512xf32, #tpu.memory_space<vmem>>
        %dma_wait3A_1006 = tpu.memref_squeeze %dma_wait3A_1005 : memref<1x8x512xf32, #tpu.memory_space<vmem>> -> memref<8x512xf32, #tpu.memory_space<vmem>>
        %dma_wait3A_1007 = arith.constant 16 : i32
        %dma_wait3A_1008 = tpu.memref_slice %arg4[%sub3A_1001, %dma_wait3A_1007, %mul3A_2] : memref<200x32x16384xf32, #tpu.memory_space<hbm>> -> memref<1x8x512xf32, #tpu.memory_space<hbm>>
        %dma_wait3A_1009 = tpu.memref_squeeze %dma_wait3A_1008 : memref<1x8x512xf32, #tpu.memory_space<hbm>> -> memref<8x512xf32, #tpu.memory_space<hbm>>
        %dma_wait3A_1010 = arith.constant 16 : i32
        %dma_wait3A_1011 = tpu.memref_slice %arg4[%sub3A_1001, %dma_wait3A_1010, %mul3A_2] : memref<200x32x16384xf32, #tpu.memory_space<hbm>> -> memref<1x8x512xf32, #tpu.memory_space<hbm>>
        %dma_wait3A_1012 = tpu.memref_squeeze %dma_wait3A_1011 : memref<1x8x512xf32, #tpu.memory_space<hbm>> -> memref<8x512xf32, #tpu.memory_space<hbm>>
        %dma_wait3A_1013 = arith.constant 0 : i32
        %dma_wait3A_1014 = arith.constant 0 : i32
        %dma_wait3A_1015 = tpu.memref_slice %arg7[%dma_wait3A_1002, %dma_wait3A_1013, %dma_wait3A_1014] : memref<4x8x512xf32, #tpu.memory_space<vmem>> -> memref<1x8x512xf32, #tpu.memory_space<vmem>>
        %dma_wait3A_1016 = tpu.memref_squeeze %dma_wait3A_1015 : memref<1x8x512xf32, #tpu.memory_space<vmem>> -> memref<8x512xf32, #tpu.memory_space<vmem>>
        tpu.wait_dma2 semaphore(%arg9 : memref<!tpu.dma_semaphore, #tpu.memory_space<semaphore_mem>>) src(%dma_wait3A_1016 : memref<8x512xf32, #tpu.memory_space<vmem>>) dst(%dma_wait3A_1012 : memref<8x512xf32, #tpu.memory_space<hbm>>)
        %sub3A_1017 = arith.constant 4 : i32
        %sub3A_1018 = arith.subi %add3A_820, %sub3A_1017 : i32
        %dma_wait3A_1019 = arith.constant 2 : i32
        %dma_wait3A_1020 = arith.constant 0 : i32
        %dma_wait3A_1021 = arith.constant 0 : i32
        %dma_wait3A_1022 = tpu.memref_slice %arg7[%dma_wait3A_1019, %dma_wait3A_1020, %dma_wait3A_1021] : memref<4x8x512xf32, #tpu.memory_space<vmem>> -> memref<1x8x512xf32, #tpu.memory_space<vmem>>
        %dma_wait3A_1023 = tpu.memref_squeeze %dma_wait3A_1022 : memref<1x8x512xf32, #tpu.memory_space<vmem>> -> memref<8x512xf32, #tpu.memory_space<vmem>>
        %dma_wait3A_1024 = arith.constant 24 : i32
        %dma_wait3A_1025 = tpu.memref_slice %arg4[%sub3A_1018, %dma_wait3A_1024, %mul3A_2] : memref<200x32x16384xf32, #tpu.memory_space<hbm>> -> memref<1x8x512xf32, #tpu.memory_space<hbm>>
        %dma_wait3A_1026 = tpu.memref_squeeze %dma_wait3A_1025 : memref<1x8x512xf32, #tpu.memory_space<hbm>> -> memref<8x512xf32, #tpu.memory_space<hbm>>
        %dma_wait3A_1027 = arith.constant 24 : i32
        %dma_wait3A_1028 = tpu.memref_slice %arg4[%sub3A_1018, %dma_wait3A_1027, %mul3A_2] : memref<200x32x16384xf32, #tpu.memory_space<hbm>> -> memref<1x8x512xf32, #tpu.memory_space<hbm>>
        %dma_wait3A_1029 = tpu.memref_squeeze %dma_wait3A_1028 : memref<1x8x512xf32, #tpu.memory_space<hbm>> -> memref<8x512xf32, #tpu.memory_space<hbm>>
        %dma_wait3A_1030 = arith.constant 0 : i32
        %dma_wait3A_1031 = arith.constant 0 : i32
        %dma_wait3A_1032 = tpu.memref_slice %arg7[%dma_wait3A_1019, %dma_wait3A_1030, %dma_wait3A_1031] : memref<4x8x512xf32, #tpu.memory_space<vmem>> -> memref<1x8x512xf32, #tpu.memory_space<vmem>>
        %dma_wait3A_1033 = tpu.memref_squeeze %dma_wait3A_1032 : memref<1x8x512xf32, #tpu.memory_space<vmem>> -> memref<8x512xf32, #tpu.memory_space<vmem>>
        tpu.wait_dma2 semaphore(%arg9 : memref<!tpu.dma_semaphore, #tpu.memory_space<semaphore_mem>>) src(%dma_wait3A_1033 : memref<8x512xf32, #tpu.memory_space<vmem>>) dst(%dma_wait3A_1029 : memref<8x512xf32, #tpu.memory_space<hbm>>)
      } else {
      }
      %scan3A_826 = arith.constant 0 : i32
      %scan3A_827 = arith.constant 0 : i32
      %scan3A_828 = arith.constant 32 : i32
      %scan3A_829 = arith.addi %scan3A_827, %scan3A_828 : i32
      %scan3A_830 = arith.constant 1 : i32
      scf.for %scan3A_967 = %scan3A_827 to %scan3A_829 step %scan3A_830  : i32 {
        %mul3A_968 = arith.constant 16 : i32
        %mul3A_969 = arith.muli %mul3A_968, %scan3A_967 : i32
        %get3A_970 = arith.constant 6 : i32
        %get3A_971 = arith.index_cast %and3A_350 : i32 to index
        %get3A_972 = arith.index_cast %get3A_970 : i32 to index
        %get3A_973 = arith.index_cast %mul3A_969 : i32 to index
        %get3A_974 = tpu.vector_load %arg6[%get3A_971, %get3A_972, %get3A_973] {strides = array<i32>} : memref<2x8x512xi32, #tpu.memory_space<vmem>>, vector<1x1x16xi32>,
        %get3A_975 = vector.shape_cast %get3A_974 : vector<1x1x16xi32> to vector<16xi32>
        %lt3A_976 = arith.constant 0 : i32
        %lt3A_977 = vector.broadcast %lt3A_976 : i32 to vector<16xi32>
        %lt3A_978 = arith.cmpi slt, %get3A_975, %lt3A_977 : vector<16xi32>
        %add3A_979 = arith.constant 16 : i32
        %add3A_980 = vector.broadcast %add3A_979 : i32 to vector<16xi32>
        %add3A_981 = arith.addi %get3A_975, %add3A_980 : vector<16xi32>
        %select_n3A_982 = arith.select %lt3A_978, %add3A_981, %get3A_975 : vector<16xi1>, vector<16xi32>
        %broadcast_in_dim3A_983 = vector.shape_cast %select_n3A_982 : vector<16xi32> to vector<16x1xi32>
        %gather3A_984 = vector.shape_cast %broadcast_in_dim3A_983 : vector<16x1xi32> to vector<16xi32>
        %gather3A_985 = tpu.dynamic_gather %gather3A_18[%gather3A_984] in [0] : vector<16xf32>, vector<16xi32> -> vector<16xf32>
        %mul3A_986 = arith.constant 16 : i32
        %mul3A_987 = arith.muli %mul3A_986, %scan3A_967 : i32
        %swap3A = arith.constant 2 : i32
        %swap3A_988 = arith.constant 0 : i32
        %swap3A_989 = arith.index_cast %swap3A : i32 to index
        %swap3A_990 = arith.index_cast %swap3A_988 : i32 to index
        %swap3A_991 = arith.index_cast %mul3A_987 : i32 to index
        %swap3A_992 = tpu.vector_load %arg7[%swap3A_989, %swap3A_990, %swap3A_991] {strides = array<i32>} : memref<4x8x512xf32, #tpu.memory_space<vmem>>, vector<1x1x16xf32>,
        %swap3A_993 = vector.shape_cast %swap3A_992 : vector<1x1x16xf32> to vector<16xf32>
        %swap3A_994 = vector.shape_cast %gather3A_985 : vector<16xf32> to vector<1x1x16xf32>
        tpu.vector_store %arg7[%swap3A_989, %swap3A_990, %swap3A_991], %swap3A_994 {strides = array<i32>} : memref<4x8x512xf32, #tpu.memory_space<vmem>>, vector<1x1x16xf32>,
        %mul3A_995 = arith.constant 16 : i32
        %mul3A_996 = arith.muli %mul3A_995, %scan3A_967 : i32
        %swap3A_997 = arith.constant 2 : i32
        %swap3A_998 = arith.constant 4 : i32
        %swap3A_999 = arith.index_cast %swap3A_997 : i32 to index
        %swap3A_1000 = arith.index_cast %swap3A_998 : i32 to index
        %swap3A_1001 = arith.index_cast %mul3A_996 : i32 to index
        %swap3A_1002 = tpu.vector_load %arg7[%swap3A_999, %swap3A_1000, %swap3A_1001] {strides = array<i32>} : memref<4x8x512xf32, #tpu.memory_space<vmem>>, vector<1x1x16xf32>,
        %swap3A_1003 = vector.shape_cast %swap3A_1002 : vector<1x1x16xf32> to vector<16xf32>
        %swap3A_1004 = vector.shape_cast %gather3A_985 : vector<16xf32> to vector<1x1x16xf32>
        tpu.vector_store %arg7[%swap3A_999, %swap3A_1000, %swap3A_1001], %swap3A_1004 {strides = array<i32>} : memref<4x8x512xf32, #tpu.memory_space<vmem>>, vector<1x1x16xf32>,
        %lt3A_1005 = arith.constant 0 : i32
        %lt3A_1006 = vector.broadcast %lt3A_1005 : i32 to vector<16xi32>
        %lt3A_1007 = arith.cmpi slt, %get3A_975, %lt3A_1006 : vector<16xi32>
        %add3A_1008 = arith.constant 16 : i32
        %add3A_1009 = vector.broadcast %add3A_1008 : i32 to vector<16xi32>
        %add3A_1010 = arith.addi %get3A_975, %add3A_1009 : vector<16xi32>
        %select_n3A_1011 = arith.select %lt3A_1007, %add3A_1010, %get3A_975 : vector<16xi1>, vector<16xi32>
        %broadcast_in_dim3A_1012 = vector.shape_cast %select_n3A_1011 : vector<16xi32> to vector<16x1xi32>
        %gather3A_1013 = vector.shape_cast %broadcast_in_dim3A_1012 : vector<16x1xi32> to vector<16xi32>
        %gather3A_1014 = tpu.dynamic_gather %gather3A_37[%gather3A_1013] in [0] : vector<16xf32>, vector<16xi32> -> vector<16xf32>
        %mul3A_1015 = arith.constant 16 : i32
        %mul3A_1016 = arith.muli %mul3A_1015, %scan3A_967 : i32
        %swap3A_1017 = arith.constant 2 : i32
        %swap3A_1018 = arith.constant 1 : i32
        %swap3A_1019 = arith.index_cast %swap3A_1017 : i32 to index
        %swap3A_1020 = arith.index_cast %swap3A_1018 : i32 to index
        %swap3A_1021 = arith.index_cast %mul3A_1016 : i32 to index
        %swap3A_1022 = tpu.vector_load %arg7[%swap3A_1019, %swap3A_1020, %swap3A_1021] {strides = array<i32>} : memref<4x8x512xf32, #tpu.memory_space<vmem>>, vector<1x1x16xf32>,
        %swap3A_1023 = vector.shape_cast %swap3A_1022 : vector<1x1x16xf32> to vector<16xf32>
        %swap3A_1024 = vector.shape_cast %gather3A_1014 : vector<16xf32> to vector<1x1x16xf32>
        tpu.vector_store %arg7[%swap3A_1019, %swap3A_1020, %swap3A_1021], %swap3A_1024 {strides = array<i32>} : memref<4x8x512xf32, #tpu.memory_space<vmem>>, vector<1x1x16xf32>,
        %mul3A_1025 = arith.constant 16 : i32
        %mul3A_1026 = arith.muli %mul3A_1025, %scan3A_967 : i32
        %swap3A_1027 = arith.constant 2 : i32
        %swap3A_1028 = arith.constant 5 : i32
        %swap3A_1029 = arith.index_cast %swap3A_1027 : i32 to index
        %swap3A_1030 = arith.index_cast %swap3A_1028 : i32 to index
        %swap3A_1031 = arith.index_cast %mul3A_1026 : i32 to index
        %swap3A_1032 = tpu.vector_load %arg7[%swap3A_1029, %swap3A_1030, %swap3A_1031] {strides = array<i32>} : memref<4x8x512xf32, #tpu.memory_space<vmem>>, vector<1x1x16xf32>,
        %swap3A_1033 = vector.shape_cast %swap3A_1032 : vector<1x1x16xf32> to vector<16xf32>
        %swap3A_1034 = vector.shape_cast %gather3A_1014 : vector<16xf32> to vector<1x1x16xf32>
        tpu.vector_store %arg7[%swap3A_1029, %swap3A_1030, %swap3A_1031], %swap3A_1034 {strides = array<i32>} : memref<4x8x512xf32, #tpu.memory_space<vmem>>, vector<1x1x16xf32>,
        %lt3A_1035 = arith.constant 0 : i32
        %lt3A_1036 = vector.broadcast %lt3A_1035 : i32 to vector<16xi32>
        %lt3A_1037 = arith.cmpi slt, %get3A_975, %lt3A_1036 : vector<16xi32>
        %add3A_1038 = arith.constant 16 : i32
        %add3A_1039 = vector.broadcast %add3A_1038 : i32 to vector<16xi32>
        %add3A_1040 = arith.addi %get3A_975, %add3A_1039 : vector<16xi32>
        %select_n3A_1041 = arith.select %lt3A_1037, %add3A_1040, %get3A_975 : vector<16xi1>, vector<16xi32>
        %broadcast_in_dim3A_1042 = vector.shape_cast %select_n3A_1041 : vector<16xi32> to vector<16x1xi32>
        %gather3A_1043 = vector.shape_cast %broadcast_in_dim3A_1042 : vector<16x1xi32> to vector<16xi32>
        %gather3A_1044 = tpu.dynamic_gather %gather3A_56[%gather3A_1043] in [0] : vector<16xf32>, vector<16xi32> -> vector<16xf32>
        %mul3A_1045 = arith.constant 16 : i32
        %mul3A_1046 = arith.muli %mul3A_1045, %scan3A_967 : i32
        %swap3A_1047 = arith.constant 2 : i32
        %swap3A_1048 = arith.constant 2 : i32
        %swap3A_1049 = arith.index_cast %swap3A_1047 : i32 to index
        %swap3A_1050 = arith.index_cast %swap3A_1048 : i32 to index
        %swap3A_1051 = arith.index_cast %mul3A_1046 : i32 to index
        %swap3A_1052 = tpu.vector_load %arg7[%swap3A_1049, %swap3A_1050, %swap3A_1051] {strides = array<i32>} : memref<4x8x512xf32, #tpu.memory_space<vmem>>, vector<1x1x16xf32>,
        %swap3A_1053 = vector.shape_cast %swap3A_1052 : vector<1x1x16xf32> to vector<16xf32>
        %swap3A_1054 = vector.shape_cast %gather3A_1044 : vector<16xf32> to vector<1x1x16xf32>
        tpu.vector_store %arg7[%swap3A_1049, %swap3A_1050, %swap3A_1051], %swap3A_1054 {strides = array<i32>} : memref<4x8x512xf32, #tpu.memory_space<vmem>>, vector<1x1x16xf32>,
        %mul3A_1055 = arith.constant 16 : i32
        %mul3A_1056 = arith.muli %mul3A_1055, %scan3A_967 : i32
        %swap3A_1057 = arith.constant 2 : i32
        %swap3A_1058 = arith.constant 6 : i32
        %swap3A_1059 = arith.index_cast %swap3A_1057 : i32 to index
        %swap3A_1060 = arith.index_cast %swap3A_1058 : i32 to index
        %swap3A_1061 = arith.index_cast %mul3A_1056 : i32 to index
        %swap3A_1062 = tpu.vector_load %arg7[%swap3A_1059, %swap3A_1060, %swap3A_1061] {strides = array<i32>} : memref<4x8x512xf32, #tpu.memory_space<vmem>>, vector<1x1x16xf32>,
        %swap3A_1063 = vector.shape_cast %swap3A_1062 : vector<1x1x16xf32> to vector<16xf32>
        %swap3A_1064 = vector.shape_cast %gather3A_1044 : vector<16xf32> to vector<1x1x16xf32>
        tpu.vector_store %arg7[%swap3A_1059, %swap3A_1060, %swap3A_1061], %swap3A_1064 {strides = array<i32>} : memref<4x8x512xf32, #tpu.memory_space<vmem>>, vector<1x1x16xf32>,
        %lt3A_1065 = arith.constant 0 : i32
        %lt3A_1066 = vector.broadcast %lt3A_1065 : i32 to vector<16xi32>
        %lt3A_1067 = arith.cmpi slt, %get3A_975, %lt3A_1066 : vector<16xi32>
        %add3A_1068 = arith.constant 16 : i32
        %add3A_1069 = vector.broadcast %add3A_1068 : i32 to vector<16xi32>
        %add3A_1070 = arith.addi %get3A_975, %add3A_1069 : vector<16xi32>
        %select_n3A_1071 = arith.select %lt3A_1067, %add3A_1070, %get3A_975 : vector<16xi1>, vector<16xi32>
        %broadcast_in_dim3A_1072 = vector.shape_cast %select_n3A_1071 : vector<16xi32> to vector<16x1xi32>
        %gather3A_1073 = vector.shape_cast %broadcast_in_dim3A_1072 : vector<16x1xi32> to vector<16xi32>
        %gather3A_1074 = tpu.dynamic_gather %gather3A_75[%gather3A_1073] in [0] : vector<16xf32>, vector<16xi32> -> vector<16xf32>
        %mul3A_1075 = arith.constant 16 : i32
        %mul3A_1076 = arith.muli %mul3A_1075, %scan3A_967 : i32
        %swap3A_1077 = arith.constant 2 : i32
        %swap3A_1078 = arith.constant 3 : i32
        %swap3A_1079 = arith.index_cast %swap3A_1077 : i32 to index
        %swap3A_1080 = arith.index_cast %swap3A_1078 : i32 to index
        %swap3A_1081 = arith.index_cast %mul3A_1076 : i32 to index
        %swap3A_1082 = tpu.vector_load %arg7[%swap3A_1079, %swap3A_1080, %swap3A_1081] {strides = array<i32>} : memref<4x8x512xf32, #tpu.memory_space<vmem>>, vector<1x1x16xf32>,
        %swap3A_1083 = vector.shape_cast %swap3A_1082 : vector<1x1x16xf32> to vector<16xf32>
        %swap3A_1084 = vector.shape_cast %gather3A_1074 : vector<16xf32> to vector<1x1x16xf32>
        tpu.vector_store %arg7[%swap3A_1079, %swap3A_1080, %swap3A_1081], %swap3A_1084 {strides = array<i32>} : memref<4x8x512xf32, #tpu.memory_space<vmem>>, vector<1x1x16xf32>,
        %mul3A_1085 = arith.constant 16 : i32
        %mul3A_1086 = arith.muli %mul3A_1085, %scan3A_967 : i32
        %swap3A_1087 = arith.constant 2 : i32
        %swap3A_1088 = arith.constant 7 : i32
        %swap3A_1089 = arith.index_cast %swap3A_1087 : i32 to index
        %swap3A_1090 = arith.index_cast %swap3A_1088 : i32 to index
        %swap3A_1091 = arith.index_cast %mul3A_1086 : i32 to index
        %swap3A_1092 = tpu.vector_load %arg7[%swap3A_1089, %swap3A_1090, %swap3A_1091] {strides = array<i32>} : memref<4x8x512xf32, #tpu.memory_space<vmem>>, vector<1x1x16xf32>,
        %swap3A_1093 = vector.shape_cast %swap3A_1092 : vector<1x1x16xf32> to vector<16xf32>
        %swap3A_1094 = vector.shape_cast %gather3A_1074 : vector<16xf32> to vector<1x1x16xf32>
        tpu.vector_store %arg7[%swap3A_1089, %swap3A_1090, %swap3A_1091], %swap3A_1094 {strides = array<i32>} : memref<4x8x512xf32, #tpu.memory_space<vmem>>, vector<1x1x16xf32>,
      }
      %scan3A_831 = arith.constant 32 : i32
      %dma_start3A_832 = arith.constant 2 : i32
      %dma_start3A_833 = arith.constant 0 : i32
      %dma_start3A_834 = arith.constant 0 : i32
      %dma_start3A_835 = tpu.memref_slice %arg7[%dma_start3A_832, %dma_start3A_833, %dma_start3A_834] : memref<4x8x512xf32, #tpu.memory_space<vmem>> -> memref<1x8x512xf32, #tpu.memory_space<vmem>>
      %dma_start3A_836 = tpu.memref_squeeze %dma_start3A_835 : memref<1x8x512xf32, #tpu.memory_space<vmem>> -> memref<8x512xf32, #tpu.memory_space<vmem>>
      %dma_start3A_837 = arith.constant 0 : i32
      %dma_start3A_838 = tpu.memref_slice %arg4[%add3A_820, %dma_start3A_837, %mul3A_2] : memref<200x32x16384xf32, #tpu.memory_space<hbm>> -> memref<1x8x512xf32, #tpu.memory_space<hbm>>
      %dma_start3A_839 = tpu.memref_squeeze %dma_start3A_838 : memref<1x8x512xf32, #tpu.memory_space<hbm>> -> memref<8x512xf32, #tpu.memory_space<hbm>>
      %dma_start3A_840 = arith.constant 0 : i32
      %dma_start3A_841 = tpu.memref_slice %arg4[%add3A_820, %dma_start3A_840, %mul3A_2] : memref<200x32x16384xf32, #tpu.memory_space<hbm>> -> memref<1x8x512xf32, #tpu.memory_space<hbm>>
      %dma_start3A_842 = tpu.memref_squeeze %dma_start3A_841 : memref<1x8x512xf32, #tpu.memory_space<hbm>> -> memref<8x512xf32, #tpu.memory_space<hbm>>
      %dma_start3A_843 = arith.constant 0 : i32
      %dma_start3A_844 = arith.constant 0 : i32
      %dma_start3A_845 = tpu.memref_slice %arg7[%dma_start3A_832, %dma_start3A_843, %dma_start3A_844] : memref<4x8x512xf32, #tpu.memory_space<vmem>> -> memref<1x8x512xf32, #tpu.memory_space<vmem>>
      %dma_start3A_846 = tpu.memref_squeeze %dma_start3A_845 : memref<1x8x512xf32, #tpu.memory_space<vmem>> -> memref<8x512xf32, #tpu.memory_space<vmem>>
      tpu.enqueue_dma source(%dma_start3A_846 : memref<8x512xf32, #tpu.memory_space<vmem>>) target(%dma_start3A_842 : memref<8x512xf32, #tpu.memory_space<hbm>>) target_semaphore(%arg9 : memref<!tpu.dma_semaphore, #tpu.memory_space<semaphore_mem>>)
      %dma_start3A_847 = arith.constant 2 : i32
      %dma_start3A_848 = arith.constant 0 : i32
      %dma_start3A_849 = arith.constant 0 : i32
      %dma_start3A_850 = tpu.memref_slice %arg7[%dma_start3A_847, %dma_start3A_848, %dma_start3A_849] : memref<4x8x512xf32, #tpu.memory_space<vmem>> -> memref<1x8x512xf32, #tpu.memory_space<vmem>>
      %dma_start3A_851 = tpu.memref_squeeze %dma_start3A_850 : memref<1x8x512xf32, #tpu.memory_space<vmem>> -> memref<8x512xf32, #tpu.memory_space<vmem>>
      %dma_start3A_852 = arith.constant 8 : i32
      %dma_start3A_853 = tpu.memref_slice %arg4[%add3A_820, %dma_start3A_852, %mul3A_2] : memref<200x32x16384xf32, #tpu.memory_space<hbm>> -> memref<1x8x512xf32, #tpu.memory_space<hbm>>
      %dma_start3A_854 = tpu.memref_squeeze %dma_start3A_853 : memref<1x8x512xf32, #tpu.memory_space<hbm>> -> memref<8x512xf32, #tpu.memory_space<hbm>>
      %dma_start3A_855 = arith.constant 8 : i32
      %dma_start3A_856 = tpu.memref_slice %arg4[%add3A_820, %dma_start3A_855, %mul3A_2] : memref<200x32x16384xf32, #tpu.memory_space<hbm>> -> memref<1x8x512xf32, #tpu.memory_space<hbm>>
      %dma_start3A_857 = tpu.memref_squeeze %dma_start3A_856 : memref<1x8x512xf32, #tpu.memory_space<hbm>> -> memref<8x512xf32, #tpu.memory_space<hbm>>
      %dma_start3A_858 = arith.constant 0 : i32
      %dma_start3A_859 = arith.constant 0 : i32
      %dma_start3A_860 = tpu.memref_slice %arg7[%dma_start3A_847, %dma_start3A_858, %dma_start3A_859] : memref<4x8x512xf32, #tpu.memory_space<vmem>> -> memref<1x8x512xf32, #tpu.memory_space<vmem>>
      %dma_start3A_861 = tpu.memref_squeeze %dma_start3A_860 : memref<1x8x512xf32, #tpu.memory_space<vmem>> -> memref<8x512xf32, #tpu.memory_space<vmem>>
      tpu.enqueue_dma source(%dma_start3A_861 : memref<8x512xf32, #tpu.memory_space<vmem>>) target(%dma_start3A_857 : memref<8x512xf32, #tpu.memory_space<hbm>>) target_semaphore(%arg9 : memref<!tpu.dma_semaphore, #tpu.memory_space<semaphore_mem>>)
      %dma_start3A_862 = arith.constant 2 : i32
      %dma_start3A_863 = arith.constant 0 : i32
      %dma_start3A_864 = arith.constant 0 : i32
      %dma_start3A_865 = tpu.memref_slice %arg7[%dma_start3A_862, %dma_start3A_863, %dma_start3A_864] : memref<4x8x512xf32, #tpu.memory_space<vmem>> -> memref<1x8x512xf32, #tpu.memory_space<vmem>>
      %dma_start3A_866 = tpu.memref_squeeze %dma_start3A_865 : memref<1x8x512xf32, #tpu.memory_space<vmem>> -> memref<8x512xf32, #tpu.memory_space<vmem>>
      %dma_start3A_867 = arith.constant 16 : i32
      %dma_start3A_868 = tpu.memref_slice %arg4[%add3A_820, %dma_start3A_867, %mul3A_2] : memref<200x32x16384xf32, #tpu.memory_space<hbm>> -> memref<1x8x512xf32, #tpu.memory_space<hbm>>
      %dma_start3A_869 = tpu.memref_squeeze %dma_start3A_868 : memref<1x8x512xf32, #tpu.memory_space<hbm>> -> memref<8x512xf32, #tpu.memory_space<hbm>>
      %dma_start3A_870 = arith.constant 16 : i32
      %dma_start3A_871 = tpu.memref_slice %arg4[%add3A_820, %dma_start3A_870, %mul3A_2] : memref<200x32x16384xf32, #tpu.memory_space<hbm>> -> memref<1x8x512xf32, #tpu.memory_space<hbm>>
      %dma_start3A_872 = tpu.memref_squeeze %dma_start3A_871 : memref<1x8x512xf32, #tpu.memory_space<hbm>> -> memref<8x512xf32, #tpu.memory_space<hbm>>
      %dma_start3A_873 = arith.constant 0 : i32
      %dma_start3A_874 = arith.constant 0 : i32
      %dma_start3A_875 = tpu.memref_slice %arg7[%dma_start3A_862, %dma_start3A_873, %dma_start3A_874] : memref<4x8x512xf32, #tpu.memory_space<vmem>> -> memref<1x8x512xf32, #tpu.memory_space<vmem>>
      %dma_start3A_876 = tpu.memref_squeeze %dma_start3A_875 : memref<1x8x512xf32, #tpu.memory_space<vmem>> -> memref<8x512xf32, #tpu.memory_space<vmem>>
      tpu.enqueue_dma source(%dma_start3A_876 : memref<8x512xf32, #tpu.memory_space<vmem>>) target(%dma_start3A_872 : memref<8x512xf32, #tpu.memory_space<hbm>>) target_semaphore(%arg9 : memref<!tpu.dma_semaphore, #tpu.memory_space<semaphore_mem>>)
      %dma_start3A_877 = arith.constant 2 : i32
      %dma_start3A_878 = arith.constant 0 : i32
      %dma_start3A_879 = arith.constant 0 : i32
      %dma_start3A_880 = tpu.memref_slice %arg7[%dma_start3A_877, %dma_start3A_878, %dma_start3A_879] : memref<4x8x512xf32, #tpu.memory_space<vmem>> -> memref<1x8x512xf32, #tpu.memory_space<vmem>>
      %dma_start3A_881 = tpu.memref_squeeze %dma_start3A_880 : memref<1x8x512xf32, #tpu.memory_space<vmem>> -> memref<8x512xf32, #tpu.memory_space<vmem>>
      %dma_start3A_882 = arith.constant 24 : i32
      %dma_start3A_883 = tpu.memref_slice %arg4[%add3A_820, %dma_start3A_882, %mul3A_2] : memref<200x32x16384xf32, #tpu.memory_space<hbm>> -> memref<1x8x512xf32, #tpu.memory_space<hbm>>
      %dma_start3A_884 = tpu.memref_squeeze %dma_start3A_883 : memref<1x8x512xf32, #tpu.memory_space<hbm>> -> memref<8x512xf32, #tpu.memory_space<hbm>>
      %dma_start3A_885 = arith.constant 24 : i32
      %dma_start3A_886 = tpu.memref_slice %arg4[%add3A_820, %dma_start3A_885, %mul3A_2] : memref<200x32x16384xf32, #tpu.memory_space<hbm>> -> memref<1x8x512xf32, #tpu.memory_space<hbm>>
      %dma_start3A_887 = tpu.memref_squeeze %dma_start3A_886 : memref<1x8x512xf32, #tpu.memory_space<hbm>> -> memref<8x512xf32, #tpu.memory_space<hbm>>
      %dma_start3A_888 = arith.constant 0 : i32
      %dma_start3A_889 = arith.constant 0 : i32
      %dma_start3A_890 = tpu.memref_slice %arg7[%dma_start3A_877, %dma_start3A_888, %dma_start3A_889] : memref<4x8x512xf32, #tpu.memory_space<vmem>> -> memref<1x8x512xf32, #tpu.memory_space<vmem>>
      %dma_start3A_891 = tpu.memref_squeeze %dma_start3A_890 : memref<1x8x512xf32, #tpu.memory_space<vmem>> -> memref<8x512xf32, #tpu.memory_space<vmem>>
      tpu.enqueue_dma source(%dma_start3A_891 : memref<8x512xf32, #tpu.memory_space<vmem>>) target(%dma_start3A_887 : memref<8x512xf32, #tpu.memory_space<hbm>>) target_semaphore(%arg9 : memref<!tpu.dma_semaphore, #tpu.memory_space<semaphore_mem>>)
      %mul3A_892 = arith.constant 8 : i32
      %mul3A_893 = arith.muli %mul3A_892, %scan3A_348 : i32
      %add3A_894 = arith.constant 7 : i32
      %add3A_895 = arith.addi %mul3A_893, %add3A_894 : i32
      %ge3A_896 = arith.constant 4 : i32
      %ge3A_897 = arith.cmpi sge, %add3A_895, %ge3A_896 : i32
      %convert_element_type3A_898 = arith.extui %ge3A_897 : i1 to i32
      %cond3A_899 = arith.constant 0 : i32
      %cond3A_900 = arith.cmpi ne, %convert_element_type3A_898, %cond3A_899 : i32
      scf.if %cond3A_900 {
        %sub3A = arith.constant 4 : i32
        %sub3A_967 = arith.subi %add3A_895, %sub3A : i32
        %dma_wait3A_968 = arith.constant 3 : i32
        %dma_wait3A_969 = arith.constant 0 : i32
        %dma_wait3A_970 = arith.constant 0 : i32
        %dma_wait3A_971 = tpu.memref_slice %arg7[%dma_wait3A_968, %dma_wait3A_969, %dma_wait3A_970] : memref<4x8x512xf32, #tpu.memory_space<vmem>> -> memref<1x8x512xf32, #tpu.memory_space<vmem>>
        %dma_wait3A_972 = tpu.memref_squeeze %dma_wait3A_971 : memref<1x8x512xf32, #tpu.memory_space<vmem>> -> memref<8x512xf32, #tpu.memory_space<vmem>>
        %dma_wait3A_973 = arith.constant 0 : i32
        %dma_wait3A_974 = tpu.memref_slice %arg4[%sub3A_967, %dma_wait3A_973, %mul3A_2] : memref<200x32x16384xf32, #tpu.memory_space<hbm>> -> memref<1x8x512xf32, #tpu.memory_space<hbm>>
        %dma_wait3A_975 = tpu.memref_squeeze %dma_wait3A_974 : memref<1x8x512xf32, #tpu.memory_space<hbm>> -> memref<8x512xf32, #tpu.memory_space<hbm>>
        %dma_wait3A_976 = arith.constant 0 : i32
        %dma_wait3A_977 = tpu.memref_slice %arg4[%sub3A_967, %dma_wait3A_976, %mul3A_2] : memref<200x32x16384xf32, #tpu.memory_space<hbm>> -> memref<1x8x512xf32, #tpu.memory_space<hbm>>
        %dma_wait3A_978 = tpu.memref_squeeze %dma_wait3A_977 : memref<1x8x512xf32, #tpu.memory_space<hbm>> -> memref<8x512xf32, #tpu.memory_space<hbm>>
        %dma_wait3A_979 = arith.constant 0 : i32
        %dma_wait3A_980 = arith.constant 0 : i32
        %dma_wait3A_981 = tpu.memref_slice %arg7[%dma_wait3A_968, %dma_wait3A_979, %dma_wait3A_980] : memref<4x8x512xf32, #tpu.memory_space<vmem>> -> memref<1x8x512xf32, #tpu.memory_space<vmem>>
        %dma_wait3A_982 = tpu.memref_squeeze %dma_wait3A_981 : memref<1x8x512xf32, #tpu.memory_space<vmem>> -> memref<8x512xf32, #tpu.memory_space<vmem>>
        tpu.wait_dma2 semaphore(%arg9 : memref<!tpu.dma_semaphore, #tpu.memory_space<semaphore_mem>>) src(%dma_wait3A_982 : memref<8x512xf32, #tpu.memory_space<vmem>>) dst(%dma_wait3A_978 : memref<8x512xf32, #tpu.memory_space<hbm>>)
        %sub3A_983 = arith.constant 4 : i32
        %sub3A_984 = arith.subi %add3A_895, %sub3A_983 : i32
        %dma_wait3A_985 = arith.constant 3 : i32
        %dma_wait3A_986 = arith.constant 0 : i32
        %dma_wait3A_987 = arith.constant 0 : i32
        %dma_wait3A_988 = tpu.memref_slice %arg7[%dma_wait3A_985, %dma_wait3A_986, %dma_wait3A_987] : memref<4x8x512xf32, #tpu.memory_space<vmem>> -> memref<1x8x512xf32, #tpu.memory_space<vmem>>
        %dma_wait3A_989 = tpu.memref_squeeze %dma_wait3A_988 : memref<1x8x512xf32, #tpu.memory_space<vmem>> -> memref<8x512xf32, #tpu.memory_space<vmem>>
        %dma_wait3A_990 = arith.constant 8 : i32
        %dma_wait3A_991 = tpu.memref_slice %arg4[%sub3A_984, %dma_wait3A_990, %mul3A_2] : memref<200x32x16384xf32, #tpu.memory_space<hbm>> -> memref<1x8x512xf32, #tpu.memory_space<hbm>>
        %dma_wait3A_992 = tpu.memref_squeeze %dma_wait3A_991 : memref<1x8x512xf32, #tpu.memory_space<hbm>> -> memref<8x512xf32, #tpu.memory_space<hbm>>
        %dma_wait3A_993 = arith.constant 8 : i32
        %dma_wait3A_994 = tpu.memref_slice %arg4[%sub3A_984, %dma_wait3A_993, %mul3A_2] : memref<200x32x16384xf32, #tpu.memory_space<hbm>> -> memref<1x8x512xf32, #tpu.memory_space<hbm>>
        %dma_wait3A_995 = tpu.memref_squeeze %dma_wait3A_994 : memref<1x8x512xf32, #tpu.memory_space<hbm>> -> memref<8x512xf32, #tpu.memory_space<hbm>>
        %dma_wait3A_996 = arith.constant 0 : i32
        %dma_wait3A_997 = arith.constant 0 : i32
        %dma_wait3A_998 = tpu.memref_slice %arg7[%dma_wait3A_985, %dma_wait3A_996, %dma_wait3A_997] : memref<4x8x512xf32, #tpu.memory_space<vmem>> -> memref<1x8x512xf32, #tpu.memory_space<vmem>>
        %dma_wait3A_999 = tpu.memref_squeeze %dma_wait3A_998 : memref<1x8x512xf32, #tpu.memory_space<vmem>> -> memref<8x512xf32, #tpu.memory_space<vmem>>
        tpu.wait_dma2 semaphore(%arg9 : memref<!tpu.dma_semaphore, #tpu.memory_space<semaphore_mem>>) src(%dma_wait3A_999 : memref<8x512xf32, #tpu.memory_space<vmem>>) dst(%dma_wait3A_995 : memref<8x512xf32, #tpu.memory_space<hbm>>)
        %sub3A_1000 = arith.constant 4 : i32
        %sub3A_1001 = arith.subi %add3A_895, %sub3A_1000 : i32
        %dma_wait3A_1002 = arith.constant 3 : i32
        %dma_wait3A_1003 = arith.constant 0 : i32
        %dma_wait3A_1004 = arith.constant 0 : i32
        %dma_wait3A_1005 = tpu.memref_slice %arg7[%dma_wait3A_1002, %dma_wait3A_1003, %dma_wait3A_1004] : memref<4x8x512xf32, #tpu.memory_space<vmem>> -> memref<1x8x512xf32, #tpu.memory_space<vmem>>
        %dma_wait3A_1006 = tpu.memref_squeeze %dma_wait3A_1005 : memref<1x8x512xf32, #tpu.memory_space<vmem>> -> memref<8x512xf32, #tpu.memory_space<vmem>>
        %dma_wait3A_1007 = arith.constant 16 : i32
        %dma_wait3A_1008 = tpu.memref_slice %arg4[%sub3A_1001, %dma_wait3A_1007, %mul3A_2] : memref<200x32x16384xf32, #tpu.memory_space<hbm>> -> memref<1x8x512xf32, #tpu.memory_space<hbm>>
        %dma_wait3A_1009 = tpu.memref_squeeze %dma_wait3A_1008 : memref<1x8x512xf32, #tpu.memory_space<hbm>> -> memref<8x512xf32, #tpu.memory_space<hbm>>
        %dma_wait3A_1010 = arith.constant 16 : i32
        %dma_wait3A_1011 = tpu.memref_slice %arg4[%sub3A_1001, %dma_wait3A_1010, %mul3A_2] : memref<200x32x16384xf32, #tpu.memory_space<hbm>> -> memref<1x8x512xf32, #tpu.memory_space<hbm>>
        %dma_wait3A_1012 = tpu.memref_squeeze %dma_wait3A_1011 : memref<1x8x512xf32, #tpu.memory_space<hbm>> -> memref<8x512xf32, #tpu.memory_space<hbm>>
        %dma_wait3A_1013 = arith.constant 0 : i32
        %dma_wait3A_1014 = arith.constant 0 : i32
        %dma_wait3A_1015 = tpu.memref_slice %arg7[%dma_wait3A_1002, %dma_wait3A_1013, %dma_wait3A_1014] : memref<4x8x512xf32, #tpu.memory_space<vmem>> -> memref<1x8x512xf32, #tpu.memory_space<vmem>>
        %dma_wait3A_1016 = tpu.memref_squeeze %dma_wait3A_1015 : memref<1x8x512xf32, #tpu.memory_space<vmem>> -> memref<8x512xf32, #tpu.memory_space<vmem>>
        tpu.wait_dma2 semaphore(%arg9 : memref<!tpu.dma_semaphore, #tpu.memory_space<semaphore_mem>>) src(%dma_wait3A_1016 : memref<8x512xf32, #tpu.memory_space<vmem>>) dst(%dma_wait3A_1012 : memref<8x512xf32, #tpu.memory_space<hbm>>)
        %sub3A_1017 = arith.constant 4 : i32
        %sub3A_1018 = arith.subi %add3A_895, %sub3A_1017 : i32
        %dma_wait3A_1019 = arith.constant 3 : i32
        %dma_wait3A_1020 = arith.constant 0 : i32
        %dma_wait3A_1021 = arith.constant 0 : i32
        %dma_wait3A_1022 = tpu.memref_slice %arg7[%dma_wait3A_1019, %dma_wait3A_1020, %dma_wait3A_1021] : memref<4x8x512xf32, #tpu.memory_space<vmem>> -> memref<1x8x512xf32, #tpu.memory_space<vmem>>
        %dma_wait3A_1023 = tpu.memref_squeeze %dma_wait3A_1022 : memref<1x8x512xf32, #tpu.memory_space<vmem>> -> memref<8x512xf32, #tpu.memory_space<vmem>>
        %dma_wait3A_1024 = arith.constant 24 : i32
        %dma_wait3A_1025 = tpu.memref_slice %arg4[%sub3A_1018, %dma_wait3A_1024, %mul3A_2] : memref<200x32x16384xf32, #tpu.memory_space<hbm>> -> memref<1x8x512xf32, #tpu.memory_space<hbm>>
        %dma_wait3A_1026 = tpu.memref_squeeze %dma_wait3A_1025 : memref<1x8x512xf32, #tpu.memory_space<hbm>> -> memref<8x512xf32, #tpu.memory_space<hbm>>
        %dma_wait3A_1027 = arith.constant 24 : i32
        %dma_wait3A_1028 = tpu.memref_slice %arg4[%sub3A_1018, %dma_wait3A_1027, %mul3A_2] : memref<200x32x16384xf32, #tpu.memory_space<hbm>> -> memref<1x8x512xf32, #tpu.memory_space<hbm>>
        %dma_wait3A_1029 = tpu.memref_squeeze %dma_wait3A_1028 : memref<1x8x512xf32, #tpu.memory_space<hbm>> -> memref<8x512xf32, #tpu.memory_space<hbm>>
        %dma_wait3A_1030 = arith.constant 0 : i32
        %dma_wait3A_1031 = arith.constant 0 : i32
        %dma_wait3A_1032 = tpu.memref_slice %arg7[%dma_wait3A_1019, %dma_wait3A_1030, %dma_wait3A_1031] : memref<4x8x512xf32, #tpu.memory_space<vmem>> -> memref<1x8x512xf32, #tpu.memory_space<vmem>>
        %dma_wait3A_1033 = tpu.memref_squeeze %dma_wait3A_1032 : memref<1x8x512xf32, #tpu.memory_space<vmem>> -> memref<8x512xf32, #tpu.memory_space<vmem>>
        tpu.wait_dma2 semaphore(%arg9 : memref<!tpu.dma_semaphore, #tpu.memory_space<semaphore_mem>>) src(%dma_wait3A_1033 : memref<8x512xf32, #tpu.memory_space<vmem>>) dst(%dma_wait3A_1029 : memref<8x512xf32, #tpu.memory_space<hbm>>)
      } else {
      }
      %scan3A_901 = arith.constant 0 : i32
      %scan3A_902 = arith.constant 0 : i32
      %scan3A_903 = arith.constant 32 : i32
      %scan3A_904 = arith.addi %scan3A_902, %scan3A_903 : i32
      %scan3A_905 = arith.constant 1 : i32
      scf.for %scan3A_967 = %scan3A_902 to %scan3A_904 step %scan3A_905  : i32 {
        %mul3A_968 = arith.constant 16 : i32
        %mul3A_969 = arith.muli %mul3A_968, %scan3A_967 : i32
        %get3A_970 = arith.constant 7 : i32
        %get3A_971 = arith.index_cast %and3A_350 : i32 to index
        %get3A_972 = arith.index_cast %get3A_970 : i32 to index
        %get3A_973 = arith.index_cast %mul3A_969 : i32 to index
        %get3A_974 = tpu.vector_load %arg6[%get3A_971, %get3A_972, %get3A_973] {strides = array<i32>} : memref<2x8x512xi32, #tpu.memory_space<vmem>>, vector<1x1x16xi32>,
        %get3A_975 = vector.shape_cast %get3A_974 : vector<1x1x16xi32> to vector<16xi32>
        %lt3A_976 = arith.constant 0 : i32
        %lt3A_977 = vector.broadcast %lt3A_976 : i32 to vector<16xi32>
        %lt3A_978 = arith.cmpi slt, %get3A_975, %lt3A_977 : vector<16xi32>
        %add3A_979 = arith.constant 16 : i32
        %add3A_980 = vector.broadcast %add3A_979 : i32 to vector<16xi32>
        %add3A_981 = arith.addi %get3A_975, %add3A_980 : vector<16xi32>
        %select_n3A_982 = arith.select %lt3A_978, %add3A_981, %get3A_975 : vector<16xi1>, vector<16xi32>
        %broadcast_in_dim3A_983 = vector.shape_cast %select_n3A_982 : vector<16xi32> to vector<16x1xi32>
        %gather3A_984 = vector.shape_cast %broadcast_in_dim3A_983 : vector<16x1xi32> to vector<16xi32>
        %gather3A_985 = tpu.dynamic_gather %gather3A_18[%gather3A_984] in [0] : vector<16xf32>, vector<16xi32> -> vector<16xf32>
        %mul3A_986 = arith.constant 16 : i32
        %mul3A_987 = arith.muli %mul3A_986, %scan3A_967 : i32
        %swap3A = arith.constant 3 : i32
        %swap3A_988 = arith.constant 0 : i32
        %swap3A_989 = arith.index_cast %swap3A : i32 to index
        %swap3A_990 = arith.index_cast %swap3A_988 : i32 to index
        %swap3A_991 = arith.index_cast %mul3A_987 : i32 to index
        %swap3A_992 = tpu.vector_load %arg7[%swap3A_989, %swap3A_990, %swap3A_991] {strides = array<i32>} : memref<4x8x512xf32, #tpu.memory_space<vmem>>, vector<1x1x16xf32>,
        %swap3A_993 = vector.shape_cast %swap3A_992 : vector<1x1x16xf32> to vector<16xf32>
        %swap3A_994 = vector.shape_cast %gather3A_985 : vector<16xf32> to vector<1x1x16xf32>
        tpu.vector_store %arg7[%swap3A_989, %swap3A_990, %swap3A_991], %swap3A_994 {strides = array<i32>} : memref<4x8x512xf32, #tpu.memory_space<vmem>>, vector<1x1x16xf32>,
        %mul3A_995 = arith.constant 16 : i32
        %mul3A_996 = arith.muli %mul3A_995, %scan3A_967 : i32
        %swap3A_997 = arith.constant 3 : i32
        %swap3A_998 = arith.constant 4 : i32
        %swap3A_999 = arith.index_cast %swap3A_997 : i32 to index
        %swap3A_1000 = arith.index_cast %swap3A_998 : i32 to index
        %swap3A_1001 = arith.index_cast %mul3A_996 : i32 to index
        %swap3A_1002 = tpu.vector_load %arg7[%swap3A_999, %swap3A_1000, %swap3A_1001] {strides = array<i32>} : memref<4x8x512xf32, #tpu.memory_space<vmem>>, vector<1x1x16xf32>,
        %swap3A_1003 = vector.shape_cast %swap3A_1002 : vector<1x1x16xf32> to vector<16xf32>
        %swap3A_1004 = vector.shape_cast %gather3A_985 : vector<16xf32> to vector<1x1x16xf32>
        tpu.vector_store %arg7[%swap3A_999, %swap3A_1000, %swap3A_1001], %swap3A_1004 {strides = array<i32>} : memref<4x8x512xf32, #tpu.memory_space<vmem>>, vector<1x1x16xf32>,
        %lt3A_1005 = arith.constant 0 : i32
        %lt3A_1006 = vector.broadcast %lt3A_1005 : i32 to vector<16xi32>
        %lt3A_1007 = arith.cmpi slt, %get3A_975, %lt3A_1006 : vector<16xi32>
        %add3A_1008 = arith.constant 16 : i32
        %add3A_1009 = vector.broadcast %add3A_1008 : i32 to vector<16xi32>
        %add3A_1010 = arith.addi %get3A_975, %add3A_1009 : vector<16xi32>
        %select_n3A_1011 = arith.select %lt3A_1007, %add3A_1010, %get3A_975 : vector<16xi1>, vector<16xi32>
        %broadcast_in_dim3A_1012 = vector.shape_cast %select_n3A_1011 : vector<16xi32> to vector<16x1xi32>
        %gather3A_1013 = vector.shape_cast %broadcast_in_dim3A_1012 : vector<16x1xi32> to vector<16xi32>
        %gather3A_1014 = tpu.dynamic_gather %gather3A_37[%gather3A_1013] in [0] : vector<16xf32>, vector<16xi32> -> vector<16xf32>
        %mul3A_1015 = arith.constant 16 : i32
        %mul3A_1016 = arith.muli %mul3A_1015, %scan3A_967 : i32
        %swap3A_1017 = arith.constant 3 : i32
        %swap3A_1018 = arith.constant 1 : i32
        %swap3A_1019 = arith.index_cast %swap3A_1017 : i32 to index
        %swap3A_1020 = arith.index_cast %swap3A_1018 : i32 to index
        %swap3A_1021 = arith.index_cast %mul3A_1016 : i32 to index
        %swap3A_1022 = tpu.vector_load %arg7[%swap3A_1019, %swap3A_1020, %swap3A_1021] {strides = array<i32>} : memref<4x8x512xf32, #tpu.memory_space<vmem>>, vector<1x1x16xf32>,
        %swap3A_1023 = vector.shape_cast %swap3A_1022 : vector<1x1x16xf32> to vector<16xf32>
        %swap3A_1024 = vector.shape_cast %gather3A_1014 : vector<16xf32> to vector<1x1x16xf32>
        tpu.vector_store %arg7[%swap3A_1019, %swap3A_1020, %swap3A_1021], %swap3A_1024 {strides = array<i32>} : memref<4x8x512xf32, #tpu.memory_space<vmem>>, vector<1x1x16xf32>,
        %mul3A_1025 = arith.constant 16 : i32
        %mul3A_1026 = arith.muli %mul3A_1025, %scan3A_967 : i32
        %swap3A_1027 = arith.constant 3 : i32
        %swap3A_1028 = arith.constant 5 : i32
        %swap3A_1029 = arith.index_cast %swap3A_1027 : i32 to index
        %swap3A_1030 = arith.index_cast %swap3A_1028 : i32 to index
        %swap3A_1031 = arith.index_cast %mul3A_1026 : i32 to index
        %swap3A_1032 = tpu.vector_load %arg7[%swap3A_1029, %swap3A_1030, %swap3A_1031] {strides = array<i32>} : memref<4x8x512xf32, #tpu.memory_space<vmem>>, vector<1x1x16xf32>,
        %swap3A_1033 = vector.shape_cast %swap3A_1032 : vector<1x1x16xf32> to vector<16xf32>
        %swap3A_1034 = vector.shape_cast %gather3A_1014 : vector<16xf32> to vector<1x1x16xf32>
        tpu.vector_store %arg7[%swap3A_1029, %swap3A_1030, %swap3A_1031], %swap3A_1034 {strides = array<i32>} : memref<4x8x512xf32, #tpu.memory_space<vmem>>, vector<1x1x16xf32>,
        %lt3A_1035 = arith.constant 0 : i32
        %lt3A_1036 = vector.broadcast %lt3A_1035 : i32 to vector<16xi32>
        %lt3A_1037 = arith.cmpi slt, %get3A_975, %lt3A_1036 : vector<16xi32>
        %add3A_1038 = arith.constant 16 : i32
        %add3A_1039 = vector.broadcast %add3A_1038 : i32 to vector<16xi32>
        %add3A_1040 = arith.addi %get3A_975, %add3A_1039 : vector<16xi32>
        %select_n3A_1041 = arith.select %lt3A_1037, %add3A_1040, %get3A_975 : vector<16xi1>, vector<16xi32>
        %broadcast_in_dim3A_1042 = vector.shape_cast %select_n3A_1041 : vector<16xi32> to vector<16x1xi32>
        %gather3A_1043 = vector.shape_cast %broadcast_in_dim3A_1042 : vector<16x1xi32> to vector<16xi32>
        %gather3A_1044 = tpu.dynamic_gather %gather3A_56[%gather3A_1043] in [0] : vector<16xf32>, vector<16xi32> -> vector<16xf32>
        %mul3A_1045 = arith.constant 16 : i32
        %mul3A_1046 = arith.muli %mul3A_1045, %scan3A_967 : i32
        %swap3A_1047 = arith.constant 3 : i32
        %swap3A_1048 = arith.constant 2 : i32
        %swap3A_1049 = arith.index_cast %swap3A_1047 : i32 to index
        %swap3A_1050 = arith.index_cast %swap3A_1048 : i32 to index
        %swap3A_1051 = arith.index_cast %mul3A_1046 : i32 to index
        %swap3A_1052 = tpu.vector_load %arg7[%swap3A_1049, %swap3A_1050, %swap3A_1051] {strides = array<i32>} : memref<4x8x512xf32, #tpu.memory_space<vmem>>, vector<1x1x16xf32>,
        %swap3A_1053 = vector.shape_cast %swap3A_1052 : vector<1x1x16xf32> to vector<16xf32>
        %swap3A_1054 = vector.shape_cast %gather3A_1044 : vector<16xf32> to vector<1x1x16xf32>
        tpu.vector_store %arg7[%swap3A_1049, %swap3A_1050, %swap3A_1051], %swap3A_1054 {strides = array<i32>} : memref<4x8x512xf32, #tpu.memory_space<vmem>>, vector<1x1x16xf32>,
        %mul3A_1055 = arith.constant 16 : i32
        %mul3A_1056 = arith.muli %mul3A_1055, %scan3A_967 : i32
        %swap3A_1057 = arith.constant 3 : i32
        %swap3A_1058 = arith.constant 6 : i32
        %swap3A_1059 = arith.index_cast %swap3A_1057 : i32 to index
        %swap3A_1060 = arith.index_cast %swap3A_1058 : i32 to index
        %swap3A_1061 = arith.index_cast %mul3A_1056 : i32 to index
        %swap3A_1062 = tpu.vector_load %arg7[%swap3A_1059, %swap3A_1060, %swap3A_1061] {strides = array<i32>} : memref<4x8x512xf32, #tpu.memory_space<vmem>>, vector<1x1x16xf32>,
        %swap3A_1063 = vector.shape_cast %swap3A_1062 : vector<1x1x16xf32> to vector<16xf32>
        %swap3A_1064 = vector.shape_cast %gather3A_1044 : vector<16xf32> to vector<1x1x16xf32>
        tpu.vector_store %arg7[%swap3A_1059, %swap3A_1060, %swap3A_1061], %swap3A_1064 {strides = array<i32>} : memref<4x8x512xf32, #tpu.memory_space<vmem>>, vector<1x1x16xf32>,
        %lt3A_1065 = arith.constant 0 : i32
        %lt3A_1066 = vector.broadcast %lt3A_1065 : i32 to vector<16xi32>
        %lt3A_1067 = arith.cmpi slt, %get3A_975, %lt3A_1066 : vector<16xi32>
        %add3A_1068 = arith.constant 16 : i32
        %add3A_1069 = vector.broadcast %add3A_1068 : i32 to vector<16xi32>
        %add3A_1070 = arith.addi %get3A_975, %add3A_1069 : vector<16xi32>
        %select_n3A_1071 = arith.select %lt3A_1067, %add3A_1070, %get3A_975 : vector<16xi1>, vector<16xi32>
        %broadcast_in_dim3A_1072 = vector.shape_cast %select_n3A_1071 : vector<16xi32> to vector<16x1xi32>
        %gather3A_1073 = vector.shape_cast %broadcast_in_dim3A_1072 : vector<16x1xi32> to vector<16xi32>
        %gather3A_1074 = tpu.dynamic_gather %gather3A_75[%gather3A_1073] in [0] : vector<16xf32>, vector<16xi32> -> vector<16xf32>
        %mul3A_1075 = arith.constant 16 : i32
        %mul3A_1076 = arith.muli %mul3A_1075, %scan3A_967 : i32
        %swap3A_1077 = arith.constant 3 : i32
        %swap3A_1078 = arith.constant 3 : i32
        %swap3A_1079 = arith.index_cast %swap3A_1077 : i32 to index
        %swap3A_1080 = arith.index_cast %swap3A_1078 : i32 to index
        %swap3A_1081 = arith.index_cast %mul3A_1076 : i32 to index
        %swap3A_1082 = tpu.vector_load %arg7[%swap3A_1079, %swap3A_1080, %swap3A_1081] {strides = array<i32>} : memref<4x8x512xf32, #tpu.memory_space<vmem>>, vector<1x1x16xf32>,
        %swap3A_1083 = vector.shape_cast %swap3A_1082 : vector<1x1x16xf32> to vector<16xf32>
        %swap3A_1084 = vector.shape_cast %gather3A_1074 : vector<16xf32> to vector<1x1x16xf32>
        tpu.vector_store %arg7[%swap3A_1079, %swap3A_1080, %swap3A_1081], %swap3A_1084 {strides = array<i32>} : memref<4x8x512xf32, #tpu.memory_space<vmem>>, vector<1x1x16xf32>,
        %mul3A_1085 = arith.constant 16 : i32
        %mul3A_1086 = arith.muli %mul3A_1085, %scan3A_967 : i32
        %swap3A_1087 = arith.constant 3 : i32
        %swap3A_1088 = arith.constant 7 : i32
        %swap3A_1089 = arith.index_cast %swap3A_1087 : i32 to index
        %swap3A_1090 = arith.index_cast %swap3A_1088 : i32 to index
        %swap3A_1091 = arith.index_cast %mul3A_1086 : i32 to index
        %swap3A_1092 = tpu.vector_load %arg7[%swap3A_1089, %swap3A_1090, %swap3A_1091] {strides = array<i32>} : memref<4x8x512xf32, #tpu.memory_space<vmem>>, vector<1x1x16xf32>,
        %swap3A_1093 = vector.shape_cast %swap3A_1092 : vector<1x1x16xf32> to vector<16xf32>
        %swap3A_1094 = vector.shape_cast %gather3A_1074 : vector<16xf32> to vector<1x1x16xf32>
        tpu.vector_store %arg7[%swap3A_1089, %swap3A_1090, %swap3A_1091], %swap3A_1094 {strides = array<i32>} : memref<4x8x512xf32, #tpu.memory_space<vmem>>, vector<1x1x16xf32>,
      }
      %scan3A_906 = arith.constant 32 : i32
      %dma_start3A_907 = arith.constant 3 : i32
      %dma_start3A_908 = arith.constant 0 : i32
      %dma_start3A_909 = arith.constant 0 : i32
      %dma_start3A_910 = tpu.memref_slice %arg7[%dma_start3A_907, %dma_start3A_908, %dma_start3A_909] : memref<4x8x512xf32, #tpu.memory_space<vmem>> -> memref<1x8x512xf32, #tpu.memory_space<vmem>>
      %dma_start3A_911 = tpu.memref_squeeze %dma_start3A_910 : memref<1x8x512xf32, #tpu.memory_space<vmem>> -> memref<8x512xf32, #tpu.memory_space<vmem>>
      %dma_start3A_912 = arith.constant 0 : i32
      %dma_start3A_913 = tpu.memref_slice %arg4[%add3A_895, %dma_start3A_912, %mul3A_2] : memref<200x32x16384xf32, #tpu.memory_space<hbm>> -> memref<1x8x512xf32, #tpu.memory_space<hbm>>
      %dma_start3A_914 = tpu.memref_squeeze %dma_start3A_913 : memref<1x8x512xf32, #tpu.memory_space<hbm>> -> memref<8x512xf32, #tpu.memory_space<hbm>>
      %dma_start3A_915 = arith.constant 0 : i32
      %dma_start3A_916 = tpu.memref_slice %arg4[%add3A_895, %dma_start3A_915, %mul3A_2] : memref<200x32x16384xf32, #tpu.memory_space<hbm>> -> memref<1x8x512xf32, #tpu.memory_space<hbm>>
      %dma_start3A_917 = tpu.memref_squeeze %dma_start3A_916 : memref<1x8x512xf32, #tpu.memory_space<hbm>> -> memref<8x512xf32, #tpu.memory_space<hbm>>
      %dma_start3A_918 = arith.constant 0 : i32
      %dma_start3A_919 = arith.constant 0 : i32
      %dma_start3A_920 = tpu.memref_slice %arg7[%dma_start3A_907, %dma_start3A_918, %dma_start3A_919] : memref<4x8x512xf32, #tpu.memory_space<vmem>> -> memref<1x8x512xf32, #tpu.memory_space<vmem>>
      %dma_start3A_921 = tpu.memref_squeeze %dma_start3A_920 : memref<1x8x512xf32, #tpu.memory_space<vmem>> -> memref<8x512xf32, #tpu.memory_space<vmem>>
      tpu.enqueue_dma source(%dma_start3A_921 : memref<8x512xf32, #tpu.memory_space<vmem>>) target(%dma_start3A_917 : memref<8x512xf32, #tpu.memory_space<hbm>>) target_semaphore(%arg9 : memref<!tpu.dma_semaphore, #tpu.memory_space<semaphore_mem>>)
      %dma_start3A_922 = arith.constant 3 : i32
      %dma_start3A_923 = arith.constant 0 : i32
      %dma_start3A_924 = arith.constant 0 : i32
      %dma_start3A_925 = tpu.memref_slice %arg7[%dma_start3A_922, %dma_start3A_923, %dma_start3A_924] : memref<4x8x512xf32, #tpu.memory_space<vmem>> -> memref<1x8x512xf32, #tpu.memory_space<vmem>>
      %dma_start3A_926 = tpu.memref_squeeze %dma_start3A_925 : memref<1x8x512xf32, #tpu.memory_space<vmem>> -> memref<8x512xf32, #tpu.memory_space<vmem>>
      %dma_start3A_927 = arith.constant 8 : i32
      %dma_start3A_928 = tpu.memref_slice %arg4[%add3A_895, %dma_start3A_927, %mul3A_2] : memref<200x32x16384xf32, #tpu.memory_space<hbm>> -> memref<1x8x512xf32, #tpu.memory_space<hbm>>
      %dma_start3A_929 = tpu.memref_squeeze %dma_start3A_928 : memref<1x8x512xf32, #tpu.memory_space<hbm>> -> memref<8x512xf32, #tpu.memory_space<hbm>>
      %dma_start3A_930 = arith.constant 8 : i32
      %dma_start3A_931 = tpu.memref_slice %arg4[%add3A_895, %dma_start3A_930, %mul3A_2] : memref<200x32x16384xf32, #tpu.memory_space<hbm>> -> memref<1x8x512xf32, #tpu.memory_space<hbm>>
      %dma_start3A_932 = tpu.memref_squeeze %dma_start3A_931 : memref<1x8x512xf32, #tpu.memory_space<hbm>> -> memref<8x512xf32, #tpu.memory_space<hbm>>
      %dma_start3A_933 = arith.constant 0 : i32
      %dma_start3A_934 = arith.constant 0 : i32
      %dma_start3A_935 = tpu.memref_slice %arg7[%dma_start3A_922, %dma_start3A_933, %dma_start3A_934] : memref<4x8x512xf32, #tpu.memory_space<vmem>> -> memref<1x8x512xf32, #tpu.memory_space<vmem>>
      %dma_start3A_936 = tpu.memref_squeeze %dma_start3A_935 : memref<1x8x512xf32, #tpu.memory_space<vmem>> -> memref<8x512xf32, #tpu.memory_space<vmem>>
      tpu.enqueue_dma source(%dma_start3A_936 : memref<8x512xf32, #tpu.memory_space<vmem>>) target(%dma_start3A_932 : memref<8x512xf32, #tpu.memory_space<hbm>>) target_semaphore(%arg9 : memref<!tpu.dma_semaphore, #tpu.memory_space<semaphore_mem>>)
      %dma_start3A_937 = arith.constant 3 : i32
      %dma_start3A_938 = arith.constant 0 : i32
      %dma_start3A_939 = arith.constant 0 : i32
      %dma_start3A_940 = tpu.memref_slice %arg7[%dma_start3A_937, %dma_start3A_938, %dma_start3A_939] : memref<4x8x512xf32, #tpu.memory_space<vmem>> -> memref<1x8x512xf32, #tpu.memory_space<vmem>>
      %dma_start3A_941 = tpu.memref_squeeze %dma_start3A_940 : memref<1x8x512xf32, #tpu.memory_space<vmem>> -> memref<8x512xf32, #tpu.memory_space<vmem>>
      %dma_start3A_942 = arith.constant 16 : i32
      %dma_start3A_943 = tpu.memref_slice %arg4[%add3A_895, %dma_start3A_942, %mul3A_2] : memref<200x32x16384xf32, #tpu.memory_space<hbm>> -> memref<1x8x512xf32, #tpu.memory_space<hbm>>
      %dma_start3A_944 = tpu.memref_squeeze %dma_start3A_943 : memref<1x8x512xf32, #tpu.memory_space<hbm>> -> memref<8x512xf32, #tpu.memory_space<hbm>>
      %dma_start3A_945 = arith.constant 16 : i32
      %dma_start3A_946 = tpu.memref_slice %arg4[%add3A_895, %dma_start3A_945, %mul3A_2] : memref<200x32x16384xf32, #tpu.memory_space<hbm>> -> memref<1x8x512xf32, #tpu.memory_space<hbm>>
      %dma_start3A_947 = tpu.memref_squeeze %dma_start3A_946 : memref<1x8x512xf32, #tpu.memory_space<hbm>> -> memref<8x512xf32, #tpu.memory_space<hbm>>
      %dma_start3A_948 = arith.constant 0 : i32
      %dma_start3A_949 = arith.constant 0 : i32
      %dma_start3A_950 = tpu.memref_slice %arg7[%dma_start3A_937, %dma_start3A_948, %dma_start3A_949] : memref<4x8x512xf32, #tpu.memory_space<vmem>> -> memref<1x8x512xf32, #tpu.memory_space<vmem>>
      %dma_start3A_951 = tpu.memref_squeeze %dma_start3A_950 : memref<1x8x512xf32, #tpu.memory_space<vmem>> -> memref<8x512xf32, #tpu.memory_space<vmem>>
      tpu.enqueue_dma source(%dma_start3A_951 : memref<8x512xf32, #tpu.memory_space<vmem>>) target(%dma_start3A_947 : memref<8x512xf32, #tpu.memory_space<hbm>>) target_semaphore(%arg9 : memref<!tpu.dma_semaphore, #tpu.memory_space<semaphore_mem>>)
      %dma_start3A_952 = arith.constant 3 : i32
      %dma_start3A_953 = arith.constant 0 : i32
      %dma_start3A_954 = arith.constant 0 : i32
      %dma_start3A_955 = tpu.memref_slice %arg7[%dma_start3A_952, %dma_start3A_953, %dma_start3A_954] : memref<4x8x512xf32, #tpu.memory_space<vmem>> -> memref<1x8x512xf32, #tpu.memory_space<vmem>>
      %dma_start3A_956 = tpu.memref_squeeze %dma_start3A_955 : memref<1x8x512xf32, #tpu.memory_space<vmem>> -> memref<8x512xf32, #tpu.memory_space<vmem>>
      %dma_start3A_957 = arith.constant 24 : i32
      %dma_start3A_958 = tpu.memref_slice %arg4[%add3A_895, %dma_start3A_957, %mul3A_2] : memref<200x32x16384xf32, #tpu.memory_space<hbm>> -> memref<1x8x512xf32, #tpu.memory_space<hbm>>
      %dma_start3A_959 = tpu.memref_squeeze %dma_start3A_958 : memref<1x8x512xf32, #tpu.memory_space<hbm>> -> memref<8x512xf32, #tpu.memory_space<hbm>>
      %dma_start3A_960 = arith.constant 24 : i32
      %dma_start3A_961 = tpu.memref_slice %arg4[%add3A_895, %dma_start3A_960, %mul3A_2] : memref<200x32x16384xf32, #tpu.memory_space<hbm>> -> memref<1x8x512xf32, #tpu.memory_space<hbm>>
      %dma_start3A_962 = tpu.memref_squeeze %dma_start3A_961 : memref<1x8x512xf32, #tpu.memory_space<hbm>> -> memref<8x512xf32, #tpu.memory_space<hbm>>
      %dma_start3A_963 = arith.constant 0 : i32
      %dma_start3A_964 = arith.constant 0 : i32
      %dma_start3A_965 = tpu.memref_slice %arg7[%dma_start3A_952, %dma_start3A_963, %dma_start3A_964] : memref<4x8x512xf32, #tpu.memory_space<vmem>> -> memref<1x8x512xf32, #tpu.memory_space<vmem>>
      %dma_start3A_966 = tpu.memref_squeeze %dma_start3A_965 : memref<1x8x512xf32, #tpu.memory_space<vmem>> -> memref<8x512xf32, #tpu.memory_space<vmem>>
      tpu.enqueue_dma source(%dma_start3A_966 : memref<8x512xf32, #tpu.memory_space<vmem>>) target(%dma_start3A_962 : memref<8x512xf32, #tpu.memory_space<hbm>>) target_semaphore(%arg9 : memref<!tpu.dma_semaphore, #tpu.memory_space<semaphore_mem>>)
    }
    %scan3A_92 = arith.constant 25 : i32
    %dma_wait3A = arith.constant 0 : i32
    %dma_wait3A_93 = arith.constant 196 : i32
    %dma_wait3A_94 = arith.constant 0 : i32
    %dma_wait3A_95 = arith.constant 0 : i32
    %dma_wait3A_96 = tpu.memref_slice %arg7[%dma_wait3A, %dma_wait3A_94, %dma_wait3A_95] : memref<4x8x512xf32, #tpu.memory_space<vmem>> -> memref<1x8x512xf32, #tpu.memory_space<vmem>>
    %dma_wait3A_97 = tpu.memref_squeeze %dma_wait3A_96 : memref<1x8x512xf32, #tpu.memory_space<vmem>> -> memref<8x512xf32, #tpu.memory_space<vmem>>
    %dma_wait3A_98 = arith.constant 0 : i32
    %dma_wait3A_99 = tpu.memref_slice %arg4[%dma_wait3A_93, %dma_wait3A_98, %mul3A_2] : memref<200x32x16384xf32, #tpu.memory_space<hbm>> -> memref<1x8x512xf32, #tpu.memory_space<hbm>>
    %dma_wait3A_100 = tpu.memref_squeeze %dma_wait3A_99 : memref<1x8x512xf32, #tpu.memory_space<hbm>> -> memref<8x512xf32, #tpu.memory_space<hbm>>
    %dma_wait3A_101 = arith.constant 0 : i32
    %dma_wait3A_102 = tpu.memref_slice %arg4[%dma_wait3A_93, %dma_wait3A_101, %mul3A_2] : memref<200x32x16384xf32, #tpu.memory_space<hbm>> -> memref<1x8x512xf32, #tpu.memory_space<hbm>>
    %dma_wait3A_103 = tpu.memref_squeeze %dma_wait3A_102 : memref<1x8x512xf32, #tpu.memory_space<hbm>> -> memref<8x512xf32, #tpu.memory_space<hbm>>
    %dma_wait3A_104 = arith.constant 0 : i32
    %dma_wait3A_105 = arith.constant 0 : i32
    %dma_wait3A_106 = tpu.memref_slice %arg7[%dma_wait3A, %dma_wait3A_104, %dma_wait3A_105] : memref<4x8x512xf32, #tpu.memory_space<vmem>> -> memref<1x8x512xf32, #tpu.memory_space<vmem>>
    %dma_wait3A_107 = tpu.memref_squeeze %dma_wait3A_106 : memref<1x8x512xf32, #tpu.memory_space<vmem>> -> memref<8x512xf32, #tpu.memory_space<vmem>>
    tpu.wait_dma2 semaphore(%arg9 : memref<!tpu.dma_semaphore, #tpu.memory_space<semaphore_mem>>) src(%dma_wait3A_107 : memref<8x512xf32, #tpu.memory_space<vmem>>) dst(%dma_wait3A_103 : memref<8x512xf32, #tpu.memory_space<hbm>>)
    %dma_wait3A_108 = arith.constant 0 : i32
    %dma_wait3A_109 = arith.constant 196 : i32
    %dma_wait3A_110 = arith.constant 0 : i32
    %dma_wait3A_111 = arith.constant 0 : i32
    %dma_wait3A_112 = tpu.memref_slice %arg7[%dma_wait3A_108, %dma_wait3A_110, %dma_wait3A_111] : memref<4x8x512xf32, #tpu.memory_space<vmem>> -> memref<1x8x512xf32, #tpu.memory_space<vmem>>
    %dma_wait3A_113 = tpu.memref_squeeze %dma_wait3A_112 : memref<1x8x512xf32, #tpu.memory_space<vmem>> -> memref<8x512xf32, #tpu.memory_space<vmem>>
    %dma_wait3A_114 = arith.constant 8 : i32
    %dma_wait3A_115 = tpu.memref_slice %arg4[%dma_wait3A_109, %dma_wait3A_114, %mul3A_2] : memref<200x32x16384xf32, #tpu.memory_space<hbm>> -> memref<1x8x512xf32, #tpu.memory_space<hbm>>
    %dma_wait3A_116 = tpu.memref_squeeze %dma_wait3A_115 : memref<1x8x512xf32, #tpu.memory_space<hbm>> -> memref<8x512xf32, #tpu.memory_space<hbm>>
    %dma_wait3A_117 = arith.constant 8 : i32
    %dma_wait3A_118 = tpu.memref_slice %arg4[%dma_wait3A_109, %dma_wait3A_117, %mul3A_2] : memref<200x32x16384xf32, #tpu.memory_space<hbm>> -> memref<1x8x512xf32, #tpu.memory_space<hbm>>
    %dma_wait3A_119 = tpu.memref_squeeze %dma_wait3A_118 : memref<1x8x512xf32, #tpu.memory_space<hbm>> -> memref<8x512xf32, #tpu.memory_space<hbm>>
    %dma_wait3A_120 = arith.constant 0 : i32
    %dma_wait3A_121 = arith.constant 0 : i32
    %dma_wait3A_122 = tpu.memref_slice %arg7[%dma_wait3A_108, %dma_wait3A_120, %dma_wait3A_121] : memref<4x8x512xf32, #tpu.memory_space<vmem>> -> memref<1x8x512xf32, #tpu.memory_space<vmem>>
    %dma_wait3A_123 = tpu.memref_squeeze %dma_wait3A_122 : memref<1x8x512xf32, #tpu.memory_space<vmem>> -> memref<8x512xf32, #tpu.memory_space<vmem>>
    tpu.wait_dma2 semaphore(%arg9 : memref<!tpu.dma_semaphore, #tpu.memory_space<semaphore_mem>>) src(%dma_wait3A_123 : memref<8x512xf32, #tpu.memory_space<vmem>>) dst(%dma_wait3A_119 : memref<8x512xf32, #tpu.memory_space<hbm>>)
    %dma_wait3A_124 = arith.constant 0 : i32
    %dma_wait3A_125 = arith.constant 196 : i32
    %dma_wait3A_126 = arith.constant 0 : i32
    %dma_wait3A_127 = arith.constant 0 : i32
    %dma_wait3A_128 = tpu.memref_slice %arg7[%dma_wait3A_124, %dma_wait3A_126, %dma_wait3A_127] : memref<4x8x512xf32, #tpu.memory_space<vmem>> -> memref<1x8x512xf32, #tpu.memory_space<vmem>>
    %dma_wait3A_129 = tpu.memref_squeeze %dma_wait3A_128 : memref<1x8x512xf32, #tpu.memory_space<vmem>> -> memref<8x512xf32, #tpu.memory_space<vmem>>
    %dma_wait3A_130 = arith.constant 16 : i32
    %dma_wait3A_131 = tpu.memref_slice %arg4[%dma_wait3A_125, %dma_wait3A_130, %mul3A_2] : memref<200x32x16384xf32, #tpu.memory_space<hbm>> -> memref<1x8x512xf32, #tpu.memory_space<hbm>>
    %dma_wait3A_132 = tpu.memref_squeeze %dma_wait3A_131 : memref<1x8x512xf32, #tpu.memory_space<hbm>> -> memref<8x512xf32, #tpu.memory_space<hbm>>
    %dma_wait3A_133 = arith.constant 16 : i32
    %dma_wait3A_134 = tpu.memref_slice %arg4[%dma_wait3A_125, %dma_wait3A_133, %mul3A_2] : memref<200x32x16384xf32, #tpu.memory_space<hbm>> -> memref<1x8x512xf32, #tpu.memory_space<hbm>>
    %dma_wait3A_135 = tpu.memref_squeeze %dma_wait3A_134 : memref<1x8x512xf32, #tpu.memory_space<hbm>> -> memref<8x512xf32, #tpu.memory_space<hbm>>
    %dma_wait3A_136 = arith.constant 0 : i32
    %dma_wait3A_137 = arith.constant 0 : i32
    %dma_wait3A_138 = tpu.memref_slice %arg7[%dma_wait3A_124, %dma_wait3A_136, %dma_wait3A_137] : memref<4x8x512xf32, #tpu.memory_space<vmem>> -> memref<1x8x512xf32, #tpu.memory_space<vmem>>
    %dma_wait3A_139 = tpu.memref_squeeze %dma_wait3A_138 : memref<1x8x512xf32, #tpu.memory_space<vmem>> -> memref<8x512xf32, #tpu.memory_space<vmem>>
    tpu.wait_dma2 semaphore(%arg9 : memref<!tpu.dma_semaphore, #tpu.memory_space<semaphore_mem>>) src(%dma_wait3A_139 : memref<8x512xf32, #tpu.memory_space<vmem>>) dst(%dma_wait3A_135 : memref<8x512xf32, #tpu.memory_space<hbm>>)
    %dma_wait3A_140 = arith.constant 0 : i32
    %dma_wait3A_141 = arith.constant 196 : i32
    %dma_wait3A_142 = arith.constant 0 : i32
    %dma_wait3A_143 = arith.constant 0 : i32
    %dma_wait3A_144 = tpu.memref_slice %arg7[%dma_wait3A_140, %dma_wait3A_142, %dma_wait3A_143] : memref<4x8x512xf32, #tpu.memory_space<vmem>> -> memref<1x8x512xf32, #tpu.memory_space<vmem>>
    %dma_wait3A_145 = tpu.memref_squeeze %dma_wait3A_144 : memref<1x8x512xf32, #tpu.memory_space<vmem>> -> memref<8x512xf32, #tpu.memory_space<vmem>>
    %dma_wait3A_146 = arith.constant 24 : i32
    %dma_wait3A_147 = tpu.memref_slice %arg4[%dma_wait3A_141, %dma_wait3A_146, %mul3A_2] : memref<200x32x16384xf32, #tpu.memory_space<hbm>> -> memref<1x8x512xf32, #tpu.memory_space<hbm>>
    %dma_wait3A_148 = tpu.memref_squeeze %dma_wait3A_147 : memref<1x8x512xf32, #tpu.memory_space<hbm>> -> memref<8x512xf32, #tpu.memory_space<hbm>>
    %dma_wait3A_149 = arith.constant 24 : i32
    %dma_wait3A_150 = tpu.memref_slice %arg4[%dma_wait3A_141, %dma_wait3A_149, %mul3A_2] : memref<200x32x16384xf32, #tpu.memory_space<hbm>> -> memref<1x8x512xf32, #tpu.memory_space<hbm>>
    %dma_wait3A_151 = tpu.memref_squeeze %dma_wait3A_150 : memref<1x8x512xf32, #tpu.memory_space<hbm>> -> memref<8x512xf32, #tpu.memory_space<hbm>>
    %dma_wait3A_152 = arith.constant 0 : i32
    %dma_wait3A_153 = arith.constant 0 : i32
    %dma_wait3A_154 = tpu.memref_slice %arg7[%dma_wait3A_140, %dma_wait3A_152, %dma_wait3A_153] : memref<4x8x512xf32, #tpu.memory_space<vmem>> -> memref<1x8x512xf32, #tpu.memory_space<vmem>>
    %dma_wait3A_155 = tpu.memref_squeeze %dma_wait3A_154 : memref<1x8x512xf32, #tpu.memory_space<vmem>> -> memref<8x512xf32, #tpu.memory_space<vmem>>
    tpu.wait_dma2 semaphore(%arg9 : memref<!tpu.dma_semaphore, #tpu.memory_space<semaphore_mem>>) src(%dma_wait3A_155 : memref<8x512xf32, #tpu.memory_space<vmem>>) dst(%dma_wait3A_151 : memref<8x512xf32, #tpu.memory_space<hbm>>)
    %dma_wait3A_156 = arith.constant 1 : i32
    %dma_wait3A_157 = arith.constant 197 : i32
    %dma_wait3A_158 = arith.constant 0 : i32
    %dma_wait3A_159 = arith.constant 0 : i32
    %dma_wait3A_160 = tpu.memref_slice %arg7[%dma_wait3A_156, %dma_wait3A_158, %dma_wait3A_159] : memref<4x8x512xf32, #tpu.memory_space<vmem>> -> memref<1x8x512xf32, #tpu.memory_space<vmem>>
    %dma_wait3A_161 = tpu.memref_squeeze %dma_wait3A_160 : memref<1x8x512xf32, #tpu.memory_space<vmem>> -> memref<8x512xf32, #tpu.memory_space<vmem>>
    %dma_wait3A_162 = arith.constant 0 : i32
    %dma_wait3A_163 = tpu.memref_slice %arg4[%dma_wait3A_157, %dma_wait3A_162, %mul3A_2] : memref<200x32x16384xf32, #tpu.memory_space<hbm>> -> memref<1x8x512xf32, #tpu.memory_space<hbm>>
    %dma_wait3A_164 = tpu.memref_squeeze %dma_wait3A_163 : memref<1x8x512xf32, #tpu.memory_space<hbm>> -> memref<8x512xf32, #tpu.memory_space<hbm>>
    %dma_wait3A_165 = arith.constant 0 : i32
    %dma_wait3A_166 = tpu.memref_slice %arg4[%dma_wait3A_157, %dma_wait3A_165, %mul3A_2] : memref<200x32x16384xf32, #tpu.memory_space<hbm>> -> memref<1x8x512xf32, #tpu.memory_space<hbm>>
    %dma_wait3A_167 = tpu.memref_squeeze %dma_wait3A_166 : memref<1x8x512xf32, #tpu.memory_space<hbm>> -> memref<8x512xf32, #tpu.memory_space<hbm>>
    %dma_wait3A_168 = arith.constant 0 : i32
    %dma_wait3A_169 = arith.constant 0 : i32
    %dma_wait3A_170 = tpu.memref_slice %arg7[%dma_wait3A_156, %dma_wait3A_168, %dma_wait3A_169] : memref<4x8x512xf32, #tpu.memory_space<vmem>> -> memref<1x8x512xf32, #tpu.memory_space<vmem>>
    %dma_wait3A_171 = tpu.memref_squeeze %dma_wait3A_170 : memref<1x8x512xf32, #tpu.memory_space<vmem>> -> memref<8x512xf32, #tpu.memory_space<vmem>>
    tpu.wait_dma2 semaphore(%arg9 : memref<!tpu.dma_semaphore, #tpu.memory_space<semaphore_mem>>) src(%dma_wait3A_171 : memref<8x512xf32, #tpu.memory_space<vmem>>) dst(%dma_wait3A_167 : memref<8x512xf32, #tpu.memory_space<hbm>>)
    %dma_wait3A_172 = arith.constant 1 : i32
    %dma_wait3A_173 = arith.constant 197 : i32
    %dma_wait3A_174 = arith.constant 0 : i32
    %dma_wait3A_175 = arith.constant 0 : i32
    %dma_wait3A_176 = tpu.memref_slice %arg7[%dma_wait3A_172, %dma_wait3A_174, %dma_wait3A_175] : memref<4x8x512xf32, #tpu.memory_space<vmem>> -> memref<1x8x512xf32, #tpu.memory_space<vmem>>
    %dma_wait3A_177 = tpu.memref_squeeze %dma_wait3A_176 : memref<1x8x512xf32, #tpu.memory_space<vmem>> -> memref<8x512xf32, #tpu.memory_space<vmem>>
    %dma_wait3A_178 = arith.constant 8 : i32
    %dma_wait3A_179 = tpu.memref_slice %arg4[%dma_wait3A_173, %dma_wait3A_178, %mul3A_2] : memref<200x32x16384xf32, #tpu.memory_space<hbm>> -> memref<1x8x512xf32, #tpu.memory_space<hbm>>
    %dma_wait3A_180 = tpu.memref_squeeze %dma_wait3A_179 : memref<1x8x512xf32, #tpu.memory_space<hbm>> -> memref<8x512xf32, #tpu.memory_space<hbm>>
    %dma_wait3A_181 = arith.constant 8 : i32
    %dma_wait3A_182 = tpu.memref_slice %arg4[%dma_wait3A_173, %dma_wait3A_181, %mul3A_2] : memref<200x32x16384xf32, #tpu.memory_space<hbm>> -> memref<1x8x512xf32, #tpu.memory_space<hbm>>
    %dma_wait3A_183 = tpu.memref_squeeze %dma_wait3A_182 : memref<1x8x512xf32, #tpu.memory_space<hbm>> -> memref<8x512xf32, #tpu.memory_space<hbm>>
    %dma_wait3A_184 = arith.constant 0 : i32
    %dma_wait3A_185 = arith.constant 0 : i32
    %dma_wait3A_186 = tpu.memref_slice %arg7[%dma_wait3A_172, %dma_wait3A_184, %dma_wait3A_185] : memref<4x8x512xf32, #tpu.memory_space<vmem>> -> memref<1x8x512xf32, #tpu.memory_space<vmem>>
    %dma_wait3A_187 = tpu.memref_squeeze %dma_wait3A_186 : memref<1x8x512xf32, #tpu.memory_space<vmem>> -> memref<8x512xf32, #tpu.memory_space<vmem>>
    tpu.wait_dma2 semaphore(%arg9 : memref<!tpu.dma_semaphore, #tpu.memory_space<semaphore_mem>>) src(%dma_wait3A_187 : memref<8x512xf32, #tpu.memory_space<vmem>>) dst(%dma_wait3A_183 : memref<8x512xf32, #tpu.memory_space<hbm>>)
    %dma_wait3A_188 = arith.constant 1 : i32
    %dma_wait3A_189 = arith.constant 197 : i32
    %dma_wait3A_190 = arith.constant 0 : i32
    %dma_wait3A_191 = arith.constant 0 : i32
    %dma_wait3A_192 = tpu.memref_slice %arg7[%dma_wait3A_188, %dma_wait3A_190, %dma_wait3A_191] : memref<4x8x512xf32, #tpu.memory_space<vmem>> -> memref<1x8x512xf32, #tpu.memory_space<vmem>>
    %dma_wait3A_193 = tpu.memref_squeeze %dma_wait3A_192 : memref<1x8x512xf32, #tpu.memory_space<vmem>> -> memref<8x512xf32, #tpu.memory_space<vmem>>
    %dma_wait3A_194 = arith.constant 16 : i32
    %dma_wait3A_195 = tpu.memref_slice %arg4[%dma_wait3A_189, %dma_wait3A_194, %mul3A_2] : memref<200x32x16384xf32, #tpu.memory_space<hbm>> -> memref<1x8x512xf32, #tpu.memory_space<hbm>>
    %dma_wait3A_196 = tpu.memref_squeeze %dma_wait3A_195 : memref<1x8x512xf32, #tpu.memory_space<hbm>> -> memref<8x512xf32, #tpu.memory_space<hbm>>
    %dma_wait3A_197 = arith.constant 16 : i32
    %dma_wait3A_198 = tpu.memref_slice %arg4[%dma_wait3A_189, %dma_wait3A_197, %mul3A_2] : memref<200x32x16384xf32, #tpu.memory_space<hbm>> -> memref<1x8x512xf32, #tpu.memory_space<hbm>>
    %dma_wait3A_199 = tpu.memref_squeeze %dma_wait3A_198 : memref<1x8x512xf32, #tpu.memory_space<hbm>> -> memref<8x512xf32, #tpu.memory_space<hbm>>
    %dma_wait3A_200 = arith.constant 0 : i32
    %dma_wait3A_201 = arith.constant 0 : i32
    %dma_wait3A_202 = tpu.memref_slice %arg7[%dma_wait3A_188, %dma_wait3A_200, %dma_wait3A_201] : memref<4x8x512xf32, #tpu.memory_space<vmem>> -> memref<1x8x512xf32, #tpu.memory_space<vmem>>
    %dma_wait3A_203 = tpu.memref_squeeze %dma_wait3A_202 : memref<1x8x512xf32, #tpu.memory_space<vmem>> -> memref<8x512xf32, #tpu.memory_space<vmem>>
    tpu.wait_dma2 semaphore(%arg9 : memref<!tpu.dma_semaphore, #tpu.memory_space<semaphore_mem>>) src(%dma_wait3A_203 : memref<8x512xf32, #tpu.memory_space<vmem>>) dst(%dma_wait3A_199 : memref<8x512xf32, #tpu.memory_space<hbm>>)
    %dma_wait3A_204 = arith.constant 1 : i32
    %dma_wait3A_205 = arith.constant 197 : i32
    %dma_wait3A_206 = arith.constant 0 : i32
    %dma_wait3A_207 = arith.constant 0 : i32
    %dma_wait3A_208 = tpu.memref_slice %arg7[%dma_wait3A_204, %dma_wait3A_206, %dma_wait3A_207] : memref<4x8x512xf32, #tpu.memory_space<vmem>> -> memref<1x8x512xf32, #tpu.memory_space<vmem>>
    %dma_wait3A_209 = tpu.memref_squeeze %dma_wait3A_208 : memref<1x8x512xf32, #tpu.memory_space<vmem>> -> memref<8x512xf32, #tpu.memory_space<vmem>>
    %dma_wait3A_210 = arith.constant 24 : i32
    %dma_wait3A_211 = tpu.memref_slice %arg4[%dma_wait3A_205, %dma_wait3A_210, %mul3A_2] : memref<200x32x16384xf32, #tpu.memory_space<hbm>> -> memref<1x8x512xf32, #tpu.memory_space<hbm>>
    %dma_wait3A_212 = tpu.memref_squeeze %dma_wait3A_211 : memref<1x8x512xf32, #tpu.memory_space<hbm>> -> memref<8x512xf32, #tpu.memory_space<hbm>>
    %dma_wait3A_213 = arith.constant 24 : i32
    %dma_wait3A_214 = tpu.memref_slice %arg4[%dma_wait3A_205, %dma_wait3A_213, %mul3A_2] : memref<200x32x16384xf32, #tpu.memory_space<hbm>> -> memref<1x8x512xf32, #tpu.memory_space<hbm>>
    %dma_wait3A_215 = tpu.memref_squeeze %dma_wait3A_214 : memref<1x8x512xf32, #tpu.memory_space<hbm>> -> memref<8x512xf32, #tpu.memory_space<hbm>>
    %dma_wait3A_216 = arith.constant 0 : i32
    %dma_wait3A_217 = arith.constant 0 : i32
    %dma_wait3A_218 = tpu.memref_slice %arg7[%dma_wait3A_204, %dma_wait3A_216, %dma_wait3A_217] : memref<4x8x512xf32, #tpu.memory_space<vmem>> -> memref<1x8x512xf32, #tpu.memory_space<vmem>>
    %dma_wait3A_219 = tpu.memref_squeeze %dma_wait3A_218 : memref<1x8x512xf32, #tpu.memory_space<vmem>> -> memref<8x512xf32, #tpu.memory_space<vmem>>
    tpu.wait_dma2 semaphore(%arg9 : memref<!tpu.dma_semaphore, #tpu.memory_space<semaphore_mem>>) src(%dma_wait3A_219 : memref<8x512xf32, #tpu.memory_space<vmem>>) dst(%dma_wait3A_215 : memref<8x512xf32, #tpu.memory_space<hbm>>)
    %dma_wait3A_220 = arith.constant 2 : i32
    %dma_wait3A_221 = arith.constant 198 : i32
    %dma_wait3A_222 = arith.constant 0 : i32
    %dma_wait3A_223 = arith.constant 0 : i32
    %dma_wait3A_224 = tpu.memref_slice %arg7[%dma_wait3A_220, %dma_wait3A_222, %dma_wait3A_223] : memref<4x8x512xf32, #tpu.memory_space<vmem>> -> memref<1x8x512xf32, #tpu.memory_space<vmem>>
    %dma_wait3A_225 = tpu.memref_squeeze %dma_wait3A_224 : memref<1x8x512xf32, #tpu.memory_space<vmem>> -> memref<8x512xf32, #tpu.memory_space<vmem>>
    %dma_wait3A_226 = arith.constant 0 : i32
    %dma_wait3A_227 = tpu.memref_slice %arg4[%dma_wait3A_221, %dma_wait3A_226, %mul3A_2] : memref<200x32x16384xf32, #tpu.memory_space<hbm>> -> memref<1x8x512xf32, #tpu.memory_space<hbm>>
    %dma_wait3A_228 = tpu.memref_squeeze %dma_wait3A_227 : memref<1x8x512xf32, #tpu.memory_space<hbm>> -> memref<8x512xf32, #tpu.memory_space<hbm>>
    %dma_wait3A_229 = arith.constant 0 : i32
    %dma_wait3A_230 = tpu.memref_slice %arg4[%dma_wait3A_221, %dma_wait3A_229, %mul3A_2] : memref<200x32x16384xf32, #tpu.memory_space<hbm>> -> memref<1x8x512xf32, #tpu.memory_space<hbm>>
    %dma_wait3A_231 = tpu.memref_squeeze %dma_wait3A_230 : memref<1x8x512xf32, #tpu.memory_space<hbm>> -> memref<8x512xf32, #tpu.memory_space<hbm>>
    %dma_wait3A_232 = arith.constant 0 : i32
    %dma_wait3A_233 = arith.constant 0 : i32
    %dma_wait3A_234 = tpu.memref_slice %arg7[%dma_wait3A_220, %dma_wait3A_232, %dma_wait3A_233] : memref<4x8x512xf32, #tpu.memory_space<vmem>> -> memref<1x8x512xf32, #tpu.memory_space<vmem>>
    %dma_wait3A_235 = tpu.memref_squeeze %dma_wait3A_234 : memref<1x8x512xf32, #tpu.memory_space<vmem>> -> memref<8x512xf32, #tpu.memory_space<vmem>>
    tpu.wait_dma2 semaphore(%arg9 : memref<!tpu.dma_semaphore, #tpu.memory_space<semaphore_mem>>) src(%dma_wait3A_235 : memref<8x512xf32, #tpu.memory_space<vmem>>) dst(%dma_wait3A_231 : memref<8x512xf32, #tpu.memory_space<hbm>>)
    %dma_wait3A_236 = arith.constant 2 : i32
    %dma_wait3A_237 = arith.constant 198 : i32
    %dma_wait3A_238 = arith.constant 0 : i32
    %dma_wait3A_239 = arith.constant 0 : i32
    %dma_wait3A_240 = tpu.memref_slice %arg7[%dma_wait3A_236, %dma_wait3A_238, %dma_wait3A_239] : memref<4x8x512xf32, #tpu.memory_space<vmem>> -> memref<1x8x512xf32, #tpu.memory_space<vmem>>
    %dma_wait3A_241 = tpu.memref_squeeze %dma_wait3A_240 : memref<1x8x512xf32, #tpu.memory_space<vmem>> -> memref<8x512xf32, #tpu.memory_space<vmem>>
    %dma_wait3A_242 = arith.constant 8 : i32
    %dma_wait3A_243 = tpu.memref_slice %arg4[%dma_wait3A_237, %dma_wait3A_242, %mul3A_2] : memref<200x32x16384xf32, #tpu.memory_space<hbm>> -> memref<1x8x512xf32, #tpu.memory_space<hbm>>
    %dma_wait3A_244 = tpu.memref_squeeze %dma_wait3A_243 : memref<1x8x512xf32, #tpu.memory_space<hbm>> -> memref<8x512xf32, #tpu.memory_space<hbm>>
    %dma_wait3A_245 = arith.constant 8 : i32
    %dma_wait3A_246 = tpu.memref_slice %arg4[%dma_wait3A_237, %dma_wait3A_245, %mul3A_2] : memref<200x32x16384xf32, #tpu.memory_space<hbm>> -> memref<1x8x512xf32, #tpu.memory_space<hbm>>
    %dma_wait3A_247 = tpu.memref_squeeze %dma_wait3A_246 : memref<1x8x512xf32, #tpu.memory_space<hbm>> -> memref<8x512xf32, #tpu.memory_space<hbm>>
    %dma_wait3A_248 = arith.constant 0 : i32
    %dma_wait3A_249 = arith.constant 0 : i32
    %dma_wait3A_250 = tpu.memref_slice %arg7[%dma_wait3A_236, %dma_wait3A_248, %dma_wait3A_249] : memref<4x8x512xf32, #tpu.memory_space<vmem>> -> memref<1x8x512xf32, #tpu.memory_space<vmem>>
    %dma_wait3A_251 = tpu.memref_squeeze %dma_wait3A_250 : memref<1x8x512xf32, #tpu.memory_space<vmem>> -> memref<8x512xf32, #tpu.memory_space<vmem>>
    tpu.wait_dma2 semaphore(%arg9 : memref<!tpu.dma_semaphore, #tpu.memory_space<semaphore_mem>>) src(%dma_wait3A_251 : memref<8x512xf32, #tpu.memory_space<vmem>>) dst(%dma_wait3A_247 : memref<8x512xf32, #tpu.memory_space<hbm>>)
    %dma_wait3A_252 = arith.constant 2 : i32
    %dma_wait3A_253 = arith.constant 198 : i32
    %dma_wait3A_254 = arith.constant 0 : i32
    %dma_wait3A_255 = arith.constant 0 : i32
    %dma_wait3A_256 = tpu.memref_slice %arg7[%dma_wait3A_252, %dma_wait3A_254, %dma_wait3A_255] : memref<4x8x512xf32, #tpu.memory_space<vmem>> -> memref<1x8x512xf32, #tpu.memory_space<vmem>>
    %dma_wait3A_257 = tpu.memref_squeeze %dma_wait3A_256 : memref<1x8x512xf32, #tpu.memory_space<vmem>> -> memref<8x512xf32, #tpu.memory_space<vmem>>
    %dma_wait3A_258 = arith.constant 16 : i32
    %dma_wait3A_259 = tpu.memref_slice %arg4[%dma_wait3A_253, %dma_wait3A_258, %mul3A_2] : memref<200x32x16384xf32, #tpu.memory_space<hbm>> -> memref<1x8x512xf32, #tpu.memory_space<hbm>>
    %dma_wait3A_260 = tpu.memref_squeeze %dma_wait3A_259 : memref<1x8x512xf32, #tpu.memory_space<hbm>> -> memref<8x512xf32, #tpu.memory_space<hbm>>
    %dma_wait3A_261 = arith.constant 16 : i32
    %dma_wait3A_262 = tpu.memref_slice %arg4[%dma_wait3A_253, %dma_wait3A_261, %mul3A_2] : memref<200x32x16384xf32, #tpu.memory_space<hbm>> -> memref<1x8x512xf32, #tpu.memory_space<hbm>>
    %dma_wait3A_263 = tpu.memref_squeeze %dma_wait3A_262 : memref<1x8x512xf32, #tpu.memory_space<hbm>> -> memref<8x512xf32, #tpu.memory_space<hbm>>
    %dma_wait3A_264 = arith.constant 0 : i32
    %dma_wait3A_265 = arith.constant 0 : i32
    %dma_wait3A_266 = tpu.memref_slice %arg7[%dma_wait3A_252, %dma_wait3A_264, %dma_wait3A_265] : memref<4x8x512xf32, #tpu.memory_space<vmem>> -> memref<1x8x512xf32, #tpu.memory_space<vmem>>
    %dma_wait3A_267 = tpu.memref_squeeze %dma_wait3A_266 : memref<1x8x512xf32, #tpu.memory_space<vmem>> -> memref<8x512xf32, #tpu.memory_space<vmem>>
    tpu.wait_dma2 semaphore(%arg9 : memref<!tpu.dma_semaphore, #tpu.memory_space<semaphore_mem>>) src(%dma_wait3A_267 : memref<8x512xf32, #tpu.memory_space<vmem>>) dst(%dma_wait3A_263 : memref<8x512xf32, #tpu.memory_space<hbm>>)
    %dma_wait3A_268 = arith.constant 2 : i32
    %dma_wait3A_269 = arith.constant 198 : i32
    %dma_wait3A_270 = arith.constant 0 : i32
    %dma_wait3A_271 = arith.constant 0 : i32
    %dma_wait3A_272 = tpu.memref_slice %arg7[%dma_wait3A_268, %dma_wait3A_270, %dma_wait3A_271] : memref<4x8x512xf32, #tpu.memory_space<vmem>> -> memref<1x8x512xf32, #tpu.memory_space<vmem>>
    %dma_wait3A_273 = tpu.memref_squeeze %dma_wait3A_272 : memref<1x8x512xf32, #tpu.memory_space<vmem>> -> memref<8x512xf32, #tpu.memory_space<vmem>>
    %dma_wait3A_274 = arith.constant 24 : i32
    %dma_wait3A_275 = tpu.memref_slice %arg4[%dma_wait3A_269, %dma_wait3A_274, %mul3A_2] : memref<200x32x16384xf32, #tpu.memory_space<hbm>> -> memref<1x8x512xf32, #tpu.memory_space<hbm>>
    %dma_wait3A_276 = tpu.memref_squeeze %dma_wait3A_275 : memref<1x8x512xf32, #tpu.memory_space<hbm>> -> memref<8x512xf32, #tpu.memory_space<hbm>>
    %dma_wait3A_277 = arith.constant 24 : i32
    %dma_wait3A_278 = tpu.memref_slice %arg4[%dma_wait3A_269, %dma_wait3A_277, %mul3A_2] : memref<200x32x16384xf32, #tpu.memory_space<hbm>> -> memref<1x8x512xf32, #tpu.memory_space<hbm>>
    %dma_wait3A_279 = tpu.memref_squeeze %dma_wait3A_278 : memref<1x8x512xf32, #tpu.memory_space<hbm>> -> memref<8x512xf32, #tpu.memory_space<hbm>>
    %dma_wait3A_280 = arith.constant 0 : i32
    %dma_wait3A_281 = arith.constant 0 : i32
    %dma_wait3A_282 = tpu.memref_slice %arg7[%dma_wait3A_268, %dma_wait3A_280, %dma_wait3A_281] : memref<4x8x512xf32, #tpu.memory_space<vmem>> -> memref<1x8x512xf32, #tpu.memory_space<vmem>>
    %dma_wait3A_283 = tpu.memref_squeeze %dma_wait3A_282 : memref<1x8x512xf32, #tpu.memory_space<vmem>> -> memref<8x512xf32, #tpu.memory_space<vmem>>
    tpu.wait_dma2 semaphore(%arg9 : memref<!tpu.dma_semaphore, #tpu.memory_space<semaphore_mem>>) src(%dma_wait3A_283 : memref<8x512xf32, #tpu.memory_space<vmem>>) dst(%dma_wait3A_279 : memref<8x512xf32, #tpu.memory_space<hbm>>)
    %dma_wait3A_284 = arith.constant 3 : i32
    %dma_wait3A_285 = arith.constant 199 : i32
    %dma_wait3A_286 = arith.constant 0 : i32
    %dma_wait3A_287 = arith.constant 0 : i32
    %dma_wait3A_288 = tpu.memref_slice %arg7[%dma_wait3A_284, %dma_wait3A_286, %dma_wait3A_287] : memref<4x8x512xf32, #tpu.memory_space<vmem>> -> memref<1x8x512xf32, #tpu.memory_space<vmem>>
    %dma_wait3A_289 = tpu.memref_squeeze %dma_wait3A_288 : memref<1x8x512xf32, #tpu.memory_space<vmem>> -> memref<8x512xf32, #tpu.memory_space<vmem>>
    %dma_wait3A_290 = arith.constant 0 : i32
    %dma_wait3A_291 = tpu.memref_slice %arg4[%dma_wait3A_285, %dma_wait3A_290, %mul3A_2] : memref<200x32x16384xf32, #tpu.memory_space<hbm>> -> memref<1x8x512xf32, #tpu.memory_space<hbm>>
    %dma_wait3A_292 = tpu.memref_squeeze %dma_wait3A_291 : memref<1x8x512xf32, #tpu.memory_space<hbm>> -> memref<8x512xf32, #tpu.memory_space<hbm>>
    %dma_wait3A_293 = arith.constant 0 : i32
    %dma_wait3A_294 = tpu.memref_slice %arg4[%dma_wait3A_285, %dma_wait3A_293, %mul3A_2] : memref<200x32x16384xf32, #tpu.memory_space<hbm>> -> memref<1x8x512xf32, #tpu.memory_space<hbm>>
    %dma_wait3A_295 = tpu.memref_squeeze %dma_wait3A_294 : memref<1x8x512xf32, #tpu.memory_space<hbm>> -> memref<8x512xf32, #tpu.memory_space<hbm>>
    %dma_wait3A_296 = arith.constant 0 : i32
    %dma_wait3A_297 = arith.constant 0 : i32
    %dma_wait3A_298 = tpu.memref_slice %arg7[%dma_wait3A_284, %dma_wait3A_296, %dma_wait3A_297] : memref<4x8x512xf32, #tpu.memory_space<vmem>> -> memref<1x8x512xf32, #tpu.memory_space<vmem>>
    %dma_wait3A_299 = tpu.memref_squeeze %dma_wait3A_298 : memref<1x8x512xf32, #tpu.memory_space<vmem>> -> memref<8x512xf32, #tpu.memory_space<vmem>>
    tpu.wait_dma2 semaphore(%arg9 : memref<!tpu.dma_semaphore, #tpu.memory_space<semaphore_mem>>) src(%dma_wait3A_299 : memref<8x512xf32, #tpu.memory_space<vmem>>) dst(%dma_wait3A_295 : memref<8x512xf32, #tpu.memory_space<hbm>>)
    %dma_wait3A_300 = arith.constant 3 : i32
    %dma_wait3A_301 = arith.constant 199 : i32
    %dma_wait3A_302 = arith.constant 0 : i32
    %dma_wait3A_303 = arith.constant 0 : i32
    %dma_wait3A_304 = tpu.memref_slice %arg7[%dma_wait3A_300, %dma_wait3A_302, %dma_wait3A_303] : memref<4x8x512xf32, #tpu.memory_space<vmem>> -> memref<1x8x512xf32, #tpu.memory_space<vmem>>
    %dma_wait3A_305 = tpu.memref_squeeze %dma_wait3A_304 : memref<1x8x512xf32, #tpu.memory_space<vmem>> -> memref<8x512xf32, #tpu.memory_space<vmem>>
    %dma_wait3A_306 = arith.constant 8 : i32
    %dma_wait3A_307 = tpu.memref_slice %arg4[%dma_wait3A_301, %dma_wait3A_306, %mul3A_2] : memref<200x32x16384xf32, #tpu.memory_space<hbm>> -> memref<1x8x512xf32, #tpu.memory_space<hbm>>
    %dma_wait3A_308 = tpu.memref_squeeze %dma_wait3A_307 : memref<1x8x512xf32, #tpu.memory_space<hbm>> -> memref<8x512xf32, #tpu.memory_space<hbm>>
    %dma_wait3A_309 = arith.constant 8 : i32
    %dma_wait3A_310 = tpu.memref_slice %arg4[%dma_wait3A_301, %dma_wait3A_309, %mul3A_2] : memref<200x32x16384xf32, #tpu.memory_space<hbm>> -> memref<1x8x512xf32, #tpu.memory_space<hbm>>
    %dma_wait3A_311 = tpu.memref_squeeze %dma_wait3A_310 : memref<1x8x512xf32, #tpu.memory_space<hbm>> -> memref<8x512xf32, #tpu.memory_space<hbm>>
    %dma_wait3A_312 = arith.constant 0 : i32
    %dma_wait3A_313 = arith.constant 0 : i32
    %dma_wait3A_314 = tpu.memref_slice %arg7[%dma_wait3A_300, %dma_wait3A_312, %dma_wait3A_313] : memref<4x8x512xf32, #tpu.memory_space<vmem>> -> memref<1x8x512xf32, #tpu.memory_space<vmem>>
    %dma_wait3A_315 = tpu.memref_squeeze %dma_wait3A_314 : memref<1x8x512xf32, #tpu.memory_space<vmem>> -> memref<8x512xf32, #tpu.memory_space<vmem>>
    tpu.wait_dma2 semaphore(%arg9 : memref<!tpu.dma_semaphore, #tpu.memory_space<semaphore_mem>>) src(%dma_wait3A_315 : memref<8x512xf32, #tpu.memory_space<vmem>>) dst(%dma_wait3A_311 : memref<8x512xf32, #tpu.memory_space<hbm>>)
    %dma_wait3A_316 = arith.constant 3 : i32
    %dma_wait3A_317 = arith.constant 199 : i32
    %dma_wait3A_318 = arith.constant 0 : i32
    %dma_wait3A_319 = arith.constant 0 : i32
    %dma_wait3A_320 = tpu.memref_slice %arg7[%dma_wait3A_316, %dma_wait3A_318, %dma_wait3A_319] : memref<4x8x512xf32, #tpu.memory_space<vmem>> -> memref<1x8x512xf32, #tpu.memory_space<vmem>>
    %dma_wait3A_321 = tpu.memref_squeeze %dma_wait3A_320 : memref<1x8x512xf32, #tpu.memory_space<vmem>> -> memref<8x512xf32, #tpu.memory_space<vmem>>
    %dma_wait3A_322 = arith.constant 16 : i32
    %dma_wait3A_323 = tpu.memref_slice %arg4[%dma_wait3A_317, %dma_wait3A_322, %mul3A_2] : memref<200x32x16384xf32, #tpu.memory_space<hbm>> -> memref<1x8x512xf32, #tpu.memory_space<hbm>>
    %dma_wait3A_324 = tpu.memref_squeeze %dma_wait3A_323 : memref<1x8x512xf32, #tpu.memory_space<hbm>> -> memref<8x512xf32, #tpu.memory_space<hbm>>
    %dma_wait3A_325 = arith.constant 16 : i32
    %dma_wait3A_326 = tpu.memref_slice %arg4[%dma_wait3A_317, %dma_wait3A_325, %mul3A_2] : memref<200x32x16384xf32, #tpu.memory_space<hbm>> -> memref<1x8x512xf32, #tpu.memory_space<hbm>>
    %dma_wait3A_327 = tpu.memref_squeeze %dma_wait3A_326 : memref<1x8x512xf32, #tpu.memory_space<hbm>> -> memref<8x512xf32, #tpu.memory_space<hbm>>
    %dma_wait3A_328 = arith.constant 0 : i32
    %dma_wait3A_329 = arith.constant 0 : i32
    %dma_wait3A_330 = tpu.memref_slice %arg7[%dma_wait3A_316, %dma_wait3A_328, %dma_wait3A_329] : memref<4x8x512xf32, #tpu.memory_space<vmem>> -> memref<1x8x512xf32, #tpu.memory_space<vmem>>
    %dma_wait3A_331 = tpu.memref_squeeze %dma_wait3A_330 : memref<1x8x512xf32, #tpu.memory_space<vmem>> -> memref<8x512xf32, #tpu.memory_space<vmem>>
    tpu.wait_dma2 semaphore(%arg9 : memref<!tpu.dma_semaphore, #tpu.memory_space<semaphore_mem>>) src(%dma_wait3A_331 : memref<8x512xf32, #tpu.memory_space<vmem>>) dst(%dma_wait3A_327 : memref<8x512xf32, #tpu.memory_space<hbm>>)
    %dma_wait3A_332 = arith.constant 3 : i32
    %dma_wait3A_333 = arith.constant 199 : i32
    %dma_wait3A_334 = arith.constant 0 : i32
    %dma_wait3A_335 = arith.constant 0 : i32
    %dma_wait3A_336 = tpu.memref_slice %arg7[%dma_wait3A_332, %dma_wait3A_334, %dma_wait3A_335] : memref<4x8x512xf32, #tpu.memory_space<vmem>> -> memref<1x8x512xf32, #tpu.memory_space<vmem>>
    %dma_wait3A_337 = tpu.memref_squeeze %dma_wait3A_336 : memref<1x8x512xf32, #tpu.memory_space<vmem>> -> memref<8x512xf32, #tpu.memory_space<vmem>>
    %dma_wait3A_338 = arith.constant 24 : i32
    %dma_wait3A_339 = tpu.memref_slice %arg4[%dma_wait3A_333, %dma_wait3A_338, %mul3A_2] : memref<200x32x16384xf32, #tpu.memory_space<hbm>> -> memref<1x8x512xf32, #tpu.memory_space<hbm>>
    %dma_wait3A_340 = tpu.memref_squeeze %dma_wait3A_339 : memref<1x8x512xf32, #tpu.memory_space<hbm>> -> memref<8x512xf32, #tpu.memory_space<hbm>>
    %dma_wait3A_341 = arith.constant 24 : i32
    %dma_wait3A_342 = tpu.memref_slice %arg4[%dma_wait3A_333, %dma_wait3A_341, %mul3A_2] : memref<200x32x16384xf32, #tpu.memory_space<hbm>> -> memref<1x8x512xf32, #tpu.memory_space<hbm>>
    %dma_wait3A_343 = tpu.memref_squeeze %dma_wait3A_342 : memref<1x8x512xf32, #tpu.memory_space<hbm>> -> memref<8x512xf32, #tpu.memory_space<hbm>>
    %dma_wait3A_344 = arith.constant 0 : i32
    %dma_wait3A_345 = arith.constant 0 : i32
    %dma_wait3A_346 = tpu.memref_slice %arg7[%dma_wait3A_332, %dma_wait3A_344, %dma_wait3A_345] : memref<4x8x512xf32, #tpu.memory_space<vmem>> -> memref<1x8x512xf32, #tpu.memory_space<vmem>>
    %dma_wait3A_347 = tpu.memref_squeeze %dma_wait3A_346 : memref<1x8x512xf32, #tpu.memory_space<vmem>> -> memref<8x512xf32, #tpu.memory_space<vmem>>
    tpu.wait_dma2 semaphore(%arg9 : memref<!tpu.dma_semaphore, #tpu.memory_space<semaphore_mem>>) src(%dma_wait3A_347 : memref<8x512xf32, #tpu.memory_space<vmem>>) dst(%dma_wait3A_343 : memref<8x512xf32, #tpu.memory_space<hbm>>)
    return
  }
}

</mosaic_0001>

<sc_bundles>
// kernel: kernel.3.cloned.1.call-start
scs
__scs_entry_jumppad:
0x0: {  	(pc) =	sbr.rel $0x88, $3  }
0x1: {  	(tag) =	ssettag $0x0;
	lr =	simm.s32 $0x1  }
0x2: {  	[smem:$0x3F9F] =	sst lr;
	_ =	strace $0xD0000000  }
0x3: {  	_ = 	snop  }
0x4: {  	_ = 	snop  }
0x5: {  	_ = 	snop  }
0x6: {  	_ = 	snop  }
0x7: {  	_ = 	snop  }
__scs_overlays_trampoline_lowered:
0x8: {  	[smem:$0x3FAE] =	sst s0  }
0x9: {  	[smem:$0x3FAF] =	sst s1  }
0xa: {  	[smem:$0x3FB0] =	sst s2  }
0xb: {  	[smem:$0x3FB1] =	sst s3  }
0xc: {  	[smem:$0x3FB2] =	sst s4  }
0xd: {  	[smem:$0x3FB3] =	sst s5  }
0xe: {  	[smem:$0x3FB4] =	sst s6  }
0xf: {  	[smem:$0x3FB5] =	sst s7  }
0x10: {  	[smem:$0x3FB6] =	sst s8  }
0x11: {  	[smem:$0x3FB7] =	sst s9;
	s0 =	simm.s32 @!p0 $0x0  }
0x12: {  	s1 =	sld [smem:$0x3F9D];
	s0 =	simm.s32 @p0 $0x1  }
0x13: {  	[smem:$0x3FB8] =	sst s0;
	s0 =	simm.s32 @!p1 $0x0  }
0x14: {  	s2 =	sld [smem:$0x3F9C];
	s0 =	simm.s32 @p1 $0x1  }
0x15: {  	[smem:$0x3FB9] =	sst s0;
	s0 =	simm.s32 @!p2 $0x0  }
0x16: {  	s3 =	sld [smem:$0x3FDB];
	s0 =	simm.s32 @p2 $0x1  }
0x17: {  	s4 =	simm.s32 $0x1BF5;
	[smem:$0x3FBB] =	sst s0  }
0x18: {  	s0 =	sld [smem:$0x3F9E];
	_ =	swait.ge [sflag:s4], $0x0  }
0x19: {  	s7 =	sld [smem:$0x3F9F]  }
0x1a: {  	s8 =	sadd.s32 $0xFFFFE003, lr  }
0x1b: {  	s9 =	sadd.s32 $0xFFFFFEF7, lr;
	s5 =	simm.s32 $0xFFFFFFFF;
	p2 =	slt.u32 s8, $0xFFFFF086  }
0x1c: {  	p1 =	slt.u32 s9, $0xF7A;
	s5 =	simm.s32 @!p2 $0x0  }
0x1d: {  	s5 =	simm.s32 @p1 $0x1;
	p0 =	seq.s32 s7, s2  }
0x1e: {  	s7 =	smul.u32 @!p0 $0xF7A, s2;
	p2 =	seq.s32 @!p0 s5, $0x0  }
0x1f: {  	s9 =	smul.u32 $0xF7A, s1;
	s8 =	simm.s32 @!p0 $0x1BF5;
	p2 =	por !p2, p0  }
0x20: {  	[sflag:s8] =	ssyncset.s32 @!p0 $0xFFFFF086;
	s6 =	sadd.s32 @!p0 s3, s7;
	s7 =	simm.s32 @!p0 $0x108  }
0x21: {  	s3 =	sadd.s32 s3, s9;
	s6 =	sadd.s32 @!p0 $0x88, s6;
	s7 =	simm.s32 @p2 $0x1082  }
0x22: {  	[simem:s7], [sflag:s8] =	dma.local @!p0 [hbm:s6], $0xF7A  }
0x23: {  	s9 =	sor.u32 $0xD0000000, s2;
	s6 =	simm.s32 $0x108;
	_ =	swait.ge @!p0 [sflag:s8], $0x0  }
0x24: {  	s3 =	sadd.s32 $0x88, s3;
	s6 =	simm.s32 @!p1 $0x1082;
	[sflag:s4] =	ssyncset.s32 $0xFFFFF086  }
0x25: {  	[simem:s6], [sflag:s4] =	dma.local [hbm:s3], $0xF7A  }
0x26: {  	[smem:$0x3F9F] =	sst s1;
	(tag) =	ssettag s2;
	_ =	strace s9  }
0x27: {  	s1 =	sld [smem:$0x3FAF]  }
0x28: {  	s2 =	sld [smem:$0x3FB0]  }
0x29: {  	s4 =	sld [smem:$0x3FB2]  }
0x2a: {  	p0 =	seq.s32 s5, $0x0;
	s5 =	sld [smem:$0x3FB3]  }
0x2b: {  	s6 =	sld [smem:$0x3FB4]  }
0x2c: {  	s7 =	sld [smem:$0x3FB5]  }
0x2d: {  	s3 =	simm.s32 $0x108;
	s8 =	sld [smem:$0x3FB6]  }
0x2e: {  	s3 =	simm.s32 @!p0 $0x1082;
	s9 =	sld [smem:$0x3FB7]  }
0x2f: {  	lr =	sadd.s32 s0, s3;
	s0 =	sld [smem:$0x3FAE]  }
0x30: {  	s3 =	sld [smem:$0x3FB1]  }
0x31: {  	[smem:$0x3FBA] =	sst s10  }
0x32: {  	s10 =	sld [smem:$0x3FB8];
	_ =	sdelay $0x3  }
0x33: {  	p0 =	seq.s32 s10, $0x1;
	s10 =	sld [smem:$0x3FBA];
	_ =	sdelay $0x3  }
0x34: {  	[smem:$0x3FBA] =	sst s10  }
0x35: {  	s10 =	sld [smem:$0x3FB9];
	_ =	sdelay $0x3  }
0x36: {  	p1 =	seq.s32 s10, $0x1;
	s10 =	sld [smem:$0x3FBA];
	_ =	sdelay $0x3  }
0x37: {  	[smem:$0x3FBA] =	sst s10  }
0x38: {  	s10 =	sld [smem:$0x3FBB]  }
0x39: {  	_ = 	snop;
	(pc) =	sbr.ind lr, $3  }
0x3a: {  	_ = 	snop  }
0x3b: {  	_ = 	snop  }
0x3c: {  	p2 =	seq.s32 s10, $0x1;
	s10 =	sld [smem:$0x3FBA]  }
0x3d: {  	_ =	shalt  }
0x3e: {  	_ =	shalt  }
0x3f: {  	_ =	shalt  }
0x40: {  	_ =	shalt  }
0x41: {  	_ =	shalt  }
0x42: {  	_ =	shalt  }
0x43: {  	_ =	shalt  }
0x44: {  	_ =	shalt  }
0x45: {  	_ =	shalt  }
0x46: {  	_ =	shalt  }
0x47: {  	_ =	shalt  }
0x48: {  	_ =	shalt  }
0x49: {  	_ =	shalt  }
0x4a: {  	_ =	shalt  }
0x4b: {  	_ =	shalt  }
0x4c: {  	_ =	shalt  }
0x4d: {  	_ =	shalt  }
0x4e: {  	_ =	shalt  }
0x4f: {  	_ =	shalt  }
0x50: {  	_ =	shalt  }
0x51: {  	_ =	shalt  }
0x52: {  	_ =	shalt  }
0x53: {  	_ =	shalt  }
0x54: {  	_ =	shalt  }
0x55: {  	_ =	shalt  }
0x56: {  	_ =	shalt  }
0x57: {  	_ =	shalt  }
0x58: {  	_ =	shalt  }
0x59: {  	_ =	shalt  }
0x5a: {  	_ =	shalt  }
0x5b: {  	_ =	shalt  }
0x5c: {  	_ =	shalt  }
0x5d: {  	_ =	shalt  }
0x5e: {  	_ =	shalt  }
0x5f: {  	_ =	shalt  }
0x60: {  	_ =	shalt  }
0x61: {  	_ =	shalt  }
0x62: {  	_ =	shalt  }
0x63: {  	_ =	shalt  }
0x64: {  	_ =	shalt  }
0x65: {  	_ =	shalt  }
0x66: {  	_ =	shalt  }
0x67: {  	_ =	shalt  }
0x68: {  	_ =	shalt  }
0x69: {  	_ =	shalt  }
0x6a: {  	_ =	shalt  }
0x6b: {  	_ =	shalt  }
0x6c: {  	_ =	shalt  }
0x6d: {  	_ =	shalt  }
0x6e: {  	_ =	shalt  }
0x6f: {  	_ =	shalt  }
0x70: {  	_ =	shalt  }
0x71: {  	_ =	shalt  }
0x72: {  	_ =	shalt  }
0x73: {  	_ =	shalt  }
0x74: {  	_ =	shalt  }
0x75: {  	_ =	shalt  }
0x76: {  	_ =	shalt  }
0x77: {  	_ =	shalt  }
0x78: {  	_ =	shalt  }
0x79: {  	_ =	shalt  }
0x7a: {  	_ =	shalt  }
0x7b: {  	_ =	shalt  }
0x7c: {  	_ =	shalt  }
0x7d: {  	_ =	shalt  }
0x7e: {  	_ =	shalt  }
0x7f: {  	_ =	shalt  }
0x80: {  	_ =	shalt  }
0x81: {  	_ =	shalt  }
0x82: {  	_ =	shalt  }
0x83: {  	_ =	shalt  }
0x84: {  	_ =	shalt  }
0x85: {  	_ =	shalt  }
0x86: {  	_ =	shalt  }
0x87: {  	_ =	shalt  }
.Lfunc_end0:
.L_simem_size_0:
called_computation_lowered:
.L_overlay_start_0:
0x88: {  	s2 =	sld [smem:$0x3FD9]  }
0x89: {  	s3 =	sld [smem:$0x3FFE];
	_ =	sdelay $0x1  }
0x8a: {  	s1 =	srdreg.scid  }
0x8b: {  	s0 =	sand.u32 $0x1, s1  }
0x8c: {  	s17 =	sshll.u32 s0, $0xA;
	s2 =	sadd.s32 s3, s2  }
0x8d: {  	s2 =	sadd.s32 s2, s17  }
0x8e: {  	[smem:$0x3FC6] =	sst s2  }
0x8f: {  	_ = 	snop  }
0x90: {  	s2 =	sld [smem:$0x3FC9]  }
0x91: {  	s18 =	sld [smem:$0x3FD0];
	(tm) =	ssettm $0x1  }
0x92: {  	s4 =	sld [smem:$0x3FFB];
	_ =	sdelay $0x3  }
0x93: {  	_ =	strace s4  }
0x94: {  	s4 =	sld [smem:$0x3FFC];
	_ =	sdelay $0x3  }
0x95: {  	_ =	strace s4  }
0x96: {  	s4 =	sld [smem:$0x3FFD];
	_ =	sdelay $0x3  }
0x97: {  	_ =	strace s4  }
0x98: {  	_ =	strace $0x8FFFFFFF  }
0x99: {  	s19 =	sld [smem:$0x3FDB];
	_ =	sdelay $0x1  }
0x9a: {  	s5 =	simm.s32 $_scs_section_size  }
0x9b: {  	s6 =	simm.s32 $_size__tile_overlayer_lowered;
	s7 =	simm.s32 $_tile_overlayer_lowered  }
0x9c: {  	s22 =	simm.s32 $0x1BFF;
	s21 =	sshll.u32 s7, $0x1;
	s4 =	sadd.s32 s5, s19  }
0x9d: {  	s8 =	simm.s32 $0x0;
	s20 =	sshll.u32 s6, $0x1;
	s6 =	sadd.s32 s21, s4  }
0x9e: {  	[timem:s8], [sflag:s22] =	dma.local [hbm:s6], s20  }
0x9f: {  	_ =	swait.ge [sflag:s22], s20  }
0xa0: {  	s5 =	ssub.s32 $0x0, s20;
	[sflag:s22] =	ssyncset.done $0x0  }
0xa1: {  	[sflag:s22] =	ssyncadd.s32 s5;
	_ =	sdelay $0x1  }
0xa2: {  	s23 =	simm.s32 $0x1B8B  }
0xa3: {  	_ =	swait.ge [sflag:s23], $0x1  }
0xa4: {  	[sflag:s23] =	ssyncset.done $0x0  }
0xa5: {  	s25 =	simm.s32 $0x1B8E;
	s24 =	sld [smem:$0x3FFE];
	[sflag:s23] =	ssyncadd.s32 $0xFFFFFFFF  }
0xa6: {  	s26 =	simm.s32 $execute0_lowered;
	[smem:$0x3FD2] =	sst s25  }
0xa7: {  	s6 =	sshll.u32 s26, $0x1;
	_ =	strace $0x80000046;
	[dreg:$0x1] =	wrdreg $0xFFFFFFFF  }
0xa8: {  	s28 =	simm.s32 $_size_execute0_lowered;
	s4 =	sadd.s32 s4, s6;
	[dreg:$0x0] =	wrdreg $0x0  }
0xa9: {  	s6 =	sshll.u32 s28, $0x1;
	[dreg:$0x2] =	wrdreg s4  }
0xaa: {  	[dreg:$0x3] =	wrdreg s6  }
0xab: {  	[dreg:$0x4] =	wrdreg $0xC0  }
0xac: {  	_ =	task [dreg:s8], $0x5FFFF  }
0xad: {  	[dreg:$0x1] =	wrdreg $0xFFFFFFFF  }
0xae: {  	[dreg:$0x0] =	wrdreg $0x60  }
0xaf: {  	[dreg:$0x2] =	wrdreg s2  }
0xb0: {  	[dreg:$0x3] =	wrdreg s24  }
0xb1: {  	[dreg:$0x4] =	wrdreg s18  }
0xb2: {  	[dreg:$0x5] =	wrdreg $0x9  }
0xb3: {  	_ =	task.clear_ibuf [dreg:s8], $0x6FFFF;
	_ =	strace $0x90000046  }
0xb4: {  	s29 =	simm.s32 $0x9;
	_ =	strace $0x80000048  }
0xb5: {  	_ =	swait.ge [sflag:s29], $0x1  }
0xb6: {  	[sflag:s29] =	ssyncadd.s32 $0xFFFFFFFF  }
0xb7: {  	_ =	strace $0x90000048  }
0xb8: {  	_ =	sfence  }
0xb9: {  	s30 =	sld [smem:$0x0];
	_ =	sdelay $0x2  }
0xba: {  	s31 =	sshll.u32 s1, $0xD;
	s1 =	sshrl.u32 s1, $0x2  }
0xbb: {  	s3 =	sand.u32 $0x4000, s31;
	s1 =	sadd.s32 s1, s30  }
0xbc: {  	s0 =	sor.u32 s3, s0;
	s1 =	sshll.u32 s1, $0x11  }
0xbd: {  	s0 =	sor.u32 s1, s0  }
0xbe: {  	s0 =	sadd.s32 $0x8F2B, s0  }
0xbf: {  	[sflag:s0] =	ssyncadd.remote.s32 $0x1  }
0xc0: {  	_ =	sfence.sel $0xFFFF  }
0xc1: {  	[dreg:$0x0] =	wrdreg $0xFFFFFFFF;
	(pc) =	sbr.abs _section_cstart, $3  }
0xc2: {  	[dreg:$0x1] =	wrdreg $0xFFFFFFFF  }
0xc3: {  	_ =	task.clear_ibuf [dreg:s8], $0x2FFFF;
	_ =	strace $0x9FFFFFFF  }
0xc4: {  	(tm) =	ssettm $0x7FFFFFFF  }
0xc5: {  	_ =	shalt  }
tec
execute0_lowered:
.L_overlay_start_1:
0x0: {  	(tag) =	ssettag $0x1  }
0x1: {  	s7 =	rddreg [dreg:$0x0]  }
0x2: {  	s0 =	rddreg [dreg:$0x1]  }
0x3: {  	s9 =	rddreg [dreg:$0x2];
	s4 =	simm.s32 $0x0  }
0x4: {  	[smem:$0x7FF] =	sst s4;
	s0 =	sadd.s32 $0x400, s0  }
0x5: {  	s8 =	sadd.s32 $0x4000, s9;
	_ =	strace $0x80000047;
	[dreg:$0x4] =	wrdreg s0  }
0x6: {  	s10 =	sadd.s32 $0x8000, s9;
	[dreg:$0x6] =	wrdreg s8  }
0x7: {  	s11 =	sadd.s32 $0xC000, s9;
	[dreg:$0x7] =	wrdreg s10  }
0x8: {  	s12 =	sadd.s32 $0x10000, s9;
	[dreg:$0x8] =	wrdreg s11  }
0x9: {  	s13 =	sadd.s32 $0x14000, s9;
	[dreg:$0x9] =	wrdreg s12  }
0xa: {  	s14 =	sadd.s32 $0x18000, s9;
	[dreg:$0xa] =	wrdreg s13  }
0xb: {  	s15 =	sadd.s32 $0x1C000, s9;
	[dreg:$0xb] =	wrdreg s14  }
0xc: {  	s16 =	sadd.s32 $0x20000, s9;
	[dreg:$0xc] =	wrdreg s15  }
0xd: {  	s17 =	sadd.s32 $0x24000, s9;
	[dreg:$0xd] =	wrdreg s16  }
0xe: {  	s18 =	sadd.s32 $0x28000, s9;
	[dreg:$0xe] =	wrdreg s17  }
0xf: {  	s19 =	sadd.s32 $0x2C000, s9;
	[dreg:$0xf] =	wrdreg s18  }
0x10: {  	s20 =	sadd.s32 $0x30000, s9;
	[dreg:$0x10] =	wrdreg s19  }
0x11: {  	s1 =	srdreg.scid;
	s21 =	sadd.s32 $0x34000, s9;
	[dreg:$0x11] =	wrdreg s20  }
0x12: {  	s3 =	stileid.u32;
	s22 =	sadd.s32 $0x38000, s9;
	[dreg:$0x12] =	wrdreg s21  }
0x13: {  	s1 =	sand.u32 $0x1, s1;
	s23 =	sadd.s32 $0x3C000, s9;
	[dreg:$0x13] =	wrdreg s22  }
0x14: {  	s3 =	sshll.u32 s3, $0xD;
	s24 =	sadd.s32 $0x40000, s9;
	[dreg:$0x14] =	wrdreg s23  }
0x15: {  	s25 =	sadd.s32 $0x44000, s9;
	s26 =	sadd.s32 $0x48000, s9;
	[dreg:$0x15] =	wrdreg s24  }
0x16: {  	s28 =	sadd.s32 $0x4C000, s9;
	s29 =	sadd.s32 $0x50000, s9;
	[dreg:$0x16] =	wrdreg s25  }
0x17: {  	s30 =	sadd.s32 $0x54000, s9;
	s31 =	sadd.s32 $0x58000, s9;
	[dreg:$0x18] =	wrdreg s26  }
0x18: {  	s2 =	ssub.s32 $0x2, s1;
	s1 =	sshll.u32 s1, $0xC;
	[dreg:$0x19] =	wrdreg s28  }
0x19: {  	s25 =	sadd.s32 $0x6C000, s9;
	s8 =	sadd.s32 $0x78000, s9;
	s10 =	simm.s32 $0x1  }
0x1a: {  	s11 =	simm.s32 $0x2080;
	s12 =	simm.s32 $0x3080;
	s13 =	simm.s32 $0x4080  }
0x1b: {  	s14 =	simm.s32 $0x5080;
	s15 =	simm.s32 $0x2;
	s5 =	sor.u32 s1, s3  }
0x1c: {  	v0 =	vlaneseq.u32;
	s17 =	simm.s32 $0x0;
	s6 =	sshrl.u32 s2, $0x1;
	s1 =	sshrl.u32 s5, $0x3  }
0x1d: {  	v0 =	vand.u32 $0x3, v0;
	s3 =	sadd.s32 $0x60000, s9;
	s6 =	ssub.s32 s2, s6;
	s1 =	sadd.s32 s7, s1  }
0x1e: {  	v0 =	vmul.u32 $0x4, v0;
	s2 =	sadd.s32 $0x74000, s9;
	s0 =	smax.u32 s6, $0x1;
	[dreg:$0x5] =	wrdreg s1  }
0x1f: {  	s6 =	sadd.s32 $0x64000, s9;
	s7 =	sadd.s32 $0x68000, s9;
	[dreg:$0x17] =	wrdreg s0  }
0x20: {  	v1 =	vor.u32 $0x1, v0;
	v2 =	vor.u32 $0x2, v0;
	v3 =	vor.u32 $0x3, v0;
	s0 =	sadd.s32 $0x5C000, s9;
	s1 =	sadd.s32 $0x70000, s9;
	s9 =	sadd.s32 $0x7C000, s9  }
.LBB2_1:
0x21: {  	[dreg:$0x1a] =	wrdreg s17  }
0x22: {  	s16 =	rddreg [dreg:$0x4];
	s24 =	simm.s32 $0x3  }
0x23: {  	[tilespmem:s4], [sflag:$0x3] =	stream.linear.gather [hbm4b:s16+s4], $0x80, $0x38;
	[tilespmem:$0x6080] =	vst v63  }
0x24: {  	_ =	swait.ge [sflag:s24], $0x80  }
0x25: {  	[sflag:s24] =	ssyncset.done $0x0  }
0x26: {  	[sflag:s24] =	ssyncadd.s32 $0xFFFFFF80  }
0x27: {  	v7 =	vld [tilespmem:$0x0];
	_ =	sdelay $0x4  }
0x28: {  	s28 =	simm.s32 $0x80;
	s16 =	simm.s32 $0x0;
	s26 =	rddreg [dreg:$0x5];
	v4 =	vperm.xlane v7, v0;
	v5 =	vperm.xlane v7, v1  }
0x29: {  	[tilespmem:s28], [sflag:$0x1] =	stream.linear.gather [hbm4b:s26+s4], $0x1000, $0x38;
	v6 =	vperm.xlane v7, v2;
	v7 =	vperm.xlane v7, v3;
	[tilespmem:$0x6080] =	vst v63  }
.LBB2_2:
0x2a: {  	s19 =	sadd.s32 $0x1, s16  }
0x2b: {  	p0 =	seq.s32 s16, $0x18;
	s17 =	sand.u32 $0x1, s16;
	_ =	swait.ge [sflag:s10], $0x1000  }
0x2c: {  	s18 =	sshll.u32 @!p0 s19, $0x11;
	[sflag:s10] =	ssyncset.done $0x0;
	s20 =	sshll.u32 @!p0 s17, $0xC  }
0x2d: {  	p1 =	seq.s32 @!p0 s16, $0x0;
	s18 =	sor.u32 @!p0 s5, s18;
	[sflag:s10] =	ssyncadd.s32 $0xFFFFF000  }
0x2e: {  	s20 =	sxor.u32 @!p0 $0x1000, s20;
	s18 =	sshrl.u32 @!p0 s18, $0x3;
	s21 =	rddreg [dreg:$0x0]  }
0x2f: {  	s20 =	sor.u32 @!p0 $0x80, s20;
	s18 =	sadd.s32 @!p0 s21, s18;
	s21 =	simm.s32 @!p0 $0x0  }
0x30: {  	[tilespmem:s20], [sflag:$0x1] =	stream.linear.gather @!p0 [hbm4b:s18+s21], $0x1000, $0x38;
	[tilespmem:$0x6080] =	vst v63  }
0x31: {  	p0 =	por p0, !p1  }
0x32: {  	_ =	swait.ge @p0 [sflag:s15], $0x1000  }
0x33: {  	[sflag:s15] =	ssyncset.done @p0 $0x0  }
0x34: {  	[sflag:s15] =	ssyncadd.s32 @p0 $0xFFFFF000  }
0x35: {  	_ =	swait.ge @p0 [sflag:s15], $0x1000  }
0x36: {  	[sflag:s15] =	ssyncset.done @p0 $0x0  }
0x37: {  	[sflag:s15] =	ssyncadd.s32 @p0 $0xFFFFF000  }
0x38: {  	_ =	swait.ge @p0 [sflag:s15], $0x1000  }
0x39: {  	[sflag:s15] =	ssyncset.done @p0 $0x0  }
0x3a: {  	s17 =	sshll.u32 s17, $0xC;
	s18 =	simm.s32 $0x0;
	[sflag:s15] =	ssyncadd.s32 @p0 $0xFFFFF000  }
0x3b: {  	s17 =	sor.u32 $0x80, s17;
	s26 =	sand.u32 $0xC00, s18;
	_ =	swait.ge @p0 [sflag:s15], $0x1000  }
0x3c: {  	s28 =	sand.u32 $0x70, s18;
	s22 =	sadd.s32 s26, s17;
	[sflag:s15] =	ssyncset.done @p0 $0x0  }
0x3d: {  	s22 =	sadd.s32 s28, s22;
	[sflag:s15] =	ssyncadd.s32 @p0 $0xFFFFF000  }
0x3e: {  	v8 =	vld [tilespmem:s22+$0x0];
	_ =	sdelay $0x4  }
0x3f: {  	v11 =	vand.u32 $0xF, v8  }
0x40: {  	v8 =	vperm.xlane v7, v11  }
0x41: {  	s22 =	sor.u32 s28, s26;
	v10 =	vperm.xlane v4, v11  }
0x42: {  	s21 =	simm.s32 $0x10;
	s20 =	sor.u32 s18, s18;
	v9 =	vperm.xlane v5, v11;
	v11 =	vperm.xlane v6, v11;
	[tilespmem:s22+$0x2200] =	vst v8  }
.LBB2_3:
0x43: {  	p0 =	sne.s32 s21, $0x1F0  }
0x44: {  	[tilespmem:s22+$0x2080] =	vst v10;
	s18 =	sadd.s32 $0x80, s18;
	s23 =	smov.u32 s21;
	s21 =	sadd.s32 $0x10, s21  }
0x45: {  	s24 =	sor.u32 s18, s23;
	[tilespmem:s22+$0x2280] =	vst v10  }
0x46: {  	[tilespmem:s22+$0x2380] =	vst v11  }
0x47: {  	[tilespmem:s22+$0x2180] =	vst v11  }
0x48: {  	s28 =	sor.u32 $0x380, s20;
	s26 =	sand.u32 $0xC00, s18;
	s20 =	smov.u32 s24;
	[tilespmem:s22+$0x2100] =	vst v9  }
0x49: {  	s23 =	sand.u32 $0x70, s23;
	s24 =	sadd.s32 s26, s17;
	[tilespmem:s22+$0x2300] =	vst v9  }
0x4a: {  	s22 =	sadd.s32 s23, s24;
	[tilespmem:s28+$0x2080] =	vst v8  }
0x4b: {  	v8 =	vld [tilespmem:s22+$0x0];
	_ =	sdelay $0x3  }
.Ltmp0:
0x4c: {  	(pc) =	sbr.rel @p0 .LBB2_3-.Ltmp0, $4  }
0x4d: {  	v11 =	vand.u32 $0xF, v8  }
0x4e: {  	v10 =	vperm.xlane v4, v11;
	v8 =	vperm.xlane v7, v11  }
0x4f: {  	s22 =	sor.u32 s23, s26;
	v9 =	vperm.xlane v5, v11;
	v11 =	vperm.xlane v6, v11  }
0x50: {  	[tilespmem:s22+$0x2200] =	vst v8  }
0x51: {  	[tilespmem:s22+$0x2080] =	vst v10  }
0x52: {  	[tilespmem:s22+$0x2280] =	vst v10  }
0x53: {  	[tilespmem:s22+$0x2380] =	vst v11  }
0x54: {  	[tilespmem:s22+$0x2180] =	vst v11;
	s18 =	sshll.u32 s16, $0x16  }
0x55: {  	[tilespmem:s22+$0x2100] =	vst v9;
	s18 =	sor.u32 s5, s18  }
0x56: {  	s20 =	sor.u32 $0x380, s20;
	[tilespmem:s22+$0x2300] =	vst v9;
	s28 =	rddreg [dreg:$0x2];
	s18 =	sshrl.u32 s18, $0x3  }
0x57: {  	s21 =	rddreg [dreg:$0x6];
	[tilespmem:s20+$0x2080] =	vst v8;
	s20 =	sadd.s32 s28, s18  }
0x58: {  	[hbm4b:s20+s4] =	stream.linear.scatter [tilespmem:s11], [sflag:$0x2], $0x1000, $0x38;
	[tilespmem:$0x6080] =	vst v63  }
0x59: {  	s22 =	rddreg [dreg:$0x7];
	s20 =	sadd.s32 s18, s21  }
0x5a: {  	[hbm4b:s20+s4] =	stream.linear.scatter [tilespmem:s11], [sflag:$0x2], $0x1000, $0x38;
	[tilespmem:$0x6080] =	vst v63  }
0x5b: {  	s23 =	rddreg [dreg:$0x8];
	p0 =	seq.s32 s16, $0x0;
	s20 =	sadd.s32 s18, s22  }
0x5c: {  	[hbm4b:s20+s4] =	stream.linear.scatter [tilespmem:s11], [sflag:$0x2], $0x1000, $0x38;
	[tilespmem:$0x6080] =	vst v63  }
0x5d: {  	s16 =	simm.s32 @!p0 $0x2;
	s20 =	sadd.s32 s18, s23  }
0x5e: {  	[hbm4b:s20+s4] =	stream.linear.scatter [tilespmem:s11], [sflag:$0x2], $0x1000, $0x38;
	[tilespmem:$0x6080] =	vst v63  }
0x5f: {  	_ =	swait.ge @!p0 [sflag:s16], $0x1000  }
0x60: {  	[sflag:s16] =	ssyncset.done @!p0 $0x0  }
0x61: {  	[sflag:s16] =	ssyncadd.s32 @!p0 $0xFFFFF000  }
0x62: {  	_ =	swait.ge @!p0 [sflag:s16], $0x1000  }
0x63: {  	[sflag:s16] =	ssyncset.done @!p0 $0x0  }
0x64: {  	[sflag:s16] =	ssyncadd.s32 @!p0 $0xFFFFF000  }
0x65: {  	_ =	swait.ge @!p0 [sflag:s16], $0x1000  }
0x66: {  	[sflag:s16] =	ssyncset.done @!p0 $0x0  }
0x67: {  	s24 =	simm.s32 $0x0;
	[sflag:s16] =	ssyncadd.s32 @!p0 $0xFFFFF000  }
0x68: {  	s21 =	sand.u32 $0xC00, s24;
	_ =	swait.ge @!p0 [sflag:s16], $0x1000  }
0x69: {  	s26 =	sadd.s32 s21, s17;
	s20 =	sand.u32 $0x70, s24;
	[sflag:s16] =	ssyncset.done @!p0 $0x0  }
0x6a: {  	s28 =	sadd.s32 s20, s26;
	[sflag:s16] =	ssyncadd.s32 @!p0 $0xFFFFF000  }
0x6b: {  	v8 =	vld [tilespmem:s28+$0x80];
	_ =	sdelay $0x4  }
0x6c: {  	v8 =	vand.u32 $0xF, v8  }
0x6d: {  	v9 =	vperm.xlane v4, v8  }
0x6e: {  	s20 =	sor.u32 s20, s21  }
0x6f: {  	v10 =	vperm.xlane v5, v8;
	[tilespmem:s20+$0x3080] =	vst v9  }
0x70: {  	[tilespmem:s20+$0x3280] =	vst v9  }
0x71: {  	v9 =	vperm.xlane v6, v8;
	[tilespmem:s20+$0x3100] =	vst v10  }
0x72: {  	[tilespmem:s20+$0x3300] =	vst v10  }
0x73: {  	s16 =	simm.s32 $0x80;
	v8 =	vperm.xlane v7, v8;
	[tilespmem:s20+$0x3180] =	vst v9  }
0x74: {  	s22 =	simm.s32 $0x10;
	s21 =	simm.s32 $0x20;
	s23 =	sand.u32 $0xC00, s16;
	[tilespmem:s20+$0x3380] =	vst v9  }
.LBB2_5:
0x75: {  	p1 =	sne.s32 s21, $0x1F0;
	s24 =	sand.u32 $0x70, s22;
	s22 =	sadd.s32 s23, s17;
	[tilespmem:s20+$0x3200] =	vst v8  }
0x76: {  	s26 =	sadd.s32 s24, s22;
	[tilespmem:s20+$0x3400] =	vst v8;
	s22 =	smov.u32 s21  }
0x77: {  	v8 =	vld [tilespmem:s26+$0x80];
	_ =	sdelay $0x4  }
0x78: {  	v8 =	vand.u32 $0xF, v8  }
0x79: {  	v9 =	vperm.xlane v4, v8;
	v10 =	vperm.xlane v5, v8  }
0x7a: {  	s20 =	sor.u32 s24, s23;
	v11 =	vperm.xlane v6, v8;
	v8 =	vperm.xlane v7, v8  }
0x7b: {  	[tilespmem:s20+$0x3080] =	vst v9  }
.Ltmp1:
0x7c: {  	[tilespmem:s20+$0x3280] =	vst v9;
	(pc) =	sbr.rel @p1 .LBB2_5-.Ltmp1, $4  }
0x7d: {  	[tilespmem:s20+$0x3100] =	vst v10  }
0x7e: {  	[tilespmem:s20+$0x3300] =	vst v10  }
0x7f: {  	s16 =	sadd.s32 $0x80, s16;
	[tilespmem:s20+$0x3180] =	vst v11  }
0x80: {  	s23 =	sand.u32 $0xC00, s16;
	s21 =	sadd.s32 $0x10, s21;
	[tilespmem:s20+$0x3380] =	vst v11  }
0x81: {  	s16 =	sand.u32 $0x70, s22;
	s21 =	sadd.s32 s23, s17;
	[tilespmem:s20+$0x3200] =	vst v8  }
0x82: {  	[tilespmem:s20+$0x3400] =	vst v8;
	s21 =	sadd.s32 s16, s21  }
0x83: {  	v8 =	vld [tilespmem:s21+$0x80];
	_ =	sdelay $0x4  }
0x84: {  	v8 =	vand.u32 $0xF, v8  }
0x85: {  	v9 =	vperm.xlane v4, v8  }
0x86: {  	s16 =	sor.u32 s16, s23  }
0x87: {  	v10 =	vperm.xlane v5, v8;
	[tilespmem:s16+$0x3080] =	vst v9  }
0x88: {  	[tilespmem:s16+$0x3280] =	vst v9  }
0x89: {  	v9 =	vperm.xlane v6, v8;
	[tilespmem:s16+$0x3100] =	vst v10  }
0x8a: {  	[tilespmem:s16+$0x3300] =	vst v10  }
0x8b: {  	v8 =	vperm.xlane v7, v8;
	[tilespmem:s16+$0x3180] =	vst v9  }
0x8c: {  	[tilespmem:s16+$0x3380] =	vst v9  }
0x8d: {  	s28 =	rddreg [dreg:$0x9];
	[tilespmem:s16+$0x3200] =	vst v8  }
0x8e: {  	s20 =	rddreg [dreg:$0xa];
	[tilespmem:s16+$0x3400] =	vst v8;
	s16 =	sadd.s32 s18, s28  }
0x8f: {  	[hbm4b:s16+s4] =	stream.linear.scatter [tilespmem:s12], [sflag:$0x2], $0x1000, $0x38;
	[tilespmem:$0x6080] =	vst v63  }
0x90: {  	s21 =	rddreg [dreg:$0xb];
	s16 =	sadd.s32 s18, s20  }
0x91: {  	[hbm4b:s16+s4] =	stream.linear.scatter [tilespmem:s12], [sflag:$0x2], $0x1000, $0x38;
	[tilespmem:$0x6080] =	vst v63  }
0x92: {  	s22 =	rddreg [dreg:$0xc];
	s16 =	sadd.s32 s18, s21  }
0x93: {  	[hbm4b:s16+s4] =	stream.linear.scatter [tilespmem:s12], [sflag:$0x2], $0x1000, $0x38;
	[tilespmem:$0x6080] =	vst v63  }
0x94: {  	s16 =	sadd.s32 s18, s22  }
0x95: {  	[hbm4b:s16+s4] =	stream.linear.scatter [tilespmem:s12], [sflag:$0x2], $0x1000, $0x38;
	[tilespmem:$0x6080] =	vst v63  }
0x96: {  	s16 =	simm.s32 @!p0 $0x2  }
0x97: {  	_ =	swait.ge @!p0 [sflag:s16], $0x1000  }
0x98: {  	[sflag:s16] =	ssyncset.done @!p0 $0x0  }
0x99: {  	[sflag:s16] =	ssyncadd.s32 @!p0 $0xFFFFF000  }
0x9a: {  	_ =	swait.ge @!p0 [sflag:s16], $0x1000  }
0x9b: {  	[sflag:s16] =	ssyncset.done @!p0 $0x0  }
0x9c: {  	[sflag:s16] =	ssyncadd.s32 @!p0 $0xFFFFF000  }
0x9d: {  	_ =	swait.ge @!p0 [sflag:s16], $0x1000  }
0x9e: {  	[sflag:s16] =	ssyncset.done @!p0 $0x0  }
0x9f: {  	s23 =	simm.s32 $0x0;
	[sflag:s16] =	ssyncadd.s32 @!p0 $0xFFFFF000  }
0xa0: {  	s24 =	sand.u32 $0xC00, s23;
	_ =	swait.ge @!p0 [sflag:s16], $0x1000  }
0xa1: {  	s26 =	sadd.s32 s24, s17;
	s20 =	sand.u32 $0x70, s23;
	[sflag:s16] =	ssyncset.done @!p0 $0x0  }
0xa2: {  	s28 =	sadd.s32 s20, s26;
	[sflag:s16] =	ssyncadd.s32 @!p0 $0xFFFFF000  }
0xa3: {  	v8 =	vld [tilespmem:s28+$0x100];
	_ =	sdelay $0x4  }
0xa4: {  	v8 =	vand.u32 $0xF, v8  }
0xa5: {  	v9 =	vperm.xlane v4, v8  }
0xa6: {  	s20 =	sor.u32 s20, s24  }
0xa7: {  	v10 =	vperm.xlane v5, v8;
	[tilespmem:s20+$0x4080] =	vst v9  }
0xa8: {  	[tilespmem:s20+$0x4280] =	vst v9  }
0xa9: {  	v9 =	vperm.xlane v6, v8;
	[tilespmem:s20+$0x4100] =	vst v10  }
0xaa: {  	[tilespmem:s20+$0x4300] =	vst v10  }
0xab: {  	s16 =	simm.s32 $0x80;
	v8 =	vperm.xlane v7, v8;
	[tilespmem:s20+$0x4180] =	vst v9  }
0xac: {  	s21 =	simm.s32 $0x20;
	s22 =	simm.s32 $0x10;
	s23 =	sand.u32 $0xC00, s16;
	[tilespmem:s20+$0x4380] =	vst v9  }
.LBB2_7:
0xad: {  	p1 =	sne.s32 s21, $0x1F0;
	s24 =	sand.u32 $0x70, s22;
	s22 =	sadd.s32 s23, s17;
	[tilespmem:s20+$0x4200] =	vst v8  }
0xae: {  	s26 =	sadd.s32 s24, s22;
	[tilespmem:s20+$0x4400] =	vst v8;
	s22 =	smov.u32 s21  }
0xaf: {  	v8 =	vld [tilespmem:s26+$0x100];
	_ =	sdelay $0x4  }
0xb0: {  	v8 =	vand.u32 $0xF, v8  }
0xb1: {  	v9 =	vperm.xlane v4, v8;
	v10 =	vperm.xlane v5, v8  }
0xb2: {  	s20 =	sor.u32 s24, s23;
	v11 =	vperm.xlane v6, v8;
	v8 =	vperm.xlane v7, v8  }
0xb3: {  	[tilespmem:s20+$0x4080] =	vst v9  }
.Ltmp2:
0xb4: {  	[tilespmem:s20+$0x4280] =	vst v9;
	(pc) =	sbr.rel @p1 .LBB2_7-.Ltmp2, $4  }
0xb5: {  	[tilespmem:s20+$0x4100] =	vst v10  }
0xb6: {  	[tilespmem:s20+$0x4300] =	vst v10  }
0xb7: {  	s16 =	sadd.s32 $0x80, s16;
	[tilespmem:s20+$0x4180] =	vst v11  }
0xb8: {  	s23 =	sand.u32 $0xC00, s16;
	s21 =	sadd.s32 $0x10, s21;
	[tilespmem:s20+$0x4380] =	vst v11  }
0xb9: {  	s16 =	sand.u32 $0x70, s22;
	s21 =	sadd.s32 s23, s17;
	[tilespmem:s20+$0x4200] =	vst v8  }
0xba: {  	[tilespmem:s20+$0x4400] =	vst v8;
	s21 =	sadd.s32 s16, s21  }
0xbb: {  	v8 =	vld [tilespmem:s21+$0x100];
	_ =	sdelay $0x4  }
0xbc: {  	v8 =	vand.u32 $0xF, v8  }
0xbd: {  	v9 =	vperm.xlane v4, v8  }
0xbe: {  	s16 =	sor.u32 s16, s23  }
0xbf: {  	v10 =	vperm.xlane v5, v8;
	[tilespmem:s16+$0x4080] =	vst v9  }
0xc0: {  	[tilespmem:s16+$0x4280] =	vst v9  }
0xc1: {  	v9 =	vperm.xlane v6, v8;
	[tilespmem:s16+$0x4100] =	vst v10  }
0xc2: {  	[tilespmem:s16+$0x4300] =	vst v10  }
0xc3: {  	v8 =	vperm.xlane v7, v8;
	[tilespmem:s16+$0x4180] =	vst v9  }
0xc4: {  	[tilespmem:s16+$0x4380] =	vst v9  }
0xc5: {  	s28 =	rddreg [dreg:$0xd];
	[tilespmem:s16+$0x4200] =	vst v8  }
0xc6: {  	s20 =	rddreg [dreg:$0xe];
	[tilespmem:s16+$0x4400] =	vst v8;
	s16 =	sadd.s32 s18, s28  }
0xc7: {  	[hbm4b:s16+s4] =	stream.linear.scatter [tilespmem:s13], [sflag:$0x2], $0x1000, $0x38;
	[tilespmem:$0x6080] =	vst v63  }
0xc8: {  	s21 =	rddreg [dreg:$0xf];
	s16 =	sadd.s32 s18, s20  }
0xc9: {  	[hbm4b:s16+s4] =	stream.linear.scatter [tilespmem:s13], [sflag:$0x2], $0x1000, $0x38;
	[tilespmem:$0x6080] =	vst v63  }
0xca: {  	s22 =	rddreg [dreg:$0x10];
	s16 =	sadd.s32 s18, s21  }
0xcb: {  	[hbm4b:s16+s4] =	stream.linear.scatter [tilespmem:s13], [sflag:$0x2], $0x1000, $0x38;
	[tilespmem:$0x6080] =	vst v63  }
0xcc: {  	s16 =	sadd.s32 s18, s22  }
0xcd: {  	[hbm4b:s16+s4] =	stream.linear.scatter [tilespmem:s13], [sflag:$0x2], $0x1000, $0x38;
	[tilespmem:$0x6080] =	vst v63  }
0xce: {  	s16 =	simm.s32 @!p0 $0x2  }
0xcf: {  	_ =	swait.ge @!p0 [sflag:s16], $0x1000  }
0xd0: {  	[sflag:s16] =	ssyncset.done @!p0 $0x0  }
0xd1: {  	[sflag:s16] =	ssyncadd.s32 @!p0 $0xFFFFF000  }
0xd2: {  	_ =	swait.ge @!p0 [sflag:s16], $0x1000  }
0xd3: {  	[sflag:s16] =	ssyncset.done @!p0 $0x0  }
0xd4: {  	[sflag:s16] =	ssyncadd.s32 @!p0 $0xFFFFF000  }
0xd5: {  	_ =	swait.ge @!p0 [sflag:s16], $0x1000  }
0xd6: {  	[sflag:s16] =	ssyncset.done @!p0 $0x0  }
0xd7: {  	s23 =	simm.s32 $0x0;
	[sflag:s16] =	ssyncadd.s32 @!p0 $0xFFFFF000  }
0xd8: {  	s24 =	sand.u32 $0xC00, s23;
	_ =	swait.ge @!p0 [sflag:s16], $0x1000  }
0xd9: {  	s26 =	sadd.s32 s24, s17;
	s20 =	sand.u32 $0x70, s23;
	[sflag:s16] =	ssyncset.done @!p0 $0x0  }
0xda: {  	s28 =	sadd.s32 s20, s26;
	[sflag:s16] =	ssyncadd.s32 @!p0 $0xFFFFF000  }
0xdb: {  	v8 =	vld [tilespmem:s28+$0x180];
	_ =	sdelay $0x4  }
0xdc: {  	v8 =	vand.u32 $0xF, v8  }
0xdd: {  	v9 =	vperm.xlane v4, v8  }
0xde: {  	s20 =	sor.u32 s20, s24  }
0xdf: {  	v10 =	vperm.xlane v5, v8;
	[tilespmem:s20+$0x5080] =	vst v9  }
0xe0: {  	[tilespmem:s20+$0x5280] =	vst v9  }
0xe1: {  	v9 =	vperm.xlane v6, v8;
	[tilespmem:s20+$0x5100] =	vst v10  }
0xe2: {  	[tilespmem:s20+$0x5300] =	vst v10  }
0xe3: {  	s16 =	simm.s32 $0x80;
	v8 =	vperm.xlane v7, v8;
	[tilespmem:s20+$0x5180] =	vst v9  }
0xe4: {  	s21 =	simm.s32 $0x20;
	s22 =	simm.s32 $0x10;
	s23 =	sand.u32 $0xC00, s16;
	[tilespmem:s20+$0x5380] =	vst v9  }
.LBB2_9:
0xe5: {  	p0 =	sne.s32 s21, $0x1F0;
	s24 =	sand.u32 $0x70, s22;
	s22 =	sadd.s32 s23, s17;
	[tilespmem:s20+$0x5200] =	vst v8  }
0xe6: {  	s26 =	sadd.s32 s24, s22;
	[tilespmem:s20+$0x5400] =	vst v8;
	s22 =	smov.u32 s21  }
0xe7: {  	v8 =	vld [tilespmem:s26+$0x180];
	_ =	sdelay $0x4  }
0xe8: {  	v8 =	vand.u32 $0xF, v8  }
0xe9: {  	v9 =	vperm.xlane v4, v8;
	v10 =	vperm.xlane v5, v8  }
0xea: {  	s20 =	sor.u32 s24, s23;
	v11 =	vperm.xlane v6, v8;
	v8 =	vperm.xlane v7, v8  }
0xeb: {  	[tilespmem:s20+$0x5080] =	vst v9  }
.Ltmp3:
0xec: {  	[tilespmem:s20+$0x5280] =	vst v9;
	(pc) =	sbr.rel @p0 .LBB2_9-.Ltmp3, $4  }
0xed: {  	[tilespmem:s20+$0x5100] =	vst v10  }
0xee: {  	[tilespmem:s20+$0x5300] =	vst v10  }
0xef: {  	s16 =	sadd.s32 $0x80, s16;
	[tilespmem:s20+$0x5180] =	vst v11  }
0xf0: {  	s23 =	sand.u32 $0xC00, s16;
	s21 =	sadd.s32 $0x10, s21;
	[tilespmem:s20+$0x5380] =	vst v11  }
0xf1: {  	s16 =	sand.u32 $0x70, s22;
	s21 =	sadd.s32 s23, s17;
	[tilespmem:s20+$0x5200] =	vst v8  }
0xf2: {  	[tilespmem:s20+$0x5400] =	vst v8;
	s21 =	sadd.s32 s16, s21  }
0xf3: {  	v8 =	vld [tilespmem:s21+$0x180];
	_ =	sdelay $0x4  }
0xf4: {  	v8 =	vand.u32 $0xF, v8  }
0xf5: {  	v9 =	vperm.xlane v4, v8  }
0xf6: {  	s16 =	sor.u32 s16, s23  }
0xf7: {  	v10 =	vperm.xlane v5, v8;
	[tilespmem:s16+$0x5080] =	vst v9  }
0xf8: {  	[tilespmem:s16+$0x5280] =	vst v9  }
0xf9: {  	v9 =	vperm.xlane v6, v8;
	[tilespmem:s16+$0x5100] =	vst v10  }
0xfa: {  	[tilespmem:s16+$0x5300] =	vst v10  }
0xfb: {  	v8 =	vperm.xlane v7, v8;
	[tilespmem:s16+$0x5180] =	vst v9  }
0xfc: {  	[tilespmem:s16+$0x5380] =	vst v9  }
0xfd: {  	s26 =	rddreg [dreg:$0x11];
	[tilespmem:s16+$0x5200] =	vst v8  }
0xfe: {  	s28 =	sadd.s32 s18, s26;
	s21 =	rddreg [dreg:$0x12];
	[tilespmem:s16+$0x5400] =	vst v8;
	s16 =	simm.s32 $0x0  }
0xff: {  	[hbm4b:s28+s16] =	stream.linear.scatter [tilespmem:s14], [sflag:$0x2], $0x1000, $0x38;
	[tilespmem:$0x6080] =	vst v63  }
0x100: {  	s22 =	rddreg [dreg:$0x13];
	s20 =	sadd.s32 s18, s21  }
0x101: {  	[hbm4b:s20+s16] =	stream.linear.scatter [tilespmem:s14], [sflag:$0x2], $0x1000, $0x38;
	[tilespmem:$0x6080] =	vst v63  }
0x102: {  	s23 =	rddreg [dreg:$0x14];
	s20 =	sadd.s32 s18, s22  }
0x103: {  	[hbm4b:s20+s16] =	stream.linear.scatter [tilespmem:s14], [sflag:$0x2], $0x1000, $0x38;
	[tilespmem:$0x6080] =	vst v63  }
0x104: {  	s20 =	sadd.s32 s18, s23  }
0x105: {  	[hbm4b:s20+s16] =	stream.linear.scatter [tilespmem:s14], [sflag:$0x2], $0x1000, $0x38;
	[tilespmem:$0x6080] =	vst v63  }
0x106: {  	_ =	swait.ge [sflag:s15], $0x1000  }
0x107: {  	[sflag:s15] =	ssyncset.done $0x0  }
0x108: {  	[sflag:s15] =	ssyncadd.s32 $0xFFFFF000  }
0x109: {  	_ =	swait.ge [sflag:s15], $0x1000  }
0x10a: {  	[sflag:s15] =	ssyncset.done $0x0  }
0x10b: {  	[sflag:s15] =	ssyncadd.s32 $0xFFFFF000  }
0x10c: {  	_ =	swait.ge [sflag:s15], $0x1000  }
0x10d: {  	[sflag:s15] =	ssyncset.done $0x0  }
0x10e: {  	[sflag:s15] =	ssyncadd.s32 $0xFFFFF000  }
0x10f: {  	s24 =	sand.u32 $0xC00, s16;
	_ =	swait.ge [sflag:s15], $0x1000  }
0x110: {  	s26 =	sand.u32 $0x70, s16;
	s28 =	sadd.s32 s24, s17;
	[sflag:s15] =	ssyncset.done $0x0  }
0x111: {  	s22 =	sadd.s32 s26, s28;
	[sflag:s15] =	ssyncadd.s32 $0xFFFFF000  }
0x112: {  	v8 =	vld [tilespmem:s22+$0x200];
	_ =	sdelay $0x4  }
0x113: {  	v11 =	vand.u32 $0xF, v8  }
0x114: {  	v8 =	vperm.xlane v7, v11  }
0x115: {  	s22 =	sor.u32 s26, s24;
	v10 =	vperm.xlane v4, v11  }
0x116: {  	s21 =	simm.s32 $0x10;
	s20 =	sor.u32 s16, s16;
	v9 =	vperm.xlane v5, v11;
	v11 =	vperm.xlane v6, v11;
	[tilespmem:s22+$0x2200] =	vst v8  }
.LBB2_11:
0x117: {  	p0 =	sne.s32 s21, $0x1F0  }
0x118: {  	[tilespmem:s22+$0x2080] =	vst v10;
	s16 =	sadd.s32 $0x80, s16;
	s23 =	smov.u32 s21;
	s21 =	sadd.s32 $0x10, s21  }
0x119: {  	s24 =	sor.u32 s16, s23;
	[tilespmem:s22+$0x2280] =	vst v10  }
0x11a: {  	[tilespmem:s22+$0x2380] =	vst v11  }
0x11b: {  	[tilespmem:s22+$0x2180] =	vst v11  }
0x11c: {  	s28 =	sor.u32 $0x380, s20;
	s26 =	sand.u32 $0xC00, s16;
	s20 =	smov.u32 s24;
	[tilespmem:s22+$0x2100] =	vst v9  }
0x11d: {  	s23 =	sand.u32 $0x70, s23;
	s24 =	sadd.s32 s26, s17;
	[tilespmem:s22+$0x2300] =	vst v9  }
0x11e: {  	s22 =	sadd.s32 s23, s24;
	[tilespmem:s28+$0x2080] =	vst v8  }
0x11f: {  	v8 =	vld [tilespmem:s22+$0x200];
	_ =	sdelay $0x3  }
.Ltmp4:
0x120: {  	(pc) =	sbr.rel @p0 .LBB2_11-.Ltmp4, $4  }
0x121: {  	v11 =	vand.u32 $0xF, v8  }
0x122: {  	v10 =	vperm.xlane v4, v11;
	v8 =	vperm.xlane v7, v11  }
0x123: {  	s22 =	sor.u32 s23, s26;
	v9 =	vperm.xlane v5, v11;
	v11 =	vperm.xlane v6, v11  }
0x124: {  	[tilespmem:s22+$0x2200] =	vst v8  }
0x125: {  	[tilespmem:s22+$0x2080] =	vst v10  }
0x126: {  	[tilespmem:s22+$0x2280] =	vst v10  }
0x127: {  	[tilespmem:s22+$0x2380] =	vst v11  }
0x128: {  	[tilespmem:s22+$0x2180] =	vst v11  }
0x129: {  	[tilespmem:s22+$0x2100] =	vst v9  }
0x12a: {  	s16 =	sor.u32 $0x380, s20;
	[tilespmem:s22+$0x2300] =	vst v9;
	s21 =	rddreg [dreg:$0x15]  }
0x12b: {  	s22 =	simm.s32 $0x0;
	s23 =	rddreg [dreg:$0x16];
	[tilespmem:s16+$0x2080] =	vst v8;
	s16 =	sadd.s32 s18, s21  }
0x12c: {  	[hbm4b:s16+s22] =	stream.linear.scatter [tilespmem:s11], [sflag:$0x2], $0x1000, $0x38;
	[tilespmem:$0x6080] =	vst v63  }
0x12d: {  	s24 =	rddreg [dreg:$0x18];
	s16 =	sadd.s32 s18, s23  }
0x12e: {  	[hbm4b:s16+s22] =	stream.linear.scatter [tilespmem:s11], [sflag:$0x2], $0x1000, $0x38;
	[tilespmem:$0x6080] =	vst v63  }
0x12f: {  	s26 =	rddreg [dreg:$0x19];
	s16 =	sadd.s32 s18, s24  }
0x130: {  	[hbm4b:s16+s22] =	stream.linear.scatter [tilespmem:s11], [sflag:$0x2], $0x1000, $0x38;
	[tilespmem:$0x6080] =	vst v63  }
0x131: {  	s16 =	sadd.s32 s18, s26  }
0x132: {  	[hbm4b:s16+s22] =	stream.linear.scatter [tilespmem:s11], [sflag:$0x2], $0x1000, $0x38;
	[tilespmem:$0x6080] =	vst v63  }
0x133: {  	_ =	swait.ge [sflag:s15], $0x1000  }
0x134: {  	[sflag:s15] =	ssyncset.done $0x0  }
0x135: {  	[sflag:s15] =	ssyncadd.s32 $0xFFFFF000  }
0x136: {  	_ =	swait.ge [sflag:s15], $0x1000  }
0x137: {  	[sflag:s15] =	ssyncset.done $0x0  }
0x138: {  	[sflag:s15] =	ssyncadd.s32 $0xFFFFF000  }
0x139: {  	_ =	swait.ge [sflag:s15], $0x1000  }
0x13a: {  	[sflag:s15] =	ssyncset.done $0x0  }
0x13b: {  	[sflag:s15] =	ssyncadd.s32 $0xFFFFF000  }
0x13c: {  	s28 =	sand.u32 $0xC00, s22;
	_ =	swait.ge [sflag:s15], $0x1000  }
0x13d: {  	s20 =	sand.u32 $0x70, s22;
	s21 =	sadd.s32 s28, s17;
	[sflag:s15] =	ssyncset.done $0x0  }
0x13e: {  	s21 =	sadd.s32 s20, s21;
	[sflag:s15] =	ssyncadd.s32 $0xFFFFF000  }
0x13f: {  	v8 =	vld [tilespmem:s21+$0x280];
	_ =	sdelay $0x4  }
0x140: {  	v8 =	vand.u32 $0xF, v8  }
0x141: {  	v9 =	vperm.xlane v4, v8  }
0x142: {  	s20 =	sor.u32 s20, s28  }
0x143: {  	v10 =	vperm.xlane v5, v8;
	[tilespmem:s20+$0x3080] =	vst v9  }
0x144: {  	[tilespmem:s20+$0x3280] =	vst v9  }
0x145: {  	v9 =	vperm.xlane v6, v8;
	[tilespmem:s20+$0x3100] =	vst v10  }
0x146: {  	[tilespmem:s20+$0x3300] =	vst v10  }
0x147: {  	s16 =	simm.s32 $0x80;
	v8 =	vperm.xlane v7, v8;
	[tilespmem:s20+$0x3180] =	vst v9  }
0x148: {  	s22 =	simm.s32 $0x10;
	s23 =	sand.u32 $0xC00, s16;
	s21 =	simm.s32 $0x20;
	[tilespmem:s20+$0x3380] =	vst v9  }
.LBB2_13:
0x149: {  	p0 =	sne.s32 s21, $0x1F0;
	s24 =	sand.u32 $0x70, s22;
	s22 =	sadd.s32 s23, s17;
	[tilespmem:s20+$0x3200] =	vst v8  }
0x14a: {  	s26 =	sadd.s32 s24, s22;
	[tilespmem:s20+$0x3400] =	vst v8;
	s22 =	smov.u32 s21  }
0x14b: {  	v8 =	vld [tilespmem:s26+$0x280];
	_ =	sdelay $0x4  }
0x14c: {  	v8 =	vand.u32 $0xF, v8  }
0x14d: {  	v9 =	vperm.xlane v4, v8;
	v10 =	vperm.xlane v5, v8  }
0x14e: {  	s20 =	sor.u32 s24, s23;
	v11 =	vperm.xlane v6, v8;
	v8 =	vperm.xlane v7, v8  }
0x14f: {  	[tilespmem:s20+$0x3080] =	vst v9  }
.Ltmp5:
0x150: {  	[tilespmem:s20+$0x3280] =	vst v9;
	(pc) =	sbr.rel @p0 .LBB2_13-.Ltmp5, $4  }
0x151: {  	[tilespmem:s20+$0x3100] =	vst v10  }
0x152: {  	[tilespmem:s20+$0x3300] =	vst v10  }
0x153: {  	s16 =	sadd.s32 $0x80, s16;
	[tilespmem:s20+$0x3180] =	vst v11  }
0x154: {  	s23 =	sand.u32 $0xC00, s16;
	s21 =	sadd.s32 $0x10, s21;
	[tilespmem:s20+$0x3380] =	vst v11  }
0x155: {  	s16 =	sand.u32 $0x70, s22;
	s21 =	sadd.s32 s23, s17;
	[tilespmem:s20+$0x3200] =	vst v8  }
0x156: {  	[tilespmem:s20+$0x3400] =	vst v8;
	s21 =	sadd.s32 s16, s21  }
0x157: {  	v8 =	vld [tilespmem:s21+$0x280];
	_ =	sdelay $0x4  }
0x158: {  	v8 =	vand.u32 $0xF, v8  }
0x159: {  	v9 =	vperm.xlane v4, v8  }
0x15a: {  	s16 =	sor.u32 s16, s23  }
0x15b: {  	v10 =	vperm.xlane v5, v8;
	[tilespmem:s16+$0x3080] =	vst v9  }
0x15c: {  	[tilespmem:s16+$0x3280] =	vst v9  }
0x15d: {  	v9 =	vperm.xlane v6, v8;
	[tilespmem:s16+$0x3100] =	vst v10  }
0x15e: {  	[tilespmem:s16+$0x3300] =	vst v10  }
0x15f: {  	v8 =	vperm.xlane v7, v8;
	[tilespmem:s16+$0x3180] =	vst v9  }
0x160: {  	[tilespmem:s16+$0x3380] =	vst v9  }
0x161: {  	[tilespmem:s16+$0x3200] =	vst v8  }
0x162: {  	s20 =	sadd.s32 s18, s29;
	s21 =	simm.s32 $0x0;
	[tilespmem:s16+$0x3400] =	vst v8  }
0x163: {  	[hbm4b:s20+s21] =	stream.linear.scatter [tilespmem:s12], [sflag:$0x2], $0x1000, $0x38;
	[tilespmem:$0x6080] =	vst v63  }
0x164: {  	s22 =	sadd.s32 s18, s30  }
0x165: {  	[hbm4b:s22+s21] =	stream.linear.scatter [tilespmem:s12], [sflag:$0x2], $0x1000, $0x38;
	[tilespmem:$0x6080] =	vst v63  }
0x166: {  	s23 =	sadd.s32 s18, s31  }
0x167: {  	[hbm4b:s23+s21] =	stream.linear.scatter [tilespmem:s12], [sflag:$0x2], $0x1000, $0x38;
	[tilespmem:$0x6080] =	vst v63  }
0x168: {  	s24 =	sadd.s32 s18, s0  }
0x169: {  	[hbm4b:s24+s21] =	stream.linear.scatter [tilespmem:s12], [sflag:$0x2], $0x1000, $0x38;
	[tilespmem:$0x6080] =	vst v63  }
0x16a: {  	_ =	swait.ge [sflag:s15], $0x1000  }
0x16b: {  	[sflag:s15] =	ssyncset.done $0x0  }
0x16c: {  	[sflag:s15] =	ssyncadd.s32 $0xFFFFF000  }
0x16d: {  	_ =	swait.ge [sflag:s15], $0x1000  }
0x16e: {  	[sflag:s15] =	ssyncset.done $0x0  }
0x16f: {  	[sflag:s15] =	ssyncadd.s32 $0xFFFFF000  }
0x170: {  	_ =	swait.ge [sflag:s15], $0x1000  }
0x171: {  	[sflag:s15] =	ssyncset.done $0x0  }
0x172: {  	[sflag:s15] =	ssyncadd.s32 $0xFFFFF000  }
0x173: {  	s26 =	sand.u32 $0xC00, s21;
	_ =	swait.ge [sflag:s15], $0x1000  }
0x174: {  	s28 =	sadd.s32 s26, s17;
	s20 =	sand.u32 $0x70, s21;
	[sflag:s15] =	ssyncset.done $0x0  }
0x175: {  	s21 =	sadd.s32 s20, s28;
	[sflag:s15] =	ssyncadd.s32 $0xFFFFF000  }
0x176: {  	v8 =	vld [tilespmem:s21+$0x300];
	_ =	sdelay $0x4  }
0x177: {  	v8 =	vand.u32 $0xF, v8  }
0x178: {  	v9 =	vperm.xlane v4, v8  }
0x179: {  	s20 =	sor.u32 s20, s26  }
0x17a: {  	v10 =	vperm.xlane v5, v8;
	[tilespmem:s20+$0x4080] =	vst v9  }
0x17b: {  	[tilespmem:s20+$0x4280] =	vst v9  }
0x17c: {  	v9 =	vperm.xlane v6, v8;
	[tilespmem:s20+$0x4100] =	vst v10  }
0x17d: {  	[tilespmem:s20+$0x4300] =	vst v10  }
0x17e: {  	s16 =	simm.s32 $0x80;
	v8 =	vperm.xlane v7, v8;
	[tilespmem:s20+$0x4180] =	vst v9  }
0x17f: {  	s22 =	simm.s32 $0x10;
	s23 =	sand.u32 $0xC00, s16;
	s21 =	simm.s32 $0x20;
	[tilespmem:s20+$0x4380] =	vst v9  }
.LBB2_15:
0x180: {  	p0 =	sne.s32 s21, $0x1F0;
	s24 =	sand.u32 $0x70, s22;
	s22 =	sadd.s32 s23, s17;
	[tilespmem:s20+$0x4200] =	vst v8  }
0x181: {  	s26 =	sadd.s32 s24, s22;
	[tilespmem:s20+$0x4400] =	vst v8;
	s22 =	smov.u32 s21  }
0x182: {  	v8 =	vld [tilespmem:s26+$0x300];
	_ =	sdelay $0x4  }
0x183: {  	v8 =	vand.u32 $0xF, v8  }
0x184: {  	v9 =	vperm.xlane v4, v8;
	v10 =	vperm.xlane v5, v8  }
0x185: {  	s20 =	sor.u32 s24, s23;
	v11 =	vperm.xlane v6, v8;
	v8 =	vperm.xlane v7, v8  }
0x186: {  	[tilespmem:s20+$0x4080] =	vst v9  }
.Ltmp6:
0x187: {  	[tilespmem:s20+$0x4280] =	vst v9;
	(pc) =	sbr.rel @p0 .LBB2_15-.Ltmp6, $4  }
0x188: {  	[tilespmem:s20+$0x4100] =	vst v10  }
0x189: {  	[tilespmem:s20+$0x4300] =	vst v10  }
0x18a: {  	s16 =	sadd.s32 $0x80, s16;
	[tilespmem:s20+$0x4180] =	vst v11  }
0x18b: {  	s23 =	sand.u32 $0xC00, s16;
	s21 =	sadd.s32 $0x10, s21;
	[tilespmem:s20+$0x4380] =	vst v11  }
0x18c: {  	s16 =	sand.u32 $0x70, s22;
	s21 =	sadd.s32 s23, s17;
	[tilespmem:s20+$0x4200] =	vst v8  }
0x18d: {  	[tilespmem:s20+$0x4400] =	vst v8;
	s21 =	sadd.s32 s16, s21  }
0x18e: {  	v8 =	vld [tilespmem:s21+$0x300];
	_ =	sdelay $0x4  }
0x18f: {  	v8 =	vand.u32 $0xF, v8  }
0x190: {  	v9 =	vperm.xlane v4, v8  }
0x191: {  	s16 =	sor.u32 s16, s23  }
0x192: {  	v10 =	vperm.xlane v5, v8;
	[tilespmem:s16+$0x4080] =	vst v9  }
0x193: {  	[tilespmem:s16+$0x4280] =	vst v9  }
0x194: {  	v9 =	vperm.xlane v6, v8;
	[tilespmem:s16+$0x4100] =	vst v10  }
0x195: {  	[tilespmem:s16+$0x4300] =	vst v10  }
0x196: {  	v8 =	vperm.xlane v7, v8;
	[tilespmem:s16+$0x4180] =	vst v9  }
0x197: {  	[tilespmem:s16+$0x4380] =	vst v9  }
0x198: {  	[tilespmem:s16+$0x4200] =	vst v8  }
0x199: {  	s20 =	sadd.s32 s18, s3;
	s21 =	simm.s32 $0x0;
	[tilespmem:s16+$0x4400] =	vst v8  }
0x19a: {  	[hbm4b:s20+s21] =	stream.linear.scatter [tilespmem:s13], [sflag:$0x2], $0x1000, $0x38;
	[tilespmem:$0x6080] =	vst v63  }
0x19b: {  	s22 =	sadd.s32 s18, s6  }
0x19c: {  	[hbm4b:s22+s21] =	stream.linear.scatter [tilespmem:s13], [sflag:$0x2], $0x1000, $0x38;
	[tilespmem:$0x6080] =	vst v63  }
0x19d: {  	s23 =	sadd.s32 s18, s7  }
0x19e: {  	[hbm4b:s23+s21] =	stream.linear.scatter [tilespmem:s13], [sflag:$0x2], $0x1000, $0x38;
	[tilespmem:$0x6080] =	vst v63  }
0x19f: {  	s24 =	sadd.s32 s18, s25  }
0x1a0: {  	[hbm4b:s24+s21] =	stream.linear.scatter [tilespmem:s13], [sflag:$0x2], $0x1000, $0x38;
	[tilespmem:$0x6080] =	vst v63  }
0x1a1: {  	_ =	swait.ge [sflag:s15], $0x1000  }
0x1a2: {  	[sflag:s15] =	ssyncset.done $0x0  }
0x1a3: {  	[sflag:s15] =	ssyncadd.s32 $0xFFFFF000  }
0x1a4: {  	_ =	swait.ge [sflag:s15], $0x1000  }
0x1a5: {  	[sflag:s15] =	ssyncset.done $0x0  }
0x1a6: {  	[sflag:s15] =	ssyncadd.s32 $0xFFFFF000  }
0x1a7: {  	_ =	swait.ge [sflag:s15], $0x1000  }
0x1a8: {  	[sflag:s15] =	ssyncset.done $0x0  }
0x1a9: {  	[sflag:s15] =	ssyncadd.s32 $0xFFFFF000  }
0x1aa: {  	s26 =	sand.u32 $0xC00, s21;
	_ =	swait.ge [sflag:s15], $0x1000  }
0x1ab: {  	s28 =	sadd.s32 s26, s17;
	s20 =	sand.u32 $0x70, s21;
	[sflag:s15] =	ssyncset.done $0x0  }
0x1ac: {  	s21 =	sadd.s32 s20, s28;
	[sflag:s15] =	ssyncadd.s32 $0xFFFFF000  }
0x1ad: {  	v8 =	vld [tilespmem:s21+$0x380];
	_ =	sdelay $0x4  }
0x1ae: {  	v8 =	vand.u32 $0xF, v8  }
0x1af: {  	v9 =	vperm.xlane v4, v8  }
0x1b0: {  	s20 =	sor.u32 s20, s26  }
0x1b1: {  	v10 =	vperm.xlane v5, v8;
	[tilespmem:s20+$0x5080] =	vst v9  }
0x1b2: {  	[tilespmem:s20+$0x5280] =	vst v9  }
0x1b3: {  	v9 =	vperm.xlane v6, v8;
	[tilespmem:s20+$0x5100] =	vst v10  }
0x1b4: {  	[tilespmem:s20+$0x5300] =	vst v10  }
0x1b5: {  	s16 =	simm.s32 $0x80;
	v8 =	vperm.xlane v7, v8;
	[tilespmem:s20+$0x5180] =	vst v9  }
0x1b6: {  	s22 =	simm.s32 $0x10;
	s23 =	sand.u32 $0xC00, s16;
	s21 =	simm.s32 $0x20;
	[tilespmem:s20+$0x5380] =	vst v9  }
.LBB2_17:
0x1b7: {  	p0 =	sne.s32 s21, $0x1F0;
	s24 =	sand.u32 $0x70, s22;
	s22 =	sadd.s32 s23, s17;
	[tilespmem:s20+$0x5200] =	vst v8  }
0x1b8: {  	s26 =	sadd.s32 s24, s22;
	[tilespmem:s20+$0x5400] =	vst v8;
	s22 =	smov.u32 s21  }
0x1b9: {  	v8 =	vld [tilespmem:s26+$0x380];
	_ =	sdelay $0x4  }
0x1ba: {  	v8 =	vand.u32 $0xF, v8  }
0x1bb: {  	v9 =	vperm.xlane v4, v8;
	v10 =	vperm.xlane v5, v8  }
0x1bc: {  	s20 =	sor.u32 s24, s23;
	v11 =	vperm.xlane v6, v8;
	v8 =	vperm.xlane v7, v8  }
0x1bd: {  	[tilespmem:s20+$0x5080] =	vst v9  }
.Ltmp7:
0x1be: {  	[tilespmem:s20+$0x5280] =	vst v9;
	(pc) =	sbr.rel @p0 .LBB2_17-.Ltmp7, $4  }
0x1bf: {  	[tilespmem:s20+$0x5100] =	vst v10  }
0x1c0: {  	[tilespmem:s20+$0x5300] =	vst v10  }
0x1c1: {  	s16 =	sadd.s32 $0x80, s16;
	[tilespmem:s20+$0x5180] =	vst v11  }
0x1c2: {  	s23 =	sand.u32 $0xC00, s16;
	s21 =	sadd.s32 $0x10, s21;
	[tilespmem:s20+$0x5380] =	vst v11  }
0x1c3: {  	s16 =	sand.u32 $0x70, s22;
	s17 =	sadd.s32 s23, s17;
	[tilespmem:s20+$0x5200] =	vst v8  }
0x1c4: {  	[tilespmem:s20+$0x5400] =	vst v8;
	s17 =	sadd.s32 s16, s17  }
0x1c5: {  	v8 =	vld [tilespmem:s17+$0x380];
	_ =	sdelay $0x4  }
0x1c6: {  	v8 =	vand.u32 $0xF, v8  }
0x1c7: {  	v9 =	vperm.xlane v4, v8  }
0x1c8: {  	s16 =	sor.u32 s16, s23  }
0x1c9: {  	v10 =	vperm.xlane v5, v8;
	[tilespmem:s16+$0x5080] =	vst v9  }
0x1ca: {  	[tilespmem:s16+$0x5280] =	vst v9  }
0x1cb: {  	v63 =	vperm.xlane v6, v8;
	[tilespmem:s16+$0x5100] =	vst v10  }
0x1cc: {  	[tilespmem:s16+$0x5300] =	vst v10  }
0x1cd: {  	v8 =	vperm.xlane v7, v8;
	[tilespmem:s16+$0x5180] =	vst v63  }
0x1ce: {  	[tilespmem:s16+$0x5380] =	vst v63  }
0x1cf: {  	[tilespmem:s16+$0x5200] =	vst v8  }
0x1d0: {  	s23 =	sadd.s32 s18, s1;
	[tilespmem:s16+$0x5400] =	vst v8  }
0x1d1: {  	[hbm4b:s23+s4] =	stream.linear.scatter [tilespmem:s14], [sflag:$0x2], $0x1000, $0x38;
	[tilespmem:$0x6080] =	vst v63  }
0x1d2: {  	s24 =	sadd.s32 s18, s2;
	p0 =	sne.s32 s19, $0x19  }
0x1d3: {  	[hbm4b:s24+s4] =	stream.linear.scatter [tilespmem:s14], [sflag:$0x2], $0x1000, $0x38;
	[tilespmem:$0x6080] =	vst v63  }
.Ltmp8:
0x1d4: {  	_ = 	snop;
	(pc) =	sbr.rel @p0 .LBB2_2-.Ltmp8, $4  }
0x1d5: {  	s26 =	sadd.s32 s18, s8  }
0x1d6: {  	[hbm4b:s26+s4] =	stream.linear.scatter [tilespmem:s14], [sflag:$0x2], $0x1000, $0x38;
	[tilespmem:$0x6080] =	vst v63  }
0x1d7: {  	s28 =	sadd.s32 s18, s9;
	s16 =	smov.u32 s19  }
0x1d8: {  	[hbm4b:s28+s4] =	stream.linear.scatter [tilespmem:s14], [sflag:$0x2], $0x1000, $0x38;
	[tilespmem:$0x6080] =	vst v63  }
0x1d9: {  	_ =	swait.ge [sflag:s15], $0x1000  }
0x1da: {  	[sflag:s15] =	ssyncset.done $0x0  }
0x1db: {  	[sflag:s15] =	ssyncadd.s32 $0xFFFFF000  }
0x1dc: {  	_ =	swait.ge [sflag:s15], $0x1000  }
0x1dd: {  	[sflag:s15] =	ssyncset.done $0x0  }
0x1de: {  	[sflag:s15] =	ssyncadd.s32 $0xFFFFF000  }
0x1df: {  	_ =	swait.ge [sflag:s15], $0x1000  }
0x1e0: {  	[sflag:s15] =	ssyncset.done $0x0  }
0x1e1: {  	[sflag:s15] =	ssyncadd.s32 $0xFFFFF000  }
0x1e2: {  	_ =	swait.ge [sflag:s15], $0x1000  }
0x1e3: {  	[sflag:s15] =	ssyncset.done $0x0  }
0x1e4: {  	[sflag:s15] =	ssyncadd.s32 $0xFFFFF000  }
0x1e5: {  	_ =	swait.ge [sflag:s15], $0x1000  }
0x1e6: {  	[sflag:s15] =	ssyncset.done $0x0  }
0x1e7: {  	[sflag:s15] =	ssyncadd.s32 $0xFFFFF000  }
0x1e8: {  	_ =	swait.ge [sflag:s15], $0x1000  }
0x1e9: {  	[sflag:s15] =	ssyncset.done $0x0  }
0x1ea: {  	[sflag:s15] =	ssyncadd.s32 $0xFFFFF000  }
0x1eb: {  	_ =	swait.ge [sflag:s15], $0x1000  }
0x1ec: {  	[sflag:s15] =	ssyncset.done $0x0  }
0x1ed: {  	[sflag:s15] =	ssyncadd.s32 $0xFFFFF000  }
0x1ee: {  	_ =	swait.ge [sflag:s15], $0x1000  }
0x1ef: {  	[sflag:s15] =	ssyncset.done $0x0  }
0x1f0: {  	[sflag:s15] =	ssyncadd.s32 $0xFFFFF000  }
0x1f1: {  	_ =	swait.ge [sflag:s15], $0x1000  }
0x1f2: {  	[sflag:s15] =	ssyncset.done $0x0  }
0x1f3: {  	[sflag:s15] =	ssyncadd.s32 $0xFFFFF000  }
0x1f4: {  	_ =	swait.ge [sflag:s15], $0x1000  }
0x1f5: {  	[sflag:s15] =	ssyncset.done $0x0  }
0x1f6: {  	[sflag:s15] =	ssyncadd.s32 $0xFFFFF000  }
0x1f7: {  	_ =	swait.ge [sflag:s15], $0x1000  }
0x1f8: {  	[sflag:s15] =	ssyncset.done $0x0  }
0x1f9: {  	[sflag:s15] =	ssyncadd.s32 $0xFFFFF000  }
0x1fa: {  	_ =	swait.ge [sflag:s15], $0x1000  }
0x1fb: {  	[sflag:s15] =	ssyncset.done $0x0  }
0x1fc: {  	[sflag:s15] =	ssyncadd.s32 $0xFFFFF000  }
0x1fd: {  	_ =	swait.ge [sflag:s15], $0x1000  }
0x1fe: {  	[sflag:s15] =	ssyncset.done $0x0  }
0x1ff: {  	[sflag:s15] =	ssyncadd.s32 $0xFFFFF000  }
0x200: {  	_ =	swait.ge [sflag:s15], $0x1000  }
0x201: {  	[sflag:s15] =	ssyncset.done $0x0  }
0x202: {  	[sflag:s15] =	ssyncadd.s32 $0xFFFFF000  }
0x203: {  	_ =	swait.ge [sflag:s15], $0x1000  }
0x204: {  	[sflag:s15] =	ssyncset.done $0x0  }
0x205: {  	[sflag:s15] =	ssyncadd.s32 $0xFFFFF000  }
0x206: {  	_ =	swait.ge [sflag:s15], $0x1000  }
0x207: {  	s17 =	rddreg [dreg:$0x1a]  }
0x208: {  	s16 =	rddreg [dreg:$0x17];
	s17 =	sadd.s32 $0x1, s17  }
0x209: {  	p0 =	sne.s32 s17, s16  }
.Ltmp9:
0x20a: {  	_ = 	snop;
	(pc) =	sbr.rel @p0 .LBB2_1-.Ltmp9, $3  }
0x20b: {  	_ =	sdelay $0x1  }
0x20c: {  	[sflag:s15] =	ssyncset.done $0x0  }
0x20d: {  	[sflag:s15] =	ssyncadd.s32 $0xFFFFF000  }
0x20e: {  	_ =	sfence.sel $0x180000  }
0x20f: {  	[bflag:$0x0] =	sbarrier.arrive $0xFFFF  }
0x210: {  	_ =	strace $0x90000047  }
0x211: {  	s0 =	stileid.u32;
	[bflag:$0x2] =	sbarrier.arrive $0xFFFF  }
0x212: {  	p0 =	sne.s32 s0, $0x0;
	s0 =	rddreg [dreg:$0x3]  }
0x213: {  	s0 =	sadd.s32 @!p0 $0x100000, s0  }
0x214: {  	[sflag:s0] =	ssyncadd.tile.s32 @!p0 $0x1;
	_ =	shalt  }
.Lfunc_end2:
_tile_overlayer_lowered:
.L_overlay_start_2:
0x215: {  	(tag) =	ssettag $0x2  }
0x216: {  	s0 =	rddreg [dreg:$0x0];
	s2 =	stileid.u32  }
0x217: {  	s1 =	rddreg [dreg:$0x1];
	p0 =	sne.s32 s2, $0x0  }
0x218: {  	s3 =	rddreg [dreg:$0x2];
	[bflag:$0x3] =	sbarrier.arrive $0xFFFF;
	s2 =	simm.s32 @!p0 $0x1C03  }
0x219: {  	[timem:s3], [sflag:s2] =	dma.local @!p0 [hbm:s0], s1  }
0x21a: {  	s0 =	simm.s32 @!p0 $0x3  }
0x21b: {  	_ =	swait.ge @!p0 [sflag:s0], s1  }
0x21c: {  	s1 =	ssub.s32 @!p0 $0x0, s1;
	[sflag:s0] =	ssyncset.done @!p0 $0x0  }
0x21d: {  	[sflag:s0] =	ssyncadd.s32 @!p0 s1  }
0x21e: {  	[bflag:$0x3] =	sbarrier.arrive $0xFFFF  }
0x21f: {  	_ =	shalt  }

</sc_bundles>
